<compile_context>
chip_gen: v7x
topology: tpu7x:2x2x1
jax: 0.10.2.dev20260603
libtpu: 0.0.44.dev20260713+nightly
codegen_flags: <defaults>
</compile_context>

<pallas_src>
import functools

import jax
import jax.numpy as jnp
from jax import lax
from jax.experimental import pallas as pl
from jax.experimental.pallas import tpu as pltpu
from jax.experimental.pallas import tpu_sc as plsc

_B = 8
_N = 4096
_S = 512
_K = 32
_CF = 64
_CP = 80
_TQ = 256

_NW = 32
_ROWS = _B * _S * _K
_RPW = _ROWS // _NW
_CH = 128
_NCH = _RPW // _CH
_GRP = 4
_NGRP = _NCH // _GRP


def _fps_body(xyzt_ref, newt_ref):
    X = xyzt_ref[0]
    Y = xyzt_ref[1]
    Z = xyzt_ref[2]
    lane = lax.broadcasted_iota(jnp.int32, (_B, _N), 1)
    scol = lax.broadcasted_iota(jnp.int32, (_B, _S), 1)

    def body(i, carry):
        dist, f, nx, ny, nz = carry
        oh = lane == f
        cx = jnp.sum(jnp.where(oh, X, 0.0), axis=1, keepdims=True)
        cy = jnp.sum(jnp.where(oh, Y, 0.0), axis=1, keepdims=True)
        cz = jnp.sum(jnp.where(oh, Z, 0.0), axis=1, keepdims=True)
        sm = scol == i
        nx = nx + jnp.where(sm, cx, 0.0)
        ny = ny + jnp.where(sm, cy, 0.0)
        nz = nz + jnp.where(sm, cz, 0.0)
        d = (X - cx) ** 2 + (Y - cy) ** 2 + (Z - cz) ** 2
        dist = jnp.minimum(dist, d)
        m = jnp.max(dist, axis=1, keepdims=True)
        cand = jnp.where(dist == m, lane, _N)
        f = jnp.min(cand, axis=1, keepdims=True)
        return dist, f, nx, ny, nz

    init = (
        jnp.full((_B, _N), 1e10, jnp.float32),
        jnp.zeros((_B, 1), jnp.int32),
        jnp.zeros((_B, _S), jnp.float32),
        jnp.zeros((_B, _S), jnp.float32),
        jnp.zeros((_B, _S), jnp.float32),
    )
    _, _, nx, ny, nz = lax.fori_loop(0, _S, body, init)
    newt_ref[0] = nx
    newt_ref[1] = ny
    newt_ref[2] = nz


def _fps(xyzt):
    return pl.pallas_call(
        _fps_body,
        out_shape=jax.ShapeDtypeStruct((3, _B, _S), jnp.float32),
    )(xyzt)


_NCHK = _N // 128
_DEPTH = 4


def _knn_body(xyzt_ref, q_ref, idx_ref):
    b = pl.program_id(0)
    Xc = xyzt_ref[0, 0]
    Yc = xyzt_ref[1, 0]
    Zc = xyzt_ref[2, 0]
    qx = q_ref[0, 0]
    qy = q_ref[1, 0]
    qz = q_ref[2, 0]
    d = (Xc - qx) ** 2 + (Yc - qy) ** 2 + (Zc - qz) ** 2

    i32 = jnp.int32
    f32 = jnp.float32
    BIGV = f32(3.0e38)
    BIGI = i32(2**30)
    pos = lax.broadcasted_iota(i32, (128, _TQ), 0)
    krow = lax.broadcasted_iota(i32, (_K, _TQ), 0)
    base = b * _N

    V = [jnp.full((128, _TQ), BIGV, f32) for _ in range(_DEPTH)]
    C = [jnp.full((128, _TQ), _NCHK, i32) for _ in range(_DEPTH)]
    tie = jnp.zeros((128, _TQ), jnp.bool_)
    for c in range(_NCHK):
        cv = d[c * 128:(c + 1) * 128, :]
        cc = jnp.full((128, _TQ), c, i32)
        for s in range(_DEPTH):
            p = cv < V[s]
            V[s], cv = jnp.where(p, cv, V[s]), jnp.where(p, V[s], cv)
            C[s], cc = jnp.where(p, cc, C[s]), jnp.where(p, C[s], cc)
        tie = tie | (cv == V[_DEPTH - 1])
    for s in range(_DEPTH - 1):
        tie = tie | (V[s] == V[s + 1])

    def exact_build(ops):
        ev = [jnp.full((128, _TQ), BIGV, f32) for _ in range(_DEPTH)]
        ec = [jnp.full((128, _TQ), _NCHK, i32) for _ in range(_DEPTH)]
        for c in range(_NCHK):
            cv = d[c * 128:(c + 1) * 128, :]
            cc = jnp.full((128, _TQ), c, i32)
            for s in range(_DEPTH):
                p = (cv < ev[s]) | ((cv == ev[s]) & (cc < ec[s]))
                ev[s], cv = jnp.where(p, cv, ev[s]), jnp.where(p, ev[s], cv)
                ec[s], cc = jnp.where(p, cc, ec[s]), jnp.where(p, ec[s], cc)
        return tuple(ev) + tuple(ec)

    res = lax.cond(jnp.sum(tie.astype(i32)) > 0,
                   exact_build, lambda ops: ops, tuple(V) + tuple(C))
    V = list(res[:_DEPTH])
    C = list(res[_DEPTH:])

    def refill_next(LV, LC):
        rv = jnp.full((128, _TQ), BIGV, f32)
        rc = jnp.full((128, _TQ), _NCHK, i32)
        for c in range(_NCHK):
            x = d[c * 128:(c + 1) * 128, :]
            elig = (x > LV) | ((x == LV) & (c > LC))
            xv = jnp.where(elig, x, BIGV)
            better = (xv < rv)
            rv = jnp.where(better, xv, rv)
            rc = jnp.where(better, jnp.full((128, _TQ), c, i32), rc)
        return rv, rc

    def body(r, carry):
        acc, H, HC, D, BD, LV, LC = carry
        m = jnp.min(H, axis=0, keepdims=True)
        gcand = jnp.where(H == m, HC * 128 + pos, BIGI)
        j = jnp.min(gcand, axis=0, keepdims=True)
        acc = acc + jnp.where(krow == r, j + base, 0)
        win = gcand == j
        Dn = D + win.astype(i32)
        LV = jnp.where(win, H, LV)
        LC = jnp.where(win, HC, LC)
        nv = jnp.full((128, _TQ), BIGV, f32)
        nc = jnp.full((128, _TQ), _NCHK, i32)
        for s in range(_DEPTH - 1, 0, -1):
            nv = jnp.where(Dn == s, V[s], nv)
            nc = jnp.where(Dn == s, C[s], nc)
        H = jnp.where(win, nv, H)
        HC = jnp.where(win, nc, HC)
        need = win & (Dn >= BD)

        def do_refill(ops):
            h, hc, bd = ops
            rv, rc = refill_next(LV, LC)
            h = jnp.where(need, rv, h)
            hc = jnp.where(need, rc, hc)
            bd = bd + need.astype(i32)
            return h, hc, bd

        H, HC, BD = lax.cond(jnp.sum(need.astype(i32)) > 0,
                             do_refill, lambda ops: ops, (H, HC, BD))
        return acc, H, HC, Dn, BD, LV, LC

    init = (
        jnp.zeros((_K, _TQ), i32),
        V[0], C[0],
        jnp.zeros((128, _TQ), i32),
        jnp.full((128, _TQ), _DEPTH, i32),
        jnp.full((128, _TQ), -BIGV, f32),
        jnp.zeros((128, _TQ), i32),
    )
    acc = lax.fori_loop(0, _K, body, init)[0]
    idx_ref[...] = acc[None]


def _knn(xyzt, q3):
    return pl.pallas_call(
        _knn_body,
        grid=(_B, _S // _TQ),
        in_specs=[
            pl.BlockSpec((3, 1, _N, 1), lambda b, t: (0, b, 0, 0)),
            pl.BlockSpec((3, 1, 1, _TQ), lambda b, t: (0, b, 0, t)),
        ],
        out_specs=pl.BlockSpec((1, _K, _TQ), lambda b, t: (b, 0, t)),
        out_shape=jax.ShapeDtypeStruct((_B, _K, _S), jnp.int32),
    )(xyzt[..., None], q3[:, :, None, :])


def _sc_gather_body(table_hbm, idx_hbm, out_hbm, idx_v, rows_v, sem):
    cid = lax.axis_index("c")
    sid = lax.axis_index("s")
    wid = sid * 2 + cid
    base = wid * _RPW
    pltpu.sync_copy(idx_hbm.at[pl.ds(wid * _NCH, _NCH)], idx_v)

    def group(g, _):
        copies = []
        for q in range(_GRP):
            copies.append(
                pltpu.async_copy(
                    table_hbm.at[idx_v.at[g * _GRP + q]],
                    rows_v.at[pl.ds(q * _CH, _CH)],
                    sem,
                )
            )
        for c in copies:
            c.wait()
        pltpu.sync_copy(
            rows_v, out_hbm.at[pl.ds(base + g * (_GRP * _CH), _GRP * _CH)]
        )
        return 0

    lax.fori_loop(0, _NGRP, group, 0)


def _sc_gather(table, idx2d):
    mesh = plsc.VectorSubcoreMesh(core_axis_name="c", subcore_axis_name="s")
    f = functools.partial(
        pl.kernel,
        out_type=jax.ShapeDtypeStruct((_ROWS, _CP), jnp.float32),
        mesh=mesh,
        scratch_types=[
            pltpu.VMEM((_NCH, _CH), jnp.int32),
            pltpu.VMEM((_GRP * _CH, _CP), jnp.float32),
            pltpu.SemaphoreType.DMA,
        ],
        compiler_params=pltpu.CompilerParams(use_tc_tiling_on_sc=False),
    )(_sc_gather_body)
    return f(table, idx2d)


def _mlp_body(rows_ref, nxp_ref, w1_ref, b1_ref, w2_ref, b2_ref, w3_ref,
              b3_ref, out_ref):
    g = rows_ref.shape[0]
    x = rows_ref[...] - nxp_ref[...]
    x = x.reshape(g * _K, _CP)
    h = jnp.dot(x, w1_ref[...], preferred_element_type=jnp.float32)
    h = jnp.maximum(h + b1_ref[...], 0.0)
    h = jnp.dot(h, w2_ref[...], preferred_element_type=jnp.float32)
    h = jnp.maximum(h + b2_ref[...], 0.0)
    h = jnp.dot(h, w3_ref[...], preferred_element_type=jnp.float32)
    h = jnp.maximum(h + b3_ref[...], 0.0)
    out_ref[...] = jnp.max(h.reshape(g, _K, 128), axis=1)


def _mlp(rows3, nxp, w1p, b1, w2, b2, w3, b3):
    G = 64
    grid = (_B * _S) // G
    return pl.pallas_call(
        _mlp_body,
        grid=(grid,),
        in_specs=[
            pl.BlockSpec((G, _K, _CP), lambda i: (i, 0, 0)),
            pl.BlockSpec((G, 1, _CP), lambda i: (i, 0, 0)),
            pl.BlockSpec((_CP, 64), lambda i: (0, 0)),
            pl.BlockSpec((1, 64), lambda i: (0, 0)),
            pl.BlockSpec((64, 64), lambda i: (0, 0)),
            pl.BlockSpec((1, 64), lambda i: (0, 0)),
            pl.BlockSpec((64, 128), lambda i: (0, 0)),
            pl.BlockSpec((1, 128), lambda i: (0, 0)),
        ],
        out_specs=pl.BlockSpec((G, 128), lambda i: (i, 0)),
        out_shape=jax.ShapeDtypeStruct((_B * _S, 128), jnp.float32),
    )(rows3, nxp, w1p, b1, w2, b2, w3, b3)


def kernel(xyz, features, W1, b1, W2, b2, W3, b3):
    f32 = jnp.float32
    xyzt = jnp.transpose(xyz, (2, 0, 1))
    newt = _fps(xyzt)
    new_xyz = jnp.transpose(newt, (1, 2, 0))
    idxk = _knn(xyzt, newt)
    idx2d = jnp.transpose(idxk, (0, 2, 1)).reshape(_ROWS // _CH, _CH)

    table = jnp.concatenate(
        [xyz, features, jnp.zeros((_B, _N, _CP - 3 - _CF), f32)], axis=-1
    ).reshape(_B * _N, _CP)
    rows = _sc_gather(table, idx2d)
    rows3 = rows.reshape(_B * _S, _K, _CP)

    nxp = jnp.concatenate(
        [new_xyz, jnp.zeros((_B, _S, _CP - 3), f32)], axis=-1
    ).reshape(_B * _S, 1, _CP)
    w1p = jnp.concatenate([W1, jnp.zeros((_CP - 67, 64), f32)], axis=0)

    feats = _mlp(rows3, nxp, w1p, b1[None], W2, b2[None], W3, b3[None])
    return new_xyz, feats.reshape(_B, _S, 128)

# --- scband reference (transcript-rebuilt; emitter-appended) ---
"""Pipeline reference for scband-point-net-set-abstraction-30270929502680 (READ-ONLY COPY).

The authoritative reference and input builder live on the scoring server;
editing this copy changes nothing except your own understanding.
"""

import jax, jax.numpy as jnp
import numpy as np

NPOINT = 512
NSAMPLE = 32

def farthest_point_sample(xyz, npoint):
    B, N, _ = xyz.shape
    distance = jnp.full((B, N), 1e10, dtype=jnp.float32)
    farthest = jnp.zeros((B,), dtype=jnp.int32)
    centroids = jnp.zeros((B, npoint), dtype=jnp.int32)
    def body(i, carry):
        centroids, distance, farthest = carry
        centroids = centroids.at[:, i].set(farthest)
        centroid_xyz = jnp.take_along_axis(xyz, farthest[:, None, None].astype(jnp.int32), axis=1)
        dist = jnp.sum((xyz - centroid_xyz) ** 2, axis=-1)
        distance = jnp.minimum(distance, dist)
        farthest = jnp.argmax(distance, axis=-1).astype(jnp.int32)
        return (centroids, distance, farthest)
    centroids, _, _ = jax.lax.fori_loop(0, npoint, body, (centroids, distance, farthest))
    return centroids

def group_points(points, idx):
    # points: [B, N, C], idx: [B, S, K] -> [B, S, K, C]
    return jax.vmap(lambda p, i: p[i])(points, idx)

def query_ball_point(nsample, xyz, new_xyz):
    # dist: [B, S, N]
    dist = jnp.sum((xyz[:, None, :, :] - new_xyz[:, :, None, :]) ** 2, axis=-1)
    idx = jnp.argsort(dist, axis=-1)[:, :, :nsample]
    return idx

def setup_inputs(seed: int = 0) -> dict:
    key = jax.random.key(seed)
    k1, k2, k3, k4, k5 = jax.random.split(key, 5)
    xyz = jax.random.normal(k1, (8, 4096, 3), dtype=jnp.float32)
    features = jax.random.normal(k2, (8, 4096, 64), dtype=jnp.float32)
    # MLP: in_dim = 3 (grouped_xyz_norm) + 64 (features) = 67
    W1 = jax.random.normal(k3, (67, 64), dtype=jnp.float32) * 0.05
    b1 = jnp.zeros((64,), dtype=jnp.float32)
    W2 = jax.random.normal(k4, (64, 64), dtype=jnp.float32) * 0.05
    b2 = jnp.zeros((64,), dtype=jnp.float32)
    W3 = jax.random.normal(k5, (64, 128), dtype=jnp.float32) * 0.05
    b3 = jnp.zeros((128,), dtype=jnp.float32)
    return {"xyz": xyz, "features": features, "W1": W1, "b1": b1, "W2": W2, "b2": b2, "W3": W3, "b3": b3}

def reference(xyz, features, W1, b1, W2, b2, W3, b3):
    B, N, _ = xyz.shape
    fps_idx = farthest_point_sample(jax.lax.stop_gradient(xyz), NPOINT)  # [B, S]
    new_xyz = jnp.take_along_axis(xyz, fps_idx[:, :, None], axis=1)  # [B, S, 3]
    idx = query_ball_point(NSAMPLE, xyz, new_xyz)  # [B, S, K]
    grouped_xyz = group_points(xyz, idx)  # [B, S, K, 3]
    grouped_xyz_norm = grouped_xyz - new_xyz[:, :, None, :]
    grouped_features = group_points(features, idx)  # [B, S, K, 64]
    new_features = jnp.concatenate([grouped_xyz_norm, grouped_features], axis=-1)  # [B, S, K, 67]
    S = new_features.shape[1]
    K = new_features.shape[2]
    C = new_features.shape[3]
    x = new_features.reshape(B * S * K, C)
    x = jax.nn.relu(x @ W1 + b1)
    x = jax.nn.relu(x @ W2 + b2)
    x = jax.nn.relu(x @ W3 + b3)
    x = x.reshape(B, S, K, -1)
    new_features = jnp.max(x, axis=2)  # [B, S, 128]
    return (new_xyz, new_features)

if __name__ == "__main__":
    import jax
    _d = setup_inputs()
    print(jax.jit(kernel)(*tuple(_d.values())))

</pallas_src>

<mosaic_0001>
#map = affine_map<(d0, d1) -> (0, 0)>
module attributes {stable_mosaic.version = 14 : i64} {
  func.func @_sc_gather_body(%arg0: i32, %arg1: i32, %arg2: memref<32768x80xf32, #tpu.memory_space<hbm>>, %arg3: memref<1024x128xi32, #tpu.memory_space<hbm>>, %arg4: memref<131072x80xf32, #tpu.memory_space<hbm>>, %arg5: memref<32x128xi32, #tpu.memory_space<vmem>>, %arg6: memref<512x80xf32, #tpu.memory_space<vmem>>, %arg7: memref<!tpu.dma_semaphore, #tpu.memory_space<semaphore_mem>>) attributes {dimension_semantics = [#tpu.dimension_semantics<core_parallel>, #tpu.dimension_semantics<subcore_parallel>], iteration_bounds = array<i64: 2, 16>, scalar_prefetch = 0 : i64, scratch_operands = 3 : i64, tpu.core_type = #tpu.core_type<sc_vector_subcore>, window_params = [{transform_indices = #map}, {transform_indices = #map}, {transform_indices = #map}]} {
    %mul3A = arith.constant 2 : i32
    %mul3A_0 = arith.muli %arg1, %mul3A : i32
    %add3A = arith.addi %mul3A_0, %arg0 : i32
    %mul3A_1 = arith.constant 4096 : i32
    %mul3A_2 = arith.muli %add3A, %mul3A_1 : i32
    %mul3A_3 = arith.constant 32 : i32
    %mul3A_4 = arith.muli %add3A, %mul3A_3 : i32
    "tpu.region"() ({
      %run_scoped3A = tpu.sem_alloc : memref<!tpu.dma_semaphore, #tpu.memory_space<semaphore_mem>>
      %dma_start3A = arith.constant 0 : i32
      %dma_start3A_11 = tpu.memref_slice %arg3[%mul3A_4, %dma_start3A] : memref<1024x128xi32, #tpu.memory_space<hbm>> -> memref<32x128xi32, #tpu.memory_space<hbm>>
      %dma_start3A_12 = arith.constant 0 : i32
      %dma_start3A_13 = tpu.memref_slice %arg3[%mul3A_4, %dma_start3A_12] : memref<1024x128xi32, #tpu.memory_space<hbm>> -> memref<32x128xi32, #tpu.memory_space<hbm>>
      tpu.enqueue_dma source(%dma_start3A_13 : memref<32x128xi32, #tpu.memory_space<hbm>>) target(%arg5 : memref<32x128xi32, #tpu.memory_space<vmem>>) target_semaphore(%run_scoped3A : memref<!tpu.dma_semaphore, #tpu.memory_space<semaphore_mem>>)
      %dma_wait3A = arith.constant 0 : i32
      %dma_wait3A_14 = tpu.memref_slice %arg3[%mul3A_4, %dma_wait3A] : memref<1024x128xi32, #tpu.memory_space<hbm>> -> memref<32x128xi32, #tpu.memory_space<hbm>>
      %dma_wait3A_15 = arith.constant 0 : i32
      %dma_wait3A_16 = tpu.memref_slice %arg3[%mul3A_4, %dma_wait3A_15] : memref<1024x128xi32, #tpu.memory_space<hbm>> -> memref<32x128xi32, #tpu.memory_space<hbm>>
      tpu.wait_dma2 semaphore(%run_scoped3A : memref<!tpu.dma_semaphore, #tpu.memory_space<semaphore_mem>>) src(%dma_wait3A_16 : memref<32x128xi32, #tpu.memory_space<hbm>>) dst(%arg5 : memref<32x128xi32, #tpu.memory_space<vmem>>)
      tpu.yield
    }) : () -> ()
    %scan3A = arith.constant 0 : i32
    %scan3A_5 = arith.constant 0 : i32
    %scan3A_6 = arith.constant 8 : i32
    %scan3A_7 = arith.addi %scan3A_5, %scan3A_6 : i32
    %scan3A_8 = arith.constant 1 : i32
    %scan3A_9 = scf.for %scan3A_11 = %scan3A_5 to %scan3A_7 step %scan3A_8 iter_args(%scan3A_12 = %scan3A) -> (i32)  : i32 {
      %mul3A_13 = arith.constant 4 : i32
      %mul3A_14 = arith.muli %scan3A_11, %mul3A_13 : i32
      %add3A_15 = arith.constant 0 : i32
      %add3A_16 = arith.addi %mul3A_14, %add3A_15 : i32
      %dma_start3A = arith.constant 0 : i32
      %dma_start3A_17 = arith.constant 0 : i32
      %dma_start3A_18 = tpu.memref_slice %arg6[%dma_start3A, %dma_start3A_17] : memref<512x80xf32, #tpu.memory_space<vmem>> -> memref<128x80xf32, #tpu.memory_space<vmem>>
      %dma_start3A_19 = arith.constant 0 : i32
      %dma_start3A_20 = tpu.memref_slice %arg5[%add3A_16, %dma_start3A_19] : memref<32x128xi32, #tpu.memory_space<vmem>> -> memref<1x128xi32, #tpu.memory_space<vmem>>
      %dma_start3A_21 = tpu.memref_squeeze %dma_start3A_20 : memref<1x128xi32, #tpu.memory_space<vmem>> -> memref<128xi32, #tpu.memory_space<vmem>>
      %dma_start3A_22 = arith.constant 0 : i32
      %dma_start3A_23 = arith.constant 0 : i32
      %dma_start3A_24 = tpu.memref_slice %arg2[%dma_start3A_22, %dma_start3A_23] : memref<32768x80xf32, #tpu.memory_space<hbm>> -> memref<32768x80xf32, #tpu.memory_space<hbm>>
      tpu.enqueue_indirect_dma source(%dma_start3A_24 : memref<32768x80xf32, #tpu.memory_space<hbm>>) target(%dma_start3A_18 : memref<128x80xf32, #tpu.memory_space<vmem>>) offsets(%dma_start3A_21 : memref<128xi32, #tpu.memory_space<vmem>>) semaphore(%arg7 : memref<!tpu.dma_semaphore, #tpu.memory_space<semaphore_mem>>)
      %mul3A_25 = arith.constant 4 : i32
      %mul3A_26 = arith.muli %scan3A_11, %mul3A_25 : i32
      %add3A_27 = arith.constant 1 : i32
      %add3A_28 = arith.addi %mul3A_26, %add3A_27 : i32
      %dma_start3A_29 = arith.constant 128 : i32
      %dma_start3A_30 = arith.constant 0 : i32
      %dma_start3A_31 = tpu.memref_slice %arg6[%dma_start3A_29, %dma_start3A_30] : memref<512x80xf32, #tpu.memory_space<vmem>> -> memref<128x80xf32, #tpu.memory_space<vmem>>
      %dma_start3A_32 = arith.constant 0 : i32
      %dma_start3A_33 = tpu.memref_slice %arg5[%add3A_28, %dma_start3A_32] : memref<32x128xi32, #tpu.memory_space<vmem>> -> memref<1x128xi32, #tpu.memory_space<vmem>>
      %dma_start3A_34 = tpu.memref_squeeze %dma_start3A_33 : memref<1x128xi32, #tpu.memory_space<vmem>> -> memref<128xi32, #tpu.memory_space<vmem>>
      %dma_start3A_35 = arith.constant 0 : i32
      %dma_start3A_36 = arith.constant 0 : i32
      %dma_start3A_37 = tpu.memref_slice %arg2[%dma_start3A_35, %dma_start3A_36] : memref<32768x80xf32, #tpu.memory_space<hbm>> -> memref<32768x80xf32, #tpu.memory_space<hbm>>
      tpu.enqueue_indirect_dma source(%dma_start3A_37 : memref<32768x80xf32, #tpu.memory_space<hbm>>) target(%dma_start3A_31 : memref<128x80xf32, #tpu.memory_space<vmem>>) offsets(%dma_start3A_34 : memref<128xi32, #tpu.memory_space<vmem>>) semaphore(%arg7 : memref<!tpu.dma_semaphore, #tpu.memory_space<semaphore_mem>>)
      %mul3A_38 = arith.constant 4 : i32
      %mul3A_39 = arith.muli %scan3A_11, %mul3A_38 : i32
      %add3A_40 = arith.constant 2 : i32
      %add3A_41 = arith.addi %mul3A_39, %add3A_40 : i32
      %dma_start3A_42 = arith.constant 256 : i32
      %dma_start3A_43 = arith.constant 0 : i32
      %dma_start3A_44 = tpu.memref_slice %arg6[%dma_start3A_42, %dma_start3A_43] : memref<512x80xf32, #tpu.memory_space<vmem>> -> memref<128x80xf32, #tpu.memory_space<vmem>>
      %dma_start3A_45 = arith.constant 0 : i32
      %dma_start3A_46 = tpu.memref_slice %arg5[%add3A_41, %dma_start3A_45] : memref<32x128xi32, #tpu.memory_space<vmem>> -> memref<1x128xi32, #tpu.memory_space<vmem>>
      %dma_start3A_47 = tpu.memref_squeeze %dma_start3A_46 : memref<1x128xi32, #tpu.memory_space<vmem>> -> memref<128xi32, #tpu.memory_space<vmem>>
      %dma_start3A_48 = arith.constant 0 : i32
      %dma_start3A_49 = arith.constant 0 : i32
      %dma_start3A_50 = tpu.memref_slice %arg2[%dma_start3A_48, %dma_start3A_49] : memref<32768x80xf32, #tpu.memory_space<hbm>> -> memref<32768x80xf32, #tpu.memory_space<hbm>>
      tpu.enqueue_indirect_dma source(%dma_start3A_50 : memref<32768x80xf32, #tpu.memory_space<hbm>>) target(%dma_start3A_44 : memref<128x80xf32, #tpu.memory_space<vmem>>) offsets(%dma_start3A_47 : memref<128xi32, #tpu.memory_space<vmem>>) semaphore(%arg7 : memref<!tpu.dma_semaphore, #tpu.memory_space<semaphore_mem>>)
      %mul3A_51 = arith.constant 4 : i32
      %mul3A_52 = arith.muli %scan3A_11, %mul3A_51 : i32
      %add3A_53 = arith.constant 3 : i32
      %add3A_54 = arith.addi %mul3A_52, %add3A_53 : i32
      %dma_start3A_55 = arith.constant 384 : i32
      %dma_start3A_56 = arith.constant 0 : i32
      %dma_start3A_57 = tpu.memref_slice %arg6[%dma_start3A_55, %dma_start3A_56] : memref<512x80xf32, #tpu.memory_space<vmem>> -> memref<128x80xf32, #tpu.memory_space<vmem>>
      %dma_start3A_58 = arith.constant 0 : i32
      %dma_start3A_59 = tpu.memref_slice %arg5[%add3A_54, %dma_start3A_58] : memref<32x128xi32, #tpu.memory_space<vmem>> -> memref<1x128xi32, #tpu.memory_space<vmem>>
      %dma_start3A_60 = tpu.memref_squeeze %dma_start3A_59 : memref<1x128xi32, #tpu.memory_space<vmem>> -> memref<128xi32, #tpu.memory_space<vmem>>
      %dma_start3A_61 = arith.constant 0 : i32
      %dma_start3A_62 = arith.constant 0 : i32
      %dma_start3A_63 = tpu.memref_slice %arg2[%dma_start3A_61, %dma_start3A_62] : memref<32768x80xf32, #tpu.memory_space<hbm>> -> memref<32768x80xf32, #tpu.memory_space<hbm>>
      tpu.enqueue_indirect_dma source(%dma_start3A_63 : memref<32768x80xf32, #tpu.memory_space<hbm>>) target(%dma_start3A_57 : memref<128x80xf32, #tpu.memory_space<vmem>>) offsets(%dma_start3A_60 : memref<128xi32, #tpu.memory_space<vmem>>) semaphore(%arg7 : memref<!tpu.dma_semaphore, #tpu.memory_space<semaphore_mem>>)
      %dma_wait3A = arith.constant 0 : i32
      %dma_wait3A_64 = arith.constant 0 : i32
      %dma_wait3A_65 = tpu.memref_slice %arg6[%dma_wait3A, %dma_wait3A_64] : memref<512x80xf32, #tpu.memory_space<vmem>> -> memref<128x80xf32, #tpu.memory_space<vmem>>
      %dma_wait3A_66 = arith.constant 0 : i32
      %dma_wait3A_67 = tpu.memref_slice %arg5[%add3A_16, %dma_wait3A_66] : memref<32x128xi32, #tpu.memory_space<vmem>> -> memref<1x128xi32, #tpu.memory_space<vmem>>
      %dma_wait3A_68 = tpu.memref_squeeze %dma_wait3A_67 : memref<1x128xi32, #tpu.memory_space<vmem>> -> memref<128xi32, #tpu.memory_space<vmem>>
      %dma_wait3A_69 = arith.constant 0 : i32
      %dma_wait3A_70 = arith.constant 0 : i32
      %dma_wait3A_71 = tpu.memref_slice %arg2[%dma_wait3A_69, %dma_wait3A_70] : memref<32768x80xf32, #tpu.memory_space<hbm>> -> memref<32768x80xf32, #tpu.memory_space<hbm>>
      tpu.wait_indirect_dma semaphore(%arg7 : memref<!tpu.dma_semaphore, #tpu.memory_space<semaphore_mem>>) src(%dma_wait3A_71 : memref<32768x80xf32, #tpu.memory_space<hbm>>) dst(%dma_wait3A_65 : memref<128x80xf32, #tpu.memory_space<vmem>>)
      %dma_wait3A_72 = arith.constant 128 : i32
      %dma_wait3A_73 = arith.constant 0 : i32
      %dma_wait3A_74 = tpu.memref_slice %arg6[%dma_wait3A_72, %dma_wait3A_73] : memref<512x80xf32, #tpu.memory_space<vmem>> -> memref<128x80xf32, #tpu.memory_space<vmem>>
      %dma_wait3A_75 = arith.constant 0 : i32
      %dma_wait3A_76 = tpu.memref_slice %arg5[%add3A_28, %dma_wait3A_75] : memref<32x128xi32, #tpu.memory_space<vmem>> -> memref<1x128xi32, #tpu.memory_space<vmem>>
      %dma_wait3A_77 = tpu.memref_squeeze %dma_wait3A_76 : memref<1x128xi32, #tpu.memory_space<vmem>> -> memref<128xi32, #tpu.memory_space<vmem>>
      %dma_wait3A_78 = arith.constant 0 : i32
      %dma_wait3A_79 = arith.constant 0 : i32
      %dma_wait3A_80 = tpu.memref_slice %arg2[%dma_wait3A_78, %dma_wait3A_79] : memref<32768x80xf32, #tpu.memory_space<hbm>> -> memref<32768x80xf32, #tpu.memory_space<hbm>>
      tpu.wait_indirect_dma semaphore(%arg7 : memref<!tpu.dma_semaphore, #tpu.memory_space<semaphore_mem>>) src(%dma_wait3A_80 : memref<32768x80xf32, #tpu.memory_space<hbm>>) dst(%dma_wait3A_74 : memref<128x80xf32, #tpu.memory_space<vmem>>)
      %dma_wait3A_81 = arith.constant 256 : i32
      %dma_wait3A_82 = arith.constant 0 : i32
      %dma_wait3A_83 = tpu.memref_slice %arg6[%dma_wait3A_81, %dma_wait3A_82] : memref<512x80xf32, #tpu.memory_space<vmem>> -> memref<128x80xf32, #tpu.memory_space<vmem>>
      %dma_wait3A_84 = arith.constant 0 : i32
      %dma_wait3A_85 = tpu.memref_slice %arg5[%add3A_41, %dma_wait3A_84] : memref<32x128xi32, #tpu.memory_space<vmem>> -> memref<1x128xi32, #tpu.memory_space<vmem>>
      %dma_wait3A_86 = tpu.memref_squeeze %dma_wait3A_85 : memref<1x128xi32, #tpu.memory_space<vmem>> -> memref<128xi32, #tpu.memory_space<vmem>>
      %dma_wait3A_87 = arith.constant 0 : i32
      %dma_wait3A_88 = arith.constant 0 : i32
      %dma_wait3A_89 = tpu.memref_slice %arg2[%dma_wait3A_87, %dma_wait3A_88] : memref<32768x80xf32, #tpu.memory_space<hbm>> -> memref<32768x80xf32, #tpu.memory_space<hbm>>
      tpu.wait_indirect_dma semaphore(%arg7 : memref<!tpu.dma_semaphore, #tpu.memory_space<semaphore_mem>>) src(%dma_wait3A_89 : memref<32768x80xf32, #tpu.memory_space<hbm>>) dst(%dma_wait3A_83 : memref<128x80xf32, #tpu.memory_space<vmem>>)
      %dma_wait3A_90 = arith.constant 384 : i32
      %dma_wait3A_91 = arith.constant 0 : i32
      %dma_wait3A_92 = tpu.memref_slice %arg6[%dma_wait3A_90, %dma_wait3A_91] : memref<512x80xf32, #tpu.memory_space<vmem>> -> memref<128x80xf32, #tpu.memory_space<vmem>>
      %dma_wait3A_93 = arith.constant 0 : i32
      %dma_wait3A_94 = tpu.memref_slice %arg5[%add3A_54, %dma_wait3A_93] : memref<32x128xi32, #tpu.memory_space<vmem>> -> memref<1x128xi32, #tpu.memory_space<vmem>>
      %dma_wait3A_95 = tpu.memref_squeeze %dma_wait3A_94 : memref<1x128xi32, #tpu.memory_space<vmem>> -> memref<128xi32, #tpu.memory_space<vmem>>
      %dma_wait3A_96 = arith.constant 0 : i32
      %dma_wait3A_97 = arith.constant 0 : i32
      %dma_wait3A_98 = tpu.memref_slice %arg2[%dma_wait3A_96, %dma_wait3A_97] : memref<32768x80xf32, #tpu.memory_space<hbm>> -> memref<32768x80xf32, #tpu.memory_space<hbm>>
      tpu.wait_indirect_dma semaphore(%arg7 : memref<!tpu.dma_semaphore, #tpu.memory_space<semaphore_mem>>) src(%dma_wait3A_98 : memref<32768x80xf32, #tpu.memory_space<hbm>>) dst(%dma_wait3A_92 : memref<128x80xf32, #tpu.memory_space<vmem>>)
      %mul3A_99 = arith.constant 512 : i32
      %mul3A_100 = arith.muli %scan3A_11, %mul3A_99 : i32
      %add3A_101 = arith.addi %mul3A_2, %mul3A_100 : i32
      "tpu.region"() ({
        %run_scoped3A = tpu.sem_alloc : memref<!tpu.dma_semaphore, #tpu.memory_space<semaphore_mem>>
        %dma_start3A_103 = arith.constant 0 : i32
        %dma_start3A_104 = tpu.memref_slice %arg4[%add3A_101, %dma_start3A_103] : memref<131072x80xf32, #tpu.memory_space<hbm>> -> memref<512x80xf32, #tpu.memory_space<hbm>>
        %dma_start3A_105 = arith.constant 0 : i32
        %dma_start3A_106 = tpu.memref_slice %arg4[%add3A_101, %dma_start3A_105] : memref<131072x80xf32, #tpu.memory_space<hbm>> -> memref<512x80xf32, #tpu.memory_space<hbm>>
        tpu.enqueue_dma source(%arg6 : memref<512x80xf32, #tpu.memory_space<vmem>>) target(%dma_start3A_106 : memref<512x80xf32, #tpu.memory_space<hbm>>) target_semaphore(%run_scoped3A : memref<!tpu.dma_semaphore, #tpu.memory_space<semaphore_mem>>)
        %dma_wait3A_107 = arith.constant 0 : i32
        %dma_wait3A_108 = tpu.memref_slice %arg4[%add3A_101, %dma_wait3A_107] : memref<131072x80xf32, #tpu.memory_space<hbm>> -> memref<512x80xf32, #tpu.memory_space<hbm>>
        %dma_wait3A_109 = arith.constant 0 : i32
        %dma_wait3A_110 = tpu.memref_slice %arg4[%add3A_101, %dma_wait3A_109] : memref<131072x80xf32, #tpu.memory_space<hbm>> -> memref<512x80xf32, #tpu.memory_space<hbm>>
        tpu.wait_dma2 semaphore(%run_scoped3A : memref<!tpu.dma_semaphore, #tpu.memory_space<semaphore_mem>>) src(%arg6 : memref<512x80xf32, #tpu.memory_space<vmem>>) dst(%dma_wait3A_110 : memref<512x80xf32, #tpu.memory_space<hbm>>)
        tpu.yield
      }) : () -> ()
      %scan3A_102 = arith.constant 0 : i32
      scf.yield %scan3A_102 : i32
    }
    %scan3A_10 = arith.constant 8 : i32
    return
  }
}

module attributes {stable_mosaic.version = 14 : i64} {
  func.func @_fps_body(%arg0: memref<3x8x4096xf32, #tpu.memory_space<vmem>>, %arg1: memref<3x8x512xf32, #tpu.memory_space<vmem>>) attributes {dimension_semantics = [], scalar_prefetch = 0 : i64, scratch_operands = 0 : i64, tpu.core_type = #tpu.core_type<tc>} {
    %get3A = arith.constant 0 : index
    %get3A_0 = arith.constant 0 : index
    %get3A_1 = arith.constant 0 : index
    %get3A_2 = vector.load %arg0[%get3A, %get3A_0, %get3A_1] : memref<3x8x4096xf32, #tpu.memory_space<vmem>>, vector<1x8x4096xf32>
    %get3A_3 = vector.shape_cast %get3A_2 : vector<1x8x4096xf32> to vector<8x4096xf32>
    %get3A_4 = arith.constant 1 : index
    %get3A_5 = arith.constant 0 : index
    %get3A_6 = arith.constant 0 : index
    %get3A_7 = vector.load %arg0[%get3A_4, %get3A_5, %get3A_6] : memref<3x8x4096xf32, #tpu.memory_space<vmem>>, vector<1x8x4096xf32>
    %get3A_8 = vector.shape_cast %get3A_7 : vector<1x8x4096xf32> to vector<8x4096xf32>
    %get3A_9 = arith.constant 2 : index
    %get3A_10 = arith.constant 0 : index
    %get3A_11 = arith.constant 0 : index
    %get3A_12 = vector.load %arg0[%get3A_9, %get3A_10, %get3A_11] : memref<3x8x4096xf32, #tpu.memory_space<vmem>>, vector<1x8x4096xf32>
    %get3A_13 = vector.shape_cast %get3A_12 : vector<1x8x4096xf32> to vector<8x4096xf32>
    %iota3A = tpu.iota {dimensions = array<i32: 1>} : vector<8x4096xi32>
    %iota3A_14 = tpu.iota {dimensions = array<i32: 1>} : vector<8x512xi32>
    %broadcast_in_dim3A = arith.constant 1.000000e+10 : f32
    %broadcast_in_dim3A_15 = vector.broadcast %broadcast_in_dim3A : f32 to vector<8x4096xf32>
    %broadcast_in_dim3A_16 = arith.constant 0 : i32
    %broadcast_in_dim3A_17 = vector.broadcast %broadcast_in_dim3A_16 : i32 to vector<8x1xi32>
    %broadcast_in_dim3A_18 = arith.constant 0.000000e+00 : f32
    %broadcast_in_dim3A_19 = vector.broadcast %broadcast_in_dim3A_18 : f32 to vector<8x512xf32>
    %broadcast_in_dim3A_20 = arith.constant 0.000000e+00 : f32
    %broadcast_in_dim3A_21 = vector.broadcast %broadcast_in_dim3A_20 : f32 to vector<8x512xf32>
    %broadcast_in_dim3A_22 = arith.constant 0.000000e+00 : f32
    %broadcast_in_dim3A_23 = vector.broadcast %broadcast_in_dim3A_22 : f32 to vector<8x512xf32>
    %scan3A = arith.constant 0 : i32
    %scan3A_24 = arith.constant 512 : i32
    %scan3A_25 = arith.addi %scan3A, %scan3A_24 : i32
    %scan3A_26 = arith.constant 1 : i32
    %scan3A_27:5 = scf.for %scan3A_46 = %scan3A to %scan3A_25 step %scan3A_26 iter_args(%scan3A_47 = %broadcast_in_dim3A_15, %scan3A_48 = %broadcast_in_dim3A_17, %scan3A_49 = %broadcast_in_dim3A_19, %scan3A_50 = %broadcast_in_dim3A_21, %scan3A_51 = %broadcast_in_dim3A_23) -> (vector<8x4096xf32>, vector<8x1xi32>, vector<8x512xf32>, vector<8x512xf32>, vector<8x512xf32>)  : i32 {
      %eq3A = vector.broadcast %scan3A_48 : vector<8x1xi32> to vector<8x4096xi32>
      %eq3A_52 = arith.cmpi eq, %iota3A, %eq3A : vector<8x4096xi32>
      %jit3A = arith.constant 0.000000e+00 : f32
      %broadcast_in_dim3A_53 = vector.broadcast %jit3A : f32 to vector<8x4096xf32>
      %select_n3A = arith.select %eq3A_52, %get3A_3, %broadcast_in_dim3A_53 : vector<8x4096xi1>, vector<8x4096xf32>
      %reduce_sum3A = arith.constant dense<0.000000e+00> : vector<8xf32>
      %reduce_sum3A_54 = vector.multi_reduction <add>, %select_n3A, %reduce_sum3A [1] : vector<8x4096xf32> to vector<8xf32>
      %broadcast_in_dim3A_55 = vector.shape_cast %reduce_sum3A_54 : vector<8xf32> to vector<8x1xf32>
      %jit3A_56 = arith.constant 0.000000e+00 : f32
      %broadcast_in_dim3A_57 = vector.broadcast %jit3A_56 : f32 to vector<8x4096xf32>
      %select_n3A_58 = arith.select %eq3A_52, %get3A_8, %broadcast_in_dim3A_57 : vector<8x4096xi1>, vector<8x4096xf32>
      %reduce_sum3A_59 = arith.constant dense<0.000000e+00> : vector<8xf32>
      %reduce_sum3A_60 = vector.multi_reduction <add>, %select_n3A_58, %reduce_sum3A_59 [1] : vector<8x4096xf32> to vector<8xf32>
      %broadcast_in_dim3A_61 = vector.shape_cast %reduce_sum3A_60 : vector<8xf32> to vector<8x1xf32>
      %jit3A_62 = arith.constant 0.000000e+00 : f32
      %broadcast_in_dim3A_63 = vector.broadcast %jit3A_62 : f32 to vector<8x4096xf32>
      %select_n3A_64 = arith.select %eq3A_52, %get3A_13, %broadcast_in_dim3A_63 : vector<8x4096xi1>, vector<8x4096xf32>
      %reduce_sum3A_65 = arith.constant dense<0.000000e+00> : vector<8xf32>
      %reduce_sum3A_66 = vector.multi_reduction <add>, %select_n3A_64, %reduce_sum3A_65 [1] : vector<8x4096xf32> to vector<8xf32>
      %broadcast_in_dim3A_67 = vector.shape_cast %reduce_sum3A_66 : vector<8xf32> to vector<8x1xf32>
      %eq3A_68 = vector.broadcast %scan3A_46 : i32 to vector<8x512xi32>
      %eq3A_69 = arith.cmpi eq, %iota3A_14, %eq3A_68 : vector<8x512xi32>
      %jit3A_70 = arith.constant 0.000000e+00 : f32
      %broadcast_in_dim3A_71 = vector.shape_cast %broadcast_in_dim3A_55 : vector<8x1xf32> to vector<8x1xf32>
      %broadcast_in_dim3A_72 = vector.broadcast %broadcast_in_dim3A_71 : vector<8x1xf32> to vector<8x512xf32>
      %broadcast_in_dim3A_73 = vector.broadcast %jit3A_70 : f32 to vector<8x512xf32>
      %select_n3A_74 = arith.select %eq3A_69, %broadcast_in_dim3A_72, %broadcast_in_dim3A_73 : vector<8x512xi1>, vector<8x512xf32>
      %add3A = arith.addf %scan3A_49, %select_n3A_74 : vector<8x512xf32>
      %jit3A_75 = arith.constant 0.000000e+00 : f32
      %broadcast_in_dim3A_76 = vector.shape_cast %broadcast_in_dim3A_61 : vector<8x1xf32> to vector<8x1xf32>
      %broadcast_in_dim3A_77 = vector.broadcast %broadcast_in_dim3A_76 : vector<8x1xf32> to vector<8x512xf32>
      %broadcast_in_dim3A_78 = vector.broadcast %jit3A_75 : f32 to vector<8x512xf32>
      %select_n3A_79 = arith.select %eq3A_69, %broadcast_in_dim3A_77, %broadcast_in_dim3A_78 : vector<8x512xi1>, vector<8x512xf32>
      %add3A_80 = arith.addf %scan3A_50, %select_n3A_79 : vector<8x512xf32>
      %jit3A_81 = arith.constant 0.000000e+00 : f32
      %broadcast_in_dim3A_82 = vector.shape_cast %broadcast_in_dim3A_67 : vector<8x1xf32> to vector<8x1xf32>
      %broadcast_in_dim3A_83 = vector.broadcast %broadcast_in_dim3A_82 : vector<8x1xf32> to vector<8x512xf32>
      %broadcast_in_dim3A_84 = vector.broadcast %jit3A_81 : f32 to vector<8x512xf32>
      %select_n3A_85 = arith.select %eq3A_69, %broadcast_in_dim3A_83, %broadcast_in_dim3A_84 : vector<8x512xi1>, vector<8x512xf32>
      %add3A_86 = arith.addf %scan3A_51, %select_n3A_85 : vector<8x512xf32>
      %sub3A = vector.broadcast %broadcast_in_dim3A_55 : vector<8x1xf32> to vector<8x4096xf32>
      %sub3A_87 = arith.subf %get3A_3, %sub3A : vector<8x4096xf32>
      %integer_pow3A = arith.mulf %sub3A_87, %sub3A_87 : vector<8x4096xf32>
      %sub3A_88 = vector.broadcast %broadcast_in_dim3A_61 : vector<8x1xf32> to vector<8x4096xf32>
      %sub3A_89 = arith.subf %get3A_8, %sub3A_88 : vector<8x4096xf32>
      %integer_pow3A_90 = arith.mulf %sub3A_89, %sub3A_89 : vector<8x4096xf32>
      %add3A_91 = arith.addf %integer_pow3A, %integer_pow3A_90 : vector<8x4096xf32>
      %sub3A_92 = vector.broadcast %broadcast_in_dim3A_67 : vector<8x1xf32> to vector<8x4096xf32>
      %sub3A_93 = arith.subf %get3A_13, %sub3A_92 : vector<8x4096xf32>
      %integer_pow3A_94 = arith.mulf %sub3A_93, %sub3A_93 : vector<8x4096xf32>
      %add3A_95 = arith.addf %add3A_91, %integer_pow3A_94 : vector<8x4096xf32>
      %min3A = arith.minimumf %scan3A_47, %add3A_95 : vector<8x4096xf32>
      %reduce_max3A = arith.constant dense<0xFF800000> : vector<8xf32>
      %reduce_max3A_96 = vector.multi_reduction <maximumf>, %min3A, %reduce_max3A [1] : vector<8x4096xf32> to vector<8xf32>
      %broadcast_in_dim3A_97 = vector.shape_cast %reduce_max3A_96 : vector<8xf32> to vector<8x1xf32>
      %eq3A_98 = vector.broadcast %broadcast_in_dim3A_97 : vector<8x1xf32> to vector<8x4096xf32>
      %eq3A_99 = arith.cmpf oeq, %min3A, %eq3A_98 : vector<8x4096xf32>
      %jit3A_100 = arith.constant 4096 : i32
      %broadcast_in_dim3A_101 = vector.broadcast %jit3A_100 : i32 to vector<8x4096xi32>
      %select_n3A_102 = arith.select %eq3A_99, %iota3A, %broadcast_in_dim3A_101 : vector<8x4096xi1>, vector<8x4096xi32>
      %reduce_min3A = arith.constant dense<2147483647> : vector<8xi32>
      %reduce_min3A_103 = vector.multi_reduction <minsi>, %select_n3A_102, %reduce_min3A [1] : vector<8x4096xi32> to vector<8xi32>
      %broadcast_in_dim3A_104 = vector.shape_cast %reduce_min3A_103 : vector<8xi32> to vector<8x1xi32>
      scf.yield %min3A, %broadcast_in_dim3A_104, %add3A, %add3A_80, %add3A_86 : vector<8x4096xf32>, vector<8x1xi32>, vector<8x512xf32>, vector<8x512xf32>, vector<8x512xf32>
    }
    %scan3A_28 = arith.constant 512 : i32
    %swap3A = arith.constant 0 : index
    %swap3A_29 = arith.constant 0 : index
    %swap3A_30 = arith.constant 0 : index
    %swap3A_31 = vector.load %arg1[%swap3A, %swap3A_29, %swap3A_30] : memref<3x8x512xf32, #tpu.memory_space<vmem>>, vector<1x8x512xf32>
    %swap3A_32 = vector.shape_cast %swap3A_31 : vector<1x8x512xf32> to vector<8x512xf32>
    %swap3A_33 = vector.shape_cast %scan3A_27#2 : vector<8x512xf32> to vector<1x8x512xf32>
    tpu.vector_store %arg1[%swap3A, %swap3A_29, %swap3A_30], %swap3A_33 {strides = array<i32>} : memref<3x8x512xf32, #tpu.memory_space<vmem>>, vector<1x8x512xf32>,
    %swap3A_34 = arith.constant 1 : index
    %swap3A_35 = arith.constant 0 : index
    %swap3A_36 = arith.constant 0 : index
    %swap3A_37 = vector.load %arg1[%swap3A_34, %swap3A_35, %swap3A_36] : memref<3x8x512xf32, #tpu.memory_space<vmem>>, vector<1x8x512xf32>
    %swap3A_38 = vector.shape_cast %swap3A_37 : vector<1x8x512xf32> to vector<8x512xf32>
    %swap3A_39 = vector.shape_cast %scan3A_27#3 : vector<8x512xf32> to vector<1x8x512xf32>
    tpu.vector_store %arg1[%swap3A_34, %swap3A_35, %swap3A_36], %swap3A_39 {strides = array<i32>} : memref<3x8x512xf32, #tpu.memory_space<vmem>>, vector<1x8x512xf32>,
    %swap3A_40 = arith.constant 2 : index
    %swap3A_41 = arith.constant 0 : index
    %swap3A_42 = arith.constant 0 : index
    %swap3A_43 = vector.load %arg1[%swap3A_40, %swap3A_41, %swap3A_42] : memref<3x8x512xf32, #tpu.memory_space<vmem>>, vector<1x8x512xf32>
    %swap3A_44 = vector.shape_cast %swap3A_43 : vector<1x8x512xf32> to vector<8x512xf32>
    %swap3A_45 = vector.shape_cast %scan3A_27#4 : vector<8x512xf32> to vector<1x8x512xf32>
    tpu.vector_store %arg1[%swap3A_40, %swap3A_41, %swap3A_42], %swap3A_45 {strides = array<i32>} : memref<3x8x512xf32, #tpu.memory_space<vmem>>, vector<1x8x512xf32>,
    return
  }
}

module attributes {stable_mosaic.version = 14 : i64} {
  func.func @_knn_body(%arg0: i32, %arg1: i32, %arg2: memref<3x1x4096x1xf32, #tpu.memory_space<vmem>>, %arg3: memref<3x1x1x256xf32, #tpu.memory_space<vmem>>, %arg4: memref<1x32x256xi32, #tpu.memory_space<vmem>>) attributes {dimension_semantics = [#tpu.dimension_semantics<arbitrary>, #tpu.dimension_semantics<arbitrary>], iteration_bounds = array<i64: 8, 2>, scalar_prefetch = 0 : i64, scratch_operands = 0 : i64, tpu.core_type = #tpu.core_type<tc>, window_params = [{transform_indices = @transform_0, window_bounds = array<i64: 3, 1, 4096, 1>}, {transform_indices = @transform_1, window_bounds = array<i64: 3, 1, 1, 256>}, {transform_indices = @transform_2, window_bounds = array<i64: 1, 32, 256>}]} {
    %get3A = arith.constant 0 : index
    %get3A_0 = arith.constant 0 : index
    %get3A_1 = arith.constant 0 : index
    %get3A_2 = arith.constant 0 : index
    %get3A_3 = vector.load %arg2[%get3A, %get3A_0, %get3A_1, %get3A_2] : memref<3x1x4096x1xf32, #tpu.memory_space<vmem>>, vector<1x1x4096x1xf32>
    %get3A_4 = vector.shape_cast %get3A_3 : vector<1x1x4096x1xf32> to vector<4096x1xf32>
    %get3A_5 = arith.constant 1 : index
    %get3A_6 = arith.constant 0 : index
    %get3A_7 = arith.constant 0 : index
    %get3A_8 = arith.constant 0 : index
    %get3A_9 = vector.load %arg2[%get3A_5, %get3A_6, %get3A_7, %get3A_8] : memref<3x1x4096x1xf32, #tpu.memory_space<vmem>>, vector<1x1x4096x1xf32>
    %get3A_10 = vector.shape_cast %get3A_9 : vector<1x1x4096x1xf32> to vector<4096x1xf32>
    %get3A_11 = arith.constant 2 : index
    %get3A_12 = arith.constant 0 : index
    %get3A_13 = arith.constant 0 : index
    %get3A_14 = arith.constant 0 : index
    %get3A_15 = vector.load %arg2[%get3A_11, %get3A_12, %get3A_13, %get3A_14] : memref<3x1x4096x1xf32, #tpu.memory_space<vmem>>, vector<1x1x4096x1xf32>
    %get3A_16 = vector.shape_cast %get3A_15 : vector<1x1x4096x1xf32> to vector<4096x1xf32>
    %get3A_17 = arith.constant 0 : index
    %get3A_18 = arith.constant 0 : index
    %get3A_19 = arith.constant 0 : index
    %get3A_20 = arith.constant 0 : index
    %get3A_21 = vector.load %arg3[%get3A_17, %get3A_18, %get3A_19, %get3A_20] : memref<3x1x1x256xf32, #tpu.memory_space<vmem>>, vector<1x1x1x256xf32>
    %get3A_22 = vector.shape_cast %get3A_21 : vector<1x1x1x256xf32> to vector<1x256xf32>
    %get3A_23 = arith.constant 1 : index
    %get3A_24 = arith.constant 0 : index
    %get3A_25 = arith.constant 0 : index
    %get3A_26 = arith.constant 0 : index
    %get3A_27 = vector.load %arg3[%get3A_23, %get3A_24, %get3A_25, %get3A_26] : memref<3x1x1x256xf32, #tpu.memory_space<vmem>>, vector<1x1x1x256xf32>
    %get3A_28 = vector.shape_cast %get3A_27 : vector<1x1x1x256xf32> to vector<1x256xf32>
    %get3A_29 = arith.constant 2 : index
    %get3A_30 = arith.constant 0 : index
    %get3A_31 = arith.constant 0 : index
    %get3A_32 = arith.constant 0 : index
    %get3A_33 = vector.load %arg3[%get3A_29, %get3A_30, %get3A_31, %get3A_32] : memref<3x1x1x256xf32, #tpu.memory_space<vmem>>, vector<1x1x1x256xf32>
    %get3A_34 = vector.shape_cast %get3A_33 : vector<1x1x1x256xf32> to vector<1x256xf32>
    %sub3A = vector.broadcast %get3A_4 : vector<4096x1xf32> to vector<4096x256xf32>
    %sub3A_35 = vector.broadcast %get3A_22 : vector<1x256xf32> to vector<4096x256xf32>
    %sub3A_36 = arith.subf %sub3A, %sub3A_35 : vector<4096x256xf32>
    %integer_pow3A = arith.mulf %sub3A_36, %sub3A_36 : vector<4096x256xf32>
    %sub3A_37 = vector.broadcast %get3A_10 : vector<4096x1xf32> to vector<4096x256xf32>
    %sub3A_38 = vector.broadcast %get3A_28 : vector<1x256xf32> to vector<4096x256xf32>
    %sub3A_39 = arith.subf %sub3A_37, %sub3A_38 : vector<4096x256xf32>
    %integer_pow3A_40 = arith.mulf %sub3A_39, %sub3A_39 : vector<4096x256xf32>
    %add3A = arith.addf %integer_pow3A, %integer_pow3A_40 : vector<4096x256xf32>
    %sub3A_41 = vector.broadcast %get3A_16 : vector<4096x1xf32> to vector<4096x256xf32>
    %sub3A_42 = vector.broadcast %get3A_34 : vector<1x256xf32> to vector<4096x256xf32>
    %sub3A_43 = arith.subf %sub3A_41, %sub3A_42 : vector<4096x256xf32>
    %integer_pow3A_44 = arith.mulf %sub3A_43, %sub3A_43 : vector<4096x256xf32>
    %add3A_45 = arith.addf %add3A, %integer_pow3A_44 : vector<4096x256xf32>
    %iota3A = tpu.iota {dimensions = array<i32: 0>} : vector<128x256xi32>
    %iota3A_46 = tpu.iota {dimensions = array<i32: 0>} : vector<32x256xi32>
    %mul3A = arith.constant 4096 : i32
    %mul3A_47 = arith.muli %arg0, %mul3A : i32
    %broadcast_in_dim3A = arith.constant 3.000000e+38 : f32
    %broadcast_in_dim3A_48 = vector.broadcast %broadcast_in_dim3A : f32 to vector<128x256xf32>
    %broadcast_in_dim3A_49 = arith.constant 3.000000e+38 : f32
    %broadcast_in_dim3A_50 = vector.broadcast %broadcast_in_dim3A_49 : f32 to vector<128x256xf32>
    %broadcast_in_dim3A_51 = arith.constant 3.000000e+38 : f32
    %broadcast_in_dim3A_52 = vector.broadcast %broadcast_in_dim3A_51 : f32 to vector<128x256xf32>
    %broadcast_in_dim3A_53 = arith.constant 3.000000e+38 : f32
    %broadcast_in_dim3A_54 = vector.broadcast %broadcast_in_dim3A_53 : f32 to vector<128x256xf32>
    %broadcast_in_dim3A_55 = arith.constant 32 : i32
    %broadcast_in_dim3A_56 = vector.broadcast %broadcast_in_dim3A_55 : i32 to vector<128x256xi32>
    %broadcast_in_dim3A_57 = arith.constant 32 : i32
    %broadcast_in_dim3A_58 = vector.broadcast %broadcast_in_dim3A_57 : i32 to vector<128x256xi32>
    %broadcast_in_dim3A_59 = arith.constant 32 : i32
    %broadcast_in_dim3A_60 = vector.broadcast %broadcast_in_dim3A_59 : i32 to vector<128x256xi32>
    %broadcast_in_dim3A_61 = arith.constant 32 : i32
    %broadcast_in_dim3A_62 = vector.broadcast %broadcast_in_dim3A_61 : i32 to vector<128x256xi32>
    %broadcast_in_dim3A_63 = arith.constant false
    %broadcast_in_dim3A_64 = vector.broadcast %broadcast_in_dim3A_63 : i1 to vector<128x256xi1>
    %slice3A = vector.extract_strided_slice %add3A_45 {offsets = [0, 0], sizes = [128, 256], strides = [1, 1]} : vector<4096x256xf32> to vector<128x256xf32>
    %broadcast_in_dim3A_65 = arith.constant 0 : i32
    %broadcast_in_dim3A_66 = vector.broadcast %broadcast_in_dim3A_65 : i32 to vector<128x256xi32>
    %lt3A = arith.cmpf olt, %slice3A, %broadcast_in_dim3A_48 : vector<128x256xf32>
    %select_n3A = arith.select %lt3A, %slice3A, %broadcast_in_dim3A_48 : vector<128x256xi1>, vector<128x256xf32>
    %select_n3A_67 = arith.select %lt3A, %broadcast_in_dim3A_48, %slice3A : vector<128x256xi1>, vector<128x256xf32>
    %select_n3A_68 = arith.select %lt3A, %broadcast_in_dim3A_66, %broadcast_in_dim3A_56 : vector<128x256xi1>, vector<128x256xi32>
    %select_n3A_69 = arith.select %lt3A, %broadcast_in_dim3A_56, %broadcast_in_dim3A_66 : vector<128x256xi1>, vector<128x256xi32>
    %lt3A_70 = arith.cmpf olt, %select_n3A_67, %broadcast_in_dim3A_50 : vector<128x256xf32>
    %select_n3A_71 = arith.select %lt3A_70, %select_n3A_67, %broadcast_in_dim3A_50 : vector<128x256xi1>, vector<128x256xf32>
    %select_n3A_72 = arith.select %lt3A_70, %broadcast_in_dim3A_50, %select_n3A_67 : vector<128x256xi1>, vector<128x256xf32>
    %select_n3A_73 = arith.select %lt3A_70, %select_n3A_69, %broadcast_in_dim3A_58 : vector<128x256xi1>, vector<128x256xi32>
    %select_n3A_74 = arith.select %lt3A_70, %broadcast_in_dim3A_58, %select_n3A_69 : vector<128x256xi1>, vector<128x256xi32>
    %lt3A_75 = arith.cmpf olt, %select_n3A_72, %broadcast_in_dim3A_52 : vector<128x256xf32>
    %select_n3A_76 = arith.select %lt3A_75, %select_n3A_72, %broadcast_in_dim3A_52 : vector<128x256xi1>, vector<128x256xf32>
    %select_n3A_77 = arith.select %lt3A_75, %broadcast_in_dim3A_52, %select_n3A_72 : vector<128x256xi1>, vector<128x256xf32>
    %select_n3A_78 = arith.select %lt3A_75, %select_n3A_74, %broadcast_in_dim3A_60 : vector<128x256xi1>, vector<128x256xi32>
    %select_n3A_79 = arith.select %lt3A_75, %broadcast_in_dim3A_60, %select_n3A_74 : vector<128x256xi1>, vector<128x256xi32>
    %lt3A_80 = arith.cmpf olt, %select_n3A_77, %broadcast_in_dim3A_54 : vector<128x256xf32>
    %select_n3A_81 = arith.select %lt3A_80, %select_n3A_77, %broadcast_in_dim3A_54 : vector<128x256xi1>, vector<128x256xf32>
    %select_n3A_82 = arith.select %lt3A_80, %broadcast_in_dim3A_54, %select_n3A_77 : vector<128x256xi1>, vector<128x256xf32>
    %select_n3A_83 = arith.select %lt3A_80, %select_n3A_79, %broadcast_in_dim3A_62 : vector<128x256xi1>, vector<128x256xi32>
    %eq3A = arith.cmpf oeq, %select_n3A_82, %select_n3A_81 : vector<128x256xf32>
    %or3A = arith.ori %broadcast_in_dim3A_64, %eq3A : vector<128x256xi1>
    %slice3A_84 = vector.extract_strided_slice %add3A_45 {offsets = [128, 0], sizes = [128, 256], strides = [1, 1]} : vector<4096x256xf32> to vector<128x256xf32>
    %broadcast_in_dim3A_85 = arith.constant 1 : i32
    %broadcast_in_dim3A_86 = vector.broadcast %broadcast_in_dim3A_85 : i32 to vector<128x256xi32>
    %lt3A_87 = arith.cmpf olt, %slice3A_84, %select_n3A : vector<128x256xf32>
    %select_n3A_88 = arith.select %lt3A_87, %slice3A_84, %select_n3A : vector<128x256xi1>, vector<128x256xf32>
    %select_n3A_89 = arith.select %lt3A_87, %select_n3A, %slice3A_84 : vector<128x256xi1>, vector<128x256xf32>
    %select_n3A_90 = arith.select %lt3A_87, %broadcast_in_dim3A_86, %select_n3A_68 : vector<128x256xi1>, vector<128x256xi32>
    %select_n3A_91 = arith.select %lt3A_87, %select_n3A_68, %broadcast_in_dim3A_86 : vector<128x256xi1>, vector<128x256xi32>
    %lt3A_92 = arith.cmpf olt, %select_n3A_89, %select_n3A_71 : vector<128x256xf32>
    %select_n3A_93 = arith.select %lt3A_92, %select_n3A_89, %select_n3A_71 : vector<128x256xi1>, vector<128x256xf32>
    %select_n3A_94 = arith.select %lt3A_92, %select_n3A_71, %select_n3A_89 : vector<128x256xi1>, vector<128x256xf32>
    %select_n3A_95 = arith.select %lt3A_92, %select_n3A_91, %select_n3A_73 : vector<128x256xi1>, vector<128x256xi32>
    %select_n3A_96 = arith.select %lt3A_92, %select_n3A_73, %select_n3A_91 : vector<128x256xi1>, vector<128x256xi32>
    %lt3A_97 = arith.cmpf olt, %select_n3A_94, %select_n3A_76 : vector<128x256xf32>
    %select_n3A_98 = arith.select %lt3A_97, %select_n3A_94, %select_n3A_76 : vector<128x256xi1>, vector<128x256xf32>
    %select_n3A_99 = arith.select %lt3A_97, %select_n3A_76, %select_n3A_94 : vector<128x256xi1>, vector<128x256xf32>
    %select_n3A_100 = arith.select %lt3A_97, %select_n3A_96, %select_n3A_78 : vector<128x256xi1>, vector<128x256xi32>
    %select_n3A_101 = arith.select %lt3A_97, %select_n3A_78, %select_n3A_96 : vector<128x256xi1>, vector<128x256xi32>
    %lt3A_102 = arith.cmpf olt, %select_n3A_99, %select_n3A_81 : vector<128x256xf32>
    %select_n3A_103 = arith.select %lt3A_102, %select_n3A_99, %select_n3A_81 : vector<128x256xi1>, vector<128x256xf32>
    %select_n3A_104 = arith.select %lt3A_102, %select_n3A_81, %select_n3A_99 : vector<128x256xi1>, vector<128x256xf32>
    %select_n3A_105 = arith.select %lt3A_102, %select_n3A_101, %select_n3A_83 : vector<128x256xi1>, vector<128x256xi32>
    %eq3A_106 = arith.cmpf oeq, %select_n3A_104, %select_n3A_103 : vector<128x256xf32>
    %or3A_107 = arith.ori %or3A, %eq3A_106 : vector<128x256xi1>
    %slice3A_108 = vector.extract_strided_slice %add3A_45 {offsets = [256, 0], sizes = [128, 256], strides = [1, 1]} : vector<4096x256xf32> to vector<128x256xf32>
    %broadcast_in_dim3A_109 = arith.constant 2 : i32
    %broadcast_in_dim3A_110 = vector.broadcast %broadcast_in_dim3A_109 : i32 to vector<128x256xi32>
    %lt3A_111 = arith.cmpf olt, %slice3A_108, %select_n3A_88 : vector<128x256xf32>
    %select_n3A_112 = arith.select %lt3A_111, %slice3A_108, %select_n3A_88 : vector<128x256xi1>, vector<128x256xf32>
    %select_n3A_113 = arith.select %lt3A_111, %select_n3A_88, %slice3A_108 : vector<128x256xi1>, vector<128x256xf32>
    %select_n3A_114 = arith.select %lt3A_111, %broadcast_in_dim3A_110, %select_n3A_90 : vector<128x256xi1>, vector<128x256xi32>
    %select_n3A_115 = arith.select %lt3A_111, %select_n3A_90, %broadcast_in_dim3A_110 : vector<128x256xi1>, vector<128x256xi32>
    %lt3A_116 = arith.cmpf olt, %select_n3A_113, %select_n3A_93 : vector<128x256xf32>
    %select_n3A_117 = arith.select %lt3A_116, %select_n3A_113, %select_n3A_93 : vector<128x256xi1>, vector<128x256xf32>
    %select_n3A_118 = arith.select %lt3A_116, %select_n3A_93, %select_n3A_113 : vector<128x256xi1>, vector<128x256xf32>
    %select_n3A_119 = arith.select %lt3A_116, %select_n3A_115, %select_n3A_95 : vector<128x256xi1>, vector<128x256xi32>
    %select_n3A_120 = arith.select %lt3A_116, %select_n3A_95, %select_n3A_115 : vector<128x256xi1>, vector<128x256xi32>
    %lt3A_121 = arith.cmpf olt, %select_n3A_118, %select_n3A_98 : vector<128x256xf32>
    %select_n3A_122 = arith.select %lt3A_121, %select_n3A_118, %select_n3A_98 : vector<128x256xi1>, vector<128x256xf32>
    %select_n3A_123 = arith.select %lt3A_121, %select_n3A_98, %select_n3A_118 : vector<128x256xi1>, vector<128x256xf32>
    %select_n3A_124 = arith.select %lt3A_121, %select_n3A_120, %select_n3A_100 : vector<128x256xi1>, vector<128x256xi32>
    %select_n3A_125 = arith.select %lt3A_121, %select_n3A_100, %select_n3A_120 : vector<128x256xi1>, vector<128x256xi32>
    %lt3A_126 = arith.cmpf olt, %select_n3A_123, %select_n3A_103 : vector<128x256xf32>
    %select_n3A_127 = arith.select %lt3A_126, %select_n3A_123, %select_n3A_103 : vector<128x256xi1>, vector<128x256xf32>
    %select_n3A_128 = arith.select %lt3A_126, %select_n3A_103, %select_n3A_123 : vector<128x256xi1>, vector<128x256xf32>
    %select_n3A_129 = arith.select %lt3A_126, %select_n3A_125, %select_n3A_105 : vector<128x256xi1>, vector<128x256xi32>
    %eq3A_130 = arith.cmpf oeq, %select_n3A_128, %select_n3A_127 : vector<128x256xf32>
    %or3A_131 = arith.ori %or3A_107, %eq3A_130 : vector<128x256xi1>
    %slice3A_132 = vector.extract_strided_slice %add3A_45 {offsets = [384, 0], sizes = [128, 256], strides = [1, 1]} : vector<4096x256xf32> to vector<128x256xf32>
    %broadcast_in_dim3A_133 = arith.constant 3 : i32
    %broadcast_in_dim3A_134 = vector.broadcast %broadcast_in_dim3A_133 : i32 to vector<128x256xi32>
    %lt3A_135 = arith.cmpf olt, %slice3A_132, %select_n3A_112 : vector<128x256xf32>
    %select_n3A_136 = arith.select %lt3A_135, %slice3A_132, %select_n3A_112 : vector<128x256xi1>, vector<128x256xf32>
    %select_n3A_137 = arith.select %lt3A_135, %select_n3A_112, %slice3A_132 : vector<128x256xi1>, vector<128x256xf32>
    %select_n3A_138 = arith.select %lt3A_135, %broadcast_in_dim3A_134, %select_n3A_114 : vector<128x256xi1>, vector<128x256xi32>
    %select_n3A_139 = arith.select %lt3A_135, %select_n3A_114, %broadcast_in_dim3A_134 : vector<128x256xi1>, vector<128x256xi32>
    %lt3A_140 = arith.cmpf olt, %select_n3A_137, %select_n3A_117 : vector<128x256xf32>
    %select_n3A_141 = arith.select %lt3A_140, %select_n3A_137, %select_n3A_117 : vector<128x256xi1>, vector<128x256xf32>
    %select_n3A_142 = arith.select %lt3A_140, %select_n3A_117, %select_n3A_137 : vector<128x256xi1>, vector<128x256xf32>
    %select_n3A_143 = arith.select %lt3A_140, %select_n3A_139, %select_n3A_119 : vector<128x256xi1>, vector<128x256xi32>
    %select_n3A_144 = arith.select %lt3A_140, %select_n3A_119, %select_n3A_139 : vector<128x256xi1>, vector<128x256xi32>
    %lt3A_145 = arith.cmpf olt, %select_n3A_142, %select_n3A_122 : vector<128x256xf32>
    %select_n3A_146 = arith.select %lt3A_145, %select_n3A_142, %select_n3A_122 : vector<128x256xi1>, vector<128x256xf32>
    %select_n3A_147 = arith.select %lt3A_145, %select_n3A_122, %select_n3A_142 : vector<128x256xi1>, vector<128x256xf32>
    %select_n3A_148 = arith.select %lt3A_145, %select_n3A_144, %select_n3A_124 : vector<128x256xi1>, vector<128x256xi32>
    %select_n3A_149 = arith.select %lt3A_145, %select_n3A_124, %select_n3A_144 : vector<128x256xi1>, vector<128x256xi32>
    %lt3A_150 = arith.cmpf olt, %select_n3A_147, %select_n3A_127 : vector<128x256xf32>
    %select_n3A_151 = arith.select %lt3A_150, %select_n3A_147, %select_n3A_127 : vector<128x256xi1>, vector<128x256xf32>
    %select_n3A_152 = arith.select %lt3A_150, %select_n3A_127, %select_n3A_147 : vector<128x256xi1>, vector<128x256xf32>
    %select_n3A_153 = arith.select %lt3A_150, %select_n3A_149, %select_n3A_129 : vector<128x256xi1>, vector<128x256xi32>
    %eq3A_154 = arith.cmpf oeq, %select_n3A_152, %select_n3A_151 : vector<128x256xf32>
    %or3A_155 = arith.ori %or3A_131, %eq3A_154 : vector<128x256xi1>
    %slice3A_156 = vector.extract_strided_slice %add3A_45 {offsets = [512, 0], sizes = [128, 256], strides = [1, 1]} : vector<4096x256xf32> to vector<128x256xf32>
    %broadcast_in_dim3A_157 = arith.constant 4 : i32
    %broadcast_in_dim3A_158 = vector.broadcast %broadcast_in_dim3A_157 : i32 to vector<128x256xi32>
    %lt3A_159 = arith.cmpf olt, %slice3A_156, %select_n3A_136 : vector<128x256xf32>
    %select_n3A_160 = arith.select %lt3A_159, %slice3A_156, %select_n3A_136 : vector<128x256xi1>, vector<128x256xf32>
    %select_n3A_161 = arith.select %lt3A_159, %select_n3A_136, %slice3A_156 : vector<128x256xi1>, vector<128x256xf32>
    %select_n3A_162 = arith.select %lt3A_159, %broadcast_in_dim3A_158, %select_n3A_138 : vector<128x256xi1>, vector<128x256xi32>
    %select_n3A_163 = arith.select %lt3A_159, %select_n3A_138, %broadcast_in_dim3A_158 : vector<128x256xi1>, vector<128x256xi32>
    %lt3A_164 = arith.cmpf olt, %select_n3A_161, %select_n3A_141 : vector<128x256xf32>
    %select_n3A_165 = arith.select %lt3A_164, %select_n3A_161, %select_n3A_141 : vector<128x256xi1>, vector<128x256xf32>
    %select_n3A_166 = arith.select %lt3A_164, %select_n3A_141, %select_n3A_161 : vector<128x256xi1>, vector<128x256xf32>
    %select_n3A_167 = arith.select %lt3A_164, %select_n3A_163, %select_n3A_143 : vector<128x256xi1>, vector<128x256xi32>
    %select_n3A_168 = arith.select %lt3A_164, %select_n3A_143, %select_n3A_163 : vector<128x256xi1>, vector<128x256xi32>
    %lt3A_169 = arith.cmpf olt, %select_n3A_166, %select_n3A_146 : vector<128x256xf32>
    %select_n3A_170 = arith.select %lt3A_169, %select_n3A_166, %select_n3A_146 : vector<128x256xi1>, vector<128x256xf32>
    %select_n3A_171 = arith.select %lt3A_169, %select_n3A_146, %select_n3A_166 : vector<128x256xi1>, vector<128x256xf32>
    %select_n3A_172 = arith.select %lt3A_169, %select_n3A_168, %select_n3A_148 : vector<128x256xi1>, vector<128x256xi32>
    %select_n3A_173 = arith.select %lt3A_169, %select_n3A_148, %select_n3A_168 : vector<128x256xi1>, vector<128x256xi32>
    %lt3A_174 = arith.cmpf olt, %select_n3A_171, %select_n3A_151 : vector<128x256xf32>
    %select_n3A_175 = arith.select %lt3A_174, %select_n3A_171, %select_n3A_151 : vector<128x256xi1>, vector<128x256xf32>
    %select_n3A_176 = arith.select %lt3A_174, %select_n3A_151, %select_n3A_171 : vector<128x256xi1>, vector<128x256xf32>
    %select_n3A_177 = arith.select %lt3A_174, %select_n3A_173, %select_n3A_153 : vector<128x256xi1>, vector<128x256xi32>
    %eq3A_178 = arith.cmpf oeq, %select_n3A_176, %select_n3A_175 : vector<128x256xf32>
    %or3A_179 = arith.ori %or3A_155, %eq3A_178 : vector<128x256xi1>
    %slice3A_180 = vector.extract_strided_slice %add3A_45 {offsets = [640, 0], sizes = [128, 256], strides = [1, 1]} : vector<4096x256xf32> to vector<128x256xf32>
    %broadcast_in_dim3A_181 = arith.constant 5 : i32
    %broadcast_in_dim3A_182 = vector.broadcast %broadcast_in_dim3A_181 : i32 to vector<128x256xi32>
    %lt3A_183 = arith.cmpf olt, %slice3A_180, %select_n3A_160 : vector<128x256xf32>
    %select_n3A_184 = arith.select %lt3A_183, %slice3A_180, %select_n3A_160 : vector<128x256xi1>, vector<128x256xf32>
    %select_n3A_185 = arith.select %lt3A_183, %select_n3A_160, %slice3A_180 : vector<128x256xi1>, vector<128x256xf32>
    %select_n3A_186 = arith.select %lt3A_183, %broadcast_in_dim3A_182, %select_n3A_162 : vector<128x256xi1>, vector<128x256xi32>
    %select_n3A_187 = arith.select %lt3A_183, %select_n3A_162, %broadcast_in_dim3A_182 : vector<128x256xi1>, vector<128x256xi32>
    %lt3A_188 = arith.cmpf olt, %select_n3A_185, %select_n3A_165 : vector<128x256xf32>
    %select_n3A_189 = arith.select %lt3A_188, %select_n3A_185, %select_n3A_165 : vector<128x256xi1>, vector<128x256xf32>
    %select_n3A_190 = arith.select %lt3A_188, %select_n3A_165, %select_n3A_185 : vector<128x256xi1>, vector<128x256xf32>
    %select_n3A_191 = arith.select %lt3A_188, %select_n3A_187, %select_n3A_167 : vector<128x256xi1>, vector<128x256xi32>
    %select_n3A_192 = arith.select %lt3A_188, %select_n3A_167, %select_n3A_187 : vector<128x256xi1>, vector<128x256xi32>
    %lt3A_193 = arith.cmpf olt, %select_n3A_190, %select_n3A_170 : vector<128x256xf32>
    %select_n3A_194 = arith.select %lt3A_193, %select_n3A_190, %select_n3A_170 : vector<128x256xi1>, vector<128x256xf32>
    %select_n3A_195 = arith.select %lt3A_193, %select_n3A_170, %select_n3A_190 : vector<128x256xi1>, vector<128x256xf32>
    %select_n3A_196 = arith.select %lt3A_193, %select_n3A_192, %select_n3A_172 : vector<128x256xi1>, vector<128x256xi32>
    %select_n3A_197 = arith.select %lt3A_193, %select_n3A_172, %select_n3A_192 : vector<128x256xi1>, vector<128x256xi32>
    %lt3A_198 = arith.cmpf olt, %select_n3A_195, %select_n3A_175 : vector<128x256xf32>
    %select_n3A_199 = arith.select %lt3A_198, %select_n3A_195, %select_n3A_175 : vector<128x256xi1>, vector<128x256xf32>
    %select_n3A_200 = arith.select %lt3A_198, %select_n3A_175, %select_n3A_195 : vector<128x256xi1>, vector<128x256xf32>
    %select_n3A_201 = arith.select %lt3A_198, %select_n3A_197, %select_n3A_177 : vector<128x256xi1>, vector<128x256xi32>
    %eq3A_202 = arith.cmpf oeq, %select_n3A_200, %select_n3A_199 : vector<128x256xf32>
    %or3A_203 = arith.ori %or3A_179, %eq3A_202 : vector<128x256xi1>
    %slice3A_204 = vector.extract_strided_slice %add3A_45 {offsets = [768, 0], sizes = [128, 256], strides = [1, 1]} : vector<4096x256xf32> to vector<128x256xf32>
    %broadcast_in_dim3A_205 = arith.constant 6 : i32
    %broadcast_in_dim3A_206 = vector.broadcast %broadcast_in_dim3A_205 : i32 to vector<128x256xi32>
    %lt3A_207 = arith.cmpf olt, %slice3A_204, %select_n3A_184 : vector<128x256xf32>
    %select_n3A_208 = arith.select %lt3A_207, %slice3A_204, %select_n3A_184 : vector<128x256xi1>, vector<128x256xf32>
    %select_n3A_209 = arith.select %lt3A_207, %select_n3A_184, %slice3A_204 : vector<128x256xi1>, vector<128x256xf32>
    %select_n3A_210 = arith.select %lt3A_207, %broadcast_in_dim3A_206, %select_n3A_186 : vector<128x256xi1>, vector<128x256xi32>
    %select_n3A_211 = arith.select %lt3A_207, %select_n3A_186, %broadcast_in_dim3A_206 : vector<128x256xi1>, vector<128x256xi32>
    %lt3A_212 = arith.cmpf olt, %select_n3A_209, %select_n3A_189 : vector<128x256xf32>
    %select_n3A_213 = arith.select %lt3A_212, %select_n3A_209, %select_n3A_189 : vector<128x256xi1>, vector<128x256xf32>
    %select_n3A_214 = arith.select %lt3A_212, %select_n3A_189, %select_n3A_209 : vector<128x256xi1>, vector<128x256xf32>
    %select_n3A_215 = arith.select %lt3A_212, %select_n3A_211, %select_n3A_191 : vector<128x256xi1>, vector<128x256xi32>
    %select_n3A_216 = arith.select %lt3A_212, %select_n3A_191, %select_n3A_211 : vector<128x256xi1>, vector<128x256xi32>
    %lt3A_217 = arith.cmpf olt, %select_n3A_214, %select_n3A_194 : vector<128x256xf32>
    %select_n3A_218 = arith.select %lt3A_217, %select_n3A_214, %select_n3A_194 : vector<128x256xi1>, vector<128x256xf32>
    %select_n3A_219 = arith.select %lt3A_217, %select_n3A_194, %select_n3A_214 : vector<128x256xi1>, vector<128x256xf32>
    %select_n3A_220 = arith.select %lt3A_217, %select_n3A_216, %select_n3A_196 : vector<128x256xi1>, vector<128x256xi32>
    %select_n3A_221 = arith.select %lt3A_217, %select_n3A_196, %select_n3A_216 : vector<128x256xi1>, vector<128x256xi32>
    %lt3A_222 = arith.cmpf olt, %select_n3A_219, %select_n3A_199 : vector<128x256xf32>
    %select_n3A_223 = arith.select %lt3A_222, %select_n3A_219, %select_n3A_199 : vector<128x256xi1>, vector<128x256xf32>
    %select_n3A_224 = arith.select %lt3A_222, %select_n3A_199, %select_n3A_219 : vector<128x256xi1>, vector<128x256xf32>
    %select_n3A_225 = arith.select %lt3A_222, %select_n3A_221, %select_n3A_201 : vector<128x256xi1>, vector<128x256xi32>
    %eq3A_226 = arith.cmpf oeq, %select_n3A_224, %select_n3A_223 : vector<128x256xf32>
    %or3A_227 = arith.ori %or3A_203, %eq3A_226 : vector<128x256xi1>
    %slice3A_228 = vector.extract_strided_slice %add3A_45 {offsets = [896, 0], sizes = [128, 256], strides = [1, 1]} : vector<4096x256xf32> to vector<128x256xf32>
    %broadcast_in_dim3A_229 = arith.constant 7 : i32
    %broadcast_in_dim3A_230 = vector.broadcast %broadcast_in_dim3A_229 : i32 to vector<128x256xi32>
    %lt3A_231 = arith.cmpf olt, %slice3A_228, %select_n3A_208 : vector<128x256xf32>
    %select_n3A_232 = arith.select %lt3A_231, %slice3A_228, %select_n3A_208 : vector<128x256xi1>, vector<128x256xf32>
    %select_n3A_233 = arith.select %lt3A_231, %select_n3A_208, %slice3A_228 : vector<128x256xi1>, vector<128x256xf32>
    %select_n3A_234 = arith.select %lt3A_231, %broadcast_in_dim3A_230, %select_n3A_210 : vector<128x256xi1>, vector<128x256xi32>
    %select_n3A_235 = arith.select %lt3A_231, %select_n3A_210, %broadcast_in_dim3A_230 : vector<128x256xi1>, vector<128x256xi32>
    %lt3A_236 = arith.cmpf olt, %select_n3A_233, %select_n3A_213 : vector<128x256xf32>
    %select_n3A_237 = arith.select %lt3A_236, %select_n3A_233, %select_n3A_213 : vector<128x256xi1>, vector<128x256xf32>
    %select_n3A_238 = arith.select %lt3A_236, %select_n3A_213, %select_n3A_233 : vector<128x256xi1>, vector<128x256xf32>
    %select_n3A_239 = arith.select %lt3A_236, %select_n3A_235, %select_n3A_215 : vector<128x256xi1>, vector<128x256xi32>
    %select_n3A_240 = arith.select %lt3A_236, %select_n3A_215, %select_n3A_235 : vector<128x256xi1>, vector<128x256xi32>
    %lt3A_241 = arith.cmpf olt, %select_n3A_238, %select_n3A_218 : vector<128x256xf32>
    %select_n3A_242 = arith.select %lt3A_241, %select_n3A_238, %select_n3A_218 : vector<128x256xi1>, vector<128x256xf32>
    %select_n3A_243 = arith.select %lt3A_241, %select_n3A_218, %select_n3A_238 : vector<128x256xi1>, vector<128x256xf32>
    %select_n3A_244 = arith.select %lt3A_241, %select_n3A_240, %select_n3A_220 : vector<128x256xi1>, vector<128x256xi32>
    %select_n3A_245 = arith.select %lt3A_241, %select_n3A_220, %select_n3A_240 : vector<128x256xi1>, vector<128x256xi32>
    %lt3A_246 = arith.cmpf olt, %select_n3A_243, %select_n3A_223 : vector<128x256xf32>
    %select_n3A_247 = arith.select %lt3A_246, %select_n3A_243, %select_n3A_223 : vector<128x256xi1>, vector<128x256xf32>
    %select_n3A_248 = arith.select %lt3A_246, %select_n3A_223, %select_n3A_243 : vector<128x256xi1>, vector<128x256xf32>
    %select_n3A_249 = arith.select %lt3A_246, %select_n3A_245, %select_n3A_225 : vector<128x256xi1>, vector<128x256xi32>
    %eq3A_250 = arith.cmpf oeq, %select_n3A_248, %select_n3A_247 : vector<128x256xf32>
    %or3A_251 = arith.ori %or3A_227, %eq3A_250 : vector<128x256xi1>
    %slice3A_252 = vector.extract_strided_slice %add3A_45 {offsets = [1024, 0], sizes = [128, 256], strides = [1, 1]} : vector<4096x256xf32> to vector<128x256xf32>
    %broadcast_in_dim3A_253 = arith.constant 8 : i32
    %broadcast_in_dim3A_254 = vector.broadcast %broadcast_in_dim3A_253 : i32 to vector<128x256xi32>
    %lt3A_255 = arith.cmpf olt, %slice3A_252, %select_n3A_232 : vector<128x256xf32>
    %select_n3A_256 = arith.select %lt3A_255, %slice3A_252, %select_n3A_232 : vector<128x256xi1>, vector<128x256xf32>
    %select_n3A_257 = arith.select %lt3A_255, %select_n3A_232, %slice3A_252 : vector<128x256xi1>, vector<128x256xf32>
    %select_n3A_258 = arith.select %lt3A_255, %broadcast_in_dim3A_254, %select_n3A_234 : vector<128x256xi1>, vector<128x256xi32>
    %select_n3A_259 = arith.select %lt3A_255, %select_n3A_234, %broadcast_in_dim3A_254 : vector<128x256xi1>, vector<128x256xi32>
    %lt3A_260 = arith.cmpf olt, %select_n3A_257, %select_n3A_237 : vector<128x256xf32>
    %select_n3A_261 = arith.select %lt3A_260, %select_n3A_257, %select_n3A_237 : vector<128x256xi1>, vector<128x256xf32>
    %select_n3A_262 = arith.select %lt3A_260, %select_n3A_237, %select_n3A_257 : vector<128x256xi1>, vector<128x256xf32>
    %select_n3A_263 = arith.select %lt3A_260, %select_n3A_259, %select_n3A_239 : vector<128x256xi1>, vector<128x256xi32>
    %select_n3A_264 = arith.select %lt3A_260, %select_n3A_239, %select_n3A_259 : vector<128x256xi1>, vector<128x256xi32>
    %lt3A_265 = arith.cmpf olt, %select_n3A_262, %select_n3A_242 : vector<128x256xf32>
    %select_n3A_266 = arith.select %lt3A_265, %select_n3A_262, %select_n3A_242 : vector<128x256xi1>, vector<128x256xf32>
    %select_n3A_267 = arith.select %lt3A_265, %select_n3A_242, %select_n3A_262 : vector<128x256xi1>, vector<128x256xf32>
    %select_n3A_268 = arith.select %lt3A_265, %select_n3A_264, %select_n3A_244 : vector<128x256xi1>, vector<128x256xi32>
    %select_n3A_269 = arith.select %lt3A_265, %select_n3A_244, %select_n3A_264 : vector<128x256xi1>, vector<128x256xi32>
    %lt3A_270 = arith.cmpf olt, %select_n3A_267, %select_n3A_247 : vector<128x256xf32>
    %select_n3A_271 = arith.select %lt3A_270, %select_n3A_267, %select_n3A_247 : vector<128x256xi1>, vector<128x256xf32>
    %select_n3A_272 = arith.select %lt3A_270, %select_n3A_247, %select_n3A_267 : vector<128x256xi1>, vector<128x256xf32>
    %select_n3A_273 = arith.select %lt3A_270, %select_n3A_269, %select_n3A_249 : vector<128x256xi1>, vector<128x256xi32>
    %eq3A_274 = arith.cmpf oeq, %select_n3A_272, %select_n3A_271 : vector<128x256xf32>
    %or3A_275 = arith.ori %or3A_251, %eq3A_274 : vector<128x256xi1>
    %slice3A_276 = vector.extract_strided_slice %add3A_45 {offsets = [1152, 0], sizes = [128, 256], strides = [1, 1]} : vector<4096x256xf32> to vector<128x256xf32>
    %broadcast_in_dim3A_277 = arith.constant 9 : i32
    %broadcast_in_dim3A_278 = vector.broadcast %broadcast_in_dim3A_277 : i32 to vector<128x256xi32>
    %lt3A_279 = arith.cmpf olt, %slice3A_276, %select_n3A_256 : vector<128x256xf32>
    %select_n3A_280 = arith.select %lt3A_279, %slice3A_276, %select_n3A_256 : vector<128x256xi1>, vector<128x256xf32>
    %select_n3A_281 = arith.select %lt3A_279, %select_n3A_256, %slice3A_276 : vector<128x256xi1>, vector<128x256xf32>
    %select_n3A_282 = arith.select %lt3A_279, %broadcast_in_dim3A_278, %select_n3A_258 : vector<128x256xi1>, vector<128x256xi32>
    %select_n3A_283 = arith.select %lt3A_279, %select_n3A_258, %broadcast_in_dim3A_278 : vector<128x256xi1>, vector<128x256xi32>
    %lt3A_284 = arith.cmpf olt, %select_n3A_281, %select_n3A_261 : vector<128x256xf32>
    %select_n3A_285 = arith.select %lt3A_284, %select_n3A_281, %select_n3A_261 : vector<128x256xi1>, vector<128x256xf32>
    %select_n3A_286 = arith.select %lt3A_284, %select_n3A_261, %select_n3A_281 : vector<128x256xi1>, vector<128x256xf32>
    %select_n3A_287 = arith.select %lt3A_284, %select_n3A_283, %select_n3A_263 : vector<128x256xi1>, vector<128x256xi32>
    %select_n3A_288 = arith.select %lt3A_284, %select_n3A_263, %select_n3A_283 : vector<128x256xi1>, vector<128x256xi32>
    %lt3A_289 = arith.cmpf olt, %select_n3A_286, %select_n3A_266 : vector<128x256xf32>
    %select_n3A_290 = arith.select %lt3A_289, %select_n3A_286, %select_n3A_266 : vector<128x256xi1>, vector<128x256xf32>
    %select_n3A_291 = arith.select %lt3A_289, %select_n3A_266, %select_n3A_286 : vector<128x256xi1>, vector<128x256xf32>
    %select_n3A_292 = arith.select %lt3A_289, %select_n3A_288, %select_n3A_268 : vector<128x256xi1>, vector<128x256xi32>
    %select_n3A_293 = arith.select %lt3A_289, %select_n3A_268, %select_n3A_288 : vector<128x256xi1>, vector<128x256xi32>
    %lt3A_294 = arith.cmpf olt, %select_n3A_291, %select_n3A_271 : vector<128x256xf32>
    %select_n3A_295 = arith.select %lt3A_294, %select_n3A_291, %select_n3A_271 : vector<128x256xi1>, vector<128x256xf32>
    %select_n3A_296 = arith.select %lt3A_294, %select_n3A_271, %select_n3A_291 : vector<128x256xi1>, vector<128x256xf32>
    %select_n3A_297 = arith.select %lt3A_294, %select_n3A_293, %select_n3A_273 : vector<128x256xi1>, vector<128x256xi32>
    %eq3A_298 = arith.cmpf oeq, %select_n3A_296, %select_n3A_295 : vector<128x256xf32>
    %or3A_299 = arith.ori %or3A_275, %eq3A_298 : vector<128x256xi1>
    %slice3A_300 = vector.extract_strided_slice %add3A_45 {offsets = [1280, 0], sizes = [128, 256], strides = [1, 1]} : vector<4096x256xf32> to vector<128x256xf32>
    %broadcast_in_dim3A_301 = arith.constant 10 : i32
    %broadcast_in_dim3A_302 = vector.broadcast %broadcast_in_dim3A_301 : i32 to vector<128x256xi32>
    %lt3A_303 = arith.cmpf olt, %slice3A_300, %select_n3A_280 : vector<128x256xf32>
    %select_n3A_304 = arith.select %lt3A_303, %slice3A_300, %select_n3A_280 : vector<128x256xi1>, vector<128x256xf32>
    %select_n3A_305 = arith.select %lt3A_303, %select_n3A_280, %slice3A_300 : vector<128x256xi1>, vector<128x256xf32>
    %select_n3A_306 = arith.select %lt3A_303, %broadcast_in_dim3A_302, %select_n3A_282 : vector<128x256xi1>, vector<128x256xi32>
    %select_n3A_307 = arith.select %lt3A_303, %select_n3A_282, %broadcast_in_dim3A_302 : vector<128x256xi1>, vector<128x256xi32>
    %lt3A_308 = arith.cmpf olt, %select_n3A_305, %select_n3A_285 : vector<128x256xf32>
    %select_n3A_309 = arith.select %lt3A_308, %select_n3A_305, %select_n3A_285 : vector<128x256xi1>, vector<128x256xf32>
    %select_n3A_310 = arith.select %lt3A_308, %select_n3A_285, %select_n3A_305 : vector<128x256xi1>, vector<128x256xf32>
    %select_n3A_311 = arith.select %lt3A_308, %select_n3A_307, %select_n3A_287 : vector<128x256xi1>, vector<128x256xi32>
    %select_n3A_312 = arith.select %lt3A_308, %select_n3A_287, %select_n3A_307 : vector<128x256xi1>, vector<128x256xi32>
    %lt3A_313 = arith.cmpf olt, %select_n3A_310, %select_n3A_290 : vector<128x256xf32>
    %select_n3A_314 = arith.select %lt3A_313, %select_n3A_310, %select_n3A_290 : vector<128x256xi1>, vector<128x256xf32>
    %select_n3A_315 = arith.select %lt3A_313, %select_n3A_290, %select_n3A_310 : vector<128x256xi1>, vector<128x256xf32>
    %select_n3A_316 = arith.select %lt3A_313, %select_n3A_312, %select_n3A_292 : vector<128x256xi1>, vector<128x256xi32>
    %select_n3A_317 = arith.select %lt3A_313, %select_n3A_292, %select_n3A_312 : vector<128x256xi1>, vector<128x256xi32>
    %lt3A_318 = arith.cmpf olt, %select_n3A_315, %select_n3A_295 : vector<128x256xf32>
    %select_n3A_319 = arith.select %lt3A_318, %select_n3A_315, %select_n3A_295 : vector<128x256xi1>, vector<128x256xf32>
    %select_n3A_320 = arith.select %lt3A_318, %select_n3A_295, %select_n3A_315 : vector<128x256xi1>, vector<128x256xf32>
    %select_n3A_321 = arith.select %lt3A_318, %select_n3A_317, %select_n3A_297 : vector<128x256xi1>, vector<128x256xi32>
    %eq3A_322 = arith.cmpf oeq, %select_n3A_320, %select_n3A_319 : vector<128x256xf32>
    %or3A_323 = arith.ori %or3A_299, %eq3A_322 : vector<128x256xi1>
    %slice3A_324 = vector.extract_strided_slice %add3A_45 {offsets = [1408, 0], sizes = [128, 256], strides = [1, 1]} : vector<4096x256xf32> to vector<128x256xf32>
    %broadcast_in_dim3A_325 = arith.constant 11 : i32
    %broadcast_in_dim3A_326 = vector.broadcast %broadcast_in_dim3A_325 : i32 to vector<128x256xi32>
    %lt3A_327 = arith.cmpf olt, %slice3A_324, %select_n3A_304 : vector<128x256xf32>
    %select_n3A_328 = arith.select %lt3A_327, %slice3A_324, %select_n3A_304 : vector<128x256xi1>, vector<128x256xf32>
    %select_n3A_329 = arith.select %lt3A_327, %select_n3A_304, %slice3A_324 : vector<128x256xi1>, vector<128x256xf32>
    %select_n3A_330 = arith.select %lt3A_327, %broadcast_in_dim3A_326, %select_n3A_306 : vector<128x256xi1>, vector<128x256xi32>
    %select_n3A_331 = arith.select %lt3A_327, %select_n3A_306, %broadcast_in_dim3A_326 : vector<128x256xi1>, vector<128x256xi32>
    %lt3A_332 = arith.cmpf olt, %select_n3A_329, %select_n3A_309 : vector<128x256xf32>
    %select_n3A_333 = arith.select %lt3A_332, %select_n3A_329, %select_n3A_309 : vector<128x256xi1>, vector<128x256xf32>
    %select_n3A_334 = arith.select %lt3A_332, %select_n3A_309, %select_n3A_329 : vector<128x256xi1>, vector<128x256xf32>
    %select_n3A_335 = arith.select %lt3A_332, %select_n3A_331, %select_n3A_311 : vector<128x256xi1>, vector<128x256xi32>
    %select_n3A_336 = arith.select %lt3A_332, %select_n3A_311, %select_n3A_331 : vector<128x256xi1>, vector<128x256xi32>
    %lt3A_337 = arith.cmpf olt, %select_n3A_334, %select_n3A_314 : vector<128x256xf32>
    %select_n3A_338 = arith.select %lt3A_337, %select_n3A_334, %select_n3A_314 : vector<128x256xi1>, vector<128x256xf32>
    %select_n3A_339 = arith.select %lt3A_337, %select_n3A_314, %select_n3A_334 : vector<128x256xi1>, vector<128x256xf32>
    %select_n3A_340 = arith.select %lt3A_337, %select_n3A_336, %select_n3A_316 : vector<128x256xi1>, vector<128x256xi32>
    %select_n3A_341 = arith.select %lt3A_337, %select_n3A_316, %select_n3A_336 : vector<128x256xi1>, vector<128x256xi32>
    %lt3A_342 = arith.cmpf olt, %select_n3A_339, %select_n3A_319 : vector<128x256xf32>
    %select_n3A_343 = arith.select %lt3A_342, %select_n3A_339, %select_n3A_319 : vector<128x256xi1>, vector<128x256xf32>
    %select_n3A_344 = arith.select %lt3A_342, %select_n3A_319, %select_n3A_339 : vector<128x256xi1>, vector<128x256xf32>
    %select_n3A_345 = arith.select %lt3A_342, %select_n3A_341, %select_n3A_321 : vector<128x256xi1>, vector<128x256xi32>
    %eq3A_346 = arith.cmpf oeq, %select_n3A_344, %select_n3A_343 : vector<128x256xf32>
    %or3A_347 = arith.ori %or3A_323, %eq3A_346 : vector<128x256xi1>
    %slice3A_348 = vector.extract_strided_slice %add3A_45 {offsets = [1536, 0], sizes = [128, 256], strides = [1, 1]} : vector<4096x256xf32> to vector<128x256xf32>
    %broadcast_in_dim3A_349 = arith.constant 12 : i32
    %broadcast_in_dim3A_350 = vector.broadcast %broadcast_in_dim3A_349 : i32 to vector<128x256xi32>
    %lt3A_351 = arith.cmpf olt, %slice3A_348, %select_n3A_328 : vector<128x256xf32>
    %select_n3A_352 = arith.select %lt3A_351, %slice3A_348, %select_n3A_328 : vector<128x256xi1>, vector<128x256xf32>
    %select_n3A_353 = arith.select %lt3A_351, %select_n3A_328, %slice3A_348 : vector<128x256xi1>, vector<128x256xf32>
    %select_n3A_354 = arith.select %lt3A_351, %broadcast_in_dim3A_350, %select_n3A_330 : vector<128x256xi1>, vector<128x256xi32>
    %select_n3A_355 = arith.select %lt3A_351, %select_n3A_330, %broadcast_in_dim3A_350 : vector<128x256xi1>, vector<128x256xi32>
    %lt3A_356 = arith.cmpf olt, %select_n3A_353, %select_n3A_333 : vector<128x256xf32>
    %select_n3A_357 = arith.select %lt3A_356, %select_n3A_353, %select_n3A_333 : vector<128x256xi1>, vector<128x256xf32>
    %select_n3A_358 = arith.select %lt3A_356, %select_n3A_333, %select_n3A_353 : vector<128x256xi1>, vector<128x256xf32>
    %select_n3A_359 = arith.select %lt3A_356, %select_n3A_355, %select_n3A_335 : vector<128x256xi1>, vector<128x256xi32>
    %select_n3A_360 = arith.select %lt3A_356, %select_n3A_335, %select_n3A_355 : vector<128x256xi1>, vector<128x256xi32>
    %lt3A_361 = arith.cmpf olt, %select_n3A_358, %select_n3A_338 : vector<128x256xf32>
    %select_n3A_362 = arith.select %lt3A_361, %select_n3A_358, %select_n3A_338 : vector<128x256xi1>, vector<128x256xf32>
    %select_n3A_363 = arith.select %lt3A_361, %select_n3A_338, %select_n3A_358 : vector<128x256xi1>, vector<128x256xf32>
    %select_n3A_364 = arith.select %lt3A_361, %select_n3A_360, %select_n3A_340 : vector<128x256xi1>, vector<128x256xi32>
    %select_n3A_365 = arith.select %lt3A_361, %select_n3A_340, %select_n3A_360 : vector<128x256xi1>, vector<128x256xi32>
    %lt3A_366 = arith.cmpf olt, %select_n3A_363, %select_n3A_343 : vector<128x256xf32>
    %select_n3A_367 = arith.select %lt3A_366, %select_n3A_363, %select_n3A_343 : vector<128x256xi1>, vector<128x256xf32>
    %select_n3A_368 = arith.select %lt3A_366, %select_n3A_343, %select_n3A_363 : vector<128x256xi1>, vector<128x256xf32>
    %select_n3A_369 = arith.select %lt3A_366, %select_n3A_365, %select_n3A_345 : vector<128x256xi1>, vector<128x256xi32>
    %eq3A_370 = arith.cmpf oeq, %select_n3A_368, %select_n3A_367 : vector<128x256xf32>
    %or3A_371 = arith.ori %or3A_347, %eq3A_370 : vector<128x256xi1>
    %slice3A_372 = vector.extract_strided_slice %add3A_45 {offsets = [1664, 0], sizes = [128, 256], strides = [1, 1]} : vector<4096x256xf32> to vector<128x256xf32>
    %broadcast_in_dim3A_373 = arith.constant 13 : i32
    %broadcast_in_dim3A_374 = vector.broadcast %broadcast_in_dim3A_373 : i32 to vector<128x256xi32>
    %lt3A_375 = arith.cmpf olt, %slice3A_372, %select_n3A_352 : vector<128x256xf32>
    %select_n3A_376 = arith.select %lt3A_375, %slice3A_372, %select_n3A_352 : vector<128x256xi1>, vector<128x256xf32>
    %select_n3A_377 = arith.select %lt3A_375, %select_n3A_352, %slice3A_372 : vector<128x256xi1>, vector<128x256xf32>
    %select_n3A_378 = arith.select %lt3A_375, %broadcast_in_dim3A_374, %select_n3A_354 : vector<128x256xi1>, vector<128x256xi32>
    %select_n3A_379 = arith.select %lt3A_375, %select_n3A_354, %broadcast_in_dim3A_374 : vector<128x256xi1>, vector<128x256xi32>
    %lt3A_380 = arith.cmpf olt, %select_n3A_377, %select_n3A_357 : vector<128x256xf32>
    %select_n3A_381 = arith.select %lt3A_380, %select_n3A_377, %select_n3A_357 : vector<128x256xi1>, vector<128x256xf32>
    %select_n3A_382 = arith.select %lt3A_380, %select_n3A_357, %select_n3A_377 : vector<128x256xi1>, vector<128x256xf32>
    %select_n3A_383 = arith.select %lt3A_380, %select_n3A_379, %select_n3A_359 : vector<128x256xi1>, vector<128x256xi32>
    %select_n3A_384 = arith.select %lt3A_380, %select_n3A_359, %select_n3A_379 : vector<128x256xi1>, vector<128x256xi32>
    %lt3A_385 = arith.cmpf olt, %select_n3A_382, %select_n3A_362 : vector<128x256xf32>
    %select_n3A_386 = arith.select %lt3A_385, %select_n3A_382, %select_n3A_362 : vector<128x256xi1>, vector<128x256xf32>
    %select_n3A_387 = arith.select %lt3A_385, %select_n3A_362, %select_n3A_382 : vector<128x256xi1>, vector<128x256xf32>
    %select_n3A_388 = arith.select %lt3A_385, %select_n3A_384, %select_n3A_364 : vector<128x256xi1>, vector<128x256xi32>
    %select_n3A_389 = arith.select %lt3A_385, %select_n3A_364, %select_n3A_384 : vector<128x256xi1>, vector<128x256xi32>
    %lt3A_390 = arith.cmpf olt, %select_n3A_387, %select_n3A_367 : vector<128x256xf32>
    %select_n3A_391 = arith.select %lt3A_390, %select_n3A_387, %select_n3A_367 : vector<128x256xi1>, vector<128x256xf32>
    %select_n3A_392 = arith.select %lt3A_390, %select_n3A_367, %select_n3A_387 : vector<128x256xi1>, vector<128x256xf32>
    %select_n3A_393 = arith.select %lt3A_390, %select_n3A_389, %select_n3A_369 : vector<128x256xi1>, vector<128x256xi32>
    %eq3A_394 = arith.cmpf oeq, %select_n3A_392, %select_n3A_391 : vector<128x256xf32>
    %or3A_395 = arith.ori %or3A_371, %eq3A_394 : vector<128x256xi1>
    %slice3A_396 = vector.extract_strided_slice %add3A_45 {offsets = [1792, 0], sizes = [128, 256], strides = [1, 1]} : vector<4096x256xf32> to vector<128x256xf32>
    %broadcast_in_dim3A_397 = arith.constant 14 : i32
    %broadcast_in_dim3A_398 = vector.broadcast %broadcast_in_dim3A_397 : i32 to vector<128x256xi32>
    %lt3A_399 = arith.cmpf olt, %slice3A_396, %select_n3A_376 : vector<128x256xf32>
    %select_n3A_400 = arith.select %lt3A_399, %slice3A_396, %select_n3A_376 : vector<128x256xi1>, vector<128x256xf32>
    %select_n3A_401 = arith.select %lt3A_399, %select_n3A_376, %slice3A_396 : vector<128x256xi1>, vector<128x256xf32>
    %select_n3A_402 = arith.select %lt3A_399, %broadcast_in_dim3A_398, %select_n3A_378 : vector<128x256xi1>, vector<128x256xi32>
    %select_n3A_403 = arith.select %lt3A_399, %select_n3A_378, %broadcast_in_dim3A_398 : vector<128x256xi1>, vector<128x256xi32>
    %lt3A_404 = arith.cmpf olt, %select_n3A_401, %select_n3A_381 : vector<128x256xf32>
    %select_n3A_405 = arith.select %lt3A_404, %select_n3A_401, %select_n3A_381 : vector<128x256xi1>, vector<128x256xf32>
    %select_n3A_406 = arith.select %lt3A_404, %select_n3A_381, %select_n3A_401 : vector<128x256xi1>, vector<128x256xf32>
    %select_n3A_407 = arith.select %lt3A_404, %select_n3A_403, %select_n3A_383 : vector<128x256xi1>, vector<128x256xi32>
    %select_n3A_408 = arith.select %lt3A_404, %select_n3A_383, %select_n3A_403 : vector<128x256xi1>, vector<128x256xi32>
    %lt3A_409 = arith.cmpf olt, %select_n3A_406, %select_n3A_386 : vector<128x256xf32>
    %select_n3A_410 = arith.select %lt3A_409, %select_n3A_406, %select_n3A_386 : vector<128x256xi1>, vector<128x256xf32>
    %select_n3A_411 = arith.select %lt3A_409, %select_n3A_386, %select_n3A_406 : vector<128x256xi1>, vector<128x256xf32>
    %select_n3A_412 = arith.select %lt3A_409, %select_n3A_408, %select_n3A_388 : vector<128x256xi1>, vector<128x256xi32>
    %select_n3A_413 = arith.select %lt3A_409, %select_n3A_388, %select_n3A_408 : vector<128x256xi1>, vector<128x256xi32>
    %lt3A_414 = arith.cmpf olt, %select_n3A_411, %select_n3A_391 : vector<128x256xf32>
    %select_n3A_415 = arith.select %lt3A_414, %select_n3A_411, %select_n3A_391 : vector<128x256xi1>, vector<128x256xf32>
    %select_n3A_416 = arith.select %lt3A_414, %select_n3A_391, %select_n3A_411 : vector<128x256xi1>, vector<128x256xf32>
    %select_n3A_417 = arith.select %lt3A_414, %select_n3A_413, %select_n3A_393 : vector<128x256xi1>, vector<128x256xi32>
    %eq3A_418 = arith.cmpf oeq, %select_n3A_416, %select_n3A_415 : vector<128x256xf32>
    %or3A_419 = arith.ori %or3A_395, %eq3A_418 : vector<128x256xi1>
    %slice3A_420 = vector.extract_strided_slice %add3A_45 {offsets = [1920, 0], sizes = [128, 256], strides = [1, 1]} : vector<4096x256xf32> to vector<128x256xf32>
    %broadcast_in_dim3A_421 = arith.constant 15 : i32
    %broadcast_in_dim3A_422 = vector.broadcast %broadcast_in_dim3A_421 : i32 to vector<128x256xi32>
    %lt3A_423 = arith.cmpf olt, %slice3A_420, %select_n3A_400 : vector<128x256xf32>
    %select_n3A_424 = arith.select %lt3A_423, %slice3A_420, %select_n3A_400 : vector<128x256xi1>, vector<128x256xf32>
    %select_n3A_425 = arith.select %lt3A_423, %select_n3A_400, %slice3A_420 : vector<128x256xi1>, vector<128x256xf32>
    %select_n3A_426 = arith.select %lt3A_423, %broadcast_in_dim3A_422, %select_n3A_402 : vector<128x256xi1>, vector<128x256xi32>
    %select_n3A_427 = arith.select %lt3A_423, %select_n3A_402, %broadcast_in_dim3A_422 : vector<128x256xi1>, vector<128x256xi32>
    %lt3A_428 = arith.cmpf olt, %select_n3A_425, %select_n3A_405 : vector<128x256xf32>
    %select_n3A_429 = arith.select %lt3A_428, %select_n3A_425, %select_n3A_405 : vector<128x256xi1>, vector<128x256xf32>
    %select_n3A_430 = arith.select %lt3A_428, %select_n3A_405, %select_n3A_425 : vector<128x256xi1>, vector<128x256xf32>
    %select_n3A_431 = arith.select %lt3A_428, %select_n3A_427, %select_n3A_407 : vector<128x256xi1>, vector<128x256xi32>
    %select_n3A_432 = arith.select %lt3A_428, %select_n3A_407, %select_n3A_427 : vector<128x256xi1>, vector<128x256xi32>
    %lt3A_433 = arith.cmpf olt, %select_n3A_430, %select_n3A_410 : vector<128x256xf32>
    %select_n3A_434 = arith.select %lt3A_433, %select_n3A_430, %select_n3A_410 : vector<128x256xi1>, vector<128x256xf32>
    %select_n3A_435 = arith.select %lt3A_433, %select_n3A_410, %select_n3A_430 : vector<128x256xi1>, vector<128x256xf32>
    %select_n3A_436 = arith.select %lt3A_433, %select_n3A_432, %select_n3A_412 : vector<128x256xi1>, vector<128x256xi32>
    %select_n3A_437 = arith.select %lt3A_433, %select_n3A_412, %select_n3A_432 : vector<128x256xi1>, vector<128x256xi32>
    %lt3A_438 = arith.cmpf olt, %select_n3A_435, %select_n3A_415 : vector<128x256xf32>
    %select_n3A_439 = arith.select %lt3A_438, %select_n3A_435, %select_n3A_415 : vector<128x256xi1>, vector<128x256xf32>
    %select_n3A_440 = arith.select %lt3A_438, %select_n3A_415, %select_n3A_435 : vector<128x256xi1>, vector<128x256xf32>
    %select_n3A_441 = arith.select %lt3A_438, %select_n3A_437, %select_n3A_417 : vector<128x256xi1>, vector<128x256xi32>
    %eq3A_442 = arith.cmpf oeq, %select_n3A_440, %select_n3A_439 : vector<128x256xf32>
    %or3A_443 = arith.ori %or3A_419, %eq3A_442 : vector<128x256xi1>
    %slice3A_444 = vector.extract_strided_slice %add3A_45 {offsets = [2048, 0], sizes = [128, 256], strides = [1, 1]} : vector<4096x256xf32> to vector<128x256xf32>
    %broadcast_in_dim3A_445 = arith.constant 16 : i32
    %broadcast_in_dim3A_446 = vector.broadcast %broadcast_in_dim3A_445 : i32 to vector<128x256xi32>
    %lt3A_447 = arith.cmpf olt, %slice3A_444, %select_n3A_424 : vector<128x256xf32>
    %select_n3A_448 = arith.select %lt3A_447, %slice3A_444, %select_n3A_424 : vector<128x256xi1>, vector<128x256xf32>
    %select_n3A_449 = arith.select %lt3A_447, %select_n3A_424, %slice3A_444 : vector<128x256xi1>, vector<128x256xf32>
    %select_n3A_450 = arith.select %lt3A_447, %broadcast_in_dim3A_446, %select_n3A_426 : vector<128x256xi1>, vector<128x256xi32>
    %select_n3A_451 = arith.select %lt3A_447, %select_n3A_426, %broadcast_in_dim3A_446 : vector<128x256xi1>, vector<128x256xi32>
    %lt3A_452 = arith.cmpf olt, %select_n3A_449, %select_n3A_429 : vector<128x256xf32>
    %select_n3A_453 = arith.select %lt3A_452, %select_n3A_449, %select_n3A_429 : vector<128x256xi1>, vector<128x256xf32>
    %select_n3A_454 = arith.select %lt3A_452, %select_n3A_429, %select_n3A_449 : vector<128x256xi1>, vector<128x256xf32>
    %select_n3A_455 = arith.select %lt3A_452, %select_n3A_451, %select_n3A_431 : vector<128x256xi1>, vector<128x256xi32>
    %select_n3A_456 = arith.select %lt3A_452, %select_n3A_431, %select_n3A_451 : vector<128x256xi1>, vector<128x256xi32>
    %lt3A_457 = arith.cmpf olt, %select_n3A_454, %select_n3A_434 : vector<128x256xf32>
    %select_n3A_458 = arith.select %lt3A_457, %select_n3A_454, %select_n3A_434 : vector<128x256xi1>, vector<128x256xf32>
    %select_n3A_459 = arith.select %lt3A_457, %select_n3A_434, %select_n3A_454 : vector<128x256xi1>, vector<128x256xf32>
    %select_n3A_460 = arith.select %lt3A_457, %select_n3A_456, %select_n3A_436 : vector<128x256xi1>, vector<128x256xi32>
    %select_n3A_461 = arith.select %lt3A_457, %select_n3A_436, %select_n3A_456 : vector<128x256xi1>, vector<128x256xi32>
    %lt3A_462 = arith.cmpf olt, %select_n3A_459, %select_n3A_439 : vector<128x256xf32>
    %select_n3A_463 = arith.select %lt3A_462, %select_n3A_459, %select_n3A_439 : vector<128x256xi1>, vector<128x256xf32>
    %select_n3A_464 = arith.select %lt3A_462, %select_n3A_439, %select_n3A_459 : vector<128x256xi1>, vector<128x256xf32>
    %select_n3A_465 = arith.select %lt3A_462, %select_n3A_461, %select_n3A_441 : vector<128x256xi1>, vector<128x256xi32>
    %eq3A_466 = arith.cmpf oeq, %select_n3A_464, %select_n3A_463 : vector<128x256xf32>
    %or3A_467 = arith.ori %or3A_443, %eq3A_466 : vector<128x256xi1>
    %slice3A_468 = vector.extract_strided_slice %add3A_45 {offsets = [2176, 0], sizes = [128, 256], strides = [1, 1]} : vector<4096x256xf32> to vector<128x256xf32>
    %broadcast_in_dim3A_469 = arith.constant 17 : i32
    %broadcast_in_dim3A_470 = vector.broadcast %broadcast_in_dim3A_469 : i32 to vector<128x256xi32>
    %lt3A_471 = arith.cmpf olt, %slice3A_468, %select_n3A_448 : vector<128x256xf32>
    %select_n3A_472 = arith.select %lt3A_471, %slice3A_468, %select_n3A_448 : vector<128x256xi1>, vector<128x256xf32>
    %select_n3A_473 = arith.select %lt3A_471, %select_n3A_448, %slice3A_468 : vector<128x256xi1>, vector<128x256xf32>
    %select_n3A_474 = arith.select %lt3A_471, %broadcast_in_dim3A_470, %select_n3A_450 : vector<128x256xi1>, vector<128x256xi32>
    %select_n3A_475 = arith.select %lt3A_471, %select_n3A_450, %broadcast_in_dim3A_470 : vector<128x256xi1>, vector<128x256xi32>
    %lt3A_476 = arith.cmpf olt, %select_n3A_473, %select_n3A_453 : vector<128x256xf32>
    %select_n3A_477 = arith.select %lt3A_476, %select_n3A_473, %select_n3A_453 : vector<128x256xi1>, vector<128x256xf32>
    %select_n3A_478 = arith.select %lt3A_476, %select_n3A_453, %select_n3A_473 : vector<128x256xi1>, vector<128x256xf32>
    %select_n3A_479 = arith.select %lt3A_476, %select_n3A_475, %select_n3A_455 : vector<128x256xi1>, vector<128x256xi32>
    %select_n3A_480 = arith.select %lt3A_476, %select_n3A_455, %select_n3A_475 : vector<128x256xi1>, vector<128x256xi32>
    %lt3A_481 = arith.cmpf olt, %select_n3A_478, %select_n3A_458 : vector<128x256xf32>
    %select_n3A_482 = arith.select %lt3A_481, %select_n3A_478, %select_n3A_458 : vector<128x256xi1>, vector<128x256xf32>
    %select_n3A_483 = arith.select %lt3A_481, %select_n3A_458, %select_n3A_478 : vector<128x256xi1>, vector<128x256xf32>
    %select_n3A_484 = arith.select %lt3A_481, %select_n3A_480, %select_n3A_460 : vector<128x256xi1>, vector<128x256xi32>
    %select_n3A_485 = arith.select %lt3A_481, %select_n3A_460, %select_n3A_480 : vector<128x256xi1>, vector<128x256xi32>
    %lt3A_486 = arith.cmpf olt, %select_n3A_483, %select_n3A_463 : vector<128x256xf32>
    %select_n3A_487 = arith.select %lt3A_486, %select_n3A_483, %select_n3A_463 : vector<128x256xi1>, vector<128x256xf32>
    %select_n3A_488 = arith.select %lt3A_486, %select_n3A_463, %select_n3A_483 : vector<128x256xi1>, vector<128x256xf32>
    %select_n3A_489 = arith.select %lt3A_486, %select_n3A_485, %select_n3A_465 : vector<128x256xi1>, vector<128x256xi32>
    %eq3A_490 = arith.cmpf oeq, %select_n3A_488, %select_n3A_487 : vector<128x256xf32>
    %or3A_491 = arith.ori %or3A_467, %eq3A_490 : vector<128x256xi1>
    %slice3A_492 = vector.extract_strided_slice %add3A_45 {offsets = [2304, 0], sizes = [128, 256], strides = [1, 1]} : vector<4096x256xf32> to vector<128x256xf32>
    %broadcast_in_dim3A_493 = arith.constant 18 : i32
    %broadcast_in_dim3A_494 = vector.broadcast %broadcast_in_dim3A_493 : i32 to vector<128x256xi32>
    %lt3A_495 = arith.cmpf olt, %slice3A_492, %select_n3A_472 : vector<128x256xf32>
    %select_n3A_496 = arith.select %lt3A_495, %slice3A_492, %select_n3A_472 : vector<128x256xi1>, vector<128x256xf32>
    %select_n3A_497 = arith.select %lt3A_495, %select_n3A_472, %slice3A_492 : vector<128x256xi1>, vector<128x256xf32>
    %select_n3A_498 = arith.select %lt3A_495, %broadcast_in_dim3A_494, %select_n3A_474 : vector<128x256xi1>, vector<128x256xi32>
    %select_n3A_499 = arith.select %lt3A_495, %select_n3A_474, %broadcast_in_dim3A_494 : vector<128x256xi1>, vector<128x256xi32>
    %lt3A_500 = arith.cmpf olt, %select_n3A_497, %select_n3A_477 : vector<128x256xf32>
    %select_n3A_501 = arith.select %lt3A_500, %select_n3A_497, %select_n3A_477 : vector<128x256xi1>, vector<128x256xf32>
    %select_n3A_502 = arith.select %lt3A_500, %select_n3A_477, %select_n3A_497 : vector<128x256xi1>, vector<128x256xf32>
    %select_n3A_503 = arith.select %lt3A_500, %select_n3A_499, %select_n3A_479 : vector<128x256xi1>, vector<128x256xi32>
    %select_n3A_504 = arith.select %lt3A_500, %select_n3A_479, %select_n3A_499 : vector<128x256xi1>, vector<128x256xi32>
    %lt3A_505 = arith.cmpf olt, %select_n3A_502, %select_n3A_482 : vector<128x256xf32>
    %select_n3A_506 = arith.select %lt3A_505, %select_n3A_502, %select_n3A_482 : vector<128x256xi1>, vector<128x256xf32>
    %select_n3A_507 = arith.select %lt3A_505, %select_n3A_482, %select_n3A_502 : vector<128x256xi1>, vector<128x256xf32>
    %select_n3A_508 = arith.select %lt3A_505, %select_n3A_504, %select_n3A_484 : vector<128x256xi1>, vector<128x256xi32>
    %select_n3A_509 = arith.select %lt3A_505, %select_n3A_484, %select_n3A_504 : vector<128x256xi1>, vector<128x256xi32>
    %lt3A_510 = arith.cmpf olt, %select_n3A_507, %select_n3A_487 : vector<128x256xf32>
    %select_n3A_511 = arith.select %lt3A_510, %select_n3A_507, %select_n3A_487 : vector<128x256xi1>, vector<128x256xf32>
    %select_n3A_512 = arith.select %lt3A_510, %select_n3A_487, %select_n3A_507 : vector<128x256xi1>, vector<128x256xf32>
    %select_n3A_513 = arith.select %lt3A_510, %select_n3A_509, %select_n3A_489 : vector<128x256xi1>, vector<128x256xi32>
    %eq3A_514 = arith.cmpf oeq, %select_n3A_512, %select_n3A_511 : vector<128x256xf32>
    %or3A_515 = arith.ori %or3A_491, %eq3A_514 : vector<128x256xi1>
    %slice3A_516 = vector.extract_strided_slice %add3A_45 {offsets = [2432, 0], sizes = [128, 256], strides = [1, 1]} : vector<4096x256xf32> to vector<128x256xf32>
    %broadcast_in_dim3A_517 = arith.constant 19 : i32
    %broadcast_in_dim3A_518 = vector.broadcast %broadcast_in_dim3A_517 : i32 to vector<128x256xi32>
    %lt3A_519 = arith.cmpf olt, %slice3A_516, %select_n3A_496 : vector<128x256xf32>
    %select_n3A_520 = arith.select %lt3A_519, %slice3A_516, %select_n3A_496 : vector<128x256xi1>, vector<128x256xf32>
    %select_n3A_521 = arith.select %lt3A_519, %select_n3A_496, %slice3A_516 : vector<128x256xi1>, vector<128x256xf32>
    %select_n3A_522 = arith.select %lt3A_519, %broadcast_in_dim3A_518, %select_n3A_498 : vector<128x256xi1>, vector<128x256xi32>
    %select_n3A_523 = arith.select %lt3A_519, %select_n3A_498, %broadcast_in_dim3A_518 : vector<128x256xi1>, vector<128x256xi32>
    %lt3A_524 = arith.cmpf olt, %select_n3A_521, %select_n3A_501 : vector<128x256xf32>
    %select_n3A_525 = arith.select %lt3A_524, %select_n3A_521, %select_n3A_501 : vector<128x256xi1>, vector<128x256xf32>
    %select_n3A_526 = arith.select %lt3A_524, %select_n3A_501, %select_n3A_521 : vector<128x256xi1>, vector<128x256xf32>
    %select_n3A_527 = arith.select %lt3A_524, %select_n3A_523, %select_n3A_503 : vector<128x256xi1>, vector<128x256xi32>
    %select_n3A_528 = arith.select %lt3A_524, %select_n3A_503, %select_n3A_523 : vector<128x256xi1>, vector<128x256xi32>
    %lt3A_529 = arith.cmpf olt, %select_n3A_526, %select_n3A_506 : vector<128x256xf32>
    %select_n3A_530 = arith.select %lt3A_529, %select_n3A_526, %select_n3A_506 : vector<128x256xi1>, vector<128x256xf32>
    %select_n3A_531 = arith.select %lt3A_529, %select_n3A_506, %select_n3A_526 : vector<128x256xi1>, vector<128x256xf32>
    %select_n3A_532 = arith.select %lt3A_529, %select_n3A_528, %select_n3A_508 : vector<128x256xi1>, vector<128x256xi32>
    %select_n3A_533 = arith.select %lt3A_529, %select_n3A_508, %select_n3A_528 : vector<128x256xi1>, vector<128x256xi32>
    %lt3A_534 = arith.cmpf olt, %select_n3A_531, %select_n3A_511 : vector<128x256xf32>
    %select_n3A_535 = arith.select %lt3A_534, %select_n3A_531, %select_n3A_511 : vector<128x256xi1>, vector<128x256xf32>
    %select_n3A_536 = arith.select %lt3A_534, %select_n3A_511, %select_n3A_531 : vector<128x256xi1>, vector<128x256xf32>
    %select_n3A_537 = arith.select %lt3A_534, %select_n3A_533, %select_n3A_513 : vector<128x256xi1>, vector<128x256xi32>
    %eq3A_538 = arith.cmpf oeq, %select_n3A_536, %select_n3A_535 : vector<128x256xf32>
    %or3A_539 = arith.ori %or3A_515, %eq3A_538 : vector<128x256xi1>
    %slice3A_540 = vector.extract_strided_slice %add3A_45 {offsets = [2560, 0], sizes = [128, 256], strides = [1, 1]} : vector<4096x256xf32> to vector<128x256xf32>
    %broadcast_in_dim3A_541 = arith.constant 20 : i32
    %broadcast_in_dim3A_542 = vector.broadcast %broadcast_in_dim3A_541 : i32 to vector<128x256xi32>
    %lt3A_543 = arith.cmpf olt, %slice3A_540, %select_n3A_520 : vector<128x256xf32>
    %select_n3A_544 = arith.select %lt3A_543, %slice3A_540, %select_n3A_520 : vector<128x256xi1>, vector<128x256xf32>
    %select_n3A_545 = arith.select %lt3A_543, %select_n3A_520, %slice3A_540 : vector<128x256xi1>, vector<128x256xf32>
    %select_n3A_546 = arith.select %lt3A_543, %broadcast_in_dim3A_542, %select_n3A_522 : vector<128x256xi1>, vector<128x256xi32>
    %select_n3A_547 = arith.select %lt3A_543, %select_n3A_522, %broadcast_in_dim3A_542 : vector<128x256xi1>, vector<128x256xi32>
    %lt3A_548 = arith.cmpf olt, %select_n3A_545, %select_n3A_525 : vector<128x256xf32>
    %select_n3A_549 = arith.select %lt3A_548, %select_n3A_545, %select_n3A_525 : vector<128x256xi1>, vector<128x256xf32>
    %select_n3A_550 = arith.select %lt3A_548, %select_n3A_525, %select_n3A_545 : vector<128x256xi1>, vector<128x256xf32>
    %select_n3A_551 = arith.select %lt3A_548, %select_n3A_547, %select_n3A_527 : vector<128x256xi1>, vector<128x256xi32>
    %select_n3A_552 = arith.select %lt3A_548, %select_n3A_527, %select_n3A_547 : vector<128x256xi1>, vector<128x256xi32>
    %lt3A_553 = arith.cmpf olt, %select_n3A_550, %select_n3A_530 : vector<128x256xf32>
    %select_n3A_554 = arith.select %lt3A_553, %select_n3A_550, %select_n3A_530 : vector<128x256xi1>, vector<128x256xf32>
    %select_n3A_555 = arith.select %lt3A_553, %select_n3A_530, %select_n3A_550 : vector<128x256xi1>, vector<128x256xf32>
    %select_n3A_556 = arith.select %lt3A_553, %select_n3A_552, %select_n3A_532 : vector<128x256xi1>, vector<128x256xi32>
    %select_n3A_557 = arith.select %lt3A_553, %select_n3A_532, %select_n3A_552 : vector<128x256xi1>, vector<128x256xi32>
    %lt3A_558 = arith.cmpf olt, %select_n3A_555, %select_n3A_535 : vector<128x256xf32>
    %select_n3A_559 = arith.select %lt3A_558, %select_n3A_555, %select_n3A_535 : vector<128x256xi1>, vector<128x256xf32>
    %select_n3A_560 = arith.select %lt3A_558, %select_n3A_535, %select_n3A_555 : vector<128x256xi1>, vector<128x256xf32>
    %select_n3A_561 = arith.select %lt3A_558, %select_n3A_557, %select_n3A_537 : vector<128x256xi1>, vector<128x256xi32>
    %eq3A_562 = arith.cmpf oeq, %select_n3A_560, %select_n3A_559 : vector<128x256xf32>
    %or3A_563 = arith.ori %or3A_539, %eq3A_562 : vector<128x256xi1>
    %slice3A_564 = vector.extract_strided_slice %add3A_45 {offsets = [2688, 0], sizes = [128, 256], strides = [1, 1]} : vector<4096x256xf32> to vector<128x256xf32>
    %broadcast_in_dim3A_565 = arith.constant 21 : i32
    %broadcast_in_dim3A_566 = vector.broadcast %broadcast_in_dim3A_565 : i32 to vector<128x256xi32>
    %lt3A_567 = arith.cmpf olt, %slice3A_564, %select_n3A_544 : vector<128x256xf32>
    %select_n3A_568 = arith.select %lt3A_567, %slice3A_564, %select_n3A_544 : vector<128x256xi1>, vector<128x256xf32>
    %select_n3A_569 = arith.select %lt3A_567, %select_n3A_544, %slice3A_564 : vector<128x256xi1>, vector<128x256xf32>
    %select_n3A_570 = arith.select %lt3A_567, %broadcast_in_dim3A_566, %select_n3A_546 : vector<128x256xi1>, vector<128x256xi32>
    %select_n3A_571 = arith.select %lt3A_567, %select_n3A_546, %broadcast_in_dim3A_566 : vector<128x256xi1>, vector<128x256xi32>
    %lt3A_572 = arith.cmpf olt, %select_n3A_569, %select_n3A_549 : vector<128x256xf32>
    %select_n3A_573 = arith.select %lt3A_572, %select_n3A_569, %select_n3A_549 : vector<128x256xi1>, vector<128x256xf32>
    %select_n3A_574 = arith.select %lt3A_572, %select_n3A_549, %select_n3A_569 : vector<128x256xi1>, vector<128x256xf32>
    %select_n3A_575 = arith.select %lt3A_572, %select_n3A_571, %select_n3A_551 : vector<128x256xi1>, vector<128x256xi32>
    %select_n3A_576 = arith.select %lt3A_572, %select_n3A_551, %select_n3A_571 : vector<128x256xi1>, vector<128x256xi32>
    %lt3A_577 = arith.cmpf olt, %select_n3A_574, %select_n3A_554 : vector<128x256xf32>
    %select_n3A_578 = arith.select %lt3A_577, %select_n3A_574, %select_n3A_554 : vector<128x256xi1>, vector<128x256xf32>
    %select_n3A_579 = arith.select %lt3A_577, %select_n3A_554, %select_n3A_574 : vector<128x256xi1>, vector<128x256xf32>
    %select_n3A_580 = arith.select %lt3A_577, %select_n3A_576, %select_n3A_556 : vector<128x256xi1>, vector<128x256xi32>
    %select_n3A_581 = arith.select %lt3A_577, %select_n3A_556, %select_n3A_576 : vector<128x256xi1>, vector<128x256xi32>
    %lt3A_582 = arith.cmpf olt, %select_n3A_579, %select_n3A_559 : vector<128x256xf32>
    %select_n3A_583 = arith.select %lt3A_582, %select_n3A_579, %select_n3A_559 : vector<128x256xi1>, vector<128x256xf32>
    %select_n3A_584 = arith.select %lt3A_582, %select_n3A_559, %select_n3A_579 : vector<128x256xi1>, vector<128x256xf32>
    %select_n3A_585 = arith.select %lt3A_582, %select_n3A_581, %select_n3A_561 : vector<128x256xi1>, vector<128x256xi32>
    %eq3A_586 = arith.cmpf oeq, %select_n3A_584, %select_n3A_583 : vector<128x256xf32>
    %or3A_587 = arith.ori %or3A_563, %eq3A_586 : vector<128x256xi1>
    %slice3A_588 = vector.extract_strided_slice %add3A_45 {offsets = [2816, 0], sizes = [128, 256], strides = [1, 1]} : vector<4096x256xf32> to vector<128x256xf32>
    %broadcast_in_dim3A_589 = arith.constant 22 : i32
    %broadcast_in_dim3A_590 = vector.broadcast %broadcast_in_dim3A_589 : i32 to vector<128x256xi32>
    %lt3A_591 = arith.cmpf olt, %slice3A_588, %select_n3A_568 : vector<128x256xf32>
    %select_n3A_592 = arith.select %lt3A_591, %slice3A_588, %select_n3A_568 : vector<128x256xi1>, vector<128x256xf32>
    %select_n3A_593 = arith.select %lt3A_591, %select_n3A_568, %slice3A_588 : vector<128x256xi1>, vector<128x256xf32>
    %select_n3A_594 = arith.select %lt3A_591, %broadcast_in_dim3A_590, %select_n3A_570 : vector<128x256xi1>, vector<128x256xi32>
    %select_n3A_595 = arith.select %lt3A_591, %select_n3A_570, %broadcast_in_dim3A_590 : vector<128x256xi1>, vector<128x256xi32>
    %lt3A_596 = arith.cmpf olt, %select_n3A_593, %select_n3A_573 : vector<128x256xf32>
    %select_n3A_597 = arith.select %lt3A_596, %select_n3A_593, %select_n3A_573 : vector<128x256xi1>, vector<128x256xf32>
    %select_n3A_598 = arith.select %lt3A_596, %select_n3A_573, %select_n3A_593 : vector<128x256xi1>, vector<128x256xf32>
    %select_n3A_599 = arith.select %lt3A_596, %select_n3A_595, %select_n3A_575 : vector<128x256xi1>, vector<128x256xi32>
    %select_n3A_600 = arith.select %lt3A_596, %select_n3A_575, %select_n3A_595 : vector<128x256xi1>, vector<128x256xi32>
    %lt3A_601 = arith.cmpf olt, %select_n3A_598, %select_n3A_578 : vector<128x256xf32>
    %select_n3A_602 = arith.select %lt3A_601, %select_n3A_598, %select_n3A_578 : vector<128x256xi1>, vector<128x256xf32>
    %select_n3A_603 = arith.select %lt3A_601, %select_n3A_578, %select_n3A_598 : vector<128x256xi1>, vector<128x256xf32>
    %select_n3A_604 = arith.select %lt3A_601, %select_n3A_600, %select_n3A_580 : vector<128x256xi1>, vector<128x256xi32>
    %select_n3A_605 = arith.select %lt3A_601, %select_n3A_580, %select_n3A_600 : vector<128x256xi1>, vector<128x256xi32>
    %lt3A_606 = arith.cmpf olt, %select_n3A_603, %select_n3A_583 : vector<128x256xf32>
    %select_n3A_607 = arith.select %lt3A_606, %select_n3A_603, %select_n3A_583 : vector<128x256xi1>, vector<128x256xf32>
    %select_n3A_608 = arith.select %lt3A_606, %select_n3A_583, %select_n3A_603 : vector<128x256xi1>, vector<128x256xf32>
    %select_n3A_609 = arith.select %lt3A_606, %select_n3A_605, %select_n3A_585 : vector<128x256xi1>, vector<128x256xi32>
    %eq3A_610 = arith.cmpf oeq, %select_n3A_608, %select_n3A_607 : vector<128x256xf32>
    %or3A_611 = arith.ori %or3A_587, %eq3A_610 : vector<128x256xi1>
    %slice3A_612 = vector.extract_strided_slice %add3A_45 {offsets = [2944, 0], sizes = [128, 256], strides = [1, 1]} : vector<4096x256xf32> to vector<128x256xf32>
    %broadcast_in_dim3A_613 = arith.constant 23 : i32
    %broadcast_in_dim3A_614 = vector.broadcast %broadcast_in_dim3A_613 : i32 to vector<128x256xi32>
    %lt3A_615 = arith.cmpf olt, %slice3A_612, %select_n3A_592 : vector<128x256xf32>
    %select_n3A_616 = arith.select %lt3A_615, %slice3A_612, %select_n3A_592 : vector<128x256xi1>, vector<128x256xf32>
    %select_n3A_617 = arith.select %lt3A_615, %select_n3A_592, %slice3A_612 : vector<128x256xi1>, vector<128x256xf32>
    %select_n3A_618 = arith.select %lt3A_615, %broadcast_in_dim3A_614, %select_n3A_594 : vector<128x256xi1>, vector<128x256xi32>
    %select_n3A_619 = arith.select %lt3A_615, %select_n3A_594, %broadcast_in_dim3A_614 : vector<128x256xi1>, vector<128x256xi32>
    %lt3A_620 = arith.cmpf olt, %select_n3A_617, %select_n3A_597 : vector<128x256xf32>
    %select_n3A_621 = arith.select %lt3A_620, %select_n3A_617, %select_n3A_597 : vector<128x256xi1>, vector<128x256xf32>
    %select_n3A_622 = arith.select %lt3A_620, %select_n3A_597, %select_n3A_617 : vector<128x256xi1>, vector<128x256xf32>
    %select_n3A_623 = arith.select %lt3A_620, %select_n3A_619, %select_n3A_599 : vector<128x256xi1>, vector<128x256xi32>
    %select_n3A_624 = arith.select %lt3A_620, %select_n3A_599, %select_n3A_619 : vector<128x256xi1>, vector<128x256xi32>
    %lt3A_625 = arith.cmpf olt, %select_n3A_622, %select_n3A_602 : vector<128x256xf32>
    %select_n3A_626 = arith.select %lt3A_625, %select_n3A_622, %select_n3A_602 : vector<128x256xi1>, vector<128x256xf32>
    %select_n3A_627 = arith.select %lt3A_625, %select_n3A_602, %select_n3A_622 : vector<128x256xi1>, vector<128x256xf32>
    %select_n3A_628 = arith.select %lt3A_625, %select_n3A_624, %select_n3A_604 : vector<128x256xi1>, vector<128x256xi32>
    %select_n3A_629 = arith.select %lt3A_625, %select_n3A_604, %select_n3A_624 : vector<128x256xi1>, vector<128x256xi32>
    %lt3A_630 = arith.cmpf olt, %select_n3A_627, %select_n3A_607 : vector<128x256xf32>
    %select_n3A_631 = arith.select %lt3A_630, %select_n3A_627, %select_n3A_607 : vector<128x256xi1>, vector<128x256xf32>
    %select_n3A_632 = arith.select %lt3A_630, %select_n3A_607, %select_n3A_627 : vector<128x256xi1>, vector<128x256xf32>
    %select_n3A_633 = arith.select %lt3A_630, %select_n3A_629, %select_n3A_609 : vector<128x256xi1>, vector<128x256xi32>
    %eq3A_634 = arith.cmpf oeq, %select_n3A_632, %select_n3A_631 : vector<128x256xf32>
    %or3A_635 = arith.ori %or3A_611, %eq3A_634 : vector<128x256xi1>
    %slice3A_636 = vector.extract_strided_slice %add3A_45 {offsets = [3072, 0], sizes = [128, 256], strides = [1, 1]} : vector<4096x256xf32> to vector<128x256xf32>
    %broadcast_in_dim3A_637 = arith.constant 24 : i32
    %broadcast_in_dim3A_638 = vector.broadcast %broadcast_in_dim3A_637 : i32 to vector<128x256xi32>
    %lt3A_639 = arith.cmpf olt, %slice3A_636, %select_n3A_616 : vector<128x256xf32>
    %select_n3A_640 = arith.select %lt3A_639, %slice3A_636, %select_n3A_616 : vector<128x256xi1>, vector<128x256xf32>
    %select_n3A_641 = arith.select %lt3A_639, %select_n3A_616, %slice3A_636 : vector<128x256xi1>, vector<128x256xf32>
    %select_n3A_642 = arith.select %lt3A_639, %broadcast_in_dim3A_638, %select_n3A_618 : vector<128x256xi1>, vector<128x256xi32>
    %select_n3A_643 = arith.select %lt3A_639, %select_n3A_618, %broadcast_in_dim3A_638 : vector<128x256xi1>, vector<128x256xi32>
    %lt3A_644 = arith.cmpf olt, %select_n3A_641, %select_n3A_621 : vector<128x256xf32>
    %select_n3A_645 = arith.select %lt3A_644, %select_n3A_641, %select_n3A_621 : vector<128x256xi1>, vector<128x256xf32>
    %select_n3A_646 = arith.select %lt3A_644, %select_n3A_621, %select_n3A_641 : vector<128x256xi1>, vector<128x256xf32>
    %select_n3A_647 = arith.select %lt3A_644, %select_n3A_643, %select_n3A_623 : vector<128x256xi1>, vector<128x256xi32>
    %select_n3A_648 = arith.select %lt3A_644, %select_n3A_623, %select_n3A_643 : vector<128x256xi1>, vector<128x256xi32>
    %lt3A_649 = arith.cmpf olt, %select_n3A_646, %select_n3A_626 : vector<128x256xf32>
    %select_n3A_650 = arith.select %lt3A_649, %select_n3A_646, %select_n3A_626 : vector<128x256xi1>, vector<128x256xf32>
    %select_n3A_651 = arith.select %lt3A_649, %select_n3A_626, %select_n3A_646 : vector<128x256xi1>, vector<128x256xf32>
    %select_n3A_652 = arith.select %lt3A_649, %select_n3A_648, %select_n3A_628 : vector<128x256xi1>, vector<128x256xi32>
    %select_n3A_653 = arith.select %lt3A_649, %select_n3A_628, %select_n3A_648 : vector<128x256xi1>, vector<128x256xi32>
    %lt3A_654 = arith.cmpf olt, %select_n3A_651, %select_n3A_631 : vector<128x256xf32>
    %select_n3A_655 = arith.select %lt3A_654, %select_n3A_651, %select_n3A_631 : vector<128x256xi1>, vector<128x256xf32>
    %select_n3A_656 = arith.select %lt3A_654, %select_n3A_631, %select_n3A_651 : vector<128x256xi1>, vector<128x256xf32>
    %select_n3A_657 = arith.select %lt3A_654, %select_n3A_653, %select_n3A_633 : vector<128x256xi1>, vector<128x256xi32>
    %eq3A_658 = arith.cmpf oeq, %select_n3A_656, %select_n3A_655 : vector<128x256xf32>
    %or3A_659 = arith.ori %or3A_635, %eq3A_658 : vector<128x256xi1>
    %slice3A_660 = vector.extract_strided_slice %add3A_45 {offsets = [3200, 0], sizes = [128, 256], strides = [1, 1]} : vector<4096x256xf32> to vector<128x256xf32>
    %broadcast_in_dim3A_661 = arith.constant 25 : i32
    %broadcast_in_dim3A_662 = vector.broadcast %broadcast_in_dim3A_661 : i32 to vector<128x256xi32>
    %lt3A_663 = arith.cmpf olt, %slice3A_660, %select_n3A_640 : vector<128x256xf32>
    %select_n3A_664 = arith.select %lt3A_663, %slice3A_660, %select_n3A_640 : vector<128x256xi1>, vector<128x256xf32>
    %select_n3A_665 = arith.select %lt3A_663, %select_n3A_640, %slice3A_660 : vector<128x256xi1>, vector<128x256xf32>
    %select_n3A_666 = arith.select %lt3A_663, %broadcast_in_dim3A_662, %select_n3A_642 : vector<128x256xi1>, vector<128x256xi32>
    %select_n3A_667 = arith.select %lt3A_663, %select_n3A_642, %broadcast_in_dim3A_662 : vector<128x256xi1>, vector<128x256xi32>
    %lt3A_668 = arith.cmpf olt, %select_n3A_665, %select_n3A_645 : vector<128x256xf32>
    %select_n3A_669 = arith.select %lt3A_668, %select_n3A_665, %select_n3A_645 : vector<128x256xi1>, vector<128x256xf32>
    %select_n3A_670 = arith.select %lt3A_668, %select_n3A_645, %select_n3A_665 : vector<128x256xi1>, vector<128x256xf32>
    %select_n3A_671 = arith.select %lt3A_668, %select_n3A_667, %select_n3A_647 : vector<128x256xi1>, vector<128x256xi32>
    %select_n3A_672 = arith.select %lt3A_668, %select_n3A_647, %select_n3A_667 : vector<128x256xi1>, vector<128x256xi32>
    %lt3A_673 = arith.cmpf olt, %select_n3A_670, %select_n3A_650 : vector<128x256xf32>
    %select_n3A_674 = arith.select %lt3A_673, %select_n3A_670, %select_n3A_650 : vector<128x256xi1>, vector<128x256xf32>
    %select_n3A_675 = arith.select %lt3A_673, %select_n3A_650, %select_n3A_670 : vector<128x256xi1>, vector<128x256xf32>
    %select_n3A_676 = arith.select %lt3A_673, %select_n3A_672, %select_n3A_652 : vector<128x256xi1>, vector<128x256xi32>
    %select_n3A_677 = arith.select %lt3A_673, %select_n3A_652, %select_n3A_672 : vector<128x256xi1>, vector<128x256xi32>
    %lt3A_678 = arith.cmpf olt, %select_n3A_675, %select_n3A_655 : vector<128x256xf32>
    %select_n3A_679 = arith.select %lt3A_678, %select_n3A_675, %select_n3A_655 : vector<128x256xi1>, vector<128x256xf32>
    %select_n3A_680 = arith.select %lt3A_678, %select_n3A_655, %select_n3A_675 : vector<128x256xi1>, vector<128x256xf32>
    %select_n3A_681 = arith.select %lt3A_678, %select_n3A_677, %select_n3A_657 : vector<128x256xi1>, vector<128x256xi32>
    %eq3A_682 = arith.cmpf oeq, %select_n3A_680, %select_n3A_679 : vector<128x256xf32>
    %or3A_683 = arith.ori %or3A_659, %eq3A_682 : vector<128x256xi1>
    %slice3A_684 = vector.extract_strided_slice %add3A_45 {offsets = [3328, 0], sizes = [128, 256], strides = [1, 1]} : vector<4096x256xf32> to vector<128x256xf32>
    %broadcast_in_dim3A_685 = arith.constant 26 : i32
    %broadcast_in_dim3A_686 = vector.broadcast %broadcast_in_dim3A_685 : i32 to vector<128x256xi32>
    %lt3A_687 = arith.cmpf olt, %slice3A_684, %select_n3A_664 : vector<128x256xf32>
    %select_n3A_688 = arith.select %lt3A_687, %slice3A_684, %select_n3A_664 : vector<128x256xi1>, vector<128x256xf32>
    %select_n3A_689 = arith.select %lt3A_687, %select_n3A_664, %slice3A_684 : vector<128x256xi1>, vector<128x256xf32>
    %select_n3A_690 = arith.select %lt3A_687, %broadcast_in_dim3A_686, %select_n3A_666 : vector<128x256xi1>, vector<128x256xi32>
    %select_n3A_691 = arith.select %lt3A_687, %select_n3A_666, %broadcast_in_dim3A_686 : vector<128x256xi1>, vector<128x256xi32>
    %lt3A_692 = arith.cmpf olt, %select_n3A_689, %select_n3A_669 : vector<128x256xf32>
    %select_n3A_693 = arith.select %lt3A_692, %select_n3A_689, %select_n3A_669 : vector<128x256xi1>, vector<128x256xf32>
    %select_n3A_694 = arith.select %lt3A_692, %select_n3A_669, %select_n3A_689 : vector<128x256xi1>, vector<128x256xf32>
    %select_n3A_695 = arith.select %lt3A_692, %select_n3A_691, %select_n3A_671 : vector<128x256xi1>, vector<128x256xi32>
    %select_n3A_696 = arith.select %lt3A_692, %select_n3A_671, %select_n3A_691 : vector<128x256xi1>, vector<128x256xi32>
    %lt3A_697 = arith.cmpf olt, %select_n3A_694, %select_n3A_674 : vector<128x256xf32>
    %select_n3A_698 = arith.select %lt3A_697, %select_n3A_694, %select_n3A_674 : vector<128x256xi1>, vector<128x256xf32>
    %select_n3A_699 = arith.select %lt3A_697, %select_n3A_674, %select_n3A_694 : vector<128x256xi1>, vector<128x256xf32>
    %select_n3A_700 = arith.select %lt3A_697, %select_n3A_696, %select_n3A_676 : vector<128x256xi1>, vector<128x256xi32>
    %select_n3A_701 = arith.select %lt3A_697, %select_n3A_676, %select_n3A_696 : vector<128x256xi1>, vector<128x256xi32>
    %lt3A_702 = arith.cmpf olt, %select_n3A_699, %select_n3A_679 : vector<128x256xf32>
    %select_n3A_703 = arith.select %lt3A_702, %select_n3A_699, %select_n3A_679 : vector<128x256xi1>, vector<128x256xf32>
    %select_n3A_704 = arith.select %lt3A_702, %select_n3A_679, %select_n3A_699 : vector<128x256xi1>, vector<128x256xf32>
    %select_n3A_705 = arith.select %lt3A_702, %select_n3A_701, %select_n3A_681 : vector<128x256xi1>, vector<128x256xi32>
    %eq3A_706 = arith.cmpf oeq, %select_n3A_704, %select_n3A_703 : vector<128x256xf32>
    %or3A_707 = arith.ori %or3A_683, %eq3A_706 : vector<128x256xi1>
    %slice3A_708 = vector.extract_strided_slice %add3A_45 {offsets = [3456, 0], sizes = [128, 256], strides = [1, 1]} : vector<4096x256xf32> to vector<128x256xf32>
    %broadcast_in_dim3A_709 = arith.constant 27 : i32
    %broadcast_in_dim3A_710 = vector.broadcast %broadcast_in_dim3A_709 : i32 to vector<128x256xi32>
    %lt3A_711 = arith.cmpf olt, %slice3A_708, %select_n3A_688 : vector<128x256xf32>
    %select_n3A_712 = arith.select %lt3A_711, %slice3A_708, %select_n3A_688 : vector<128x256xi1>, vector<128x256xf32>
    %select_n3A_713 = arith.select %lt3A_711, %select_n3A_688, %slice3A_708 : vector<128x256xi1>, vector<128x256xf32>
    %select_n3A_714 = arith.select %lt3A_711, %broadcast_in_dim3A_710, %select_n3A_690 : vector<128x256xi1>, vector<128x256xi32>
    %select_n3A_715 = arith.select %lt3A_711, %select_n3A_690, %broadcast_in_dim3A_710 : vector<128x256xi1>, vector<128x256xi32>
    %lt3A_716 = arith.cmpf olt, %select_n3A_713, %select_n3A_693 : vector<128x256xf32>
    %select_n3A_717 = arith.select %lt3A_716, %select_n3A_713, %select_n3A_693 : vector<128x256xi1>, vector<128x256xf32>
    %select_n3A_718 = arith.select %lt3A_716, %select_n3A_693, %select_n3A_713 : vector<128x256xi1>, vector<128x256xf32>
    %select_n3A_719 = arith.select %lt3A_716, %select_n3A_715, %select_n3A_695 : vector<128x256xi1>, vector<128x256xi32>
    %select_n3A_720 = arith.select %lt3A_716, %select_n3A_695, %select_n3A_715 : vector<128x256xi1>, vector<128x256xi32>
    %lt3A_721 = arith.cmpf olt, %select_n3A_718, %select_n3A_698 : vector<128x256xf32>
    %select_n3A_722 = arith.select %lt3A_721, %select_n3A_718, %select_n3A_698 : vector<128x256xi1>, vector<128x256xf32>
    %select_n3A_723 = arith.select %lt3A_721, %select_n3A_698, %select_n3A_718 : vector<128x256xi1>, vector<128x256xf32>
    %select_n3A_724 = arith.select %lt3A_721, %select_n3A_720, %select_n3A_700 : vector<128x256xi1>, vector<128x256xi32>
    %select_n3A_725 = arith.select %lt3A_721, %select_n3A_700, %select_n3A_720 : vector<128x256xi1>, vector<128x256xi32>
    %lt3A_726 = arith.cmpf olt, %select_n3A_723, %select_n3A_703 : vector<128x256xf32>
    %select_n3A_727 = arith.select %lt3A_726, %select_n3A_723, %select_n3A_703 : vector<128x256xi1>, vector<128x256xf32>
    %select_n3A_728 = arith.select %lt3A_726, %select_n3A_703, %select_n3A_723 : vector<128x256xi1>, vector<128x256xf32>
    %select_n3A_729 = arith.select %lt3A_726, %select_n3A_725, %select_n3A_705 : vector<128x256xi1>, vector<128x256xi32>
    %eq3A_730 = arith.cmpf oeq, %select_n3A_728, %select_n3A_727 : vector<128x256xf32>
    %or3A_731 = arith.ori %or3A_707, %eq3A_730 : vector<128x256xi1>
    %slice3A_732 = vector.extract_strided_slice %add3A_45 {offsets = [3584, 0], sizes = [128, 256], strides = [1, 1]} : vector<4096x256xf32> to vector<128x256xf32>
    %broadcast_in_dim3A_733 = arith.constant 28 : i32
    %broadcast_in_dim3A_734 = vector.broadcast %broadcast_in_dim3A_733 : i32 to vector<128x256xi32>
    %lt3A_735 = arith.cmpf olt, %slice3A_732, %select_n3A_712 : vector<128x256xf32>
    %select_n3A_736 = arith.select %lt3A_735, %slice3A_732, %select_n3A_712 : vector<128x256xi1>, vector<128x256xf32>
    %select_n3A_737 = arith.select %lt3A_735, %select_n3A_712, %slice3A_732 : vector<128x256xi1>, vector<128x256xf32>
    %select_n3A_738 = arith.select %lt3A_735, %broadcast_in_dim3A_734, %select_n3A_714 : vector<128x256xi1>, vector<128x256xi32>
    %select_n3A_739 = arith.select %lt3A_735, %select_n3A_714, %broadcast_in_dim3A_734 : vector<128x256xi1>, vector<128x256xi32>
    %lt3A_740 = arith.cmpf olt, %select_n3A_737, %select_n3A_717 : vector<128x256xf32>
    %select_n3A_741 = arith.select %lt3A_740, %select_n3A_737, %select_n3A_717 : vector<128x256xi1>, vector<128x256xf32>
    %select_n3A_742 = arith.select %lt3A_740, %select_n3A_717, %select_n3A_737 : vector<128x256xi1>, vector<128x256xf32>
    %select_n3A_743 = arith.select %lt3A_740, %select_n3A_739, %select_n3A_719 : vector<128x256xi1>, vector<128x256xi32>
    %select_n3A_744 = arith.select %lt3A_740, %select_n3A_719, %select_n3A_739 : vector<128x256xi1>, vector<128x256xi32>
    %lt3A_745 = arith.cmpf olt, %select_n3A_742, %select_n3A_722 : vector<128x256xf32>
    %select_n3A_746 = arith.select %lt3A_745, %select_n3A_742, %select_n3A_722 : vector<128x256xi1>, vector<128x256xf32>
    %select_n3A_747 = arith.select %lt3A_745, %select_n3A_722, %select_n3A_742 : vector<128x256xi1>, vector<128x256xf32>
    %select_n3A_748 = arith.select %lt3A_745, %select_n3A_744, %select_n3A_724 : vector<128x256xi1>, vector<128x256xi32>
    %select_n3A_749 = arith.select %lt3A_745, %select_n3A_724, %select_n3A_744 : vector<128x256xi1>, vector<128x256xi32>
    %lt3A_750 = arith.cmpf olt, %select_n3A_747, %select_n3A_727 : vector<128x256xf32>
    %select_n3A_751 = arith.select %lt3A_750, %select_n3A_747, %select_n3A_727 : vector<128x256xi1>, vector<128x256xf32>
    %select_n3A_752 = arith.select %lt3A_750, %select_n3A_727, %select_n3A_747 : vector<128x256xi1>, vector<128x256xf32>
    %select_n3A_753 = arith.select %lt3A_750, %select_n3A_749, %select_n3A_729 : vector<128x256xi1>, vector<128x256xi32>
    %eq3A_754 = arith.cmpf oeq, %select_n3A_752, %select_n3A_751 : vector<128x256xf32>
    %or3A_755 = arith.ori %or3A_731, %eq3A_754 : vector<128x256xi1>
    %slice3A_756 = vector.extract_strided_slice %add3A_45 {offsets = [3712, 0], sizes = [128, 256], strides = [1, 1]} : vector<4096x256xf32> to vector<128x256xf32>
    %broadcast_in_dim3A_757 = arith.constant 29 : i32
    %broadcast_in_dim3A_758 = vector.broadcast %broadcast_in_dim3A_757 : i32 to vector<128x256xi32>
    %lt3A_759 = arith.cmpf olt, %slice3A_756, %select_n3A_736 : vector<128x256xf32>
    %select_n3A_760 = arith.select %lt3A_759, %slice3A_756, %select_n3A_736 : vector<128x256xi1>, vector<128x256xf32>
    %select_n3A_761 = arith.select %lt3A_759, %select_n3A_736, %slice3A_756 : vector<128x256xi1>, vector<128x256xf32>
    %select_n3A_762 = arith.select %lt3A_759, %broadcast_in_dim3A_758, %select_n3A_738 : vector<128x256xi1>, vector<128x256xi32>
    %select_n3A_763 = arith.select %lt3A_759, %select_n3A_738, %broadcast_in_dim3A_758 : vector<128x256xi1>, vector<128x256xi32>
    %lt3A_764 = arith.cmpf olt, %select_n3A_761, %select_n3A_741 : vector<128x256xf32>
    %select_n3A_765 = arith.select %lt3A_764, %select_n3A_761, %select_n3A_741 : vector<128x256xi1>, vector<128x256xf32>
    %select_n3A_766 = arith.select %lt3A_764, %select_n3A_741, %select_n3A_761 : vector<128x256xi1>, vector<128x256xf32>
    %select_n3A_767 = arith.select %lt3A_764, %select_n3A_763, %select_n3A_743 : vector<128x256xi1>, vector<128x256xi32>
    %select_n3A_768 = arith.select %lt3A_764, %select_n3A_743, %select_n3A_763 : vector<128x256xi1>, vector<128x256xi32>
    %lt3A_769 = arith.cmpf olt, %select_n3A_766, %select_n3A_746 : vector<128x256xf32>
    %select_n3A_770 = arith.select %lt3A_769, %select_n3A_766, %select_n3A_746 : vector<128x256xi1>, vector<128x256xf32>
    %select_n3A_771 = arith.select %lt3A_769, %select_n3A_746, %select_n3A_766 : vector<128x256xi1>, vector<128x256xf32>
    %select_n3A_772 = arith.select %lt3A_769, %select_n3A_768, %select_n3A_748 : vector<128x256xi1>, vector<128x256xi32>
    %select_n3A_773 = arith.select %lt3A_769, %select_n3A_748, %select_n3A_768 : vector<128x256xi1>, vector<128x256xi32>
    %lt3A_774 = arith.cmpf olt, %select_n3A_771, %select_n3A_751 : vector<128x256xf32>
    %select_n3A_775 = arith.select %lt3A_774, %select_n3A_771, %select_n3A_751 : vector<128x256xi1>, vector<128x256xf32>
    %select_n3A_776 = arith.select %lt3A_774, %select_n3A_751, %select_n3A_771 : vector<128x256xi1>, vector<128x256xf32>
    %select_n3A_777 = arith.select %lt3A_774, %select_n3A_773, %select_n3A_753 : vector<128x256xi1>, vector<128x256xi32>
    %eq3A_778 = arith.cmpf oeq, %select_n3A_776, %select_n3A_775 : vector<128x256xf32>
    %or3A_779 = arith.ori %or3A_755, %eq3A_778 : vector<128x256xi1>
    %slice3A_780 = vector.extract_strided_slice %add3A_45 {offsets = [3840, 0], sizes = [128, 256], strides = [1, 1]} : vector<4096x256xf32> to vector<128x256xf32>
    %broadcast_in_dim3A_781 = arith.constant 30 : i32
    %broadcast_in_dim3A_782 = vector.broadcast %broadcast_in_dim3A_781 : i32 to vector<128x256xi32>
    %lt3A_783 = arith.cmpf olt, %slice3A_780, %select_n3A_760 : vector<128x256xf32>
    %select_n3A_784 = arith.select %lt3A_783, %slice3A_780, %select_n3A_760 : vector<128x256xi1>, vector<128x256xf32>
    %select_n3A_785 = arith.select %lt3A_783, %select_n3A_760, %slice3A_780 : vector<128x256xi1>, vector<128x256xf32>
    %select_n3A_786 = arith.select %lt3A_783, %broadcast_in_dim3A_782, %select_n3A_762 : vector<128x256xi1>, vector<128x256xi32>
    %select_n3A_787 = arith.select %lt3A_783, %select_n3A_762, %broadcast_in_dim3A_782 : vector<128x256xi1>, vector<128x256xi32>
    %lt3A_788 = arith.cmpf olt, %select_n3A_785, %select_n3A_765 : vector<128x256xf32>
    %select_n3A_789 = arith.select %lt3A_788, %select_n3A_785, %select_n3A_765 : vector<128x256xi1>, vector<128x256xf32>
    %select_n3A_790 = arith.select %lt3A_788, %select_n3A_765, %select_n3A_785 : vector<128x256xi1>, vector<128x256xf32>
    %select_n3A_791 = arith.select %lt3A_788, %select_n3A_787, %select_n3A_767 : vector<128x256xi1>, vector<128x256xi32>
    %select_n3A_792 = arith.select %lt3A_788, %select_n3A_767, %select_n3A_787 : vector<128x256xi1>, vector<128x256xi32>
    %lt3A_793 = arith.cmpf olt, %select_n3A_790, %select_n3A_770 : vector<128x256xf32>
    %select_n3A_794 = arith.select %lt3A_793, %select_n3A_790, %select_n3A_770 : vector<128x256xi1>, vector<128x256xf32>
    %select_n3A_795 = arith.select %lt3A_793, %select_n3A_770, %select_n3A_790 : vector<128x256xi1>, vector<128x256xf32>
    %select_n3A_796 = arith.select %lt3A_793, %select_n3A_792, %select_n3A_772 : vector<128x256xi1>, vector<128x256xi32>
    %select_n3A_797 = arith.select %lt3A_793, %select_n3A_772, %select_n3A_792 : vector<128x256xi1>, vector<128x256xi32>
    %lt3A_798 = arith.cmpf olt, %select_n3A_795, %select_n3A_775 : vector<128x256xf32>
    %select_n3A_799 = arith.select %lt3A_798, %select_n3A_795, %select_n3A_775 : vector<128x256xi1>, vector<128x256xf32>
    %select_n3A_800 = arith.select %lt3A_798, %select_n3A_775, %select_n3A_795 : vector<128x256xi1>, vector<128x256xf32>
    %select_n3A_801 = arith.select %lt3A_798, %select_n3A_797, %select_n3A_777 : vector<128x256xi1>, vector<128x256xi32>
    %eq3A_802 = arith.cmpf oeq, %select_n3A_800, %select_n3A_799 : vector<128x256xf32>
    %or3A_803 = arith.ori %or3A_779, %eq3A_802 : vector<128x256xi1>
    %slice3A_804 = vector.extract_strided_slice %add3A_45 {offsets = [3968, 0], sizes = [128, 256], strides = [1, 1]} : vector<4096x256xf32> to vector<128x256xf32>
    %broadcast_in_dim3A_805 = arith.constant 31 : i32
    %broadcast_in_dim3A_806 = vector.broadcast %broadcast_in_dim3A_805 : i32 to vector<128x256xi32>
    %lt3A_807 = arith.cmpf olt, %slice3A_804, %select_n3A_784 : vector<128x256xf32>
    %select_n3A_808 = arith.select %lt3A_807, %slice3A_804, %select_n3A_784 : vector<128x256xi1>, vector<128x256xf32>
    %select_n3A_809 = arith.select %lt3A_807, %select_n3A_784, %slice3A_804 : vector<128x256xi1>, vector<128x256xf32>
    %select_n3A_810 = arith.select %lt3A_807, %broadcast_in_dim3A_806, %select_n3A_786 : vector<128x256xi1>, vector<128x256xi32>
    %select_n3A_811 = arith.select %lt3A_807, %select_n3A_786, %broadcast_in_dim3A_806 : vector<128x256xi1>, vector<128x256xi32>
    %lt3A_812 = arith.cmpf olt, %select_n3A_809, %select_n3A_789 : vector<128x256xf32>
    %select_n3A_813 = arith.select %lt3A_812, %select_n3A_809, %select_n3A_789 : vector<128x256xi1>, vector<128x256xf32>
    %select_n3A_814 = arith.select %lt3A_812, %select_n3A_789, %select_n3A_809 : vector<128x256xi1>, vector<128x256xf32>
    %select_n3A_815 = arith.select %lt3A_812, %select_n3A_811, %select_n3A_791 : vector<128x256xi1>, vector<128x256xi32>
    %select_n3A_816 = arith.select %lt3A_812, %select_n3A_791, %select_n3A_811 : vector<128x256xi1>, vector<128x256xi32>
    %lt3A_817 = arith.cmpf olt, %select_n3A_814, %select_n3A_794 : vector<128x256xf32>
    %select_n3A_818 = arith.select %lt3A_817, %select_n3A_814, %select_n3A_794 : vector<128x256xi1>, vector<128x256xf32>
    %select_n3A_819 = arith.select %lt3A_817, %select_n3A_794, %select_n3A_814 : vector<128x256xi1>, vector<128x256xf32>
    %select_n3A_820 = arith.select %lt3A_817, %select_n3A_816, %select_n3A_796 : vector<128x256xi1>, vector<128x256xi32>
    %select_n3A_821 = arith.select %lt3A_817, %select_n3A_796, %select_n3A_816 : vector<128x256xi1>, vector<128x256xi32>
    %lt3A_822 = arith.cmpf olt, %select_n3A_819, %select_n3A_799 : vector<128x256xf32>
    %select_n3A_823 = arith.select %lt3A_822, %select_n3A_819, %select_n3A_799 : vector<128x256xi1>, vector<128x256xf32>
    %select_n3A_824 = arith.select %lt3A_822, %select_n3A_799, %select_n3A_819 : vector<128x256xi1>, vector<128x256xf32>
    %select_n3A_825 = arith.select %lt3A_822, %select_n3A_821, %select_n3A_801 : vector<128x256xi1>, vector<128x256xi32>
    %eq3A_826 = arith.cmpf oeq, %select_n3A_824, %select_n3A_823 : vector<128x256xf32>
    %or3A_827 = arith.ori %or3A_803, %eq3A_826 : vector<128x256xi1>
    %eq3A_828 = arith.cmpf oeq, %select_n3A_808, %select_n3A_813 : vector<128x256xf32>
    %or3A_829 = arith.ori %or3A_827, %eq3A_828 : vector<128x256xi1>
    %eq3A_830 = arith.cmpf oeq, %select_n3A_813, %select_n3A_818 : vector<128x256xf32>
    %or3A_831 = arith.ori %or3A_829, %eq3A_830 : vector<128x256xi1>
    %eq3A_832 = arith.cmpf oeq, %select_n3A_818, %select_n3A_823 : vector<128x256xf32>
    %or3A_833 = arith.ori %or3A_831, %eq3A_832 : vector<128x256xi1>
    %convert_element_type3A = arith.extui %or3A_833 : vector<128x256xi1> to vector<128x256xi32>
    %reduce_sum3A = vector.shape_cast %convert_element_type3A : vector<128x256xi32> to vector<1x128x256xi32>
    %reduce_sum3A_834 = arith.constant dense<0> : vector<1xi32>
    %reduce_sum3A_835 = vector.multi_reduction <add>, %reduce_sum3A, %reduce_sum3A_834 [1, 2] : vector<1x128x256xi32> to vector<1xi32>
    %reduce_sum3A_836 = vector.shape_cast %reduce_sum3A_835 : vector<1xi32> to vector<1x1x1xi32>
    %reduce_sum3A_837 = vector.extract %reduce_sum3A_836[0, 0, 0] : i32 from vector<1x1x1xi32>
    %gt3A = arith.constant 0 : i32
    %gt3A_838 = arith.cmpi sgt, %reduce_sum3A_837, %gt3A : i32
    %convert_element_type3A_839 = arith.extui %gt3A_838 : i1 to i32
    %cond3A = arith.constant 3.000000e+38 : f32
    %cond3A_840 = arith.constant 0 : i32
    %cond3A_841 = arith.cmpi ne, %convert_element_type3A_839, %cond3A_840 : i32
    %cond3A_842:8 = scf.if %cond3A_841 -> (vector<128x256xf32>, vector<128x256xf32>, vector<128x256xf32>, vector<128x256xf32>, vector<128x256xi32>, vector<128x256xi32>, vector<128x256xi32>, vector<128x256xi32>) {
      %broadcast_in_dim3A_865 = vector.broadcast %cond3A : f32 to vector<128x256xf32>
      %broadcast_in_dim3A_866 = vector.broadcast %cond3A : f32 to vector<128x256xf32>
      %broadcast_in_dim3A_867 = vector.broadcast %cond3A : f32 to vector<128x256xf32>
      %broadcast_in_dim3A_868 = vector.broadcast %cond3A : f32 to vector<128x256xf32>
      %broadcast_in_dim3A_869 = arith.constant 32 : i32
      %broadcast_in_dim3A_870 = vector.broadcast %broadcast_in_dim3A_869 : i32 to vector<128x256xi32>
      %broadcast_in_dim3A_871 = arith.constant 32 : i32
      %broadcast_in_dim3A_872 = vector.broadcast %broadcast_in_dim3A_871 : i32 to vector<128x256xi32>
      %broadcast_in_dim3A_873 = arith.constant 32 : i32
      %broadcast_in_dim3A_874 = vector.broadcast %broadcast_in_dim3A_873 : i32 to vector<128x256xi32>
      %broadcast_in_dim3A_875 = arith.constant 32 : i32
      %broadcast_in_dim3A_876 = vector.broadcast %broadcast_in_dim3A_875 : i32 to vector<128x256xi32>
      %slice3A_877 = vector.extract_strided_slice %add3A_45 {offsets = [0, 0], sizes = [128, 256], strides = [1, 1]} : vector<4096x256xf32> to vector<128x256xf32>
      %broadcast_in_dim3A_878 = arith.constant 0 : i32
      %broadcast_in_dim3A_879 = vector.broadcast %broadcast_in_dim3A_878 : i32 to vector<128x256xi32>
      %lt3A_880 = arith.cmpf olt, %slice3A_877, %broadcast_in_dim3A_865 : vector<128x256xf32>
      %eq3A_881 = arith.cmpf oeq, %slice3A_877, %broadcast_in_dim3A_865 : vector<128x256xf32>
      %lt3A_882 = arith.cmpi slt, %broadcast_in_dim3A_879, %broadcast_in_dim3A_870 : vector<128x256xi32>
      %and3A = arith.andi %eq3A_881, %lt3A_882 : vector<128x256xi1>
      %or3A_883 = arith.ori %lt3A_880, %and3A : vector<128x256xi1>
      %select_n3A_884 = arith.select %or3A_883, %slice3A_877, %broadcast_in_dim3A_865 : vector<128x256xi1>, vector<128x256xf32>
      %select_n3A_885 = arith.select %or3A_883, %broadcast_in_dim3A_865, %slice3A_877 : vector<128x256xi1>, vector<128x256xf32>
      %select_n3A_886 = arith.select %or3A_883, %broadcast_in_dim3A_879, %broadcast_in_dim3A_870 : vector<128x256xi1>, vector<128x256xi32>
      %select_n3A_887 = arith.select %or3A_883, %broadcast_in_dim3A_870, %broadcast_in_dim3A_879 : vector<128x256xi1>, vector<128x256xi32>
      %lt3A_888 = arith.cmpf olt, %select_n3A_885, %broadcast_in_dim3A_866 : vector<128x256xf32>
      %eq3A_889 = arith.cmpf oeq, %select_n3A_885, %broadcast_in_dim3A_866 : vector<128x256xf32>
      %lt3A_890 = arith.cmpi slt, %select_n3A_887, %broadcast_in_dim3A_872 : vector<128x256xi32>
      %and3A_891 = arith.andi %eq3A_889, %lt3A_890 : vector<128x256xi1>
      %or3A_892 = arith.ori %lt3A_888, %and3A_891 : vector<128x256xi1>
      %select_n3A_893 = arith.select %or3A_892, %select_n3A_885, %broadcast_in_dim3A_866 : vector<128x256xi1>, vector<128x256xf32>
      %select_n3A_894 = arith.select %or3A_892, %broadcast_in_dim3A_866, %select_n3A_885 : vector<128x256xi1>, vector<128x256xf32>
      %select_n3A_895 = arith.select %or3A_892, %select_n3A_887, %broadcast_in_dim3A_872 : vector<128x256xi1>, vector<128x256xi32>
      %select_n3A_896 = arith.select %or3A_892, %broadcast_in_dim3A_872, %select_n3A_887 : vector<128x256xi1>, vector<128x256xi32>
      %lt3A_897 = arith.cmpf olt, %select_n3A_894, %broadcast_in_dim3A_867 : vector<128x256xf32>
      %eq3A_898 = arith.cmpf oeq, %select_n3A_894, %broadcast_in_dim3A_867 : vector<128x256xf32>
      %lt3A_899 = arith.cmpi slt, %select_n3A_896, %broadcast_in_dim3A_874 : vector<128x256xi32>
      %and3A_900 = arith.andi %eq3A_898, %lt3A_899 : vector<128x256xi1>
      %or3A_901 = arith.ori %lt3A_897, %and3A_900 : vector<128x256xi1>
      %select_n3A_902 = arith.select %or3A_901, %select_n3A_894, %broadcast_in_dim3A_867 : vector<128x256xi1>, vector<128x256xf32>
      %select_n3A_903 = arith.select %or3A_901, %broadcast_in_dim3A_867, %select_n3A_894 : vector<128x256xi1>, vector<128x256xf32>
      %select_n3A_904 = arith.select %or3A_901, %select_n3A_896, %broadcast_in_dim3A_874 : vector<128x256xi1>, vector<128x256xi32>
      %select_n3A_905 = arith.select %or3A_901, %broadcast_in_dim3A_874, %select_n3A_896 : vector<128x256xi1>, vector<128x256xi32>
      %lt3A_906 = arith.cmpf olt, %select_n3A_903, %broadcast_in_dim3A_868 : vector<128x256xf32>
      %eq3A_907 = arith.cmpf oeq, %select_n3A_903, %broadcast_in_dim3A_868 : vector<128x256xf32>
      %lt3A_908 = arith.cmpi slt, %select_n3A_905, %broadcast_in_dim3A_876 : vector<128x256xi32>
      %and3A_909 = arith.andi %eq3A_907, %lt3A_908 : vector<128x256xi1>
      %or3A_910 = arith.ori %lt3A_906, %and3A_909 : vector<128x256xi1>
      %select_n3A_911 = arith.select %or3A_910, %select_n3A_903, %broadcast_in_dim3A_868 : vector<128x256xi1>, vector<128x256xf32>
      %select_n3A_912 = arith.select %or3A_910, %select_n3A_905, %broadcast_in_dim3A_876 : vector<128x256xi1>, vector<128x256xi32>
      %slice3A_913 = vector.extract_strided_slice %add3A_45 {offsets = [128, 0], sizes = [128, 256], strides = [1, 1]} : vector<4096x256xf32> to vector<128x256xf32>
      %broadcast_in_dim3A_914 = arith.constant 1 : i32
      %broadcast_in_dim3A_915 = vector.broadcast %broadcast_in_dim3A_914 : i32 to vector<128x256xi32>
      %lt3A_916 = arith.cmpf olt, %slice3A_913, %select_n3A_884 : vector<128x256xf32>
      %eq3A_917 = arith.cmpf oeq, %slice3A_913, %select_n3A_884 : vector<128x256xf32>
      %lt3A_918 = arith.cmpi slt, %broadcast_in_dim3A_915, %select_n3A_886 : vector<128x256xi32>
      %and3A_919 = arith.andi %eq3A_917, %lt3A_918 : vector<128x256xi1>
      %or3A_920 = arith.ori %lt3A_916, %and3A_919 : vector<128x256xi1>
      %select_n3A_921 = arith.select %or3A_920, %slice3A_913, %select_n3A_884 : vector<128x256xi1>, vector<128x256xf32>
      %select_n3A_922 = arith.select %or3A_920, %select_n3A_884, %slice3A_913 : vector<128x256xi1>, vector<128x256xf32>
      %select_n3A_923 = arith.select %or3A_920, %broadcast_in_dim3A_915, %select_n3A_886 : vector<128x256xi1>, vector<128x256xi32>
      %select_n3A_924 = arith.select %or3A_920, %select_n3A_886, %broadcast_in_dim3A_915 : vector<128x256xi1>, vector<128x256xi32>
      %lt3A_925 = arith.cmpf olt, %select_n3A_922, %select_n3A_893 : vector<128x256xf32>
      %eq3A_926 = arith.cmpf oeq, %select_n3A_922, %select_n3A_893 : vector<128x256xf32>
      %lt3A_927 = arith.cmpi slt, %select_n3A_924, %select_n3A_895 : vector<128x256xi32>
      %and3A_928 = arith.andi %eq3A_926, %lt3A_927 : vector<128x256xi1>
      %or3A_929 = arith.ori %lt3A_925, %and3A_928 : vector<128x256xi1>
      %select_n3A_930 = arith.select %or3A_929, %select_n3A_922, %select_n3A_893 : vector<128x256xi1>, vector<128x256xf32>
      %select_n3A_931 = arith.select %or3A_929, %select_n3A_893, %select_n3A_922 : vector<128x256xi1>, vector<128x256xf32>
      %select_n3A_932 = arith.select %or3A_929, %select_n3A_924, %select_n3A_895 : vector<128x256xi1>, vector<128x256xi32>
      %select_n3A_933 = arith.select %or3A_929, %select_n3A_895, %select_n3A_924 : vector<128x256xi1>, vector<128x256xi32>
      %lt3A_934 = arith.cmpf olt, %select_n3A_931, %select_n3A_902 : vector<128x256xf32>
      %eq3A_935 = arith.cmpf oeq, %select_n3A_931, %select_n3A_902 : vector<128x256xf32>
      %lt3A_936 = arith.cmpi slt, %select_n3A_933, %select_n3A_904 : vector<128x256xi32>
      %and3A_937 = arith.andi %eq3A_935, %lt3A_936 : vector<128x256xi1>
      %or3A_938 = arith.ori %lt3A_934, %and3A_937 : vector<128x256xi1>
      %select_n3A_939 = arith.select %or3A_938, %select_n3A_931, %select_n3A_902 : vector<128x256xi1>, vector<128x256xf32>
      %select_n3A_940 = arith.select %or3A_938, %select_n3A_902, %select_n3A_931 : vector<128x256xi1>, vector<128x256xf32>
      %select_n3A_941 = arith.select %or3A_938, %select_n3A_933, %select_n3A_904 : vector<128x256xi1>, vector<128x256xi32>
      %select_n3A_942 = arith.select %or3A_938, %select_n3A_904, %select_n3A_933 : vector<128x256xi1>, vector<128x256xi32>
      %lt3A_943 = arith.cmpf olt, %select_n3A_940, %select_n3A_911 : vector<128x256xf32>
      %eq3A_944 = arith.cmpf oeq, %select_n3A_940, %select_n3A_911 : vector<128x256xf32>
      %lt3A_945 = arith.cmpi slt, %select_n3A_942, %select_n3A_912 : vector<128x256xi32>
      %and3A_946 = arith.andi %eq3A_944, %lt3A_945 : vector<128x256xi1>
      %or3A_947 = arith.ori %lt3A_943, %and3A_946 : vector<128x256xi1>
      %select_n3A_948 = arith.select %or3A_947, %select_n3A_940, %select_n3A_911 : vector<128x256xi1>, vector<128x256xf32>
      %select_n3A_949 = arith.select %or3A_947, %select_n3A_942, %select_n3A_912 : vector<128x256xi1>, vector<128x256xi32>
      %slice3A_950 = vector.extract_strided_slice %add3A_45 {offsets = [256, 0], sizes = [128, 256], strides = [1, 1]} : vector<4096x256xf32> to vector<128x256xf32>
      %broadcast_in_dim3A_951 = arith.constant 2 : i32
      %broadcast_in_dim3A_952 = vector.broadcast %broadcast_in_dim3A_951 : i32 to vector<128x256xi32>
      %lt3A_953 = arith.cmpf olt, %slice3A_950, %select_n3A_921 : vector<128x256xf32>
      %eq3A_954 = arith.cmpf oeq, %slice3A_950, %select_n3A_921 : vector<128x256xf32>
      %lt3A_955 = arith.cmpi slt, %broadcast_in_dim3A_952, %select_n3A_923 : vector<128x256xi32>
      %and3A_956 = arith.andi %eq3A_954, %lt3A_955 : vector<128x256xi1>
      %or3A_957 = arith.ori %lt3A_953, %and3A_956 : vector<128x256xi1>
      %select_n3A_958 = arith.select %or3A_957, %slice3A_950, %select_n3A_921 : vector<128x256xi1>, vector<128x256xf32>
      %select_n3A_959 = arith.select %or3A_957, %select_n3A_921, %slice3A_950 : vector<128x256xi1>, vector<128x256xf32>
      %select_n3A_960 = arith.select %or3A_957, %broadcast_in_dim3A_952, %select_n3A_923 : vector<128x256xi1>, vector<128x256xi32>
      %select_n3A_961 = arith.select %or3A_957, %select_n3A_923, %broadcast_in_dim3A_952 : vector<128x256xi1>, vector<128x256xi32>
      %lt3A_962 = arith.cmpf olt, %select_n3A_959, %select_n3A_930 : vector<128x256xf32>
      %eq3A_963 = arith.cmpf oeq, %select_n3A_959, %select_n3A_930 : vector<128x256xf32>
      %lt3A_964 = arith.cmpi slt, %select_n3A_961, %select_n3A_932 : vector<128x256xi32>
      %and3A_965 = arith.andi %eq3A_963, %lt3A_964 : vector<128x256xi1>
      %or3A_966 = arith.ori %lt3A_962, %and3A_965 : vector<128x256xi1>
      %select_n3A_967 = arith.select %or3A_966, %select_n3A_959, %select_n3A_930 : vector<128x256xi1>, vector<128x256xf32>
      %select_n3A_968 = arith.select %or3A_966, %select_n3A_930, %select_n3A_959 : vector<128x256xi1>, vector<128x256xf32>
      %select_n3A_969 = arith.select %or3A_966, %select_n3A_961, %select_n3A_932 : vector<128x256xi1>, vector<128x256xi32>
      %select_n3A_970 = arith.select %or3A_966, %select_n3A_932, %select_n3A_961 : vector<128x256xi1>, vector<128x256xi32>
      %lt3A_971 = arith.cmpf olt, %select_n3A_968, %select_n3A_939 : vector<128x256xf32>
      %eq3A_972 = arith.cmpf oeq, %select_n3A_968, %select_n3A_939 : vector<128x256xf32>
      %lt3A_973 = arith.cmpi slt, %select_n3A_970, %select_n3A_941 : vector<128x256xi32>
      %and3A_974 = arith.andi %eq3A_972, %lt3A_973 : vector<128x256xi1>
      %or3A_975 = arith.ori %lt3A_971, %and3A_974 : vector<128x256xi1>
      %select_n3A_976 = arith.select %or3A_975, %select_n3A_968, %select_n3A_939 : vector<128x256xi1>, vector<128x256xf32>
      %select_n3A_977 = arith.select %or3A_975, %select_n3A_939, %select_n3A_968 : vector<128x256xi1>, vector<128x256xf32>
      %select_n3A_978 = arith.select %or3A_975, %select_n3A_970, %select_n3A_941 : vector<128x256xi1>, vector<128x256xi32>
      %select_n3A_979 = arith.select %or3A_975, %select_n3A_941, %select_n3A_970 : vector<128x256xi1>, vector<128x256xi32>
      %lt3A_980 = arith.cmpf olt, %select_n3A_977, %select_n3A_948 : vector<128x256xf32>
      %eq3A_981 = arith.cmpf oeq, %select_n3A_977, %select_n3A_948 : vector<128x256xf32>
      %lt3A_982 = arith.cmpi slt, %select_n3A_979, %select_n3A_949 : vector<128x256xi32>
      %and3A_983 = arith.andi %eq3A_981, %lt3A_982 : vector<128x256xi1>
      %or3A_984 = arith.ori %lt3A_980, %and3A_983 : vector<128x256xi1>
      %select_n3A_985 = arith.select %or3A_984, %select_n3A_977, %select_n3A_948 : vector<128x256xi1>, vector<128x256xf32>
      %select_n3A_986 = arith.select %or3A_984, %select_n3A_979, %select_n3A_949 : vector<128x256xi1>, vector<128x256xi32>
      %slice3A_987 = vector.extract_strided_slice %add3A_45 {offsets = [384, 0], sizes = [128, 256], strides = [1, 1]} : vector<4096x256xf32> to vector<128x256xf32>
      %broadcast_in_dim3A_988 = arith.constant 3 : i32
      %broadcast_in_dim3A_989 = vector.broadcast %broadcast_in_dim3A_988 : i32 to vector<128x256xi32>
      %lt3A_990 = arith.cmpf olt, %slice3A_987, %select_n3A_958 : vector<128x256xf32>
      %eq3A_991 = arith.cmpf oeq, %slice3A_987, %select_n3A_958 : vector<128x256xf32>
      %lt3A_992 = arith.cmpi slt, %broadcast_in_dim3A_989, %select_n3A_960 : vector<128x256xi32>
      %and3A_993 = arith.andi %eq3A_991, %lt3A_992 : vector<128x256xi1>
      %or3A_994 = arith.ori %lt3A_990, %and3A_993 : vector<128x256xi1>
      %select_n3A_995 = arith.select %or3A_994, %slice3A_987, %select_n3A_958 : vector<128x256xi1>, vector<128x256xf32>
      %select_n3A_996 = arith.select %or3A_994, %select_n3A_958, %slice3A_987 : vector<128x256xi1>, vector<128x256xf32>
      %select_n3A_997 = arith.select %or3A_994, %broadcast_in_dim3A_989, %select_n3A_960 : vector<128x256xi1>, vector<128x256xi32>
      %select_n3A_998 = arith.select %or3A_994, %select_n3A_960, %broadcast_in_dim3A_989 : vector<128x256xi1>, vector<128x256xi32>
      %lt3A_999 = arith.cmpf olt, %select_n3A_996, %select_n3A_967 : vector<128x256xf32>
      %eq3A_1000 = arith.cmpf oeq, %select_n3A_996, %select_n3A_967 : vector<128x256xf32>
      %lt3A_1001 = arith.cmpi slt, %select_n3A_998, %select_n3A_969 : vector<128x256xi32>
      %and3A_1002 = arith.andi %eq3A_1000, %lt3A_1001 : vector<128x256xi1>
      %or3A_1003 = arith.ori %lt3A_999, %and3A_1002 : vector<128x256xi1>
      %select_n3A_1004 = arith.select %or3A_1003, %select_n3A_996, %select_n3A_967 : vector<128x256xi1>, vector<128x256xf32>
      %select_n3A_1005 = arith.select %or3A_1003, %select_n3A_967, %select_n3A_996 : vector<128x256xi1>, vector<128x256xf32>
      %select_n3A_1006 = arith.select %or3A_1003, %select_n3A_998, %select_n3A_969 : vector<128x256xi1>, vector<128x256xi32>
      %select_n3A_1007 = arith.select %or3A_1003, %select_n3A_969, %select_n3A_998 : vector<128x256xi1>, vector<128x256xi32>
      %lt3A_1008 = arith.cmpf olt, %select_n3A_1005, %select_n3A_976 : vector<128x256xf32>
      %eq3A_1009 = arith.cmpf oeq, %select_n3A_1005, %select_n3A_976 : vector<128x256xf32>
      %lt3A_1010 = arith.cmpi slt, %select_n3A_1007, %select_n3A_978 : vector<128x256xi32>
      %and3A_1011 = arith.andi %eq3A_1009, %lt3A_1010 : vector<128x256xi1>
      %or3A_1012 = arith.ori %lt3A_1008, %and3A_1011 : vector<128x256xi1>
      %select_n3A_1013 = arith.select %or3A_1012, %select_n3A_1005, %select_n3A_976 : vector<128x256xi1>, vector<128x256xf32>
      %select_n3A_1014 = arith.select %or3A_1012, %select_n3A_976, %select_n3A_1005 : vector<128x256xi1>, vector<128x256xf32>
      %select_n3A_1015 = arith.select %or3A_1012, %select_n3A_1007, %select_n3A_978 : vector<128x256xi1>, vector<128x256xi32>
      %select_n3A_1016 = arith.select %or3A_1012, %select_n3A_978, %select_n3A_1007 : vector<128x256xi1>, vector<128x256xi32>
      %lt3A_1017 = arith.cmpf olt, %select_n3A_1014, %select_n3A_985 : vector<128x256xf32>
      %eq3A_1018 = arith.cmpf oeq, %select_n3A_1014, %select_n3A_985 : vector<128x256xf32>
      %lt3A_1019 = arith.cmpi slt, %select_n3A_1016, %select_n3A_986 : vector<128x256xi32>
      %and3A_1020 = arith.andi %eq3A_1018, %lt3A_1019 : vector<128x256xi1>
      %or3A_1021 = arith.ori %lt3A_1017, %and3A_1020 : vector<128x256xi1>
      %select_n3A_1022 = arith.select %or3A_1021, %select_n3A_1014, %select_n3A_985 : vector<128x256xi1>, vector<128x256xf32>
      %select_n3A_1023 = arith.select %or3A_1021, %select_n3A_1016, %select_n3A_986 : vector<128x256xi1>, vector<128x256xi32>
      %slice3A_1024 = vector.extract_strided_slice %add3A_45 {offsets = [512, 0], sizes = [128, 256], strides = [1, 1]} : vector<4096x256xf32> to vector<128x256xf32>
      %broadcast_in_dim3A_1025 = arith.constant 4 : i32
      %broadcast_in_dim3A_1026 = vector.broadcast %broadcast_in_dim3A_1025 : i32 to vector<128x256xi32>
      %lt3A_1027 = arith.cmpf olt, %slice3A_1024, %select_n3A_995 : vector<128x256xf32>
      %eq3A_1028 = arith.cmpf oeq, %slice3A_1024, %select_n3A_995 : vector<128x256xf32>
      %lt3A_1029 = arith.cmpi slt, %broadcast_in_dim3A_1026, %select_n3A_997 : vector<128x256xi32>
      %and3A_1030 = arith.andi %eq3A_1028, %lt3A_1029 : vector<128x256xi1>
      %or3A_1031 = arith.ori %lt3A_1027, %and3A_1030 : vector<128x256xi1>
      %select_n3A_1032 = arith.select %or3A_1031, %slice3A_1024, %select_n3A_995 : vector<128x256xi1>, vector<128x256xf32>
      %select_n3A_1033 = arith.select %or3A_1031, %select_n3A_995, %slice3A_1024 : vector<128x256xi1>, vector<128x256xf32>
      %select_n3A_1034 = arith.select %or3A_1031, %broadcast_in_dim3A_1026, %select_n3A_997 : vector<128x256xi1>, vector<128x256xi32>
      %select_n3A_1035 = arith.select %or3A_1031, %select_n3A_997, %broadcast_in_dim3A_1026 : vector<128x256xi1>, vector<128x256xi32>
      %lt3A_1036 = arith.cmpf olt, %select_n3A_1033, %select_n3A_1004 : vector<128x256xf32>
      %eq3A_1037 = arith.cmpf oeq, %select_n3A_1033, %select_n3A_1004 : vector<128x256xf32>
      %lt3A_1038 = arith.cmpi slt, %select_n3A_1035, %select_n3A_1006 : vector<128x256xi32>
      %and3A_1039 = arith.andi %eq3A_1037, %lt3A_1038 : vector<128x256xi1>
      %or3A_1040 = arith.ori %lt3A_1036, %and3A_1039 : vector<128x256xi1>
      %select_n3A_1041 = arith.select %or3A_1040, %select_n3A_1033, %select_n3A_1004 : vector<128x256xi1>, vector<128x256xf32>
      %select_n3A_1042 = arith.select %or3A_1040, %select_n3A_1004, %select_n3A_1033 : vector<128x256xi1>, vector<128x256xf32>
      %select_n3A_1043 = arith.select %or3A_1040, %select_n3A_1035, %select_n3A_1006 : vector<128x256xi1>, vector<128x256xi32>
      %select_n3A_1044 = arith.select %or3A_1040, %select_n3A_1006, %select_n3A_1035 : vector<128x256xi1>, vector<128x256xi32>
      %lt3A_1045 = arith.cmpf olt, %select_n3A_1042, %select_n3A_1013 : vector<128x256xf32>
      %eq3A_1046 = arith.cmpf oeq, %select_n3A_1042, %select_n3A_1013 : vector<128x256xf32>
      %lt3A_1047 = arith.cmpi slt, %select_n3A_1044, %select_n3A_1015 : vector<128x256xi32>
      %and3A_1048 = arith.andi %eq3A_1046, %lt3A_1047 : vector<128x256xi1>
      %or3A_1049 = arith.ori %lt3A_1045, %and3A_1048 : vector<128x256xi1>
      %select_n3A_1050 = arith.select %or3A_1049, %select_n3A_1042, %select_n3A_1013 : vector<128x256xi1>, vector<128x256xf32>
      %select_n3A_1051 = arith.select %or3A_1049, %select_n3A_1013, %select_n3A_1042 : vector<128x256xi1>, vector<128x256xf32>
      %select_n3A_1052 = arith.select %or3A_1049, %select_n3A_1044, %select_n3A_1015 : vector<128x256xi1>, vector<128x256xi32>
      %select_n3A_1053 = arith.select %or3A_1049, %select_n3A_1015, %select_n3A_1044 : vector<128x256xi1>, vector<128x256xi32>
      %lt3A_1054 = arith.cmpf olt, %select_n3A_1051, %select_n3A_1022 : vector<128x256xf32>
      %eq3A_1055 = arith.cmpf oeq, %select_n3A_1051, %select_n3A_1022 : vector<128x256xf32>
      %lt3A_1056 = arith.cmpi slt, %select_n3A_1053, %select_n3A_1023 : vector<128x256xi32>
      %and3A_1057 = arith.andi %eq3A_1055, %lt3A_1056 : vector<128x256xi1>
      %or3A_1058 = arith.ori %lt3A_1054, %and3A_1057 : vector<128x256xi1>
      %select_n3A_1059 = arith.select %or3A_1058, %select_n3A_1051, %select_n3A_1022 : vector<128x256xi1>, vector<128x256xf32>
      %select_n3A_1060 = arith.select %or3A_1058, %select_n3A_1053, %select_n3A_1023 : vector<128x256xi1>, vector<128x256xi32>
      %slice3A_1061 = vector.extract_strided_slice %add3A_45 {offsets = [640, 0], sizes = [128, 256], strides = [1, 1]} : vector<4096x256xf32> to vector<128x256xf32>
      %broadcast_in_dim3A_1062 = arith.constant 5 : i32
      %broadcast_in_dim3A_1063 = vector.broadcast %broadcast_in_dim3A_1062 : i32 to vector<128x256xi32>
      %lt3A_1064 = arith.cmpf olt, %slice3A_1061, %select_n3A_1032 : vector<128x256xf32>
      %eq3A_1065 = arith.cmpf oeq, %slice3A_1061, %select_n3A_1032 : vector<128x256xf32>
      %lt3A_1066 = arith.cmpi slt, %broadcast_in_dim3A_1063, %select_n3A_1034 : vector<128x256xi32>
      %and3A_1067 = arith.andi %eq3A_1065, %lt3A_1066 : vector<128x256xi1>
      %or3A_1068 = arith.ori %lt3A_1064, %and3A_1067 : vector<128x256xi1>
      %select_n3A_1069 = arith.select %or3A_1068, %slice3A_1061, %select_n3A_1032 : vector<128x256xi1>, vector<128x256xf32>
      %select_n3A_1070 = arith.select %or3A_1068, %select_n3A_1032, %slice3A_1061 : vector<128x256xi1>, vector<128x256xf32>
      %select_n3A_1071 = arith.select %or3A_1068, %broadcast_in_dim3A_1063, %select_n3A_1034 : vector<128x256xi1>, vector<128x256xi32>
      %select_n3A_1072 = arith.select %or3A_1068, %select_n3A_1034, %broadcast_in_dim3A_1063 : vector<128x256xi1>, vector<128x256xi32>
      %lt3A_1073 = arith.cmpf olt, %select_n3A_1070, %select_n3A_1041 : vector<128x256xf32>
      %eq3A_1074 = arith.cmpf oeq, %select_n3A_1070, %select_n3A_1041 : vector<128x256xf32>
      %lt3A_1075 = arith.cmpi slt, %select_n3A_1072, %select_n3A_1043 : vector<128x256xi32>
      %and3A_1076 = arith.andi %eq3A_1074, %lt3A_1075 : vector<128x256xi1>
      %or3A_1077 = arith.ori %lt3A_1073, %and3A_1076 : vector<128x256xi1>
      %select_n3A_1078 = arith.select %or3A_1077, %select_n3A_1070, %select_n3A_1041 : vector<128x256xi1>, vector<128x256xf32>
      %select_n3A_1079 = arith.select %or3A_1077, %select_n3A_1041, %select_n3A_1070 : vector<128x256xi1>, vector<128x256xf32>
      %select_n3A_1080 = arith.select %or3A_1077, %select_n3A_1072, %select_n3A_1043 : vector<128x256xi1>, vector<128x256xi32>
      %select_n3A_1081 = arith.select %or3A_1077, %select_n3A_1043, %select_n3A_1072 : vector<128x256xi1>, vector<128x256xi32>
      %lt3A_1082 = arith.cmpf olt, %select_n3A_1079, %select_n3A_1050 : vector<128x256xf32>
      %eq3A_1083 = arith.cmpf oeq, %select_n3A_1079, %select_n3A_1050 : vector<128x256xf32>
      %lt3A_1084 = arith.cmpi slt, %select_n3A_1081, %select_n3A_1052 : vector<128x256xi32>
      %and3A_1085 = arith.andi %eq3A_1083, %lt3A_1084 : vector<128x256xi1>
      %or3A_1086 = arith.ori %lt3A_1082, %and3A_1085 : vector<128x256xi1>
      %select_n3A_1087 = arith.select %or3A_1086, %select_n3A_1079, %select_n3A_1050 : vector<128x256xi1>, vector<128x256xf32>
      %select_n3A_1088 = arith.select %or3A_1086, %select_n3A_1050, %select_n3A_1079 : vector<128x256xi1>, vector<128x256xf32>
      %select_n3A_1089 = arith.select %or3A_1086, %select_n3A_1081, %select_n3A_1052 : vector<128x256xi1>, vector<128x256xi32>
      %select_n3A_1090 = arith.select %or3A_1086, %select_n3A_1052, %select_n3A_1081 : vector<128x256xi1>, vector<128x256xi32>
      %lt3A_1091 = arith.cmpf olt, %select_n3A_1088, %select_n3A_1059 : vector<128x256xf32>
      %eq3A_1092 = arith.cmpf oeq, %select_n3A_1088, %select_n3A_1059 : vector<128x256xf32>
      %lt3A_1093 = arith.cmpi slt, %select_n3A_1090, %select_n3A_1060 : vector<128x256xi32>
      %and3A_1094 = arith.andi %eq3A_1092, %lt3A_1093 : vector<128x256xi1>
      %or3A_1095 = arith.ori %lt3A_1091, %and3A_1094 : vector<128x256xi1>
      %select_n3A_1096 = arith.select %or3A_1095, %select_n3A_1088, %select_n3A_1059 : vector<128x256xi1>, vector<128x256xf32>
      %select_n3A_1097 = arith.select %or3A_1095, %select_n3A_1090, %select_n3A_1060 : vector<128x256xi1>, vector<128x256xi32>
      %slice3A_1098 = vector.extract_strided_slice %add3A_45 {offsets = [768, 0], sizes = [128, 256], strides = [1, 1]} : vector<4096x256xf32> to vector<128x256xf32>
      %broadcast_in_dim3A_1099 = arith.constant 6 : i32
      %broadcast_in_dim3A_1100 = vector.broadcast %broadcast_in_dim3A_1099 : i32 to vector<128x256xi32>
      %lt3A_1101 = arith.cmpf olt, %slice3A_1098, %select_n3A_1069 : vector<128x256xf32>
      %eq3A_1102 = arith.cmpf oeq, %slice3A_1098, %select_n3A_1069 : vector<128x256xf32>
      %lt3A_1103 = arith.cmpi slt, %broadcast_in_dim3A_1100, %select_n3A_1071 : vector<128x256xi32>
      %and3A_1104 = arith.andi %eq3A_1102, %lt3A_1103 : vector<128x256xi1>
      %or3A_1105 = arith.ori %lt3A_1101, %and3A_1104 : vector<128x256xi1>
      %select_n3A_1106 = arith.select %or3A_1105, %slice3A_1098, %select_n3A_1069 : vector<128x256xi1>, vector<128x256xf32>
      %select_n3A_1107 = arith.select %or3A_1105, %select_n3A_1069, %slice3A_1098 : vector<128x256xi1>, vector<128x256xf32>
      %select_n3A_1108 = arith.select %or3A_1105, %broadcast_in_dim3A_1100, %select_n3A_1071 : vector<128x256xi1>, vector<128x256xi32>
      %select_n3A_1109 = arith.select %or3A_1105, %select_n3A_1071, %broadcast_in_dim3A_1100 : vector<128x256xi1>, vector<128x256xi32>
      %lt3A_1110 = arith.cmpf olt, %select_n3A_1107, %select_n3A_1078 : vector<128x256xf32>
      %eq3A_1111 = arith.cmpf oeq, %select_n3A_1107, %select_n3A_1078 : vector<128x256xf32>
      %lt3A_1112 = arith.cmpi slt, %select_n3A_1109, %select_n3A_1080 : vector<128x256xi32>
      %and3A_1113 = arith.andi %eq3A_1111, %lt3A_1112 : vector<128x256xi1>
      %or3A_1114 = arith.ori %lt3A_1110, %and3A_1113 : vector<128x256xi1>
      %select_n3A_1115 = arith.select %or3A_1114, %select_n3A_1107, %select_n3A_1078 : vector<128x256xi1>, vector<128x256xf32>
      %select_n3A_1116 = arith.select %or3A_1114, %select_n3A_1078, %select_n3A_1107 : vector<128x256xi1>, vector<128x256xf32>
      %select_n3A_1117 = arith.select %or3A_1114, %select_n3A_1109, %select_n3A_1080 : vector<128x256xi1>, vector<128x256xi32>
      %select_n3A_1118 = arith.select %or3A_1114, %select_n3A_1080, %select_n3A_1109 : vector<128x256xi1>, vector<128x256xi32>
      %lt3A_1119 = arith.cmpf olt, %select_n3A_1116, %select_n3A_1087 : vector<128x256xf32>
      %eq3A_1120 = arith.cmpf oeq, %select_n3A_1116, %select_n3A_1087 : vector<128x256xf32>
      %lt3A_1121 = arith.cmpi slt, %select_n3A_1118, %select_n3A_1089 : vector<128x256xi32>
      %and3A_1122 = arith.andi %eq3A_1120, %lt3A_1121 : vector<128x256xi1>
      %or3A_1123 = arith.ori %lt3A_1119, %and3A_1122 : vector<128x256xi1>
      %select_n3A_1124 = arith.select %or3A_1123, %select_n3A_1116, %select_n3A_1087 : vector<128x256xi1>, vector<128x256xf32>
      %select_n3A_1125 = arith.select %or3A_1123, %select_n3A_1087, %select_n3A_1116 : vector<128x256xi1>, vector<128x256xf32>
      %select_n3A_1126 = arith.select %or3A_1123, %select_n3A_1118, %select_n3A_1089 : vector<128x256xi1>, vector<128x256xi32>
      %select_n3A_1127 = arith.select %or3A_1123, %select_n3A_1089, %select_n3A_1118 : vector<128x256xi1>, vector<128x256xi32>
      %lt3A_1128 = arith.cmpf olt, %select_n3A_1125, %select_n3A_1096 : vector<128x256xf32>
      %eq3A_1129 = arith.cmpf oeq, %select_n3A_1125, %select_n3A_1096 : vector<128x256xf32>
      %lt3A_1130 = arith.cmpi slt, %select_n3A_1127, %select_n3A_1097 : vector<128x256xi32>
      %and3A_1131 = arith.andi %eq3A_1129, %lt3A_1130 : vector<128x256xi1>
      %or3A_1132 = arith.ori %lt3A_1128, %and3A_1131 : vector<128x256xi1>
      %select_n3A_1133 = arith.select %or3A_1132, %select_n3A_1125, %select_n3A_1096 : vector<128x256xi1>, vector<128x256xf32>
      %select_n3A_1134 = arith.select %or3A_1132, %select_n3A_1127, %select_n3A_1097 : vector<128x256xi1>, vector<128x256xi32>
      %slice3A_1135 = vector.extract_strided_slice %add3A_45 {offsets = [896, 0], sizes = [128, 256], strides = [1, 1]} : vector<4096x256xf32> to vector<128x256xf32>
      %broadcast_in_dim3A_1136 = arith.constant 7 : i32
      %broadcast_in_dim3A_1137 = vector.broadcast %broadcast_in_dim3A_1136 : i32 to vector<128x256xi32>
      %lt3A_1138 = arith.cmpf olt, %slice3A_1135, %select_n3A_1106 : vector<128x256xf32>
      %eq3A_1139 = arith.cmpf oeq, %slice3A_1135, %select_n3A_1106 : vector<128x256xf32>
      %lt3A_1140 = arith.cmpi slt, %broadcast_in_dim3A_1137, %select_n3A_1108 : vector<128x256xi32>
      %and3A_1141 = arith.andi %eq3A_1139, %lt3A_1140 : vector<128x256xi1>
      %or3A_1142 = arith.ori %lt3A_1138, %and3A_1141 : vector<128x256xi1>
      %select_n3A_1143 = arith.select %or3A_1142, %slice3A_1135, %select_n3A_1106 : vector<128x256xi1>, vector<128x256xf32>
      %select_n3A_1144 = arith.select %or3A_1142, %select_n3A_1106, %slice3A_1135 : vector<128x256xi1>, vector<128x256xf32>
      %select_n3A_1145 = arith.select %or3A_1142, %broadcast_in_dim3A_1137, %select_n3A_1108 : vector<128x256xi1>, vector<128x256xi32>
      %select_n3A_1146 = arith.select %or3A_1142, %select_n3A_1108, %broadcast_in_dim3A_1137 : vector<128x256xi1>, vector<128x256xi32>
      %lt3A_1147 = arith.cmpf olt, %select_n3A_1144, %select_n3A_1115 : vector<128x256xf32>
      %eq3A_1148 = arith.cmpf oeq, %select_n3A_1144, %select_n3A_1115 : vector<128x256xf32>
      %lt3A_1149 = arith.cmpi slt, %select_n3A_1146, %select_n3A_1117 : vector<128x256xi32>
      %and3A_1150 = arith.andi %eq3A_1148, %lt3A_1149 : vector<128x256xi1>
      %or3A_1151 = arith.ori %lt3A_1147, %and3A_1150 : vector<128x256xi1>
      %select_n3A_1152 = arith.select %or3A_1151, %select_n3A_1144, %select_n3A_1115 : vector<128x256xi1>, vector<128x256xf32>
      %select_n3A_1153 = arith.select %or3A_1151, %select_n3A_1115, %select_n3A_1144 : vector<128x256xi1>, vector<128x256xf32>
      %select_n3A_1154 = arith.select %or3A_1151, %select_n3A_1146, %select_n3A_1117 : vector<128x256xi1>, vector<128x256xi32>
      %select_n3A_1155 = arith.select %or3A_1151, %select_n3A_1117, %select_n3A_1146 : vector<128x256xi1>, vector<128x256xi32>
      %lt3A_1156 = arith.cmpf olt, %select_n3A_1153, %select_n3A_1124 : vector<128x256xf32>
      %eq3A_1157 = arith.cmpf oeq, %select_n3A_1153, %select_n3A_1124 : vector<128x256xf32>
      %lt3A_1158 = arith.cmpi slt, %select_n3A_1155, %select_n3A_1126 : vector<128x256xi32>
      %and3A_1159 = arith.andi %eq3A_1157, %lt3A_1158 : vector<128x256xi1>
      %or3A_1160 = arith.ori %lt3A_1156, %and3A_1159 : vector<128x256xi1>
      %select_n3A_1161 = arith.select %or3A_1160, %select_n3A_1153, %select_n3A_1124 : vector<128x256xi1>, vector<128x256xf32>
      %select_n3A_1162 = arith.select %or3A_1160, %select_n3A_1124, %select_n3A_1153 : vector<128x256xi1>, vector<128x256xf32>
      %select_n3A_1163 = arith.select %or3A_1160, %select_n3A_1155, %select_n3A_1126 : vector<128x256xi1>, vector<128x256xi32>
      %select_n3A_1164 = arith.select %or3A_1160, %select_n3A_1126, %select_n3A_1155 : vector<128x256xi1>, vector<128x256xi32>
      %lt3A_1165 = arith.cmpf olt, %select_n3A_1162, %select_n3A_1133 : vector<128x256xf32>
      %eq3A_1166 = arith.cmpf oeq, %select_n3A_1162, %select_n3A_1133 : vector<128x256xf32>
      %lt3A_1167 = arith.cmpi slt, %select_n3A_1164, %select_n3A_1134 : vector<128x256xi32>
      %and3A_1168 = arith.andi %eq3A_1166, %lt3A_1167 : vector<128x256xi1>
      %or3A_1169 = arith.ori %lt3A_1165, %and3A_1168 : vector<128x256xi1>
      %select_n3A_1170 = arith.select %or3A_1169, %select_n3A_1162, %select_n3A_1133 : vector<128x256xi1>, vector<128x256xf32>
      %select_n3A_1171 = arith.select %or3A_1169, %select_n3A_1164, %select_n3A_1134 : vector<128x256xi1>, vector<128x256xi32>
      %slice3A_1172 = vector.extract_strided_slice %add3A_45 {offsets = [1024, 0], sizes = [128, 256], strides = [1, 1]} : vector<4096x256xf32> to vector<128x256xf32>
      %broadcast_in_dim3A_1173 = arith.constant 8 : i32
      %broadcast_in_dim3A_1174 = vector.broadcast %broadcast_in_dim3A_1173 : i32 to vector<128x256xi32>
      %lt3A_1175 = arith.cmpf olt, %slice3A_1172, %select_n3A_1143 : vector<128x256xf32>
      %eq3A_1176 = arith.cmpf oeq, %slice3A_1172, %select_n3A_1143 : vector<128x256xf32>
      %lt3A_1177 = arith.cmpi slt, %broadcast_in_dim3A_1174, %select_n3A_1145 : vector<128x256xi32>
      %and3A_1178 = arith.andi %eq3A_1176, %lt3A_1177 : vector<128x256xi1>
      %or3A_1179 = arith.ori %lt3A_1175, %and3A_1178 : vector<128x256xi1>
      %select_n3A_1180 = arith.select %or3A_1179, %slice3A_1172, %select_n3A_1143 : vector<128x256xi1>, vector<128x256xf32>
      %select_n3A_1181 = arith.select %or3A_1179, %select_n3A_1143, %slice3A_1172 : vector<128x256xi1>, vector<128x256xf32>
      %select_n3A_1182 = arith.select %or3A_1179, %broadcast_in_dim3A_1174, %select_n3A_1145 : vector<128x256xi1>, vector<128x256xi32>
      %select_n3A_1183 = arith.select %or3A_1179, %select_n3A_1145, %broadcast_in_dim3A_1174 : vector<128x256xi1>, vector<128x256xi32>
      %lt3A_1184 = arith.cmpf olt, %select_n3A_1181, %select_n3A_1152 : vector<128x256xf32>
      %eq3A_1185 = arith.cmpf oeq, %select_n3A_1181, %select_n3A_1152 : vector<128x256xf32>
      %lt3A_1186 = arith.cmpi slt, %select_n3A_1183, %select_n3A_1154 : vector<128x256xi32>
      %and3A_1187 = arith.andi %eq3A_1185, %lt3A_1186 : vector<128x256xi1>
      %or3A_1188 = arith.ori %lt3A_1184, %and3A_1187 : vector<128x256xi1>
      %select_n3A_1189 = arith.select %or3A_1188, %select_n3A_1181, %select_n3A_1152 : vector<128x256xi1>, vector<128x256xf32>
      %select_n3A_1190 = arith.select %or3A_1188, %select_n3A_1152, %select_n3A_1181 : vector<128x256xi1>, vector<128x256xf32>
      %select_n3A_1191 = arith.select %or3A_1188, %select_n3A_1183, %select_n3A_1154 : vector<128x256xi1>, vector<128x256xi32>
      %select_n3A_1192 = arith.select %or3A_1188, %select_n3A_1154, %select_n3A_1183 : vector<128x256xi1>, vector<128x256xi32>
      %lt3A_1193 = arith.cmpf olt, %select_n3A_1190, %select_n3A_1161 : vector<128x256xf32>
      %eq3A_1194 = arith.cmpf oeq, %select_n3A_1190, %select_n3A_1161 : vector<128x256xf32>
      %lt3A_1195 = arith.cmpi slt, %select_n3A_1192, %select_n3A_1163 : vector<128x256xi32>
      %and3A_1196 = arith.andi %eq3A_1194, %lt3A_1195 : vector<128x256xi1>
      %or3A_1197 = arith.ori %lt3A_1193, %and3A_1196 : vector<128x256xi1>
      %select_n3A_1198 = arith.select %or3A_1197, %select_n3A_1190, %select_n3A_1161 : vector<128x256xi1>, vector<128x256xf32>
      %select_n3A_1199 = arith.select %or3A_1197, %select_n3A_1161, %select_n3A_1190 : vector<128x256xi1>, vector<128x256xf32>
      %select_n3A_1200 = arith.select %or3A_1197, %select_n3A_1192, %select_n3A_1163 : vector<128x256xi1>, vector<128x256xi32>
      %select_n3A_1201 = arith.select %or3A_1197, %select_n3A_1163, %select_n3A_1192 : vector<128x256xi1>, vector<128x256xi32>
      %lt3A_1202 = arith.cmpf olt, %select_n3A_1199, %select_n3A_1170 : vector<128x256xf32>
      %eq3A_1203 = arith.cmpf oeq, %select_n3A_1199, %select_n3A_1170 : vector<128x256xf32>
      %lt3A_1204 = arith.cmpi slt, %select_n3A_1201, %select_n3A_1171 : vector<128x256xi32>
      %and3A_1205 = arith.andi %eq3A_1203, %lt3A_1204 : vector<128x256xi1>
      %or3A_1206 = arith.ori %lt3A_1202, %and3A_1205 : vector<128x256xi1>
      %select_n3A_1207 = arith.select %or3A_1206, %select_n3A_1199, %select_n3A_1170 : vector<128x256xi1>, vector<128x256xf32>
      %select_n3A_1208 = arith.select %or3A_1206, %select_n3A_1201, %select_n3A_1171 : vector<128x256xi1>, vector<128x256xi32>
      %slice3A_1209 = vector.extract_strided_slice %add3A_45 {offsets = [1152, 0], sizes = [128, 256], strides = [1, 1]} : vector<4096x256xf32> to vector<128x256xf32>
      %broadcast_in_dim3A_1210 = arith.constant 9 : i32
      %broadcast_in_dim3A_1211 = vector.broadcast %broadcast_in_dim3A_1210 : i32 to vector<128x256xi32>
      %lt3A_1212 = arith.cmpf olt, %slice3A_1209, %select_n3A_1180 : vector<128x256xf32>
      %eq3A_1213 = arith.cmpf oeq, %slice3A_1209, %select_n3A_1180 : vector<128x256xf32>
      %lt3A_1214 = arith.cmpi slt, %broadcast_in_dim3A_1211, %select_n3A_1182 : vector<128x256xi32>
      %and3A_1215 = arith.andi %eq3A_1213, %lt3A_1214 : vector<128x256xi1>
      %or3A_1216 = arith.ori %lt3A_1212, %and3A_1215 : vector<128x256xi1>
      %select_n3A_1217 = arith.select %or3A_1216, %slice3A_1209, %select_n3A_1180 : vector<128x256xi1>, vector<128x256xf32>
      %select_n3A_1218 = arith.select %or3A_1216, %select_n3A_1180, %slice3A_1209 : vector<128x256xi1>, vector<128x256xf32>
      %select_n3A_1219 = arith.select %or3A_1216, %broadcast_in_dim3A_1211, %select_n3A_1182 : vector<128x256xi1>, vector<128x256xi32>
      %select_n3A_1220 = arith.select %or3A_1216, %select_n3A_1182, %broadcast_in_dim3A_1211 : vector<128x256xi1>, vector<128x256xi32>
      %lt3A_1221 = arith.cmpf olt, %select_n3A_1218, %select_n3A_1189 : vector<128x256xf32>
      %eq3A_1222 = arith.cmpf oeq, %select_n3A_1218, %select_n3A_1189 : vector<128x256xf32>
      %lt3A_1223 = arith.cmpi slt, %select_n3A_1220, %select_n3A_1191 : vector<128x256xi32>
      %and3A_1224 = arith.andi %eq3A_1222, %lt3A_1223 : vector<128x256xi1>
      %or3A_1225 = arith.ori %lt3A_1221, %and3A_1224 : vector<128x256xi1>
      %select_n3A_1226 = arith.select %or3A_1225, %select_n3A_1218, %select_n3A_1189 : vector<128x256xi1>, vector<128x256xf32>
      %select_n3A_1227 = arith.select %or3A_1225, %select_n3A_1189, %select_n3A_1218 : vector<128x256xi1>, vector<128x256xf32>
      %select_n3A_1228 = arith.select %or3A_1225, %select_n3A_1220, %select_n3A_1191 : vector<128x256xi1>, vector<128x256xi32>
      %select_n3A_1229 = arith.select %or3A_1225, %select_n3A_1191, %select_n3A_1220 : vector<128x256xi1>, vector<128x256xi32>
      %lt3A_1230 = arith.cmpf olt, %select_n3A_1227, %select_n3A_1198 : vector<128x256xf32>
      %eq3A_1231 = arith.cmpf oeq, %select_n3A_1227, %select_n3A_1198 : vector<128x256xf32>
      %lt3A_1232 = arith.cmpi slt, %select_n3A_1229, %select_n3A_1200 : vector<128x256xi32>
      %and3A_1233 = arith.andi %eq3A_1231, %lt3A_1232 : vector<128x256xi1>
      %or3A_1234 = arith.ori %lt3A_1230, %and3A_1233 : vector<128x256xi1>
      %select_n3A_1235 = arith.select %or3A_1234, %select_n3A_1227, %select_n3A_1198 : vector<128x256xi1>, vector<128x256xf32>
      %select_n3A_1236 = arith.select %or3A_1234, %select_n3A_1198, %select_n3A_1227 : vector<128x256xi1>, vector<128x256xf32>
      %select_n3A_1237 = arith.select %or3A_1234, %select_n3A_1229, %select_n3A_1200 : vector<128x256xi1>, vector<128x256xi32>
      %select_n3A_1238 = arith.select %or3A_1234, %select_n3A_1200, %select_n3A_1229 : vector<128x256xi1>, vector<128x256xi32>
      %lt3A_1239 = arith.cmpf olt, %select_n3A_1236, %select_n3A_1207 : vector<128x256xf32>
      %eq3A_1240 = arith.cmpf oeq, %select_n3A_1236, %select_n3A_1207 : vector<128x256xf32>
      %lt3A_1241 = arith.cmpi slt, %select_n3A_1238, %select_n3A_1208 : vector<128x256xi32>
      %and3A_1242 = arith.andi %eq3A_1240, %lt3A_1241 : vector<128x256xi1>
      %or3A_1243 = arith.ori %lt3A_1239, %and3A_1242 : vector<128x256xi1>
      %select_n3A_1244 = arith.select %or3A_1243, %select_n3A_1236, %select_n3A_1207 : vector<128x256xi1>, vector<128x256xf32>
      %select_n3A_1245 = arith.select %or3A_1243, %select_n3A_1238, %select_n3A_1208 : vector<128x256xi1>, vector<128x256xi32>
      %slice3A_1246 = vector.extract_strided_slice %add3A_45 {offsets = [1280, 0], sizes = [128, 256], strides = [1, 1]} : vector<4096x256xf32> to vector<128x256xf32>
      %broadcast_in_dim3A_1247 = arith.constant 10 : i32
      %broadcast_in_dim3A_1248 = vector.broadcast %broadcast_in_dim3A_1247 : i32 to vector<128x256xi32>
      %lt3A_1249 = arith.cmpf olt, %slice3A_1246, %select_n3A_1217 : vector<128x256xf32>
      %eq3A_1250 = arith.cmpf oeq, %slice3A_1246, %select_n3A_1217 : vector<128x256xf32>
      %lt3A_1251 = arith.cmpi slt, %broadcast_in_dim3A_1248, %select_n3A_1219 : vector<128x256xi32>
      %and3A_1252 = arith.andi %eq3A_1250, %lt3A_1251 : vector<128x256xi1>
      %or3A_1253 = arith.ori %lt3A_1249, %and3A_1252 : vector<128x256xi1>
      %select_n3A_1254 = arith.select %or3A_1253, %slice3A_1246, %select_n3A_1217 : vector<128x256xi1>, vector<128x256xf32>
      %select_n3A_1255 = arith.select %or3A_1253, %select_n3A_1217, %slice3A_1246 : vector<128x256xi1>, vector<128x256xf32>
      %select_n3A_1256 = arith.select %or3A_1253, %broadcast_in_dim3A_1248, %select_n3A_1219 : vector<128x256xi1>, vector<128x256xi32>
      %select_n3A_1257 = arith.select %or3A_1253, %select_n3A_1219, %broadcast_in_dim3A_1248 : vector<128x256xi1>, vector<128x256xi32>
      %lt3A_1258 = arith.cmpf olt, %select_n3A_1255, %select_n3A_1226 : vector<128x256xf32>
      %eq3A_1259 = arith.cmpf oeq, %select_n3A_1255, %select_n3A_1226 : vector<128x256xf32>
      %lt3A_1260 = arith.cmpi slt, %select_n3A_1257, %select_n3A_1228 : vector<128x256xi32>
      %and3A_1261 = arith.andi %eq3A_1259, %lt3A_1260 : vector<128x256xi1>
      %or3A_1262 = arith.ori %lt3A_1258, %and3A_1261 : vector<128x256xi1>
      %select_n3A_1263 = arith.select %or3A_1262, %select_n3A_1255, %select_n3A_1226 : vector<128x256xi1>, vector<128x256xf32>
      %select_n3A_1264 = arith.select %or3A_1262, %select_n3A_1226, %select_n3A_1255 : vector<128x256xi1>, vector<128x256xf32>
      %select_n3A_1265 = arith.select %or3A_1262, %select_n3A_1257, %select_n3A_1228 : vector<128x256xi1>, vector<128x256xi32>
      %select_n3A_1266 = arith.select %or3A_1262, %select_n3A_1228, %select_n3A_1257 : vector<128x256xi1>, vector<128x256xi32>
      %lt3A_1267 = arith.cmpf olt, %select_n3A_1264, %select_n3A_1235 : vector<128x256xf32>
      %eq3A_1268 = arith.cmpf oeq, %select_n3A_1264, %select_n3A_1235 : vector<128x256xf32>
      %lt3A_1269 = arith.cmpi slt, %select_n3A_1266, %select_n3A_1237 : vector<128x256xi32>
      %and3A_1270 = arith.andi %eq3A_1268, %lt3A_1269 : vector<128x256xi1>
      %or3A_1271 = arith.ori %lt3A_1267, %and3A_1270 : vector<128x256xi1>
      %select_n3A_1272 = arith.select %or3A_1271, %select_n3A_1264, %select_n3A_1235 : vector<128x256xi1>, vector<128x256xf32>
      %select_n3A_1273 = arith.select %or3A_1271, %select_n3A_1235, %select_n3A_1264 : vector<128x256xi1>, vector<128x256xf32>
      %select_n3A_1274 = arith.select %or3A_1271, %select_n3A_1266, %select_n3A_1237 : vector<128x256xi1>, vector<128x256xi32>
      %select_n3A_1275 = arith.select %or3A_1271, %select_n3A_1237, %select_n3A_1266 : vector<128x256xi1>, vector<128x256xi32>
      %lt3A_1276 = arith.cmpf olt, %select_n3A_1273, %select_n3A_1244 : vector<128x256xf32>
      %eq3A_1277 = arith.cmpf oeq, %select_n3A_1273, %select_n3A_1244 : vector<128x256xf32>
      %lt3A_1278 = arith.cmpi slt, %select_n3A_1275, %select_n3A_1245 : vector<128x256xi32>
      %and3A_1279 = arith.andi %eq3A_1277, %lt3A_1278 : vector<128x256xi1>
      %or3A_1280 = arith.ori %lt3A_1276, %and3A_1279 : vector<128x256xi1>
      %select_n3A_1281 = arith.select %or3A_1280, %select_n3A_1273, %select_n3A_1244 : vector<128x256xi1>, vector<128x256xf32>
      %select_n3A_1282 = arith.select %or3A_1280, %select_n3A_1275, %select_n3A_1245 : vector<128x256xi1>, vector<128x256xi32>
      %slice3A_1283 = vector.extract_strided_slice %add3A_45 {offsets = [1408, 0], sizes = [128, 256], strides = [1, 1]} : vector<4096x256xf32> to vector<128x256xf32>
      %broadcast_in_dim3A_1284 = arith.constant 11 : i32
      %broadcast_in_dim3A_1285 = vector.broadcast %broadcast_in_dim3A_1284 : i32 to vector<128x256xi32>
      %lt3A_1286 = arith.cmpf olt, %slice3A_1283, %select_n3A_1254 : vector<128x256xf32>
      %eq3A_1287 = arith.cmpf oeq, %slice3A_1283, %select_n3A_1254 : vector<128x256xf32>
      %lt3A_1288 = arith.cmpi slt, %broadcast_in_dim3A_1285, %select_n3A_1256 : vector<128x256xi32>
      %and3A_1289 = arith.andi %eq3A_1287, %lt3A_1288 : vector<128x256xi1>
      %or3A_1290 = arith.ori %lt3A_1286, %and3A_1289 : vector<128x256xi1>
      %select_n3A_1291 = arith.select %or3A_1290, %slice3A_1283, %select_n3A_1254 : vector<128x256xi1>, vector<128x256xf32>
      %select_n3A_1292 = arith.select %or3A_1290, %select_n3A_1254, %slice3A_1283 : vector<128x256xi1>, vector<128x256xf32>
      %select_n3A_1293 = arith.select %or3A_1290, %broadcast_in_dim3A_1285, %select_n3A_1256 : vector<128x256xi1>, vector<128x256xi32>
      %select_n3A_1294 = arith.select %or3A_1290, %select_n3A_1256, %broadcast_in_dim3A_1285 : vector<128x256xi1>, vector<128x256xi32>
      %lt3A_1295 = arith.cmpf olt, %select_n3A_1292, %select_n3A_1263 : vector<128x256xf32>
      %eq3A_1296 = arith.cmpf oeq, %select_n3A_1292, %select_n3A_1263 : vector<128x256xf32>
      %lt3A_1297 = arith.cmpi slt, %select_n3A_1294, %select_n3A_1265 : vector<128x256xi32>
      %and3A_1298 = arith.andi %eq3A_1296, %lt3A_1297 : vector<128x256xi1>
      %or3A_1299 = arith.ori %lt3A_1295, %and3A_1298 : vector<128x256xi1>
      %select_n3A_1300 = arith.select %or3A_1299, %select_n3A_1292, %select_n3A_1263 : vector<128x256xi1>, vector<128x256xf32>
      %select_n3A_1301 = arith.select %or3A_1299, %select_n3A_1263, %select_n3A_1292 : vector<128x256xi1>, vector<128x256xf32>
      %select_n3A_1302 = arith.select %or3A_1299, %select_n3A_1294, %select_n3A_1265 : vector<128x256xi1>, vector<128x256xi32>
      %select_n3A_1303 = arith.select %or3A_1299, %select_n3A_1265, %select_n3A_1294 : vector<128x256xi1>, vector<128x256xi32>
      %lt3A_1304 = arith.cmpf olt, %select_n3A_1301, %select_n3A_1272 : vector<128x256xf32>
      %eq3A_1305 = arith.cmpf oeq, %select_n3A_1301, %select_n3A_1272 : vector<128x256xf32>
      %lt3A_1306 = arith.cmpi slt, %select_n3A_1303, %select_n3A_1274 : vector<128x256xi32>
      %and3A_1307 = arith.andi %eq3A_1305, %lt3A_1306 : vector<128x256xi1>
      %or3A_1308 = arith.ori %lt3A_1304, %and3A_1307 : vector<128x256xi1>
      %select_n3A_1309 = arith.select %or3A_1308, %select_n3A_1301, %select_n3A_1272 : vector<128x256xi1>, vector<128x256xf32>
      %select_n3A_1310 = arith.select %or3A_1308, %select_n3A_1272, %select_n3A_1301 : vector<128x256xi1>, vector<128x256xf32>
      %select_n3A_1311 = arith.select %or3A_1308, %select_n3A_1303, %select_n3A_1274 : vector<128x256xi1>, vector<128x256xi32>
      %select_n3A_1312 = arith.select %or3A_1308, %select_n3A_1274, %select_n3A_1303 : vector<128x256xi1>, vector<128x256xi32>
      %lt3A_1313 = arith.cmpf olt, %select_n3A_1310, %select_n3A_1281 : vector<128x256xf32>
      %eq3A_1314 = arith.cmpf oeq, %select_n3A_1310, %select_n3A_1281 : vector<128x256xf32>
      %lt3A_1315 = arith.cmpi slt, %select_n3A_1312, %select_n3A_1282 : vector<128x256xi32>
      %and3A_1316 = arith.andi %eq3A_1314, %lt3A_1315 : vector<128x256xi1>
      %or3A_1317 = arith.ori %lt3A_1313, %and3A_1316 : vector<128x256xi1>
      %select_n3A_1318 = arith.select %or3A_1317, %select_n3A_1310, %select_n3A_1281 : vector<128x256xi1>, vector<128x256xf32>
      %select_n3A_1319 = arith.select %or3A_1317, %select_n3A_1312, %select_n3A_1282 : vector<128x256xi1>, vector<128x256xi32>
      %slice3A_1320 = vector.extract_strided_slice %add3A_45 {offsets = [1536, 0], sizes = [128, 256], strides = [1, 1]} : vector<4096x256xf32> to vector<128x256xf32>
      %broadcast_in_dim3A_1321 = arith.constant 12 : i32
      %broadcast_in_dim3A_1322 = vector.broadcast %broadcast_in_dim3A_1321 : i32 to vector<128x256xi32>
      %lt3A_1323 = arith.cmpf olt, %slice3A_1320, %select_n3A_1291 : vector<128x256xf32>
      %eq3A_1324 = arith.cmpf oeq, %slice3A_1320, %select_n3A_1291 : vector<128x256xf32>
      %lt3A_1325 = arith.cmpi slt, %broadcast_in_dim3A_1322, %select_n3A_1293 : vector<128x256xi32>
      %and3A_1326 = arith.andi %eq3A_1324, %lt3A_1325 : vector<128x256xi1>
      %or3A_1327 = arith.ori %lt3A_1323, %and3A_1326 : vector<128x256xi1>
      %select_n3A_1328 = arith.select %or3A_1327, %slice3A_1320, %select_n3A_1291 : vector<128x256xi1>, vector<128x256xf32>
      %select_n3A_1329 = arith.select %or3A_1327, %select_n3A_1291, %slice3A_1320 : vector<128x256xi1>, vector<128x256xf32>
      %select_n3A_1330 = arith.select %or3A_1327, %broadcast_in_dim3A_1322, %select_n3A_1293 : vector<128x256xi1>, vector<128x256xi32>
      %select_n3A_1331 = arith.select %or3A_1327, %select_n3A_1293, %broadcast_in_dim3A_1322 : vector<128x256xi1>, vector<128x256xi32>
      %lt3A_1332 = arith.cmpf olt, %select_n3A_1329, %select_n3A_1300 : vector<128x256xf32>
      %eq3A_1333 = arith.cmpf oeq, %select_n3A_1329, %select_n3A_1300 : vector<128x256xf32>
      %lt3A_1334 = arith.cmpi slt, %select_n3A_1331, %select_n3A_1302 : vector<128x256xi32>
      %and3A_1335 = arith.andi %eq3A_1333, %lt3A_1334 : vector<128x256xi1>
      %or3A_1336 = arith.ori %lt3A_1332, %and3A_1335 : vector<128x256xi1>
      %select_n3A_1337 = arith.select %or3A_1336, %select_n3A_1329, %select_n3A_1300 : vector<128x256xi1>, vector<128x256xf32>
      %select_n3A_1338 = arith.select %or3A_1336, %select_n3A_1300, %select_n3A_1329 : vector<128x256xi1>, vector<128x256xf32>
      %select_n3A_1339 = arith.select %or3A_1336, %select_n3A_1331, %select_n3A_1302 : vector<128x256xi1>, vector<128x256xi32>
      %select_n3A_1340 = arith.select %or3A_1336, %select_n3A_1302, %select_n3A_1331 : vector<128x256xi1>, vector<128x256xi32>
      %lt3A_1341 = arith.cmpf olt, %select_n3A_1338, %select_n3A_1309 : vector<128x256xf32>
      %eq3A_1342 = arith.cmpf oeq, %select_n3A_1338, %select_n3A_1309 : vector<128x256xf32>
      %lt3A_1343 = arith.cmpi slt, %select_n3A_1340, %select_n3A_1311 : vector<128x256xi32>
      %and3A_1344 = arith.andi %eq3A_1342, %lt3A_1343 : vector<128x256xi1>
      %or3A_1345 = arith.ori %lt3A_1341, %and3A_1344 : vector<128x256xi1>
      %select_n3A_1346 = arith.select %or3A_1345, %select_n3A_1338, %select_n3A_1309 : vector<128x256xi1>, vector<128x256xf32>
      %select_n3A_1347 = arith.select %or3A_1345, %select_n3A_1309, %select_n3A_1338 : vector<128x256xi1>, vector<128x256xf32>
      %select_n3A_1348 = arith.select %or3A_1345, %select_n3A_1340, %select_n3A_1311 : vector<128x256xi1>, vector<128x256xi32>
      %select_n3A_1349 = arith.select %or3A_1345, %select_n3A_1311, %select_n3A_1340 : vector<128x256xi1>, vector<128x256xi32>
      %lt3A_1350 = arith.cmpf olt, %select_n3A_1347, %select_n3A_1318 : vector<128x256xf32>
      %eq3A_1351 = arith.cmpf oeq, %select_n3A_1347, %select_n3A_1318 : vector<128x256xf32>
      %lt3A_1352 = arith.cmpi slt, %select_n3A_1349, %select_n3A_1319 : vector<128x256xi32>
      %and3A_1353 = arith.andi %eq3A_1351, %lt3A_1352 : vector<128x256xi1>
      %or3A_1354 = arith.ori %lt3A_1350, %and3A_1353 : vector<128x256xi1>
      %select_n3A_1355 = arith.select %or3A_1354, %select_n3A_1347, %select_n3A_1318 : vector<128x256xi1>, vector<128x256xf32>
      %select_n3A_1356 = arith.select %or3A_1354, %select_n3A_1349, %select_n3A_1319 : vector<128x256xi1>, vector<128x256xi32>
      %slice3A_1357 = vector.extract_strided_slice %add3A_45 {offsets = [1664, 0], sizes = [128, 256], strides = [1, 1]} : vector<4096x256xf32> to vector<128x256xf32>
      %broadcast_in_dim3A_1358 = arith.constant 13 : i32
      %broadcast_in_dim3A_1359 = vector.broadcast %broadcast_in_dim3A_1358 : i32 to vector<128x256xi32>
      %lt3A_1360 = arith.cmpf olt, %slice3A_1357, %select_n3A_1328 : vector<128x256xf32>
      %eq3A_1361 = arith.cmpf oeq, %slice3A_1357, %select_n3A_1328 : vector<128x256xf32>
      %lt3A_1362 = arith.cmpi slt, %broadcast_in_dim3A_1359, %select_n3A_1330 : vector<128x256xi32>
      %and3A_1363 = arith.andi %eq3A_1361, %lt3A_1362 : vector<128x256xi1>
      %or3A_1364 = arith.ori %lt3A_1360, %and3A_1363 : vector<128x256xi1>
      %select_n3A_1365 = arith.select %or3A_1364, %slice3A_1357, %select_n3A_1328 : vector<128x256xi1>, vector<128x256xf32>
      %select_n3A_1366 = arith.select %or3A_1364, %select_n3A_1328, %slice3A_1357 : vector<128x256xi1>, vector<128x256xf32>
      %select_n3A_1367 = arith.select %or3A_1364, %broadcast_in_dim3A_1359, %select_n3A_1330 : vector<128x256xi1>, vector<128x256xi32>
      %select_n3A_1368 = arith.select %or3A_1364, %select_n3A_1330, %broadcast_in_dim3A_1359 : vector<128x256xi1>, vector<128x256xi32>
      %lt3A_1369 = arith.cmpf olt, %select_n3A_1366, %select_n3A_1337 : vector<128x256xf32>
      %eq3A_1370 = arith.cmpf oeq, %select_n3A_1366, %select_n3A_1337 : vector<128x256xf32>
      %lt3A_1371 = arith.cmpi slt, %select_n3A_1368, %select_n3A_1339 : vector<128x256xi32>
      %and3A_1372 = arith.andi %eq3A_1370, %lt3A_1371 : vector<128x256xi1>
      %or3A_1373 = arith.ori %lt3A_1369, %and3A_1372 : vector<128x256xi1>
      %select_n3A_1374 = arith.select %or3A_1373, %select_n3A_1366, %select_n3A_1337 : vector<128x256xi1>, vector<128x256xf32>
      %select_n3A_1375 = arith.select %or3A_1373, %select_n3A_1337, %select_n3A_1366 : vector<128x256xi1>, vector<128x256xf32>
      %select_n3A_1376 = arith.select %or3A_1373, %select_n3A_1368, %select_n3A_1339 : vector<128x256xi1>, vector<128x256xi32>
      %select_n3A_1377 = arith.select %or3A_1373, %select_n3A_1339, %select_n3A_1368 : vector<128x256xi1>, vector<128x256xi32>
      %lt3A_1378 = arith.cmpf olt, %select_n3A_1375, %select_n3A_1346 : vector<128x256xf32>
      %eq3A_1379 = arith.cmpf oeq, %select_n3A_1375, %select_n3A_1346 : vector<128x256xf32>
      %lt3A_1380 = arith.cmpi slt, %select_n3A_1377, %select_n3A_1348 : vector<128x256xi32>
      %and3A_1381 = arith.andi %eq3A_1379, %lt3A_1380 : vector<128x256xi1>
      %or3A_1382 = arith.ori %lt3A_1378, %and3A_1381 : vector<128x256xi1>
      %select_n3A_1383 = arith.select %or3A_1382, %select_n3A_1375, %select_n3A_1346 : vector<128x256xi1>, vector<128x256xf32>
      %select_n3A_1384 = arith.select %or3A_1382, %select_n3A_1346, %select_n3A_1375 : vector<128x256xi1>, vector<128x256xf32>
      %select_n3A_1385 = arith.select %or3A_1382, %select_n3A_1377, %select_n3A_1348 : vector<128x256xi1>, vector<128x256xi32>
      %select_n3A_1386 = arith.select %or3A_1382, %select_n3A_1348, %select_n3A_1377 : vector<128x256xi1>, vector<128x256xi32>
      %lt3A_1387 = arith.cmpf olt, %select_n3A_1384, %select_n3A_1355 : vector<128x256xf32>
      %eq3A_1388 = arith.cmpf oeq, %select_n3A_1384, %select_n3A_1355 : vector<128x256xf32>
      %lt3A_1389 = arith.cmpi slt, %select_n3A_1386, %select_n3A_1356 : vector<128x256xi32>
      %and3A_1390 = arith.andi %eq3A_1388, %lt3A_1389 : vector<128x256xi1>
      %or3A_1391 = arith.ori %lt3A_1387, %and3A_1390 : vector<128x256xi1>
      %select_n3A_1392 = arith.select %or3A_1391, %select_n3A_1384, %select_n3A_1355 : vector<128x256xi1>, vector<128x256xf32>
      %select_n3A_1393 = arith.select %or3A_1391, %select_n3A_1386, %select_n3A_1356 : vector<128x256xi1>, vector<128x256xi32>
      %slice3A_1394 = vector.extract_strided_slice %add3A_45 {offsets = [1792, 0], sizes = [128, 256], strides = [1, 1]} : vector<4096x256xf32> to vector<128x256xf32>
      %broadcast_in_dim3A_1395 = arith.constant 14 : i32
      %broadcast_in_dim3A_1396 = vector.broadcast %broadcast_in_dim3A_1395 : i32 to vector<128x256xi32>
      %lt3A_1397 = arith.cmpf olt, %slice3A_1394, %select_n3A_1365 : vector<128x256xf32>
      %eq3A_1398 = arith.cmpf oeq, %slice3A_1394, %select_n3A_1365 : vector<128x256xf32>
      %lt3A_1399 = arith.cmpi slt, %broadcast_in_dim3A_1396, %select_n3A_1367 : vector<128x256xi32>
      %and3A_1400 = arith.andi %eq3A_1398, %lt3A_1399 : vector<128x256xi1>
      %or3A_1401 = arith.ori %lt3A_1397, %and3A_1400 : vector<128x256xi1>
      %select_n3A_1402 = arith.select %or3A_1401, %slice3A_1394, %select_n3A_1365 : vector<128x256xi1>, vector<128x256xf32>
      %select_n3A_1403 = arith.select %or3A_1401, %select_n3A_1365, %slice3A_1394 : vector<128x256xi1>, vector<128x256xf32>
      %select_n3A_1404 = arith.select %or3A_1401, %broadcast_in_dim3A_1396, %select_n3A_1367 : vector<128x256xi1>, vector<128x256xi32>
      %select_n3A_1405 = arith.select %or3A_1401, %select_n3A_1367, %broadcast_in_dim3A_1396 : vector<128x256xi1>, vector<128x256xi32>
      %lt3A_1406 = arith.cmpf olt, %select_n3A_1403, %select_n3A_1374 : vector<128x256xf32>
      %eq3A_1407 = arith.cmpf oeq, %select_n3A_1403, %select_n3A_1374 : vector<128x256xf32>
      %lt3A_1408 = arith.cmpi slt, %select_n3A_1405, %select_n3A_1376 : vector<128x256xi32>
      %and3A_1409 = arith.andi %eq3A_1407, %lt3A_1408 : vector<128x256xi1>
      %or3A_1410 = arith.ori %lt3A_1406, %and3A_1409 : vector<128x256xi1>
      %select_n3A_1411 = arith.select %or3A_1410, %select_n3A_1403, %select_n3A_1374 : vector<128x256xi1>, vector<128x256xf32>
      %select_n3A_1412 = arith.select %or3A_1410, %select_n3A_1374, %select_n3A_1403 : vector<128x256xi1>, vector<128x256xf32>
      %select_n3A_1413 = arith.select %or3A_1410, %select_n3A_1405, %select_n3A_1376 : vector<128x256xi1>, vector<128x256xi32>
      %select_n3A_1414 = arith.select %or3A_1410, %select_n3A_1376, %select_n3A_1405 : vector<128x256xi1>, vector<128x256xi32>
      %lt3A_1415 = arith.cmpf olt, %select_n3A_1412, %select_n3A_1383 : vector<128x256xf32>
      %eq3A_1416 = arith.cmpf oeq, %select_n3A_1412, %select_n3A_1383 : vector<128x256xf32>
      %lt3A_1417 = arith.cmpi slt, %select_n3A_1414, %select_n3A_1385 : vector<128x256xi32>
      %and3A_1418 = arith.andi %eq3A_1416, %lt3A_1417 : vector<128x256xi1>
      %or3A_1419 = arith.ori %lt3A_1415, %and3A_1418 : vector<128x256xi1>
      %select_n3A_1420 = arith.select %or3A_1419, %select_n3A_1412, %select_n3A_1383 : vector<128x256xi1>, vector<128x256xf32>
      %select_n3A_1421 = arith.select %or3A_1419, %select_n3A_1383, %select_n3A_1412 : vector<128x256xi1>, vector<128x256xf32>
      %select_n3A_1422 = arith.select %or3A_1419, %select_n3A_1414, %select_n3A_1385 : vector<128x256xi1>, vector<128x256xi32>
      %select_n3A_1423 = arith.select %or3A_1419, %select_n3A_1385, %select_n3A_1414 : vector<128x256xi1>, vector<128x256xi32>
      %lt3A_1424 = arith.cmpf olt, %select_n3A_1421, %select_n3A_1392 : vector<128x256xf32>
      %eq3A_1425 = arith.cmpf oeq, %select_n3A_1421, %select_n3A_1392 : vector<128x256xf32>
      %lt3A_1426 = arith.cmpi slt, %select_n3A_1423, %select_n3A_1393 : vector<128x256xi32>
      %and3A_1427 = arith.andi %eq3A_1425, %lt3A_1426 : vector<128x256xi1>
      %or3A_1428 = arith.ori %lt3A_1424, %and3A_1427 : vector<128x256xi1>
      %select_n3A_1429 = arith.select %or3A_1428, %select_n3A_1421, %select_n3A_1392 : vector<128x256xi1>, vector<128x256xf32>
      %select_n3A_1430 = arith.select %or3A_1428, %select_n3A_1423, %select_n3A_1393 : vector<128x256xi1>, vector<128x256xi32>
      %slice3A_1431 = vector.extract_strided_slice %add3A_45 {offsets = [1920, 0], sizes = [128, 256], strides = [1, 1]} : vector<4096x256xf32> to vector<128x256xf32>
      %broadcast_in_dim3A_1432 = arith.constant 15 : i32
      %broadcast_in_dim3A_1433 = vector.broadcast %broadcast_in_dim3A_1432 : i32 to vector<128x256xi32>
      %lt3A_1434 = arith.cmpf olt, %slice3A_1431, %select_n3A_1402 : vector<128x256xf32>
      %eq3A_1435 = arith.cmpf oeq, %slice3A_1431, %select_n3A_1402 : vector<128x256xf32>
      %lt3A_1436 = arith.cmpi slt, %broadcast_in_dim3A_1433, %select_n3A_1404 : vector<128x256xi32>
      %and3A_1437 = arith.andi %eq3A_1435, %lt3A_1436 : vector<128x256xi1>
      %or3A_1438 = arith.ori %lt3A_1434, %and3A_1437 : vector<128x256xi1>
      %select_n3A_1439 = arith.select %or3A_1438, %slice3A_1431, %select_n3A_1402 : vector<128x256xi1>, vector<128x256xf32>
      %select_n3A_1440 = arith.select %or3A_1438, %select_n3A_1402, %slice3A_1431 : vector<128x256xi1>, vector<128x256xf32>
      %select_n3A_1441 = arith.select %or3A_1438, %broadcast_in_dim3A_1433, %select_n3A_1404 : vector<128x256xi1>, vector<128x256xi32>
      %select_n3A_1442 = arith.select %or3A_1438, %select_n3A_1404, %broadcast_in_dim3A_1433 : vector<128x256xi1>, vector<128x256xi32>
      %lt3A_1443 = arith.cmpf olt, %select_n3A_1440, %select_n3A_1411 : vector<128x256xf32>
      %eq3A_1444 = arith.cmpf oeq, %select_n3A_1440, %select_n3A_1411 : vector<128x256xf32>
      %lt3A_1445 = arith.cmpi slt, %select_n3A_1442, %select_n3A_1413 : vector<128x256xi32>
      %and3A_1446 = arith.andi %eq3A_1444, %lt3A_1445 : vector<128x256xi1>
      %or3A_1447 = arith.ori %lt3A_1443, %and3A_1446 : vector<128x256xi1>
      %select_n3A_1448 = arith.select %or3A_1447, %select_n3A_1440, %select_n3A_1411 : vector<128x256xi1>, vector<128x256xf32>
      %select_n3A_1449 = arith.select %or3A_1447, %select_n3A_1411, %select_n3A_1440 : vector<128x256xi1>, vector<128x256xf32>
      %select_n3A_1450 = arith.select %or3A_1447, %select_n3A_1442, %select_n3A_1413 : vector<128x256xi1>, vector<128x256xi32>
      %select_n3A_1451 = arith.select %or3A_1447, %select_n3A_1413, %select_n3A_1442 : vector<128x256xi1>, vector<128x256xi32>
      %lt3A_1452 = arith.cmpf olt, %select_n3A_1449, %select_n3A_1420 : vector<128x256xf32>
      %eq3A_1453 = arith.cmpf oeq, %select_n3A_1449, %select_n3A_1420 : vector<128x256xf32>
      %lt3A_1454 = arith.cmpi slt, %select_n3A_1451, %select_n3A_1422 : vector<128x256xi32>
      %and3A_1455 = arith.andi %eq3A_1453, %lt3A_1454 : vector<128x256xi1>
      %or3A_1456 = arith.ori %lt3A_1452, %and3A_1455 : vector<128x256xi1>
      %select_n3A_1457 = arith.select %or3A_1456, %select_n3A_1449, %select_n3A_1420 : vector<128x256xi1>, vector<128x256xf32>
      %select_n3A_1458 = arith.select %or3A_1456, %select_n3A_1420, %select_n3A_1449 : vector<128x256xi1>, vector<128x256xf32>
      %select_n3A_1459 = arith.select %or3A_1456, %select_n3A_1451, %select_n3A_1422 : vector<128x256xi1>, vector<128x256xi32>
      %select_n3A_1460 = arith.select %or3A_1456, %select_n3A_1422, %select_n3A_1451 : vector<128x256xi1>, vector<128x256xi32>
      %lt3A_1461 = arith.cmpf olt, %select_n3A_1458, %select_n3A_1429 : vector<128x256xf32>
      %eq3A_1462 = arith.cmpf oeq, %select_n3A_1458, %select_n3A_1429 : vector<128x256xf32>
      %lt3A_1463 = arith.cmpi slt, %select_n3A_1460, %select_n3A_1430 : vector<128x256xi32>
      %and3A_1464 = arith.andi %eq3A_1462, %lt3A_1463 : vector<128x256xi1>
      %or3A_1465 = arith.ori %lt3A_1461, %and3A_1464 : vector<128x256xi1>
      %select_n3A_1466 = arith.select %or3A_1465, %select_n3A_1458, %select_n3A_1429 : vector<128x256xi1>, vector<128x256xf32>
      %select_n3A_1467 = arith.select %or3A_1465, %select_n3A_1460, %select_n3A_1430 : vector<128x256xi1>, vector<128x256xi32>
      %slice3A_1468 = vector.extract_strided_slice %add3A_45 {offsets = [2048, 0], sizes = [128, 256], strides = [1, 1]} : vector<4096x256xf32> to vector<128x256xf32>
      %broadcast_in_dim3A_1469 = arith.constant 16 : i32
      %broadcast_in_dim3A_1470 = vector.broadcast %broadcast_in_dim3A_1469 : i32 to vector<128x256xi32>
      %lt3A_1471 = arith.cmpf olt, %slice3A_1468, %select_n3A_1439 : vector<128x256xf32>
      %eq3A_1472 = arith.cmpf oeq, %slice3A_1468, %select_n3A_1439 : vector<128x256xf32>
      %lt3A_1473 = arith.cmpi slt, %broadcast_in_dim3A_1470, %select_n3A_1441 : vector<128x256xi32>
      %and3A_1474 = arith.andi %eq3A_1472, %lt3A_1473 : vector<128x256xi1>
      %or3A_1475 = arith.ori %lt3A_1471, %and3A_1474 : vector<128x256xi1>
      %select_n3A_1476 = arith.select %or3A_1475, %slice3A_1468, %select_n3A_1439 : vector<128x256xi1>, vector<128x256xf32>
      %select_n3A_1477 = arith.select %or3A_1475, %select_n3A_1439, %slice3A_1468 : vector<128x256xi1>, vector<128x256xf32>
      %select_n3A_1478 = arith.select %or3A_1475, %broadcast_in_dim3A_1470, %select_n3A_1441 : vector<128x256xi1>, vector<128x256xi32>
      %select_n3A_1479 = arith.select %or3A_1475, %select_n3A_1441, %broadcast_in_dim3A_1470 : vector<128x256xi1>, vector<128x256xi32>
      %lt3A_1480 = arith.cmpf olt, %select_n3A_1477, %select_n3A_1448 : vector<128x256xf32>
      %eq3A_1481 = arith.cmpf oeq, %select_n3A_1477, %select_n3A_1448 : vector<128x256xf32>
      %lt3A_1482 = arith.cmpi slt, %select_n3A_1479, %select_n3A_1450 : vector<128x256xi32>
      %and3A_1483 = arith.andi %eq3A_1481, %lt3A_1482 : vector<128x256xi1>
      %or3A_1484 = arith.ori %lt3A_1480, %and3A_1483 : vector<128x256xi1>
      %select_n3A_1485 = arith.select %or3A_1484, %select_n3A_1477, %select_n3A_1448 : vector<128x256xi1>, vector<128x256xf32>
      %select_n3A_1486 = arith.select %or3A_1484, %select_n3A_1448, %select_n3A_1477 : vector<128x256xi1>, vector<128x256xf32>
      %select_n3A_1487 = arith.select %or3A_1484, %select_n3A_1479, %select_n3A_1450 : vector<128x256xi1>, vector<128x256xi32>
      %select_n3A_1488 = arith.select %or3A_1484, %select_n3A_1450, %select_n3A_1479 : vector<128x256xi1>, vector<128x256xi32>
      %lt3A_1489 = arith.cmpf olt, %select_n3A_1486, %select_n3A_1457 : vector<128x256xf32>
      %eq3A_1490 = arith.cmpf oeq, %select_n3A_1486, %select_n3A_1457 : vector<128x256xf32>
      %lt3A_1491 = arith.cmpi slt, %select_n3A_1488, %select_n3A_1459 : vector<128x256xi32>
      %and3A_1492 = arith.andi %eq3A_1490, %lt3A_1491 : vector<128x256xi1>
      %or3A_1493 = arith.ori %lt3A_1489, %and3A_1492 : vector<128x256xi1>
      %select_n3A_1494 = arith.select %or3A_1493, %select_n3A_1486, %select_n3A_1457 : vector<128x256xi1>, vector<128x256xf32>
      %select_n3A_1495 = arith.select %or3A_1493, %select_n3A_1457, %select_n3A_1486 : vector<128x256xi1>, vector<128x256xf32>
      %select_n3A_1496 = arith.select %or3A_1493, %select_n3A_1488, %select_n3A_1459 : vector<128x256xi1>, vector<128x256xi32>
      %select_n3A_1497 = arith.select %or3A_1493, %select_n3A_1459, %select_n3A_1488 : vector<128x256xi1>, vector<128x256xi32>
      %lt3A_1498 = arith.cmpf olt, %select_n3A_1495, %select_n3A_1466 : vector<128x256xf32>
      %eq3A_1499 = arith.cmpf oeq, %select_n3A_1495, %select_n3A_1466 : vector<128x256xf32>
      %lt3A_1500 = arith.cmpi slt, %select_n3A_1497, %select_n3A_1467 : vector<128x256xi32>
      %and3A_1501 = arith.andi %eq3A_1499, %lt3A_1500 : vector<128x256xi1>
      %or3A_1502 = arith.ori %lt3A_1498, %and3A_1501 : vector<128x256xi1>
      %select_n3A_1503 = arith.select %or3A_1502, %select_n3A_1495, %select_n3A_1466 : vector<128x256xi1>, vector<128x256xf32>
      %select_n3A_1504 = arith.select %or3A_1502, %select_n3A_1497, %select_n3A_1467 : vector<128x256xi1>, vector<128x256xi32>
      %slice3A_1505 = vector.extract_strided_slice %add3A_45 {offsets = [2176, 0], sizes = [128, 256], strides = [1, 1]} : vector<4096x256xf32> to vector<128x256xf32>
      %broadcast_in_dim3A_1506 = arith.constant 17 : i32
      %broadcast_in_dim3A_1507 = vector.broadcast %broadcast_in_dim3A_1506 : i32 to vector<128x256xi32>
      %lt3A_1508 = arith.cmpf olt, %slice3A_1505, %select_n3A_1476 : vector<128x256xf32>
      %eq3A_1509 = arith.cmpf oeq, %slice3A_1505, %select_n3A_1476 : vector<128x256xf32>
      %lt3A_1510 = arith.cmpi slt, %broadcast_in_dim3A_1507, %select_n3A_1478 : vector<128x256xi32>
      %and3A_1511 = arith.andi %eq3A_1509, %lt3A_1510 : vector<128x256xi1>
      %or3A_1512 = arith.ori %lt3A_1508, %and3A_1511 : vector<128x256xi1>
      %select_n3A_1513 = arith.select %or3A_1512, %slice3A_1505, %select_n3A_1476 : vector<128x256xi1>, vector<128x256xf32>
      %select_n3A_1514 = arith.select %or3A_1512, %select_n3A_1476, %slice3A_1505 : vector<128x256xi1>, vector<128x256xf32>
      %select_n3A_1515 = arith.select %or3A_1512, %broadcast_in_dim3A_1507, %select_n3A_1478 : vector<128x256xi1>, vector<128x256xi32>
      %select_n3A_1516 = arith.select %or3A_1512, %select_n3A_1478, %broadcast_in_dim3A_1507 : vector<128x256xi1>, vector<128x256xi32>
      %lt3A_1517 = arith.cmpf olt, %select_n3A_1514, %select_n3A_1485 : vector<128x256xf32>
      %eq3A_1518 = arith.cmpf oeq, %select_n3A_1514, %select_n3A_1485 : vector<128x256xf32>
      %lt3A_1519 = arith.cmpi slt, %select_n3A_1516, %select_n3A_1487 : vector<128x256xi32>
      %and3A_1520 = arith.andi %eq3A_1518, %lt3A_1519 : vector<128x256xi1>
      %or3A_1521 = arith.ori %lt3A_1517, %and3A_1520 : vector<128x256xi1>
      %select_n3A_1522 = arith.select %or3A_1521, %select_n3A_1514, %select_n3A_1485 : vector<128x256xi1>, vector<128x256xf32>
      %select_n3A_1523 = arith.select %or3A_1521, %select_n3A_1485, %select_n3A_1514 : vector<128x256xi1>, vector<128x256xf32>
      %select_n3A_1524 = arith.select %or3A_1521, %select_n3A_1516, %select_n3A_1487 : vector<128x256xi1>, vector<128x256xi32>
      %select_n3A_1525 = arith.select %or3A_1521, %select_n3A_1487, %select_n3A_1516 : vector<128x256xi1>, vector<128x256xi32>
      %lt3A_1526 = arith.cmpf olt, %select_n3A_1523, %select_n3A_1494 : vector<128x256xf32>
      %eq3A_1527 = arith.cmpf oeq, %select_n3A_1523, %select_n3A_1494 : vector<128x256xf32>
      %lt3A_1528 = arith.cmpi slt, %select_n3A_1525, %select_n3A_1496 : vector<128x256xi32>
      %and3A_1529 = arith.andi %eq3A_1527, %lt3A_1528 : vector<128x256xi1>
      %or3A_1530 = arith.ori %lt3A_1526, %and3A_1529 : vector<128x256xi1>
      %select_n3A_1531 = arith.select %or3A_1530, %select_n3A_1523, %select_n3A_1494 : vector<128x256xi1>, vector<128x256xf32>
      %select_n3A_1532 = arith.select %or3A_1530, %select_n3A_1494, %select_n3A_1523 : vector<128x256xi1>, vector<128x256xf32>
      %select_n3A_1533 = arith.select %or3A_1530, %select_n3A_1525, %select_n3A_1496 : vector<128x256xi1>, vector<128x256xi32>
      %select_n3A_1534 = arith.select %or3A_1530, %select_n3A_1496, %select_n3A_1525 : vector<128x256xi1>, vector<128x256xi32>
      %lt3A_1535 = arith.cmpf olt, %select_n3A_1532, %select_n3A_1503 : vector<128x256xf32>
      %eq3A_1536 = arith.cmpf oeq, %select_n3A_1532, %select_n3A_1503 : vector<128x256xf32>
      %lt3A_1537 = arith.cmpi slt, %select_n3A_1534, %select_n3A_1504 : vector<128x256xi32>
      %and3A_1538 = arith.andi %eq3A_1536, %lt3A_1537 : vector<128x256xi1>
      %or3A_1539 = arith.ori %lt3A_1535, %and3A_1538 : vector<128x256xi1>
      %select_n3A_1540 = arith.select %or3A_1539, %select_n3A_1532, %select_n3A_1503 : vector<128x256xi1>, vector<128x256xf32>
      %select_n3A_1541 = arith.select %or3A_1539, %select_n3A_1534, %select_n3A_1504 : vector<128x256xi1>, vector<128x256xi32>
      %slice3A_1542 = vector.extract_strided_slice %add3A_45 {offsets = [2304, 0], sizes = [128, 256], strides = [1, 1]} : vector<4096x256xf32> to vector<128x256xf32>
      %broadcast_in_dim3A_1543 = arith.constant 18 : i32
      %broadcast_in_dim3A_1544 = vector.broadcast %broadcast_in_dim3A_1543 : i32 to vector<128x256xi32>
      %lt3A_1545 = arith.cmpf olt, %slice3A_1542, %select_n3A_1513 : vector<128x256xf32>
      %eq3A_1546 = arith.cmpf oeq, %slice3A_1542, %select_n3A_1513 : vector<128x256xf32>
      %lt3A_1547 = arith.cmpi slt, %broadcast_in_dim3A_1544, %select_n3A_1515 : vector<128x256xi32>
      %and3A_1548 = arith.andi %eq3A_1546, %lt3A_1547 : vector<128x256xi1>
      %or3A_1549 = arith.ori %lt3A_1545, %and3A_1548 : vector<128x256xi1>
      %select_n3A_1550 = arith.select %or3A_1549, %slice3A_1542, %select_n3A_1513 : vector<128x256xi1>, vector<128x256xf32>
      %select_n3A_1551 = arith.select %or3A_1549, %select_n3A_1513, %slice3A_1542 : vector<128x256xi1>, vector<128x256xf32>
      %select_n3A_1552 = arith.select %or3A_1549, %broadcast_in_dim3A_1544, %select_n3A_1515 : vector<128x256xi1>, vector<128x256xi32>
      %select_n3A_1553 = arith.select %or3A_1549, %select_n3A_1515, %broadcast_in_dim3A_1544 : vector<128x256xi1>, vector<128x256xi32>
      %lt3A_1554 = arith.cmpf olt, %select_n3A_1551, %select_n3A_1522 : vector<128x256xf32>
      %eq3A_1555 = arith.cmpf oeq, %select_n3A_1551, %select_n3A_1522 : vector<128x256xf32>
      %lt3A_1556 = arith.cmpi slt, %select_n3A_1553, %select_n3A_1524 : vector<128x256xi32>
      %and3A_1557 = arith.andi %eq3A_1555, %lt3A_1556 : vector<128x256xi1>
      %or3A_1558 = arith.ori %lt3A_1554, %and3A_1557 : vector<128x256xi1>
      %select_n3A_1559 = arith.select %or3A_1558, %select_n3A_1551, %select_n3A_1522 : vector<128x256xi1>, vector<128x256xf32>
      %select_n3A_1560 = arith.select %or3A_1558, %select_n3A_1522, %select_n3A_1551 : vector<128x256xi1>, vector<128x256xf32>
      %select_n3A_1561 = arith.select %or3A_1558, %select_n3A_1553, %select_n3A_1524 : vector<128x256xi1>, vector<128x256xi32>
      %select_n3A_1562 = arith.select %or3A_1558, %select_n3A_1524, %select_n3A_1553 : vector<128x256xi1>, vector<128x256xi32>
      %lt3A_1563 = arith.cmpf olt, %select_n3A_1560, %select_n3A_1531 : vector<128x256xf32>
      %eq3A_1564 = arith.cmpf oeq, %select_n3A_1560, %select_n3A_1531 : vector<128x256xf32>
      %lt3A_1565 = arith.cmpi slt, %select_n3A_1562, %select_n3A_1533 : vector<128x256xi32>
      %and3A_1566 = arith.andi %eq3A_1564, %lt3A_1565 : vector<128x256xi1>
      %or3A_1567 = arith.ori %lt3A_1563, %and3A_1566 : vector<128x256xi1>
      %select_n3A_1568 = arith.select %or3A_1567, %select_n3A_1560, %select_n3A_1531 : vector<128x256xi1>, vector<128x256xf32>
      %select_n3A_1569 = arith.select %or3A_1567, %select_n3A_1531, %select_n3A_1560 : vector<128x256xi1>, vector<128x256xf32>
      %select_n3A_1570 = arith.select %or3A_1567, %select_n3A_1562, %select_n3A_1533 : vector<128x256xi1>, vector<128x256xi32>
      %select_n3A_1571 = arith.select %or3A_1567, %select_n3A_1533, %select_n3A_1562 : vector<128x256xi1>, vector<128x256xi32>
      %lt3A_1572 = arith.cmpf olt, %select_n3A_1569, %select_n3A_1540 : vector<128x256xf32>
      %eq3A_1573 = arith.cmpf oeq, %select_n3A_1569, %select_n3A_1540 : vector<128x256xf32>
      %lt3A_1574 = arith.cmpi slt, %select_n3A_1571, %select_n3A_1541 : vector<128x256xi32>
      %and3A_1575 = arith.andi %eq3A_1573, %lt3A_1574 : vector<128x256xi1>
      %or3A_1576 = arith.ori %lt3A_1572, %and3A_1575 : vector<128x256xi1>
      %select_n3A_1577 = arith.select %or3A_1576, %select_n3A_1569, %select_n3A_1540 : vector<128x256xi1>, vector<128x256xf32>
      %select_n3A_1578 = arith.select %or3A_1576, %select_n3A_1571, %select_n3A_1541 : vector<128x256xi1>, vector<128x256xi32>
      %slice3A_1579 = vector.extract_strided_slice %add3A_45 {offsets = [2432, 0], sizes = [128, 256], strides = [1, 1]} : vector<4096x256xf32> to vector<128x256xf32>
      %broadcast_in_dim3A_1580 = arith.constant 19 : i32
      %broadcast_in_dim3A_1581 = vector.broadcast %broadcast_in_dim3A_1580 : i32 to vector<128x256xi32>
      %lt3A_1582 = arith.cmpf olt, %slice3A_1579, %select_n3A_1550 : vector<128x256xf32>
      %eq3A_1583 = arith.cmpf oeq, %slice3A_1579, %select_n3A_1550 : vector<128x256xf32>
      %lt3A_1584 = arith.cmpi slt, %broadcast_in_dim3A_1581, %select_n3A_1552 : vector<128x256xi32>
      %and3A_1585 = arith.andi %eq3A_1583, %lt3A_1584 : vector<128x256xi1>
      %or3A_1586 = arith.ori %lt3A_1582, %and3A_1585 : vector<128x256xi1>
      %select_n3A_1587 = arith.select %or3A_1586, %slice3A_1579, %select_n3A_1550 : vector<128x256xi1>, vector<128x256xf32>
      %select_n3A_1588 = arith.select %or3A_1586, %select_n3A_1550, %slice3A_1579 : vector<128x256xi1>, vector<128x256xf32>
      %select_n3A_1589 = arith.select %or3A_1586, %broadcast_in_dim3A_1581, %select_n3A_1552 : vector<128x256xi1>, vector<128x256xi32>
      %select_n3A_1590 = arith.select %or3A_1586, %select_n3A_1552, %broadcast_in_dim3A_1581 : vector<128x256xi1>, vector<128x256xi32>
      %lt3A_1591 = arith.cmpf olt, %select_n3A_1588, %select_n3A_1559 : vector<128x256xf32>
      %eq3A_1592 = arith.cmpf oeq, %select_n3A_1588, %select_n3A_1559 : vector<128x256xf32>
      %lt3A_1593 = arith.cmpi slt, %select_n3A_1590, %select_n3A_1561 : vector<128x256xi32>
      %and3A_1594 = arith.andi %eq3A_1592, %lt3A_1593 : vector<128x256xi1>
      %or3A_1595 = arith.ori %lt3A_1591, %and3A_1594 : vector<128x256xi1>
      %select_n3A_1596 = arith.select %or3A_1595, %select_n3A_1588, %select_n3A_1559 : vector<128x256xi1>, vector<128x256xf32>
      %select_n3A_1597 = arith.select %or3A_1595, %select_n3A_1559, %select_n3A_1588 : vector<128x256xi1>, vector<128x256xf32>
      %select_n3A_1598 = arith.select %or3A_1595, %select_n3A_1590, %select_n3A_1561 : vector<128x256xi1>, vector<128x256xi32>
      %select_n3A_1599 = arith.select %or3A_1595, %select_n3A_1561, %select_n3A_1590 : vector<128x256xi1>, vector<128x256xi32>
      %lt3A_1600 = arith.cmpf olt, %select_n3A_1597, %select_n3A_1568 : vector<128x256xf32>
      %eq3A_1601 = arith.cmpf oeq, %select_n3A_1597, %select_n3A_1568 : vector<128x256xf32>
      %lt3A_1602 = arith.cmpi slt, %select_n3A_1599, %select_n3A_1570 : vector<128x256xi32>
      %and3A_1603 = arith.andi %eq3A_1601, %lt3A_1602 : vector<128x256xi1>
      %or3A_1604 = arith.ori %lt3A_1600, %and3A_1603 : vector<128x256xi1>
      %select_n3A_1605 = arith.select %or3A_1604, %select_n3A_1597, %select_n3A_1568 : vector<128x256xi1>, vector<128x256xf32>
      %select_n3A_1606 = arith.select %or3A_1604, %select_n3A_1568, %select_n3A_1597 : vector<128x256xi1>, vector<128x256xf32>
      %select_n3A_1607 = arith.select %or3A_1604, %select_n3A_1599, %select_n3A_1570 : vector<128x256xi1>, vector<128x256xi32>
      %select_n3A_1608 = arith.select %or3A_1604, %select_n3A_1570, %select_n3A_1599 : vector<128x256xi1>, vector<128x256xi32>
      %lt3A_1609 = arith.cmpf olt, %select_n3A_1606, %select_n3A_1577 : vector<128x256xf32>
      %eq3A_1610 = arith.cmpf oeq, %select_n3A_1606, %select_n3A_1577 : vector<128x256xf32>
      %lt3A_1611 = arith.cmpi slt, %select_n3A_1608, %select_n3A_1578 : vector<128x256xi32>
      %and3A_1612 = arith.andi %eq3A_1610, %lt3A_1611 : vector<128x256xi1>
      %or3A_1613 = arith.ori %lt3A_1609, %and3A_1612 : vector<128x256xi1>
      %select_n3A_1614 = arith.select %or3A_1613, %select_n3A_1606, %select_n3A_1577 : vector<128x256xi1>, vector<128x256xf32>
      %select_n3A_1615 = arith.select %or3A_1613, %select_n3A_1608, %select_n3A_1578 : vector<128x256xi1>, vector<128x256xi32>
      %slice3A_1616 = vector.extract_strided_slice %add3A_45 {offsets = [2560, 0], sizes = [128, 256], strides = [1, 1]} : vector<4096x256xf32> to vector<128x256xf32>
      %broadcast_in_dim3A_1617 = arith.constant 20 : i32
      %broadcast_in_dim3A_1618 = vector.broadcast %broadcast_in_dim3A_1617 : i32 to vector<128x256xi32>
      %lt3A_1619 = arith.cmpf olt, %slice3A_1616, %select_n3A_1587 : vector<128x256xf32>
      %eq3A_1620 = arith.cmpf oeq, %slice3A_1616, %select_n3A_1587 : vector<128x256xf32>
      %lt3A_1621 = arith.cmpi slt, %broadcast_in_dim3A_1618, %select_n3A_1589 : vector<128x256xi32>
      %and3A_1622 = arith.andi %eq3A_1620, %lt3A_1621 : vector<128x256xi1>
      %or3A_1623 = arith.ori %lt3A_1619, %and3A_1622 : vector<128x256xi1>
      %select_n3A_1624 = arith.select %or3A_1623, %slice3A_1616, %select_n3A_1587 : vector<128x256xi1>, vector<128x256xf32>
      %select_n3A_1625 = arith.select %or3A_1623, %select_n3A_1587, %slice3A_1616 : vector<128x256xi1>, vector<128x256xf32>
      %select_n3A_1626 = arith.select %or3A_1623, %broadcast_in_dim3A_1618, %select_n3A_1589 : vector<128x256xi1>, vector<128x256xi32>
      %select_n3A_1627 = arith.select %or3A_1623, %select_n3A_1589, %broadcast_in_dim3A_1618 : vector<128x256xi1>, vector<128x256xi32>
      %lt3A_1628 = arith.cmpf olt, %select_n3A_1625, %select_n3A_1596 : vector<128x256xf32>
      %eq3A_1629 = arith.cmpf oeq, %select_n3A_1625, %select_n3A_1596 : vector<128x256xf32>
      %lt3A_1630 = arith.cmpi slt, %select_n3A_1627, %select_n3A_1598 : vector<128x256xi32>
      %and3A_1631 = arith.andi %eq3A_1629, %lt3A_1630 : vector<128x256xi1>
      %or3A_1632 = arith.ori %lt3A_1628, %and3A_1631 : vector<128x256xi1>
      %select_n3A_1633 = arith.select %or3A_1632, %select_n3A_1625, %select_n3A_1596 : vector<128x256xi1>, vector<128x256xf32>
      %select_n3A_1634 = arith.select %or3A_1632, %select_n3A_1596, %select_n3A_1625 : vector<128x256xi1>, vector<128x256xf32>
      %select_n3A_1635 = arith.select %or3A_1632, %select_n3A_1627, %select_n3A_1598 : vector<128x256xi1>, vector<128x256xi32>
      %select_n3A_1636 = arith.select %or3A_1632, %select_n3A_1598, %select_n3A_1627 : vector<128x256xi1>, vector<128x256xi32>
      %lt3A_1637 = arith.cmpf olt, %select_n3A_1634, %select_n3A_1605 : vector<128x256xf32>
      %eq3A_1638 = arith.cmpf oeq, %select_n3A_1634, %select_n3A_1605 : vector<128x256xf32>
      %lt3A_1639 = arith.cmpi slt, %select_n3A_1636, %select_n3A_1607 : vector<128x256xi32>
      %and3A_1640 = arith.andi %eq3A_1638, %lt3A_1639 : vector<128x256xi1>
      %or3A_1641 = arith.ori %lt3A_1637, %and3A_1640 : vector<128x256xi1>
      %select_n3A_1642 = arith.select %or3A_1641, %select_n3A_1634, %select_n3A_1605 : vector<128x256xi1>, vector<128x256xf32>
      %select_n3A_1643 = arith.select %or3A_1641, %select_n3A_1605, %select_n3A_1634 : vector<128x256xi1>, vector<128x256xf32>
      %select_n3A_1644 = arith.select %or3A_1641, %select_n3A_1636, %select_n3A_1607 : vector<128x256xi1>, vector<128x256xi32>
      %select_n3A_1645 = arith.select %or3A_1641, %select_n3A_1607, %select_n3A_1636 : vector<128x256xi1>, vector<128x256xi32>
      %lt3A_1646 = arith.cmpf olt, %select_n3A_1643, %select_n3A_1614 : vector<128x256xf32>
      %eq3A_1647 = arith.cmpf oeq, %select_n3A_1643, %select_n3A_1614 : vector<128x256xf32>
      %lt3A_1648 = arith.cmpi slt, %select_n3A_1645, %select_n3A_1615 : vector<128x256xi32>
      %and3A_1649 = arith.andi %eq3A_1647, %lt3A_1648 : vector<128x256xi1>
      %or3A_1650 = arith.ori %lt3A_1646, %and3A_1649 : vector<128x256xi1>
      %select_n3A_1651 = arith.select %or3A_1650, %select_n3A_1643, %select_n3A_1614 : vector<128x256xi1>, vector<128x256xf32>
      %select_n3A_1652 = arith.select %or3A_1650, %select_n3A_1645, %select_n3A_1615 : vector<128x256xi1>, vector<128x256xi32>
      %slice3A_1653 = vector.extract_strided_slice %add3A_45 {offsets = [2688, 0], sizes = [128, 256], strides = [1, 1]} : vector<4096x256xf32> to vector<128x256xf32>
      %broadcast_in_dim3A_1654 = arith.constant 21 : i32
      %broadcast_in_dim3A_1655 = vector.broadcast %broadcast_in_dim3A_1654 : i32 to vector<128x256xi32>
      %lt3A_1656 = arith.cmpf olt, %slice3A_1653, %select_n3A_1624 : vector<128x256xf32>
      %eq3A_1657 = arith.cmpf oeq, %slice3A_1653, %select_n3A_1624 : vector<128x256xf32>
      %lt3A_1658 = arith.cmpi slt, %broadcast_in_dim3A_1655, %select_n3A_1626 : vector<128x256xi32>
      %and3A_1659 = arith.andi %eq3A_1657, %lt3A_1658 : vector<128x256xi1>
      %or3A_1660 = arith.ori %lt3A_1656, %and3A_1659 : vector<128x256xi1>
      %select_n3A_1661 = arith.select %or3A_1660, %slice3A_1653, %select_n3A_1624 : vector<128x256xi1>, vector<128x256xf32>
      %select_n3A_1662 = arith.select %or3A_1660, %select_n3A_1624, %slice3A_1653 : vector<128x256xi1>, vector<128x256xf32>
      %select_n3A_1663 = arith.select %or3A_1660, %broadcast_in_dim3A_1655, %select_n3A_1626 : vector<128x256xi1>, vector<128x256xi32>
      %select_n3A_1664 = arith.select %or3A_1660, %select_n3A_1626, %broadcast_in_dim3A_1655 : vector<128x256xi1>, vector<128x256xi32>
      %lt3A_1665 = arith.cmpf olt, %select_n3A_1662, %select_n3A_1633 : vector<128x256xf32>
      %eq3A_1666 = arith.cmpf oeq, %select_n3A_1662, %select_n3A_1633 : vector<128x256xf32>
      %lt3A_1667 = arith.cmpi slt, %select_n3A_1664, %select_n3A_1635 : vector<128x256xi32>
      %and3A_1668 = arith.andi %eq3A_1666, %lt3A_1667 : vector<128x256xi1>
      %or3A_1669 = arith.ori %lt3A_1665, %and3A_1668 : vector<128x256xi1>
      %select_n3A_1670 = arith.select %or3A_1669, %select_n3A_1662, %select_n3A_1633 : vector<128x256xi1>, vector<128x256xf32>
      %select_n3A_1671 = arith.select %or3A_1669, %select_n3A_1633, %select_n3A_1662 : vector<128x256xi1>, vector<128x256xf32>
      %select_n3A_1672 = arith.select %or3A_1669, %select_n3A_1664, %select_n3A_1635 : vector<128x256xi1>, vector<128x256xi32>
      %select_n3A_1673 = arith.select %or3A_1669, %select_n3A_1635, %select_n3A_1664 : vector<128x256xi1>, vector<128x256xi32>
      %lt3A_1674 = arith.cmpf olt, %select_n3A_1671, %select_n3A_1642 : vector<128x256xf32>
      %eq3A_1675 = arith.cmpf oeq, %select_n3A_1671, %select_n3A_1642 : vector<128x256xf32>
      %lt3A_1676 = arith.cmpi slt, %select_n3A_1673, %select_n3A_1644 : vector<128x256xi32>
      %and3A_1677 = arith.andi %eq3A_1675, %lt3A_1676 : vector<128x256xi1>
      %or3A_1678 = arith.ori %lt3A_1674, %and3A_1677 : vector<128x256xi1>
      %select_n3A_1679 = arith.select %or3A_1678, %select_n3A_1671, %select_n3A_1642 : vector<128x256xi1>, vector<128x256xf32>
      %select_n3A_1680 = arith.select %or3A_1678, %select_n3A_1642, %select_n3A_1671 : vector<128x256xi1>, vector<128x256xf32>
      %select_n3A_1681 = arith.select %or3A_1678, %select_n3A_1673, %select_n3A_1644 : vector<128x256xi1>, vector<128x256xi32>
      %select_n3A_1682 = arith.select %or3A_1678, %select_n3A_1644, %select_n3A_1673 : vector<128x256xi1>, vector<128x256xi32>
      %lt3A_1683 = arith.cmpf olt, %select_n3A_1680, %select_n3A_1651 : vector<128x256xf32>
      %eq3A_1684 = arith.cmpf oeq, %select_n3A_1680, %select_n3A_1651 : vector<128x256xf32>
      %lt3A_1685 = arith.cmpi slt, %select_n3A_1682, %select_n3A_1652 : vector<128x256xi32>
      %and3A_1686 = arith.andi %eq3A_1684, %lt3A_1685 : vector<128x256xi1>
      %or3A_1687 = arith.ori %lt3A_1683, %and3A_1686 : vector<128x256xi1>
      %select_n3A_1688 = arith.select %or3A_1687, %select_n3A_1680, %select_n3A_1651 : vector<128x256xi1>, vector<128x256xf32>
      %select_n3A_1689 = arith.select %or3A_1687, %select_n3A_1682, %select_n3A_1652 : vector<128x256xi1>, vector<128x256xi32>
      %slice3A_1690 = vector.extract_strided_slice %add3A_45 {offsets = [2816, 0], sizes = [128, 256], strides = [1, 1]} : vector<4096x256xf32> to vector<128x256xf32>
      %broadcast_in_dim3A_1691 = arith.constant 22 : i32
      %broadcast_in_dim3A_1692 = vector.broadcast %broadcast_in_dim3A_1691 : i32 to vector<128x256xi32>
      %lt3A_1693 = arith.cmpf olt, %slice3A_1690, %select_n3A_1661 : vector<128x256xf32>
      %eq3A_1694 = arith.cmpf oeq, %slice3A_1690, %select_n3A_1661 : vector<128x256xf32>
      %lt3A_1695 = arith.cmpi slt, %broadcast_in_dim3A_1692, %select_n3A_1663 : vector<128x256xi32>
      %and3A_1696 = arith.andi %eq3A_1694, %lt3A_1695 : vector<128x256xi1>
      %or3A_1697 = arith.ori %lt3A_1693, %and3A_1696 : vector<128x256xi1>
      %select_n3A_1698 = arith.select %or3A_1697, %slice3A_1690, %select_n3A_1661 : vector<128x256xi1>, vector<128x256xf32>
      %select_n3A_1699 = arith.select %or3A_1697, %select_n3A_1661, %slice3A_1690 : vector<128x256xi1>, vector<128x256xf32>
      %select_n3A_1700 = arith.select %or3A_1697, %broadcast_in_dim3A_1692, %select_n3A_1663 : vector<128x256xi1>, vector<128x256xi32>
      %select_n3A_1701 = arith.select %or3A_1697, %select_n3A_1663, %broadcast_in_dim3A_1692 : vector<128x256xi1>, vector<128x256xi32>
      %lt3A_1702 = arith.cmpf olt, %select_n3A_1699, %select_n3A_1670 : vector<128x256xf32>
      %eq3A_1703 = arith.cmpf oeq, %select_n3A_1699, %select_n3A_1670 : vector<128x256xf32>
      %lt3A_1704 = arith.cmpi slt, %select_n3A_1701, %select_n3A_1672 : vector<128x256xi32>
      %and3A_1705 = arith.andi %eq3A_1703, %lt3A_1704 : vector<128x256xi1>
      %or3A_1706 = arith.ori %lt3A_1702, %and3A_1705 : vector<128x256xi1>
      %select_n3A_1707 = arith.select %or3A_1706, %select_n3A_1699, %select_n3A_1670 : vector<128x256xi1>, vector<128x256xf32>
      %select_n3A_1708 = arith.select %or3A_1706, %select_n3A_1670, %select_n3A_1699 : vector<128x256xi1>, vector<128x256xf32>
      %select_n3A_1709 = arith.select %or3A_1706, %select_n3A_1701, %select_n3A_1672 : vector<128x256xi1>, vector<128x256xi32>
      %select_n3A_1710 = arith.select %or3A_1706, %select_n3A_1672, %select_n3A_1701 : vector<128x256xi1>, vector<128x256xi32>
      %lt3A_1711 = arith.cmpf olt, %select_n3A_1708, %select_n3A_1679 : vector<128x256xf32>
      %eq3A_1712 = arith.cmpf oeq, %select_n3A_1708, %select_n3A_1679 : vector<128x256xf32>
      %lt3A_1713 = arith.cmpi slt, %select_n3A_1710, %select_n3A_1681 : vector<128x256xi32>
      %and3A_1714 = arith.andi %eq3A_1712, %lt3A_1713 : vector<128x256xi1>
      %or3A_1715 = arith.ori %lt3A_1711, %and3A_1714 : vector<128x256xi1>
      %select_n3A_1716 = arith.select %or3A_1715, %select_n3A_1708, %select_n3A_1679 : vector<128x256xi1>, vector<128x256xf32>
      %select_n3A_1717 = arith.select %or3A_1715, %select_n3A_1679, %select_n3A_1708 : vector<128x256xi1>, vector<128x256xf32>
      %select_n3A_1718 = arith.select %or3A_1715, %select_n3A_1710, %select_n3A_1681 : vector<128x256xi1>, vector<128x256xi32>
      %select_n3A_1719 = arith.select %or3A_1715, %select_n3A_1681, %select_n3A_1710 : vector<128x256xi1>, vector<128x256xi32>
      %lt3A_1720 = arith.cmpf olt, %select_n3A_1717, %select_n3A_1688 : vector<128x256xf32>
      %eq3A_1721 = arith.cmpf oeq, %select_n3A_1717, %select_n3A_1688 : vector<128x256xf32>
      %lt3A_1722 = arith.cmpi slt, %select_n3A_1719, %select_n3A_1689 : vector<128x256xi32>
      %and3A_1723 = arith.andi %eq3A_1721, %lt3A_1722 : vector<128x256xi1>
      %or3A_1724 = arith.ori %lt3A_1720, %and3A_1723 : vector<128x256xi1>
      %select_n3A_1725 = arith.select %or3A_1724, %select_n3A_1717, %select_n3A_1688 : vector<128x256xi1>, vector<128x256xf32>
      %select_n3A_1726 = arith.select %or3A_1724, %select_n3A_1719, %select_n3A_1689 : vector<128x256xi1>, vector<128x256xi32>
      %slice3A_1727 = vector.extract_strided_slice %add3A_45 {offsets = [2944, 0], sizes = [128, 256], strides = [1, 1]} : vector<4096x256xf32> to vector<128x256xf32>
      %broadcast_in_dim3A_1728 = arith.constant 23 : i32
      %broadcast_in_dim3A_1729 = vector.broadcast %broadcast_in_dim3A_1728 : i32 to vector<128x256xi32>
      %lt3A_1730 = arith.cmpf olt, %slice3A_1727, %select_n3A_1698 : vector<128x256xf32>
      %eq3A_1731 = arith.cmpf oeq, %slice3A_1727, %select_n3A_1698 : vector<128x256xf32>
      %lt3A_1732 = arith.cmpi slt, %broadcast_in_dim3A_1729, %select_n3A_1700 : vector<128x256xi32>
      %and3A_1733 = arith.andi %eq3A_1731, %lt3A_1732 : vector<128x256xi1>
      %or3A_1734 = arith.ori %lt3A_1730, %and3A_1733 : vector<128x256xi1>
      %select_n3A_1735 = arith.select %or3A_1734, %slice3A_1727, %select_n3A_1698 : vector<128x256xi1>, vector<128x256xf32>
      %select_n3A_1736 = arith.select %or3A_1734, %select_n3A_1698, %slice3A_1727 : vector<128x256xi1>, vector<128x256xf32>
      %select_n3A_1737 = arith.select %or3A_1734, %broadcast_in_dim3A_1729, %select_n3A_1700 : vector<128x256xi1>, vector<128x256xi32>
      %select_n3A_1738 = arith.select %or3A_1734, %select_n3A_1700, %broadcast_in_dim3A_1729 : vector<128x256xi1>, vector<128x256xi32>
      %lt3A_1739 = arith.cmpf olt, %select_n3A_1736, %select_n3A_1707 : vector<128x256xf32>
      %eq3A_1740 = arith.cmpf oeq, %select_n3A_1736, %select_n3A_1707 : vector<128x256xf32>
      %lt3A_1741 = arith.cmpi slt, %select_n3A_1738, %select_n3A_1709 : vector<128x256xi32>
      %and3A_1742 = arith.andi %eq3A_1740, %lt3A_1741 : vector<128x256xi1>
      %or3A_1743 = arith.ori %lt3A_1739, %and3A_1742 : vector<128x256xi1>
      %select_n3A_1744 = arith.select %or3A_1743, %select_n3A_1736, %select_n3A_1707 : vector<128x256xi1>, vector<128x256xf32>
      %select_n3A_1745 = arith.select %or3A_1743, %select_n3A_1707, %select_n3A_1736 : vector<128x256xi1>, vector<128x256xf32>
      %select_n3A_1746 = arith.select %or3A_1743, %select_n3A_1738, %select_n3A_1709 : vector<128x256xi1>, vector<128x256xi32>
      %select_n3A_1747 = arith.select %or3A_1743, %select_n3A_1709, %select_n3A_1738 : vector<128x256xi1>, vector<128x256xi32>
      %lt3A_1748 = arith.cmpf olt, %select_n3A_1745, %select_n3A_1716 : vector<128x256xf32>
      %eq3A_1749 = arith.cmpf oeq, %select_n3A_1745, %select_n3A_1716 : vector<128x256xf32>
      %lt3A_1750 = arith.cmpi slt, %select_n3A_1747, %select_n3A_1718 : vector<128x256xi32>
      %and3A_1751 = arith.andi %eq3A_1749, %lt3A_1750 : vector<128x256xi1>
      %or3A_1752 = arith.ori %lt3A_1748, %and3A_1751 : vector<128x256xi1>
      %select_n3A_1753 = arith.select %or3A_1752, %select_n3A_1745, %select_n3A_1716 : vector<128x256xi1>, vector<128x256xf32>
      %select_n3A_1754 = arith.select %or3A_1752, %select_n3A_1716, %select_n3A_1745 : vector<128x256xi1>, vector<128x256xf32>
      %select_n3A_1755 = arith.select %or3A_1752, %select_n3A_1747, %select_n3A_1718 : vector<128x256xi1>, vector<128x256xi32>
      %select_n3A_1756 = arith.select %or3A_1752, %select_n3A_1718, %select_n3A_1747 : vector<128x256xi1>, vector<128x256xi32>
      %lt3A_1757 = arith.cmpf olt, %select_n3A_1754, %select_n3A_1725 : vector<128x256xf32>
      %eq3A_1758 = arith.cmpf oeq, %select_n3A_1754, %select_n3A_1725 : vector<128x256xf32>
      %lt3A_1759 = arith.cmpi slt, %select_n3A_1756, %select_n3A_1726 : vector<128x256xi32>
      %and3A_1760 = arith.andi %eq3A_1758, %lt3A_1759 : vector<128x256xi1>
      %or3A_1761 = arith.ori %lt3A_1757, %and3A_1760 : vector<128x256xi1>
      %select_n3A_1762 = arith.select %or3A_1761, %select_n3A_1754, %select_n3A_1725 : vector<128x256xi1>, vector<128x256xf32>
      %select_n3A_1763 = arith.select %or3A_1761, %select_n3A_1756, %select_n3A_1726 : vector<128x256xi1>, vector<128x256xi32>
      %slice3A_1764 = vector.extract_strided_slice %add3A_45 {offsets = [3072, 0], sizes = [128, 256], strides = [1, 1]} : vector<4096x256xf32> to vector<128x256xf32>
      %broadcast_in_dim3A_1765 = arith.constant 24 : i32
      %broadcast_in_dim3A_1766 = vector.broadcast %broadcast_in_dim3A_1765 : i32 to vector<128x256xi32>
      %lt3A_1767 = arith.cmpf olt, %slice3A_1764, %select_n3A_1735 : vector<128x256xf32>
      %eq3A_1768 = arith.cmpf oeq, %slice3A_1764, %select_n3A_1735 : vector<128x256xf32>
      %lt3A_1769 = arith.cmpi slt, %broadcast_in_dim3A_1766, %select_n3A_1737 : vector<128x256xi32>
      %and3A_1770 = arith.andi %eq3A_1768, %lt3A_1769 : vector<128x256xi1>
      %or3A_1771 = arith.ori %lt3A_1767, %and3A_1770 : vector<128x256xi1>
      %select_n3A_1772 = arith.select %or3A_1771, %slice3A_1764, %select_n3A_1735 : vector<128x256xi1>, vector<128x256xf32>
      %select_n3A_1773 = arith.select %or3A_1771, %select_n3A_1735, %slice3A_1764 : vector<128x256xi1>, vector<128x256xf32>
      %select_n3A_1774 = arith.select %or3A_1771, %broadcast_in_dim3A_1766, %select_n3A_1737 : vector<128x256xi1>, vector<128x256xi32>
      %select_n3A_1775 = arith.select %or3A_1771, %select_n3A_1737, %broadcast_in_dim3A_1766 : vector<128x256xi1>, vector<128x256xi32>
      %lt3A_1776 = arith.cmpf olt, %select_n3A_1773, %select_n3A_1744 : vector<128x256xf32>
      %eq3A_1777 = arith.cmpf oeq, %select_n3A_1773, %select_n3A_1744 : vector<128x256xf32>
      %lt3A_1778 = arith.cmpi slt, %select_n3A_1775, %select_n3A_1746 : vector<128x256xi32>
      %and3A_1779 = arith.andi %eq3A_1777, %lt3A_1778 : vector<128x256xi1>
      %or3A_1780 = arith.ori %lt3A_1776, %and3A_1779 : vector<128x256xi1>
      %select_n3A_1781 = arith.select %or3A_1780, %select_n3A_1773, %select_n3A_1744 : vector<128x256xi1>, vector<128x256xf32>
      %select_n3A_1782 = arith.select %or3A_1780, %select_n3A_1744, %select_n3A_1773 : vector<128x256xi1>, vector<128x256xf32>
      %select_n3A_1783 = arith.select %or3A_1780, %select_n3A_1775, %select_n3A_1746 : vector<128x256xi1>, vector<128x256xi32>
      %select_n3A_1784 = arith.select %or3A_1780, %select_n3A_1746, %select_n3A_1775 : vector<128x256xi1>, vector<128x256xi32>
      %lt3A_1785 = arith.cmpf olt, %select_n3A_1782, %select_n3A_1753 : vector<128x256xf32>
      %eq3A_1786 = arith.cmpf oeq, %select_n3A_1782, %select_n3A_1753 : vector<128x256xf32>
      %lt3A_1787 = arith.cmpi slt, %select_n3A_1784, %select_n3A_1755 : vector<128x256xi32>
      %and3A_1788 = arith.andi %eq3A_1786, %lt3A_1787 : vector<128x256xi1>
      %or3A_1789 = arith.ori %lt3A_1785, %and3A_1788 : vector<128x256xi1>
      %select_n3A_1790 = arith.select %or3A_1789, %select_n3A_1782, %select_n3A_1753 : vector<128x256xi1>, vector<128x256xf32>
      %select_n3A_1791 = arith.select %or3A_1789, %select_n3A_1753, %select_n3A_1782 : vector<128x256xi1>, vector<128x256xf32>
      %select_n3A_1792 = arith.select %or3A_1789, %select_n3A_1784, %select_n3A_1755 : vector<128x256xi1>, vector<128x256xi32>
      %select_n3A_1793 = arith.select %or3A_1789, %select_n3A_1755, %select_n3A_1784 : vector<128x256xi1>, vector<128x256xi32>
      %lt3A_1794 = arith.cmpf olt, %select_n3A_1791, %select_n3A_1762 : vector<128x256xf32>
      %eq3A_1795 = arith.cmpf oeq, %select_n3A_1791, %select_n3A_1762 : vector<128x256xf32>
      %lt3A_1796 = arith.cmpi slt, %select_n3A_1793, %select_n3A_1763 : vector<128x256xi32>
      %and3A_1797 = arith.andi %eq3A_1795, %lt3A_1796 : vector<128x256xi1>
      %or3A_1798 = arith.ori %lt3A_1794, %and3A_1797 : vector<128x256xi1>
      %select_n3A_1799 = arith.select %or3A_1798, %select_n3A_1791, %select_n3A_1762 : vector<128x256xi1>, vector<128x256xf32>
      %select_n3A_1800 = arith.select %or3A_1798, %select_n3A_1793, %select_n3A_1763 : vector<128x256xi1>, vector<128x256xi32>
      %slice3A_1801 = vector.extract_strided_slice %add3A_45 {offsets = [3200, 0], sizes = [128, 256], strides = [1, 1]} : vector<4096x256xf32> to vector<128x256xf32>
      %broadcast_in_dim3A_1802 = arith.constant 25 : i32
      %broadcast_in_dim3A_1803 = vector.broadcast %broadcast_in_dim3A_1802 : i32 to vector<128x256xi32>
      %lt3A_1804 = arith.cmpf olt, %slice3A_1801, %select_n3A_1772 : vector<128x256xf32>
      %eq3A_1805 = arith.cmpf oeq, %slice3A_1801, %select_n3A_1772 : vector<128x256xf32>
      %lt3A_1806 = arith.cmpi slt, %broadcast_in_dim3A_1803, %select_n3A_1774 : vector<128x256xi32>
      %and3A_1807 = arith.andi %eq3A_1805, %lt3A_1806 : vector<128x256xi1>
      %or3A_1808 = arith.ori %lt3A_1804, %and3A_1807 : vector<128x256xi1>
      %select_n3A_1809 = arith.select %or3A_1808, %slice3A_1801, %select_n3A_1772 : vector<128x256xi1>, vector<128x256xf32>
      %select_n3A_1810 = arith.select %or3A_1808, %select_n3A_1772, %slice3A_1801 : vector<128x256xi1>, vector<128x256xf32>
      %select_n3A_1811 = arith.select %or3A_1808, %broadcast_in_dim3A_1803, %select_n3A_1774 : vector<128x256xi1>, vector<128x256xi32>
      %select_n3A_1812 = arith.select %or3A_1808, %select_n3A_1774, %broadcast_in_dim3A_1803 : vector<128x256xi1>, vector<128x256xi32>
      %lt3A_1813 = arith.cmpf olt, %select_n3A_1810, %select_n3A_1781 : vector<128x256xf32>
      %eq3A_1814 = arith.cmpf oeq, %select_n3A_1810, %select_n3A_1781 : vector<128x256xf32>
      %lt3A_1815 = arith.cmpi slt, %select_n3A_1812, %select_n3A_1783 : vector<128x256xi32>
      %and3A_1816 = arith.andi %eq3A_1814, %lt3A_1815 : vector<128x256xi1>
      %or3A_1817 = arith.ori %lt3A_1813, %and3A_1816 : vector<128x256xi1>
      %select_n3A_1818 = arith.select %or3A_1817, %select_n3A_1810, %select_n3A_1781 : vector<128x256xi1>, vector<128x256xf32>
      %select_n3A_1819 = arith.select %or3A_1817, %select_n3A_1781, %select_n3A_1810 : vector<128x256xi1>, vector<128x256xf32>
      %select_n3A_1820 = arith.select %or3A_1817, %select_n3A_1812, %select_n3A_1783 : vector<128x256xi1>, vector<128x256xi32>
      %select_n3A_1821 = arith.select %or3A_1817, %select_n3A_1783, %select_n3A_1812 : vector<128x256xi1>, vector<128x256xi32>
      %lt3A_1822 = arith.cmpf olt, %select_n3A_1819, %select_n3A_1790 : vector<128x256xf32>
      %eq3A_1823 = arith.cmpf oeq, %select_n3A_1819, %select_n3A_1790 : vector<128x256xf32>
      %lt3A_1824 = arith.cmpi slt, %select_n3A_1821, %select_n3A_1792 : vector<128x256xi32>
      %and3A_1825 = arith.andi %eq3A_1823, %lt3A_1824 : vector<128x256xi1>
      %or3A_1826 = arith.ori %lt3A_1822, %and3A_1825 : vector<128x256xi1>
      %select_n3A_1827 = arith.select %or3A_1826, %select_n3A_1819, %select_n3A_1790 : vector<128x256xi1>, vector<128x256xf32>
      %select_n3A_1828 = arith.select %or3A_1826, %select_n3A_1790, %select_n3A_1819 : vector<128x256xi1>, vector<128x256xf32>
      %select_n3A_1829 = arith.select %or3A_1826, %select_n3A_1821, %select_n3A_1792 : vector<128x256xi1>, vector<128x256xi32>
      %select_n3A_1830 = arith.select %or3A_1826, %select_n3A_1792, %select_n3A_1821 : vector<128x256xi1>, vector<128x256xi32>
      %lt3A_1831 = arith.cmpf olt, %select_n3A_1828, %select_n3A_1799 : vector<128x256xf32>
      %eq3A_1832 = arith.cmpf oeq, %select_n3A_1828, %select_n3A_1799 : vector<128x256xf32>
      %lt3A_1833 = arith.cmpi slt, %select_n3A_1830, %select_n3A_1800 : vector<128x256xi32>
      %and3A_1834 = arith.andi %eq3A_1832, %lt3A_1833 : vector<128x256xi1>
      %or3A_1835 = arith.ori %lt3A_1831, %and3A_1834 : vector<128x256xi1>
      %select_n3A_1836 = arith.select %or3A_1835, %select_n3A_1828, %select_n3A_1799 : vector<128x256xi1>, vector<128x256xf32>
      %select_n3A_1837 = arith.select %or3A_1835, %select_n3A_1830, %select_n3A_1800 : vector<128x256xi1>, vector<128x256xi32>
      %slice3A_1838 = vector.extract_strided_slice %add3A_45 {offsets = [3328, 0], sizes = [128, 256], strides = [1, 1]} : vector<4096x256xf32> to vector<128x256xf32>
      %broadcast_in_dim3A_1839 = arith.constant 26 : i32
      %broadcast_in_dim3A_1840 = vector.broadcast %broadcast_in_dim3A_1839 : i32 to vector<128x256xi32>
      %lt3A_1841 = arith.cmpf olt, %slice3A_1838, %select_n3A_1809 : vector<128x256xf32>
      %eq3A_1842 = arith.cmpf oeq, %slice3A_1838, %select_n3A_1809 : vector<128x256xf32>
      %lt3A_1843 = arith.cmpi slt, %broadcast_in_dim3A_1840, %select_n3A_1811 : vector<128x256xi32>
      %and3A_1844 = arith.andi %eq3A_1842, %lt3A_1843 : vector<128x256xi1>
      %or3A_1845 = arith.ori %lt3A_1841, %and3A_1844 : vector<128x256xi1>
      %select_n3A_1846 = arith.select %or3A_1845, %slice3A_1838, %select_n3A_1809 : vector<128x256xi1>, vector<128x256xf32>
      %select_n3A_1847 = arith.select %or3A_1845, %select_n3A_1809, %slice3A_1838 : vector<128x256xi1>, vector<128x256xf32>
      %select_n3A_1848 = arith.select %or3A_1845, %broadcast_in_dim3A_1840, %select_n3A_1811 : vector<128x256xi1>, vector<128x256xi32>
      %select_n3A_1849 = arith.select %or3A_1845, %select_n3A_1811, %broadcast_in_dim3A_1840 : vector<128x256xi1>, vector<128x256xi32>
      %lt3A_1850 = arith.cmpf olt, %select_n3A_1847, %select_n3A_1818 : vector<128x256xf32>
      %eq3A_1851 = arith.cmpf oeq, %select_n3A_1847, %select_n3A_1818 : vector<128x256xf32>
      %lt3A_1852 = arith.cmpi slt, %select_n3A_1849, %select_n3A_1820 : vector<128x256xi32>
      %and3A_1853 = arith.andi %eq3A_1851, %lt3A_1852 : vector<128x256xi1>
      %or3A_1854 = arith.ori %lt3A_1850, %and3A_1853 : vector<128x256xi1>
      %select_n3A_1855 = arith.select %or3A_1854, %select_n3A_1847, %select_n3A_1818 : vector<128x256xi1>, vector<128x256xf32>
      %select_n3A_1856 = arith.select %or3A_1854, %select_n3A_1818, %select_n3A_1847 : vector<128x256xi1>, vector<128x256xf32>
      %select_n3A_1857 = arith.select %or3A_1854, %select_n3A_1849, %select_n3A_1820 : vector<128x256xi1>, vector<128x256xi32>
      %select_n3A_1858 = arith.select %or3A_1854, %select_n3A_1820, %select_n3A_1849 : vector<128x256xi1>, vector<128x256xi32>
      %lt3A_1859 = arith.cmpf olt, %select_n3A_1856, %select_n3A_1827 : vector<128x256xf32>
      %eq3A_1860 = arith.cmpf oeq, %select_n3A_1856, %select_n3A_1827 : vector<128x256xf32>
      %lt3A_1861 = arith.cmpi slt, %select_n3A_1858, %select_n3A_1829 : vector<128x256xi32>
      %and3A_1862 = arith.andi %eq3A_1860, %lt3A_1861 : vector<128x256xi1>
      %or3A_1863 = arith.ori %lt3A_1859, %and3A_1862 : vector<128x256xi1>
      %select_n3A_1864 = arith.select %or3A_1863, %select_n3A_1856, %select_n3A_1827 : vector<128x256xi1>, vector<128x256xf32>
      %select_n3A_1865 = arith.select %or3A_1863, %select_n3A_1827, %select_n3A_1856 : vector<128x256xi1>, vector<128x256xf32>
      %select_n3A_1866 = arith.select %or3A_1863, %select_n3A_1858, %select_n3A_1829 : vector<128x256xi1>, vector<128x256xi32>
      %select_n3A_1867 = arith.select %or3A_1863, %select_n3A_1829, %select_n3A_1858 : vector<128x256xi1>, vector<128x256xi32>
      %lt3A_1868 = arith.cmpf olt, %select_n3A_1865, %select_n3A_1836 : vector<128x256xf32>
      %eq3A_1869 = arith.cmpf oeq, %select_n3A_1865, %select_n3A_1836 : vector<128x256xf32>
      %lt3A_1870 = arith.cmpi slt, %select_n3A_1867, %select_n3A_1837 : vector<128x256xi32>
      %and3A_1871 = arith.andi %eq3A_1869, %lt3A_1870 : vector<128x256xi1>
      %or3A_1872 = arith.ori %lt3A_1868, %and3A_1871 : vector<128x256xi1>
      %select_n3A_1873 = arith.select %or3A_1872, %select_n3A_1865, %select_n3A_1836 : vector<128x256xi1>, vector<128x256xf32>
      %select_n3A_1874 = arith.select %or3A_1872, %select_n3A_1867, %select_n3A_1837 : vector<128x256xi1>, vector<128x256xi32>
      %slice3A_1875 = vector.extract_strided_slice %add3A_45 {offsets = [3456, 0], sizes = [128, 256], strides = [1, 1]} : vector<4096x256xf32> to vector<128x256xf32>
      %broadcast_in_dim3A_1876 = arith.constant 27 : i32
      %broadcast_in_dim3A_1877 = vector.broadcast %broadcast_in_dim3A_1876 : i32 to vector<128x256xi32>
      %lt3A_1878 = arith.cmpf olt, %slice3A_1875, %select_n3A_1846 : vector<128x256xf32>
      %eq3A_1879 = arith.cmpf oeq, %slice3A_1875, %select_n3A_1846 : vector<128x256xf32>
      %lt3A_1880 = arith.cmpi slt, %broadcast_in_dim3A_1877, %select_n3A_1848 : vector<128x256xi32>
      %and3A_1881 = arith.andi %eq3A_1879, %lt3A_1880 : vector<128x256xi1>
      %or3A_1882 = arith.ori %lt3A_1878, %and3A_1881 : vector<128x256xi1>
      %select_n3A_1883 = arith.select %or3A_1882, %slice3A_1875, %select_n3A_1846 : vector<128x256xi1>, vector<128x256xf32>
      %select_n3A_1884 = arith.select %or3A_1882, %select_n3A_1846, %slice3A_1875 : vector<128x256xi1>, vector<128x256xf32>
      %select_n3A_1885 = arith.select %or3A_1882, %broadcast_in_dim3A_1877, %select_n3A_1848 : vector<128x256xi1>, vector<128x256xi32>
      %select_n3A_1886 = arith.select %or3A_1882, %select_n3A_1848, %broadcast_in_dim3A_1877 : vector<128x256xi1>, vector<128x256xi32>
      %lt3A_1887 = arith.cmpf olt, %select_n3A_1884, %select_n3A_1855 : vector<128x256xf32>
      %eq3A_1888 = arith.cmpf oeq, %select_n3A_1884, %select_n3A_1855 : vector<128x256xf32>
      %lt3A_1889 = arith.cmpi slt, %select_n3A_1886, %select_n3A_1857 : vector<128x256xi32>
      %and3A_1890 = arith.andi %eq3A_1888, %lt3A_1889 : vector<128x256xi1>
      %or3A_1891 = arith.ori %lt3A_1887, %and3A_1890 : vector<128x256xi1>
      %select_n3A_1892 = arith.select %or3A_1891, %select_n3A_1884, %select_n3A_1855 : vector<128x256xi1>, vector<128x256xf32>
      %select_n3A_1893 = arith.select %or3A_1891, %select_n3A_1855, %select_n3A_1884 : vector<128x256xi1>, vector<128x256xf32>
      %select_n3A_1894 = arith.select %or3A_1891, %select_n3A_1886, %select_n3A_1857 : vector<128x256xi1>, vector<128x256xi32>
      %select_n3A_1895 = arith.select %or3A_1891, %select_n3A_1857, %select_n3A_1886 : vector<128x256xi1>, vector<128x256xi32>
      %lt3A_1896 = arith.cmpf olt, %select_n3A_1893, %select_n3A_1864 : vector<128x256xf32>
      %eq3A_1897 = arith.cmpf oeq, %select_n3A_1893, %select_n3A_1864 : vector<128x256xf32>
      %lt3A_1898 = arith.cmpi slt, %select_n3A_1895, %select_n3A_1866 : vector<128x256xi32>
      %and3A_1899 = arith.andi %eq3A_1897, %lt3A_1898 : vector<128x256xi1>
      %or3A_1900 = arith.ori %lt3A_1896, %and3A_1899 : vector<128x256xi1>
      %select_n3A_1901 = arith.select %or3A_1900, %select_n3A_1893, %select_n3A_1864 : vector<128x256xi1>, vector<128x256xf32>
      %select_n3A_1902 = arith.select %or3A_1900, %select_n3A_1864, %select_n3A_1893 : vector<128x256xi1>, vector<128x256xf32>
      %select_n3A_1903 = arith.select %or3A_1900, %select_n3A_1895, %select_n3A_1866 : vector<128x256xi1>, vector<128x256xi32>
      %select_n3A_1904 = arith.select %or3A_1900, %select_n3A_1866, %select_n3A_1895 : vector<128x256xi1>, vector<128x256xi32>
      %lt3A_1905 = arith.cmpf olt, %select_n3A_1902, %select_n3A_1873 : vector<128x256xf32>
      %eq3A_1906 = arith.cmpf oeq, %select_n3A_1902, %select_n3A_1873 : vector<128x256xf32>
      %lt3A_1907 = arith.cmpi slt, %select_n3A_1904, %select_n3A_1874 : vector<128x256xi32>
      %and3A_1908 = arith.andi %eq3A_1906, %lt3A_1907 : vector<128x256xi1>
      %or3A_1909 = arith.ori %lt3A_1905, %and3A_1908 : vector<128x256xi1>
      %select_n3A_1910 = arith.select %or3A_1909, %select_n3A_1902, %select_n3A_1873 : vector<128x256xi1>, vector<128x256xf32>
      %select_n3A_1911 = arith.select %or3A_1909, %select_n3A_1904, %select_n3A_1874 : vector<128x256xi1>, vector<128x256xi32>
      %slice3A_1912 = vector.extract_strided_slice %add3A_45 {offsets = [3584, 0], sizes = [128, 256], strides = [1, 1]} : vector<4096x256xf32> to vector<128x256xf32>
      %broadcast_in_dim3A_1913 = arith.constant 28 : i32
      %broadcast_in_dim3A_1914 = vector.broadcast %broadcast_in_dim3A_1913 : i32 to vector<128x256xi32>
      %lt3A_1915 = arith.cmpf olt, %slice3A_1912, %select_n3A_1883 : vector<128x256xf32>
      %eq3A_1916 = arith.cmpf oeq, %slice3A_1912, %select_n3A_1883 : vector<128x256xf32>
      %lt3A_1917 = arith.cmpi slt, %broadcast_in_dim3A_1914, %select_n3A_1885 : vector<128x256xi32>
      %and3A_1918 = arith.andi %eq3A_1916, %lt3A_1917 : vector<128x256xi1>
      %or3A_1919 = arith.ori %lt3A_1915, %and3A_1918 : vector<128x256xi1>
      %select_n3A_1920 = arith.select %or3A_1919, %slice3A_1912, %select_n3A_1883 : vector<128x256xi1>, vector<128x256xf32>
      %select_n3A_1921 = arith.select %or3A_1919, %select_n3A_1883, %slice3A_1912 : vector<128x256xi1>, vector<128x256xf32>
      %select_n3A_1922 = arith.select %or3A_1919, %broadcast_in_dim3A_1914, %select_n3A_1885 : vector<128x256xi1>, vector<128x256xi32>
      %select_n3A_1923 = arith.select %or3A_1919, %select_n3A_1885, %broadcast_in_dim3A_1914 : vector<128x256xi1>, vector<128x256xi32>
      %lt3A_1924 = arith.cmpf olt, %select_n3A_1921, %select_n3A_1892 : vector<128x256xf32>
      %eq3A_1925 = arith.cmpf oeq, %select_n3A_1921, %select_n3A_1892 : vector<128x256xf32>
      %lt3A_1926 = arith.cmpi slt, %select_n3A_1923, %select_n3A_1894 : vector<128x256xi32>
      %and3A_1927 = arith.andi %eq3A_1925, %lt3A_1926 : vector<128x256xi1>
      %or3A_1928 = arith.ori %lt3A_1924, %and3A_1927 : vector<128x256xi1>
      %select_n3A_1929 = arith.select %or3A_1928, %select_n3A_1921, %select_n3A_1892 : vector<128x256xi1>, vector<128x256xf32>
      %select_n3A_1930 = arith.select %or3A_1928, %select_n3A_1892, %select_n3A_1921 : vector<128x256xi1>, vector<128x256xf32>
      %select_n3A_1931 = arith.select %or3A_1928, %select_n3A_1923, %select_n3A_1894 : vector<128x256xi1>, vector<128x256xi32>
      %select_n3A_1932 = arith.select %or3A_1928, %select_n3A_1894, %select_n3A_1923 : vector<128x256xi1>, vector<128x256xi32>
      %lt3A_1933 = arith.cmpf olt, %select_n3A_1930, %select_n3A_1901 : vector<128x256xf32>
      %eq3A_1934 = arith.cmpf oeq, %select_n3A_1930, %select_n3A_1901 : vector<128x256xf32>
      %lt3A_1935 = arith.cmpi slt, %select_n3A_1932, %select_n3A_1903 : vector<128x256xi32>
      %and3A_1936 = arith.andi %eq3A_1934, %lt3A_1935 : vector<128x256xi1>
      %or3A_1937 = arith.ori %lt3A_1933, %and3A_1936 : vector<128x256xi1>
      %select_n3A_1938 = arith.select %or3A_1937, %select_n3A_1930, %select_n3A_1901 : vector<128x256xi1>, vector<128x256xf32>
      %select_n3A_1939 = arith.select %or3A_1937, %select_n3A_1901, %select_n3A_1930 : vector<128x256xi1>, vector<128x256xf32>
      %select_n3A_1940 = arith.select %or3A_1937, %select_n3A_1932, %select_n3A_1903 : vector<128x256xi1>, vector<128x256xi32>
      %select_n3A_1941 = arith.select %or3A_1937, %select_n3A_1903, %select_n3A_1932 : vector<128x256xi1>, vector<128x256xi32>
      %lt3A_1942 = arith.cmpf olt, %select_n3A_1939, %select_n3A_1910 : vector<128x256xf32>
      %eq3A_1943 = arith.cmpf oeq, %select_n3A_1939, %select_n3A_1910 : vector<128x256xf32>
      %lt3A_1944 = arith.cmpi slt, %select_n3A_1941, %select_n3A_1911 : vector<128x256xi32>
      %and3A_1945 = arith.andi %eq3A_1943, %lt3A_1944 : vector<128x256xi1>
      %or3A_1946 = arith.ori %lt3A_1942, %and3A_1945 : vector<128x256xi1>
      %select_n3A_1947 = arith.select %or3A_1946, %select_n3A_1939, %select_n3A_1910 : vector<128x256xi1>, vector<128x256xf32>
      %select_n3A_1948 = arith.select %or3A_1946, %select_n3A_1941, %select_n3A_1911 : vector<128x256xi1>, vector<128x256xi32>
      %slice3A_1949 = vector.extract_strided_slice %add3A_45 {offsets = [3712, 0], sizes = [128, 256], strides = [1, 1]} : vector<4096x256xf32> to vector<128x256xf32>
      %broadcast_in_dim3A_1950 = arith.constant 29 : i32
      %broadcast_in_dim3A_1951 = vector.broadcast %broadcast_in_dim3A_1950 : i32 to vector<128x256xi32>
      %lt3A_1952 = arith.cmpf olt, %slice3A_1949, %select_n3A_1920 : vector<128x256xf32>
      %eq3A_1953 = arith.cmpf oeq, %slice3A_1949, %select_n3A_1920 : vector<128x256xf32>
      %lt3A_1954 = arith.cmpi slt, %broadcast_in_dim3A_1951, %select_n3A_1922 : vector<128x256xi32>
      %and3A_1955 = arith.andi %eq3A_1953, %lt3A_1954 : vector<128x256xi1>
      %or3A_1956 = arith.ori %lt3A_1952, %and3A_1955 : vector<128x256xi1>
      %select_n3A_1957 = arith.select %or3A_1956, %slice3A_1949, %select_n3A_1920 : vector<128x256xi1>, vector<128x256xf32>
      %select_n3A_1958 = arith.select %or3A_1956, %select_n3A_1920, %slice3A_1949 : vector<128x256xi1>, vector<128x256xf32>
      %select_n3A_1959 = arith.select %or3A_1956, %broadcast_in_dim3A_1951, %select_n3A_1922 : vector<128x256xi1>, vector<128x256xi32>
      %select_n3A_1960 = arith.select %or3A_1956, %select_n3A_1922, %broadcast_in_dim3A_1951 : vector<128x256xi1>, vector<128x256xi32>
      %lt3A_1961 = arith.cmpf olt, %select_n3A_1958, %select_n3A_1929 : vector<128x256xf32>
      %eq3A_1962 = arith.cmpf oeq, %select_n3A_1958, %select_n3A_1929 : vector<128x256xf32>
      %lt3A_1963 = arith.cmpi slt, %select_n3A_1960, %select_n3A_1931 : vector<128x256xi32>
      %and3A_1964 = arith.andi %eq3A_1962, %lt3A_1963 : vector<128x256xi1>
      %or3A_1965 = arith.ori %lt3A_1961, %and3A_1964 : vector<128x256xi1>
      %select_n3A_1966 = arith.select %or3A_1965, %select_n3A_1958, %select_n3A_1929 : vector<128x256xi1>, vector<128x256xf32>
      %select_n3A_1967 = arith.select %or3A_1965, %select_n3A_1929, %select_n3A_1958 : vector<128x256xi1>, vector<128x256xf32>
      %select_n3A_1968 = arith.select %or3A_1965, %select_n3A_1960, %select_n3A_1931 : vector<128x256xi1>, vector<128x256xi32>
      %select_n3A_1969 = arith.select %or3A_1965, %select_n3A_1931, %select_n3A_1960 : vector<128x256xi1>, vector<128x256xi32>
      %lt3A_1970 = arith.cmpf olt, %select_n3A_1967, %select_n3A_1938 : vector<128x256xf32>
      %eq3A_1971 = arith.cmpf oeq, %select_n3A_1967, %select_n3A_1938 : vector<128x256xf32>
      %lt3A_1972 = arith.cmpi slt, %select_n3A_1969, %select_n3A_1940 : vector<128x256xi32>
      %and3A_1973 = arith.andi %eq3A_1971, %lt3A_1972 : vector<128x256xi1>
      %or3A_1974 = arith.ori %lt3A_1970, %and3A_1973 : vector<128x256xi1>
      %select_n3A_1975 = arith.select %or3A_1974, %select_n3A_1967, %select_n3A_1938 : vector<128x256xi1>, vector<128x256xf32>
      %select_n3A_1976 = arith.select %or3A_1974, %select_n3A_1938, %select_n3A_1967 : vector<128x256xi1>, vector<128x256xf32>
      %select_n3A_1977 = arith.select %or3A_1974, %select_n3A_1969, %select_n3A_1940 : vector<128x256xi1>, vector<128x256xi32>
      %select_n3A_1978 = arith.select %or3A_1974, %select_n3A_1940, %select_n3A_1969 : vector<128x256xi1>, vector<128x256xi32>
      %lt3A_1979 = arith.cmpf olt, %select_n3A_1976, %select_n3A_1947 : vector<128x256xf32>
      %eq3A_1980 = arith.cmpf oeq, %select_n3A_1976, %select_n3A_1947 : vector<128x256xf32>
      %lt3A_1981 = arith.cmpi slt, %select_n3A_1978, %select_n3A_1948 : vector<128x256xi32>
      %and3A_1982 = arith.andi %eq3A_1980, %lt3A_1981 : vector<128x256xi1>
      %or3A_1983 = arith.ori %lt3A_1979, %and3A_1982 : vector<128x256xi1>
      %select_n3A_1984 = arith.select %or3A_1983, %select_n3A_1976, %select_n3A_1947 : vector<128x256xi1>, vector<128x256xf32>
      %select_n3A_1985 = arith.select %or3A_1983, %select_n3A_1978, %select_n3A_1948 : vector<128x256xi1>, vector<128x256xi32>
      %slice3A_1986 = vector.extract_strided_slice %add3A_45 {offsets = [3840, 0], sizes = [128, 256], strides = [1, 1]} : vector<4096x256xf32> to vector<128x256xf32>
      %broadcast_in_dim3A_1987 = arith.constant 30 : i32
      %broadcast_in_dim3A_1988 = vector.broadcast %broadcast_in_dim3A_1987 : i32 to vector<128x256xi32>
      %lt3A_1989 = arith.cmpf olt, %slice3A_1986, %select_n3A_1957 : vector<128x256xf32>
      %eq3A_1990 = arith.cmpf oeq, %slice3A_1986, %select_n3A_1957 : vector<128x256xf32>
      %lt3A_1991 = arith.cmpi slt, %broadcast_in_dim3A_1988, %select_n3A_1959 : vector<128x256xi32>
      %and3A_1992 = arith.andi %eq3A_1990, %lt3A_1991 : vector<128x256xi1>
      %or3A_1993 = arith.ori %lt3A_1989, %and3A_1992 : vector<128x256xi1>
      %select_n3A_1994 = arith.select %or3A_1993, %slice3A_1986, %select_n3A_1957 : vector<128x256xi1>, vector<128x256xf32>
      %select_n3A_1995 = arith.select %or3A_1993, %select_n3A_1957, %slice3A_1986 : vector<128x256xi1>, vector<128x256xf32>
      %select_n3A_1996 = arith.select %or3A_1993, %broadcast_in_dim3A_1988, %select_n3A_1959 : vector<128x256xi1>, vector<128x256xi32>
      %select_n3A_1997 = arith.select %or3A_1993, %select_n3A_1959, %broadcast_in_dim3A_1988 : vector<128x256xi1>, vector<128x256xi32>
      %lt3A_1998 = arith.cmpf olt, %select_n3A_1995, %select_n3A_1966 : vector<128x256xf32>
      %eq3A_1999 = arith.cmpf oeq, %select_n3A_1995, %select_n3A_1966 : vector<128x256xf32>
      %lt3A_2000 = arith.cmpi slt, %select_n3A_1997, %select_n3A_1968 : vector<128x256xi32>
      %and3A_2001 = arith.andi %eq3A_1999, %lt3A_2000 : vector<128x256xi1>
      %or3A_2002 = arith.ori %lt3A_1998, %and3A_2001 : vector<128x256xi1>
      %select_n3A_2003 = arith.select %or3A_2002, %select_n3A_1995, %select_n3A_1966 : vector<128x256xi1>, vector<128x256xf32>
      %select_n3A_2004 = arith.select %or3A_2002, %select_n3A_1966, %select_n3A_1995 : vector<128x256xi1>, vector<128x256xf32>
      %select_n3A_2005 = arith.select %or3A_2002, %select_n3A_1997, %select_n3A_1968 : vector<128x256xi1>, vector<128x256xi32>
      %select_n3A_2006 = arith.select %or3A_2002, %select_n3A_1968, %select_n3A_1997 : vector<128x256xi1>, vector<128x256xi32>
      %lt3A_2007 = arith.cmpf olt, %select_n3A_2004, %select_n3A_1975 : vector<128x256xf32>
      %eq3A_2008 = arith.cmpf oeq, %select_n3A_2004, %select_n3A_1975 : vector<128x256xf32>
      %lt3A_2009 = arith.cmpi slt, %select_n3A_2006, %select_n3A_1977 : vector<128x256xi32>
      %and3A_2010 = arith.andi %eq3A_2008, %lt3A_2009 : vector<128x256xi1>
      %or3A_2011 = arith.ori %lt3A_2007, %and3A_2010 : vector<128x256xi1>
      %select_n3A_2012 = arith.select %or3A_2011, %select_n3A_2004, %select_n3A_1975 : vector<128x256xi1>, vector<128x256xf32>
      %select_n3A_2013 = arith.select %or3A_2011, %select_n3A_1975, %select_n3A_2004 : vector<128x256xi1>, vector<128x256xf32>
      %select_n3A_2014 = arith.select %or3A_2011, %select_n3A_2006, %select_n3A_1977 : vector<128x256xi1>, vector<128x256xi32>
      %select_n3A_2015 = arith.select %or3A_2011, %select_n3A_1977, %select_n3A_2006 : vector<128x256xi1>, vector<128x256xi32>
      %lt3A_2016 = arith.cmpf olt, %select_n3A_2013, %select_n3A_1984 : vector<128x256xf32>
      %eq3A_2017 = arith.cmpf oeq, %select_n3A_2013, %select_n3A_1984 : vector<128x256xf32>
      %lt3A_2018 = arith.cmpi slt, %select_n3A_2015, %select_n3A_1985 : vector<128x256xi32>
      %and3A_2019 = arith.andi %eq3A_2017, %lt3A_2018 : vector<128x256xi1>
      %or3A_2020 = arith.ori %lt3A_2016, %and3A_2019 : vector<128x256xi1>
      %select_n3A_2021 = arith.select %or3A_2020, %select_n3A_2013, %select_n3A_1984 : vector<128x256xi1>, vector<128x256xf32>
      %select_n3A_2022 = arith.select %or3A_2020, %select_n3A_2015, %select_n3A_1985 : vector<128x256xi1>, vector<128x256xi32>
      %slice3A_2023 = vector.extract_strided_slice %add3A_45 {offsets = [3968, 0], sizes = [128, 256], strides = [1, 1]} : vector<4096x256xf32> to vector<128x256xf32>
      %broadcast_in_dim3A_2024 = arith.constant 31 : i32
      %broadcast_in_dim3A_2025 = vector.broadcast %broadcast_in_dim3A_2024 : i32 to vector<128x256xi32>
      %lt3A_2026 = arith.cmpf olt, %slice3A_2023, %select_n3A_1994 : vector<128x256xf32>
      %eq3A_2027 = arith.cmpf oeq, %slice3A_2023, %select_n3A_1994 : vector<128x256xf32>
      %lt3A_2028 = arith.cmpi slt, %broadcast_in_dim3A_2025, %select_n3A_1996 : vector<128x256xi32>
      %and3A_2029 = arith.andi %eq3A_2027, %lt3A_2028 : vector<128x256xi1>
      %or3A_2030 = arith.ori %lt3A_2026, %and3A_2029 : vector<128x256xi1>
      %select_n3A_2031 = arith.select %or3A_2030, %slice3A_2023, %select_n3A_1994 : vector<128x256xi1>, vector<128x256xf32>
      %select_n3A_2032 = arith.select %or3A_2030, %select_n3A_1994, %slice3A_2023 : vector<128x256xi1>, vector<128x256xf32>
      %select_n3A_2033 = arith.select %or3A_2030, %broadcast_in_dim3A_2025, %select_n3A_1996 : vector<128x256xi1>, vector<128x256xi32>
      %select_n3A_2034 = arith.select %or3A_2030, %select_n3A_1996, %broadcast_in_dim3A_2025 : vector<128x256xi1>, vector<128x256xi32>
      %lt3A_2035 = arith.cmpf olt, %select_n3A_2032, %select_n3A_2003 : vector<128x256xf32>
      %eq3A_2036 = arith.cmpf oeq, %select_n3A_2032, %select_n3A_2003 : vector<128x256xf32>
      %lt3A_2037 = arith.cmpi slt, %select_n3A_2034, %select_n3A_2005 : vector<128x256xi32>
      %and3A_2038 = arith.andi %eq3A_2036, %lt3A_2037 : vector<128x256xi1>
      %or3A_2039 = arith.ori %lt3A_2035, %and3A_2038 : vector<128x256xi1>
      %select_n3A_2040 = arith.select %or3A_2039, %select_n3A_2032, %select_n3A_2003 : vector<128x256xi1>, vector<128x256xf32>
      %select_n3A_2041 = arith.select %or3A_2039, %select_n3A_2003, %select_n3A_2032 : vector<128x256xi1>, vector<128x256xf32>
      %select_n3A_2042 = arith.select %or3A_2039, %select_n3A_2034, %select_n3A_2005 : vector<128x256xi1>, vector<128x256xi32>
      %select_n3A_2043 = arith.select %or3A_2039, %select_n3A_2005, %select_n3A_2034 : vector<128x256xi1>, vector<128x256xi32>
      %lt3A_2044 = arith.cmpf olt, %select_n3A_2041, %select_n3A_2012 : vector<128x256xf32>
      %eq3A_2045 = arith.cmpf oeq, %select_n3A_2041, %select_n3A_2012 : vector<128x256xf32>
      %lt3A_2046 = arith.cmpi slt, %select_n3A_2043, %select_n3A_2014 : vector<128x256xi32>
      %and3A_2047 = arith.andi %eq3A_2045, %lt3A_2046 : vector<128x256xi1>
      %or3A_2048 = arith.ori %lt3A_2044, %and3A_2047 : vector<128x256xi1>
      %select_n3A_2049 = arith.select %or3A_2048, %select_n3A_2041, %select_n3A_2012 : vector<128x256xi1>, vector<128x256xf32>
      %select_n3A_2050 = arith.select %or3A_2048, %select_n3A_2012, %select_n3A_2041 : vector<128x256xi1>, vector<128x256xf32>
      %select_n3A_2051 = arith.select %or3A_2048, %select_n3A_2043, %select_n3A_2014 : vector<128x256xi1>, vector<128x256xi32>
      %select_n3A_2052 = arith.select %or3A_2048, %select_n3A_2014, %select_n3A_2043 : vector<128x256xi1>, vector<128x256xi32>
      %lt3A_2053 = arith.cmpf olt, %select_n3A_2050, %select_n3A_2021 : vector<128x256xf32>
      %eq3A_2054 = arith.cmpf oeq, %select_n3A_2050, %select_n3A_2021 : vector<128x256xf32>
      %lt3A_2055 = arith.cmpi slt, %select_n3A_2052, %select_n3A_2022 : vector<128x256xi32>
      %and3A_2056 = arith.andi %eq3A_2054, %lt3A_2055 : vector<128x256xi1>
      %or3A_2057 = arith.ori %lt3A_2053, %and3A_2056 : vector<128x256xi1>
      %select_n3A_2058 = arith.select %or3A_2057, %select_n3A_2050, %select_n3A_2021 : vector<128x256xi1>, vector<128x256xf32>
      %select_n3A_2059 = arith.select %or3A_2057, %select_n3A_2052, %select_n3A_2022 : vector<128x256xi1>, vector<128x256xi32>
      scf.yield %select_n3A_2031, %select_n3A_2040, %select_n3A_2049, %select_n3A_2058, %select_n3A_2033, %select_n3A_2042, %select_n3A_2051, %select_n3A_2059 : vector<128x256xf32>, vector<128x256xf32>, vector<128x256xf32>, vector<128x256xf32>, vector<128x256xi32>, vector<128x256xi32>, vector<128x256xi32>, vector<128x256xi32>
    } else {
      scf.yield %select_n3A_808, %select_n3A_813, %select_n3A_818, %select_n3A_823, %select_n3A_810, %select_n3A_815, %select_n3A_820, %select_n3A_825 : vector<128x256xf32>, vector<128x256xf32>, vector<128x256xf32>, vector<128x256xf32>, vector<128x256xi32>, vector<128x256xi32>, vector<128x256xi32>, vector<128x256xi32>
    }
    %broadcast_in_dim3A_843 = arith.constant 0 : i32
    %broadcast_in_dim3A_844 = vector.broadcast %broadcast_in_dim3A_843 : i32 to vector<32x256xi32>
    %broadcast_in_dim3A_845 = arith.constant 0 : i32
    %broadcast_in_dim3A_846 = vector.broadcast %broadcast_in_dim3A_845 : i32 to vector<128x256xi32>
    %broadcast_in_dim3A_847 = arith.constant 4 : i32
    %broadcast_in_dim3A_848 = vector.broadcast %broadcast_in_dim3A_847 : i32 to vector<128x256xi32>
    %neg3A = arith.constant 0.000000e+00 : f32
    %neg3A_849 = arith.constant 3.000000e+38 : f32
    %neg3A_850 = arith.subf %neg3A, %neg3A_849 : f32
    %broadcast_in_dim3A_851 = vector.broadcast %neg3A_850 : f32 to vector<128x256xf32>
    %broadcast_in_dim3A_852 = arith.constant 0 : i32
    %broadcast_in_dim3A_853 = vector.broadcast %broadcast_in_dim3A_852 : i32 to vector<128x256xi32>
    %scan3A = arith.constant 1073741824 : i32
    %scan3A_854 = arith.constant 3.000000e+38 : f32
    %scan3A_855 = arith.constant 0 : i32
    %scan3A_856 = arith.constant 32 : i32
    %scan3A_857 = arith.addi %scan3A_855, %scan3A_856 : i32
    %scan3A_858 = arith.constant 1 : i32
    %scan3A_859:7 = scf.for %scan3A_865 = %scan3A_855 to %scan3A_857 step %scan3A_858 iter_args(%scan3A_866 = %broadcast_in_dim3A_844, %scan3A_867 = %cond3A_842#0, %scan3A_868 = %cond3A_842#4, %scan3A_869 = %broadcast_in_dim3A_846, %scan3A_870 = %broadcast_in_dim3A_848, %scan3A_871 = %broadcast_in_dim3A_851, %scan3A_872 = %broadcast_in_dim3A_853) -> (vector<32x256xi32>, vector<128x256xf32>, vector<128x256xi32>, vector<128x256xi32>, vector<128x256xi32>, vector<128x256xf32>, vector<128x256xi32>)  : i32 {
      %reduce_min3A = arith.constant dense<0x7F800000> : vector<256xf32>
      %reduce_min3A_873 = vector.multi_reduction <minimumf>, %scan3A_867, %reduce_min3A [0] : vector<128x256xf32> to vector<256xf32>
      %broadcast_in_dim3A_874 = vector.shape_cast %reduce_min3A_873 : vector<256xf32> to vector<1x256xf32>
      %eq3A_875 = vector.broadcast %broadcast_in_dim3A_874 : vector<1x256xf32> to vector<128x256xf32>
      %eq3A_876 = arith.cmpf oeq, %scan3A_867, %eq3A_875 : vector<128x256xf32>
      %mul3A_877 = arith.constant 128 : i32
      %mul3A_878 = vector.broadcast %mul3A_877 : i32 to vector<128x256xi32>
      %mul3A_879 = arith.muli %scan3A_868, %mul3A_878 : vector<128x256xi32>
      %add3A_880 = arith.addi %mul3A_879, %iota3A : vector<128x256xi32>
      %broadcast_in_dim3A_881 = vector.broadcast %scan3A : i32 to vector<128x256xi32>
      %select_n3A_882 = arith.select %eq3A_876, %add3A_880, %broadcast_in_dim3A_881 : vector<128x256xi1>, vector<128x256xi32>
      %reduce_min3A_883 = arith.constant dense<2147483647> : vector<256xi32>
      %reduce_min3A_884 = vector.multi_reduction <minsi>, %select_n3A_882, %reduce_min3A_883 [0] : vector<128x256xi32> to vector<256xi32>
      %broadcast_in_dim3A_885 = vector.shape_cast %reduce_min3A_884 : vector<256xi32> to vector<1x256xi32>
      %eq3A_886 = vector.broadcast %scan3A_865 : i32 to vector<32x256xi32>
      %eq3A_887 = arith.cmpi eq, %iota3A_46, %eq3A_886 : vector<32x256xi32>
      %add3A_888 = vector.broadcast %mul3A_47 : i32 to vector<1x256xi32>
      %add3A_889 = arith.addi %broadcast_in_dim3A_885, %add3A_888 : vector<1x256xi32>
      %jit3A = arith.constant 0 : i32
      %broadcast_in_dim3A_890 = vector.shape_cast %add3A_889 : vector<1x256xi32> to vector<1x256xi32>
      %broadcast_in_dim3A_891 = vector.broadcast %broadcast_in_dim3A_890 : vector<1x256xi32> to vector<32x256xi32>
      %broadcast_in_dim3A_892 = vector.broadcast %jit3A : i32 to vector<32x256xi32>
      %select_n3A_893 = arith.select %eq3A_887, %broadcast_in_dim3A_891, %broadcast_in_dim3A_892 : vector<32x256xi1>, vector<32x256xi32>
      %add3A_894 = arith.addi %scan3A_866, %select_n3A_893 : vector<32x256xi32>
      %eq3A_895 = vector.broadcast %broadcast_in_dim3A_885 : vector<1x256xi32> to vector<128x256xi32>
      %eq3A_896 = arith.cmpi eq, %select_n3A_882, %eq3A_895 : vector<128x256xi32>
      %convert_element_type3A_897 = arith.extui %eq3A_896 : vector<128x256xi1> to vector<128x256xi32>
      %add3A_898 = arith.addi %scan3A_869, %convert_element_type3A_897 : vector<128x256xi32>
      %select_n3A_899 = arith.select %eq3A_896, %scan3A_867, %scan3A_871 : vector<128x256xi1>, vector<128x256xf32>
      %select_n3A_900 = arith.select %eq3A_896, %scan3A_868, %scan3A_872 : vector<128x256xi1>, vector<128x256xi32>
      %broadcast_in_dim3A_901 = vector.broadcast %scan3A_854 : f32 to vector<128x256xf32>
      %broadcast_in_dim3A_902 = arith.constant 32 : i32
      %broadcast_in_dim3A_903 = vector.broadcast %broadcast_in_dim3A_902 : i32 to vector<128x256xi32>
      %eq3A_904 = arith.constant 3 : i32
      %eq3A_905 = vector.broadcast %eq3A_904 : i32 to vector<128x256xi32>
      %eq3A_906 = arith.cmpi eq, %add3A_898, %eq3A_905 : vector<128x256xi32>
      %select_n3A_907 = arith.select %eq3A_906, %cond3A_842#3, %broadcast_in_dim3A_901 : vector<128x256xi1>, vector<128x256xf32>
      %eq3A_908 = arith.constant 3 : i32
      %eq3A_909 = vector.broadcast %eq3A_908 : i32 to vector<128x256xi32>
      %eq3A_910 = arith.cmpi eq, %add3A_898, %eq3A_909 : vector<128x256xi32>
      %select_n3A_911 = arith.select %eq3A_910, %cond3A_842#7, %broadcast_in_dim3A_903 : vector<128x256xi1>, vector<128x256xi32>
      %eq3A_912 = arith.constant 2 : i32
      %eq3A_913 = vector.broadcast %eq3A_912 : i32 to vector<128x256xi32>
      %eq3A_914 = arith.cmpi eq, %add3A_898, %eq3A_913 : vector<128x256xi32>
      %select_n3A_915 = arith.select %eq3A_914, %cond3A_842#2, %select_n3A_907 : vector<128x256xi1>, vector<128x256xf32>
      %eq3A_916 = arith.constant 2 : i32
      %eq3A_917 = vector.broadcast %eq3A_916 : i32 to vector<128x256xi32>
      %eq3A_918 = arith.cmpi eq, %add3A_898, %eq3A_917 : vector<128x256xi32>
      %select_n3A_919 = arith.select %eq3A_918, %cond3A_842#6, %select_n3A_911 : vector<128x256xi1>, vector<128x256xi32>
      %eq3A_920 = arith.constant 1 : i32
      %eq3A_921 = vector.broadcast %eq3A_920 : i32 to vector<128x256xi32>
      %eq3A_922 = arith.cmpi eq, %add3A_898, %eq3A_921 : vector<128x256xi32>
      %select_n3A_923 = arith.select %eq3A_922, %cond3A_842#1, %select_n3A_915 : vector<128x256xi1>, vector<128x256xf32>
      %eq3A_924 = arith.constant 1 : i32
      %eq3A_925 = vector.broadcast %eq3A_924 : i32 to vector<128x256xi32>
      %eq3A_926 = arith.cmpi eq, %add3A_898, %eq3A_925 : vector<128x256xi32>
      %select_n3A_927 = arith.select %eq3A_926, %cond3A_842#5, %select_n3A_919 : vector<128x256xi1>, vector<128x256xi32>
      %select_n3A_928 = arith.select %eq3A_896, %select_n3A_923, %scan3A_867 : vector<128x256xi1>, vector<128x256xf32>
      %select_n3A_929 = arith.select %eq3A_896, %select_n3A_927, %scan3A_868 : vector<128x256xi1>, vector<128x256xi32>
      %ge3A = arith.cmpi sge, %add3A_898, %scan3A_870 : vector<128x256xi32>
      %and3A = arith.andi %eq3A_896, %ge3A : vector<128x256xi1>
      %convert_element_type3A_930 = arith.extui %and3A : vector<128x256xi1> to vector<128x256xi32>
      %reduce_sum3A_931 = vector.shape_cast %convert_element_type3A_930 : vector<128x256xi32> to vector<1x128x256xi32>
      %reduce_sum3A_932 = arith.constant dense<0> : vector<1xi32>
      %reduce_sum3A_933 = vector.multi_reduction <add>, %reduce_sum3A_931, %reduce_sum3A_932 [1, 2] : vector<1x128x256xi32> to vector<1xi32>
      %reduce_sum3A_934 = vector.shape_cast %reduce_sum3A_933 : vector<1xi32> to vector<1x1x1xi32>
      %reduce_sum3A_935 = vector.extract %reduce_sum3A_934[0, 0, 0] : i32 from vector<1x1x1xi32>
      %gt3A_936 = arith.constant 0 : i32
      %gt3A_937 = arith.cmpi sgt, %reduce_sum3A_935, %gt3A_936 : i32
      %convert_element_type3A_938 = arith.extui %gt3A_937 : i1 to i32
      %cond3A_939 = arith.constant 0 : i32
      %cond3A_940 = arith.cmpi ne, %convert_element_type3A_938, %cond3A_939 : i32
      %cond3A_941:3 = scf.if %cond3A_940 -> (vector<128x256xf32>, vector<128x256xi32>, vector<128x256xi32>) {
        %broadcast_in_dim3A_942 = vector.broadcast %scan3A_854 : f32 to vector<128x256xf32>
        %broadcast_in_dim3A_943 = arith.constant 32 : i32
        %broadcast_in_dim3A_944 = vector.broadcast %broadcast_in_dim3A_943 : i32 to vector<128x256xi32>
        %slice3A_945 = vector.extract_strided_slice %add3A_45 {offsets = [0, 0], sizes = [128, 256], strides = [1, 1]} : vector<4096x256xf32> to vector<128x256xf32>
        %gt3A_946 = arith.cmpf ogt, %slice3A_945, %select_n3A_899 : vector<128x256xf32>
        %eq3A_947 = arith.cmpf oeq, %slice3A_945, %select_n3A_899 : vector<128x256xf32>
        %lt3A_948 = arith.constant 0 : i32
        %lt3A_949 = vector.broadcast %lt3A_948 : i32 to vector<128x256xi32>
        %lt3A_950 = arith.cmpi slt, %select_n3A_900, %lt3A_949 : vector<128x256xi32>
        %and3A_951 = arith.andi %eq3A_947, %lt3A_950 : vector<128x256xi1>
        %or3A_952 = arith.ori %gt3A_946, %and3A_951 : vector<128x256xi1>
        %broadcast_in_dim3A_953 = vector.broadcast %scan3A_854 : f32 to vector<128x256xf32>
        %select_n3A_954 = arith.select %or3A_952, %slice3A_945, %broadcast_in_dim3A_953 : vector<128x256xi1>, vector<128x256xf32>
        %lt3A_955 = arith.cmpf olt, %select_n3A_954, %broadcast_in_dim3A_942 : vector<128x256xf32>
        %select_n3A_956 = arith.select %lt3A_955, %select_n3A_954, %broadcast_in_dim3A_942 : vector<128x256xi1>, vector<128x256xf32>
        %broadcast_in_dim3A_957 = arith.constant 0 : i32
        %broadcast_in_dim3A_958 = vector.broadcast %broadcast_in_dim3A_957 : i32 to vector<128x256xi32>
        %select_n3A_959 = arith.select %lt3A_955, %broadcast_in_dim3A_958, %broadcast_in_dim3A_944 : vector<128x256xi1>, vector<128x256xi32>
        %slice3A_960 = vector.extract_strided_slice %add3A_45 {offsets = [128, 0], sizes = [128, 256], strides = [1, 1]} : vector<4096x256xf32> to vector<128x256xf32>
        %gt3A_961 = arith.cmpf ogt, %slice3A_960, %select_n3A_899 : vector<128x256xf32>
        %eq3A_962 = arith.cmpf oeq, %slice3A_960, %select_n3A_899 : vector<128x256xf32>
        %lt3A_963 = arith.constant 1 : i32
        %lt3A_964 = vector.broadcast %lt3A_963 : i32 to vector<128x256xi32>
        %lt3A_965 = arith.cmpi slt, %select_n3A_900, %lt3A_964 : vector<128x256xi32>
        %and3A_966 = arith.andi %eq3A_962, %lt3A_965 : vector<128x256xi1>
        %or3A_967 = arith.ori %gt3A_961, %and3A_966 : vector<128x256xi1>
        %broadcast_in_dim3A_968 = vector.broadcast %scan3A_854 : f32 to vector<128x256xf32>
        %select_n3A_969 = arith.select %or3A_967, %slice3A_960, %broadcast_in_dim3A_968 : vector<128x256xi1>, vector<128x256xf32>
        %lt3A_970 = arith.cmpf olt, %select_n3A_969, %select_n3A_956 : vector<128x256xf32>
        %select_n3A_971 = arith.select %lt3A_970, %select_n3A_969, %select_n3A_956 : vector<128x256xi1>, vector<128x256xf32>
        %broadcast_in_dim3A_972 = arith.constant 1 : i32
        %broadcast_in_dim3A_973 = vector.broadcast %broadcast_in_dim3A_972 : i32 to vector<128x256xi32>
        %select_n3A_974 = arith.select %lt3A_970, %broadcast_in_dim3A_973, %select_n3A_959 : vector<128x256xi1>, vector<128x256xi32>
        %slice3A_975 = vector.extract_strided_slice %add3A_45 {offsets = [256, 0], sizes = [128, 256], strides = [1, 1]} : vector<4096x256xf32> to vector<128x256xf32>
        %gt3A_976 = arith.cmpf ogt, %slice3A_975, %select_n3A_899 : vector<128x256xf32>
        %eq3A_977 = arith.cmpf oeq, %slice3A_975, %select_n3A_899 : vector<128x256xf32>
        %lt3A_978 = arith.constant 2 : i32
        %lt3A_979 = vector.broadcast %lt3A_978 : i32 to vector<128x256xi32>
        %lt3A_980 = arith.cmpi slt, %select_n3A_900, %lt3A_979 : vector<128x256xi32>
        %and3A_981 = arith.andi %eq3A_977, %lt3A_980 : vector<128x256xi1>
        %or3A_982 = arith.ori %gt3A_976, %and3A_981 : vector<128x256xi1>
        %broadcast_in_dim3A_983 = vector.broadcast %scan3A_854 : f32 to vector<128x256xf32>
        %select_n3A_984 = arith.select %or3A_982, %slice3A_975, %broadcast_in_dim3A_983 : vector<128x256xi1>, vector<128x256xf32>
        %lt3A_985 = arith.cmpf olt, %select_n3A_984, %select_n3A_971 : vector<128x256xf32>
        %select_n3A_986 = arith.select %lt3A_985, %select_n3A_984, %select_n3A_971 : vector<128x256xi1>, vector<128x256xf32>
        %broadcast_in_dim3A_987 = arith.constant 2 : i32
        %broadcast_in_dim3A_988 = vector.broadcast %broadcast_in_dim3A_987 : i32 to vector<128x256xi32>
        %select_n3A_989 = arith.select %lt3A_985, %broadcast_in_dim3A_988, %select_n3A_974 : vector<128x256xi1>, vector<128x256xi32>
        %slice3A_990 = vector.extract_strided_slice %add3A_45 {offsets = [384, 0], sizes = [128, 256], strides = [1, 1]} : vector<4096x256xf32> to vector<128x256xf32>
        %gt3A_991 = arith.cmpf ogt, %slice3A_990, %select_n3A_899 : vector<128x256xf32>
        %eq3A_992 = arith.cmpf oeq, %slice3A_990, %select_n3A_899 : vector<128x256xf32>
        %lt3A_993 = arith.constant 3 : i32
        %lt3A_994 = vector.broadcast %lt3A_993 : i32 to vector<128x256xi32>
        %lt3A_995 = arith.cmpi slt, %select_n3A_900, %lt3A_994 : vector<128x256xi32>
        %and3A_996 = arith.andi %eq3A_992, %lt3A_995 : vector<128x256xi1>
        %or3A_997 = arith.ori %gt3A_991, %and3A_996 : vector<128x256xi1>
        %broadcast_in_dim3A_998 = vector.broadcast %scan3A_854 : f32 to vector<128x256xf32>
        %select_n3A_999 = arith.select %or3A_997, %slice3A_990, %broadcast_in_dim3A_998 : vector<128x256xi1>, vector<128x256xf32>
        %lt3A_1000 = arith.cmpf olt, %select_n3A_999, %select_n3A_986 : vector<128x256xf32>
        %select_n3A_1001 = arith.select %lt3A_1000, %select_n3A_999, %select_n3A_986 : vector<128x256xi1>, vector<128x256xf32>
        %broadcast_in_dim3A_1002 = arith.constant 3 : i32
        %broadcast_in_dim3A_1003 = vector.broadcast %broadcast_in_dim3A_1002 : i32 to vector<128x256xi32>
        %select_n3A_1004 = arith.select %lt3A_1000, %broadcast_in_dim3A_1003, %select_n3A_989 : vector<128x256xi1>, vector<128x256xi32>
        %slice3A_1005 = vector.extract_strided_slice %add3A_45 {offsets = [512, 0], sizes = [128, 256], strides = [1, 1]} : vector<4096x256xf32> to vector<128x256xf32>
        %gt3A_1006 = arith.cmpf ogt, %slice3A_1005, %select_n3A_899 : vector<128x256xf32>
        %eq3A_1007 = arith.cmpf oeq, %slice3A_1005, %select_n3A_899 : vector<128x256xf32>
        %lt3A_1008 = arith.constant 4 : i32
        %lt3A_1009 = vector.broadcast %lt3A_1008 : i32 to vector<128x256xi32>
        %lt3A_1010 = arith.cmpi slt, %select_n3A_900, %lt3A_1009 : vector<128x256xi32>
        %and3A_1011 = arith.andi %eq3A_1007, %lt3A_1010 : vector<128x256xi1>
        %or3A_1012 = arith.ori %gt3A_1006, %and3A_1011 : vector<128x256xi1>
        %broadcast_in_dim3A_1013 = vector.broadcast %scan3A_854 : f32 to vector<128x256xf32>
        %select_n3A_1014 = arith.select %or3A_1012, %slice3A_1005, %broadcast_in_dim3A_1013 : vector<128x256xi1>, vector<128x256xf32>
        %lt3A_1015 = arith.cmpf olt, %select_n3A_1014, %select_n3A_1001 : vector<128x256xf32>
        %select_n3A_1016 = arith.select %lt3A_1015, %select_n3A_1014, %select_n3A_1001 : vector<128x256xi1>, vector<128x256xf32>
        %broadcast_in_dim3A_1017 = arith.constant 4 : i32
        %broadcast_in_dim3A_1018 = vector.broadcast %broadcast_in_dim3A_1017 : i32 to vector<128x256xi32>
        %select_n3A_1019 = arith.select %lt3A_1015, %broadcast_in_dim3A_1018, %select_n3A_1004 : vector<128x256xi1>, vector<128x256xi32>
        %slice3A_1020 = vector.extract_strided_slice %add3A_45 {offsets = [640, 0], sizes = [128, 256], strides = [1, 1]} : vector<4096x256xf32> to vector<128x256xf32>
        %gt3A_1021 = arith.cmpf ogt, %slice3A_1020, %select_n3A_899 : vector<128x256xf32>
        %eq3A_1022 = arith.cmpf oeq, %slice3A_1020, %select_n3A_899 : vector<128x256xf32>
        %lt3A_1023 = arith.constant 5 : i32
        %lt3A_1024 = vector.broadcast %lt3A_1023 : i32 to vector<128x256xi32>
        %lt3A_1025 = arith.cmpi slt, %select_n3A_900, %lt3A_1024 : vector<128x256xi32>
        %and3A_1026 = arith.andi %eq3A_1022, %lt3A_1025 : vector<128x256xi1>
        %or3A_1027 = arith.ori %gt3A_1021, %and3A_1026 : vector<128x256xi1>
        %broadcast_in_dim3A_1028 = vector.broadcast %scan3A_854 : f32 to vector<128x256xf32>
        %select_n3A_1029 = arith.select %or3A_1027, %slice3A_1020, %broadcast_in_dim3A_1028 : vector<128x256xi1>, vector<128x256xf32>
        %lt3A_1030 = arith.cmpf olt, %select_n3A_1029, %select_n3A_1016 : vector<128x256xf32>
        %select_n3A_1031 = arith.select %lt3A_1030, %select_n3A_1029, %select_n3A_1016 : vector<128x256xi1>, vector<128x256xf32>
        %broadcast_in_dim3A_1032 = arith.constant 5 : i32
        %broadcast_in_dim3A_1033 = vector.broadcast %broadcast_in_dim3A_1032 : i32 to vector<128x256xi32>
        %select_n3A_1034 = arith.select %lt3A_1030, %broadcast_in_dim3A_1033, %select_n3A_1019 : vector<128x256xi1>, vector<128x256xi32>
        %slice3A_1035 = vector.extract_strided_slice %add3A_45 {offsets = [768, 0], sizes = [128, 256], strides = [1, 1]} : vector<4096x256xf32> to vector<128x256xf32>
        %gt3A_1036 = arith.cmpf ogt, %slice3A_1035, %select_n3A_899 : vector<128x256xf32>
        %eq3A_1037 = arith.cmpf oeq, %slice3A_1035, %select_n3A_899 : vector<128x256xf32>
        %lt3A_1038 = arith.constant 6 : i32
        %lt3A_1039 = vector.broadcast %lt3A_1038 : i32 to vector<128x256xi32>
        %lt3A_1040 = arith.cmpi slt, %select_n3A_900, %lt3A_1039 : vector<128x256xi32>
        %and3A_1041 = arith.andi %eq3A_1037, %lt3A_1040 : vector<128x256xi1>
        %or3A_1042 = arith.ori %gt3A_1036, %and3A_1041 : vector<128x256xi1>
        %broadcast_in_dim3A_1043 = vector.broadcast %scan3A_854 : f32 to vector<128x256xf32>
        %select_n3A_1044 = arith.select %or3A_1042, %slice3A_1035, %broadcast_in_dim3A_1043 : vector<128x256xi1>, vector<128x256xf32>
        %lt3A_1045 = arith.cmpf olt, %select_n3A_1044, %select_n3A_1031 : vector<128x256xf32>
        %select_n3A_1046 = arith.select %lt3A_1045, %select_n3A_1044, %select_n3A_1031 : vector<128x256xi1>, vector<128x256xf32>
        %broadcast_in_dim3A_1047 = arith.constant 6 : i32
        %broadcast_in_dim3A_1048 = vector.broadcast %broadcast_in_dim3A_1047 : i32 to vector<128x256xi32>
        %select_n3A_1049 = arith.select %lt3A_1045, %broadcast_in_dim3A_1048, %select_n3A_1034 : vector<128x256xi1>, vector<128x256xi32>
        %slice3A_1050 = vector.extract_strided_slice %add3A_45 {offsets = [896, 0], sizes = [128, 256], strides = [1, 1]} : vector<4096x256xf32> to vector<128x256xf32>
        %gt3A_1051 = arith.cmpf ogt, %slice3A_1050, %select_n3A_899 : vector<128x256xf32>
        %eq3A_1052 = arith.cmpf oeq, %slice3A_1050, %select_n3A_899 : vector<128x256xf32>
        %lt3A_1053 = arith.constant 7 : i32
        %lt3A_1054 = vector.broadcast %lt3A_1053 : i32 to vector<128x256xi32>
        %lt3A_1055 = arith.cmpi slt, %select_n3A_900, %lt3A_1054 : vector<128x256xi32>
        %and3A_1056 = arith.andi %eq3A_1052, %lt3A_1055 : vector<128x256xi1>
        %or3A_1057 = arith.ori %gt3A_1051, %and3A_1056 : vector<128x256xi1>
        %broadcast_in_dim3A_1058 = vector.broadcast %scan3A_854 : f32 to vector<128x256xf32>
        %select_n3A_1059 = arith.select %or3A_1057, %slice3A_1050, %broadcast_in_dim3A_1058 : vector<128x256xi1>, vector<128x256xf32>
        %lt3A_1060 = arith.cmpf olt, %select_n3A_1059, %select_n3A_1046 : vector<128x256xf32>
        %select_n3A_1061 = arith.select %lt3A_1060, %select_n3A_1059, %select_n3A_1046 : vector<128x256xi1>, vector<128x256xf32>
        %broadcast_in_dim3A_1062 = arith.constant 7 : i32
        %broadcast_in_dim3A_1063 = vector.broadcast %broadcast_in_dim3A_1062 : i32 to vector<128x256xi32>
        %select_n3A_1064 = arith.select %lt3A_1060, %broadcast_in_dim3A_1063, %select_n3A_1049 : vector<128x256xi1>, vector<128x256xi32>
        %slice3A_1065 = vector.extract_strided_slice %add3A_45 {offsets = [1024, 0], sizes = [128, 256], strides = [1, 1]} : vector<4096x256xf32> to vector<128x256xf32>
        %gt3A_1066 = arith.cmpf ogt, %slice3A_1065, %select_n3A_899 : vector<128x256xf32>
        %eq3A_1067 = arith.cmpf oeq, %slice3A_1065, %select_n3A_899 : vector<128x256xf32>
        %lt3A_1068 = arith.constant 8 : i32
        %lt3A_1069 = vector.broadcast %lt3A_1068 : i32 to vector<128x256xi32>
        %lt3A_1070 = arith.cmpi slt, %select_n3A_900, %lt3A_1069 : vector<128x256xi32>
        %and3A_1071 = arith.andi %eq3A_1067, %lt3A_1070 : vector<128x256xi1>
        %or3A_1072 = arith.ori %gt3A_1066, %and3A_1071 : vector<128x256xi1>
        %broadcast_in_dim3A_1073 = vector.broadcast %scan3A_854 : f32 to vector<128x256xf32>
        %select_n3A_1074 = arith.select %or3A_1072, %slice3A_1065, %broadcast_in_dim3A_1073 : vector<128x256xi1>, vector<128x256xf32>
        %lt3A_1075 = arith.cmpf olt, %select_n3A_1074, %select_n3A_1061 : vector<128x256xf32>
        %select_n3A_1076 = arith.select %lt3A_1075, %select_n3A_1074, %select_n3A_1061 : vector<128x256xi1>, vector<128x256xf32>
        %broadcast_in_dim3A_1077 = arith.constant 8 : i32
        %broadcast_in_dim3A_1078 = vector.broadcast %broadcast_in_dim3A_1077 : i32 to vector<128x256xi32>
        %select_n3A_1079 = arith.select %lt3A_1075, %broadcast_in_dim3A_1078, %select_n3A_1064 : vector<128x256xi1>, vector<128x256xi32>
        %slice3A_1080 = vector.extract_strided_slice %add3A_45 {offsets = [1152, 0], sizes = [128, 256], strides = [1, 1]} : vector<4096x256xf32> to vector<128x256xf32>
        %gt3A_1081 = arith.cmpf ogt, %slice3A_1080, %select_n3A_899 : vector<128x256xf32>
        %eq3A_1082 = arith.cmpf oeq, %slice3A_1080, %select_n3A_899 : vector<128x256xf32>
        %lt3A_1083 = arith.constant 9 : i32
        %lt3A_1084 = vector.broadcast %lt3A_1083 : i32 to vector<128x256xi32>
        %lt3A_1085 = arith.cmpi slt, %select_n3A_900, %lt3A_1084 : vector<128x256xi32>
        %and3A_1086 = arith.andi %eq3A_1082, %lt3A_1085 : vector<128x256xi1>
        %or3A_1087 = arith.ori %gt3A_1081, %and3A_1086 : vector<128x256xi1>
        %broadcast_in_dim3A_1088 = vector.broadcast %scan3A_854 : f32 to vector<128x256xf32>
        %select_n3A_1089 = arith.select %or3A_1087, %slice3A_1080, %broadcast_in_dim3A_1088 : vector<128x256xi1>, vector<128x256xf32>
        %lt3A_1090 = arith.cmpf olt, %select_n3A_1089, %select_n3A_1076 : vector<128x256xf32>
        %select_n3A_1091 = arith.select %lt3A_1090, %select_n3A_1089, %select_n3A_1076 : vector<128x256xi1>, vector<128x256xf32>
        %broadcast_in_dim3A_1092 = arith.constant 9 : i32
        %broadcast_in_dim3A_1093 = vector.broadcast %broadcast_in_dim3A_1092 : i32 to vector<128x256xi32>
        %select_n3A_1094 = arith.select %lt3A_1090, %broadcast_in_dim3A_1093, %select_n3A_1079 : vector<128x256xi1>, vector<128x256xi32>
        %slice3A_1095 = vector.extract_strided_slice %add3A_45 {offsets = [1280, 0], sizes = [128, 256], strides = [1, 1]} : vector<4096x256xf32> to vector<128x256xf32>
        %gt3A_1096 = arith.cmpf ogt, %slice3A_1095, %select_n3A_899 : vector<128x256xf32>
        %eq3A_1097 = arith.cmpf oeq, %slice3A_1095, %select_n3A_899 : vector<128x256xf32>
        %lt3A_1098 = arith.constant 10 : i32
        %lt3A_1099 = vector.broadcast %lt3A_1098 : i32 to vector<128x256xi32>
        %lt3A_1100 = arith.cmpi slt, %select_n3A_900, %lt3A_1099 : vector<128x256xi32>
        %and3A_1101 = arith.andi %eq3A_1097, %lt3A_1100 : vector<128x256xi1>
        %or3A_1102 = arith.ori %gt3A_1096, %and3A_1101 : vector<128x256xi1>
        %broadcast_in_dim3A_1103 = vector.broadcast %scan3A_854 : f32 to vector<128x256xf32>
        %select_n3A_1104 = arith.select %or3A_1102, %slice3A_1095, %broadcast_in_dim3A_1103 : vector<128x256xi1>, vector<128x256xf32>
        %lt3A_1105 = arith.cmpf olt, %select_n3A_1104, %select_n3A_1091 : vector<128x256xf32>
        %select_n3A_1106 = arith.select %lt3A_1105, %select_n3A_1104, %select_n3A_1091 : vector<128x256xi1>, vector<128x256xf32>
        %broadcast_in_dim3A_1107 = arith.constant 10 : i32
        %broadcast_in_dim3A_1108 = vector.broadcast %broadcast_in_dim3A_1107 : i32 to vector<128x256xi32>
        %select_n3A_1109 = arith.select %lt3A_1105, %broadcast_in_dim3A_1108, %select_n3A_1094 : vector<128x256xi1>, vector<128x256xi32>
        %slice3A_1110 = vector.extract_strided_slice %add3A_45 {offsets = [1408, 0], sizes = [128, 256], strides = [1, 1]} : vector<4096x256xf32> to vector<128x256xf32>
        %gt3A_1111 = arith.cmpf ogt, %slice3A_1110, %select_n3A_899 : vector<128x256xf32>
        %eq3A_1112 = arith.cmpf oeq, %slice3A_1110, %select_n3A_899 : vector<128x256xf32>
        %lt3A_1113 = arith.constant 11 : i32
        %lt3A_1114 = vector.broadcast %lt3A_1113 : i32 to vector<128x256xi32>
        %lt3A_1115 = arith.cmpi slt, %select_n3A_900, %lt3A_1114 : vector<128x256xi32>
        %and3A_1116 = arith.andi %eq3A_1112, %lt3A_1115 : vector<128x256xi1>
        %or3A_1117 = arith.ori %gt3A_1111, %and3A_1116 : vector<128x256xi1>
        %broadcast_in_dim3A_1118 = vector.broadcast %scan3A_854 : f32 to vector<128x256xf32>
        %select_n3A_1119 = arith.select %or3A_1117, %slice3A_1110, %broadcast_in_dim3A_1118 : vector<128x256xi1>, vector<128x256xf32>
        %lt3A_1120 = arith.cmpf olt, %select_n3A_1119, %select_n3A_1106 : vector<128x256xf32>
        %select_n3A_1121 = arith.select %lt3A_1120, %select_n3A_1119, %select_n3A_1106 : vector<128x256xi1>, vector<128x256xf32>
        %broadcast_in_dim3A_1122 = arith.constant 11 : i32
        %broadcast_in_dim3A_1123 = vector.broadcast %broadcast_in_dim3A_1122 : i32 to vector<128x256xi32>
        %select_n3A_1124 = arith.select %lt3A_1120, %broadcast_in_dim3A_1123, %select_n3A_1109 : vector<128x256xi1>, vector<128x256xi32>
        %slice3A_1125 = vector.extract_strided_slice %add3A_45 {offsets = [1536, 0], sizes = [128, 256], strides = [1, 1]} : vector<4096x256xf32> to vector<128x256xf32>
        %gt3A_1126 = arith.cmpf ogt, %slice3A_1125, %select_n3A_899 : vector<128x256xf32>
        %eq3A_1127 = arith.cmpf oeq, %slice3A_1125, %select_n3A_899 : vector<128x256xf32>
        %lt3A_1128 = arith.constant 12 : i32
        %lt3A_1129 = vector.broadcast %lt3A_1128 : i32 to vector<128x256xi32>
        %lt3A_1130 = arith.cmpi slt, %select_n3A_900, %lt3A_1129 : vector<128x256xi32>
        %and3A_1131 = arith.andi %eq3A_1127, %lt3A_1130 : vector<128x256xi1>
        %or3A_1132 = arith.ori %gt3A_1126, %and3A_1131 : vector<128x256xi1>
        %broadcast_in_dim3A_1133 = vector.broadcast %scan3A_854 : f32 to vector<128x256xf32>
        %select_n3A_1134 = arith.select %or3A_1132, %slice3A_1125, %broadcast_in_dim3A_1133 : vector<128x256xi1>, vector<128x256xf32>
        %lt3A_1135 = arith.cmpf olt, %select_n3A_1134, %select_n3A_1121 : vector<128x256xf32>
        %select_n3A_1136 = arith.select %lt3A_1135, %select_n3A_1134, %select_n3A_1121 : vector<128x256xi1>, vector<128x256xf32>
        %broadcast_in_dim3A_1137 = arith.constant 12 : i32
        %broadcast_in_dim3A_1138 = vector.broadcast %broadcast_in_dim3A_1137 : i32 to vector<128x256xi32>
        %select_n3A_1139 = arith.select %lt3A_1135, %broadcast_in_dim3A_1138, %select_n3A_1124 : vector<128x256xi1>, vector<128x256xi32>
        %slice3A_1140 = vector.extract_strided_slice %add3A_45 {offsets = [1664, 0], sizes = [128, 256], strides = [1, 1]} : vector<4096x256xf32> to vector<128x256xf32>
        %gt3A_1141 = arith.cmpf ogt, %slice3A_1140, %select_n3A_899 : vector<128x256xf32>
        %eq3A_1142 = arith.cmpf oeq, %slice3A_1140, %select_n3A_899 : vector<128x256xf32>
        %lt3A_1143 = arith.constant 13 : i32
        %lt3A_1144 = vector.broadcast %lt3A_1143 : i32 to vector<128x256xi32>
        %lt3A_1145 = arith.cmpi slt, %select_n3A_900, %lt3A_1144 : vector<128x256xi32>
        %and3A_1146 = arith.andi %eq3A_1142, %lt3A_1145 : vector<128x256xi1>
        %or3A_1147 = arith.ori %gt3A_1141, %and3A_1146 : vector<128x256xi1>
        %broadcast_in_dim3A_1148 = vector.broadcast %scan3A_854 : f32 to vector<128x256xf32>
        %select_n3A_1149 = arith.select %or3A_1147, %slice3A_1140, %broadcast_in_dim3A_1148 : vector<128x256xi1>, vector<128x256xf32>
        %lt3A_1150 = arith.cmpf olt, %select_n3A_1149, %select_n3A_1136 : vector<128x256xf32>
        %select_n3A_1151 = arith.select %lt3A_1150, %select_n3A_1149, %select_n3A_1136 : vector<128x256xi1>, vector<128x256xf32>
        %broadcast_in_dim3A_1152 = arith.constant 13 : i32
        %broadcast_in_dim3A_1153 = vector.broadcast %broadcast_in_dim3A_1152 : i32 to vector<128x256xi32>
        %select_n3A_1154 = arith.select %lt3A_1150, %broadcast_in_dim3A_1153, %select_n3A_1139 : vector<128x256xi1>, vector<128x256xi32>
        %slice3A_1155 = vector.extract_strided_slice %add3A_45 {offsets = [1792, 0], sizes = [128, 256], strides = [1, 1]} : vector<4096x256xf32> to vector<128x256xf32>
        %gt3A_1156 = arith.cmpf ogt, %slice3A_1155, %select_n3A_899 : vector<128x256xf32>
        %eq3A_1157 = arith.cmpf oeq, %slice3A_1155, %select_n3A_899 : vector<128x256xf32>
        %lt3A_1158 = arith.constant 14 : i32
        %lt3A_1159 = vector.broadcast %lt3A_1158 : i32 to vector<128x256xi32>
        %lt3A_1160 = arith.cmpi slt, %select_n3A_900, %lt3A_1159 : vector<128x256xi32>
        %and3A_1161 = arith.andi %eq3A_1157, %lt3A_1160 : vector<128x256xi1>
        %or3A_1162 = arith.ori %gt3A_1156, %and3A_1161 : vector<128x256xi1>
        %broadcast_in_dim3A_1163 = vector.broadcast %scan3A_854 : f32 to vector<128x256xf32>
        %select_n3A_1164 = arith.select %or3A_1162, %slice3A_1155, %broadcast_in_dim3A_1163 : vector<128x256xi1>, vector<128x256xf32>
        %lt3A_1165 = arith.cmpf olt, %select_n3A_1164, %select_n3A_1151 : vector<128x256xf32>
        %select_n3A_1166 = arith.select %lt3A_1165, %select_n3A_1164, %select_n3A_1151 : vector<128x256xi1>, vector<128x256xf32>
        %broadcast_in_dim3A_1167 = arith.constant 14 : i32
        %broadcast_in_dim3A_1168 = vector.broadcast %broadcast_in_dim3A_1167 : i32 to vector<128x256xi32>
        %select_n3A_1169 = arith.select %lt3A_1165, %broadcast_in_dim3A_1168, %select_n3A_1154 : vector<128x256xi1>, vector<128x256xi32>
        %slice3A_1170 = vector.extract_strided_slice %add3A_45 {offsets = [1920, 0], sizes = [128, 256], strides = [1, 1]} : vector<4096x256xf32> to vector<128x256xf32>
        %gt3A_1171 = arith.cmpf ogt, %slice3A_1170, %select_n3A_899 : vector<128x256xf32>
        %eq3A_1172 = arith.cmpf oeq, %slice3A_1170, %select_n3A_899 : vector<128x256xf32>
        %lt3A_1173 = arith.constant 15 : i32
        %lt3A_1174 = vector.broadcast %lt3A_1173 : i32 to vector<128x256xi32>
        %lt3A_1175 = arith.cmpi slt, %select_n3A_900, %lt3A_1174 : vector<128x256xi32>
        %and3A_1176 = arith.andi %eq3A_1172, %lt3A_1175 : vector<128x256xi1>
        %or3A_1177 = arith.ori %gt3A_1171, %and3A_1176 : vector<128x256xi1>
        %broadcast_in_dim3A_1178 = vector.broadcast %scan3A_854 : f32 to vector<128x256xf32>
        %select_n3A_1179 = arith.select %or3A_1177, %slice3A_1170, %broadcast_in_dim3A_1178 : vector<128x256xi1>, vector<128x256xf32>
        %lt3A_1180 = arith.cmpf olt, %select_n3A_1179, %select_n3A_1166 : vector<128x256xf32>
        %select_n3A_1181 = arith.select %lt3A_1180, %select_n3A_1179, %select_n3A_1166 : vector<128x256xi1>, vector<128x256xf32>
        %broadcast_in_dim3A_1182 = arith.constant 15 : i32
        %broadcast_in_dim3A_1183 = vector.broadcast %broadcast_in_dim3A_1182 : i32 to vector<128x256xi32>
        %select_n3A_1184 = arith.select %lt3A_1180, %broadcast_in_dim3A_1183, %select_n3A_1169 : vector<128x256xi1>, vector<128x256xi32>
        %slice3A_1185 = vector.extract_strided_slice %add3A_45 {offsets = [2048, 0], sizes = [128, 256], strides = [1, 1]} : vector<4096x256xf32> to vector<128x256xf32>
        %gt3A_1186 = arith.cmpf ogt, %slice3A_1185, %select_n3A_899 : vector<128x256xf32>
        %eq3A_1187 = arith.cmpf oeq, %slice3A_1185, %select_n3A_899 : vector<128x256xf32>
        %lt3A_1188 = arith.constant 16 : i32
        %lt3A_1189 = vector.broadcast %lt3A_1188 : i32 to vector<128x256xi32>
        %lt3A_1190 = arith.cmpi slt, %select_n3A_900, %lt3A_1189 : vector<128x256xi32>
        %and3A_1191 = arith.andi %eq3A_1187, %lt3A_1190 : vector<128x256xi1>
        %or3A_1192 = arith.ori %gt3A_1186, %and3A_1191 : vector<128x256xi1>
        %broadcast_in_dim3A_1193 = vector.broadcast %scan3A_854 : f32 to vector<128x256xf32>
        %select_n3A_1194 = arith.select %or3A_1192, %slice3A_1185, %broadcast_in_dim3A_1193 : vector<128x256xi1>, vector<128x256xf32>
        %lt3A_1195 = arith.cmpf olt, %select_n3A_1194, %select_n3A_1181 : vector<128x256xf32>
        %select_n3A_1196 = arith.select %lt3A_1195, %select_n3A_1194, %select_n3A_1181 : vector<128x256xi1>, vector<128x256xf32>
        %broadcast_in_dim3A_1197 = arith.constant 16 : i32
        %broadcast_in_dim3A_1198 = vector.broadcast %broadcast_in_dim3A_1197 : i32 to vector<128x256xi32>
        %select_n3A_1199 = arith.select %lt3A_1195, %broadcast_in_dim3A_1198, %select_n3A_1184 : vector<128x256xi1>, vector<128x256xi32>
        %slice3A_1200 = vector.extract_strided_slice %add3A_45 {offsets = [2176, 0], sizes = [128, 256], strides = [1, 1]} : vector<4096x256xf32> to vector<128x256xf32>
        %gt3A_1201 = arith.cmpf ogt, %slice3A_1200, %select_n3A_899 : vector<128x256xf32>
        %eq3A_1202 = arith.cmpf oeq, %slice3A_1200, %select_n3A_899 : vector<128x256xf32>
        %lt3A_1203 = arith.constant 17 : i32
        %lt3A_1204 = vector.broadcast %lt3A_1203 : i32 to vector<128x256xi32>
        %lt3A_1205 = arith.cmpi slt, %select_n3A_900, %lt3A_1204 : vector<128x256xi32>
        %and3A_1206 = arith.andi %eq3A_1202, %lt3A_1205 : vector<128x256xi1>
        %or3A_1207 = arith.ori %gt3A_1201, %and3A_1206 : vector<128x256xi1>
        %broadcast_in_dim3A_1208 = vector.broadcast %scan3A_854 : f32 to vector<128x256xf32>
        %select_n3A_1209 = arith.select %or3A_1207, %slice3A_1200, %broadcast_in_dim3A_1208 : vector<128x256xi1>, vector<128x256xf32>
        %lt3A_1210 = arith.cmpf olt, %select_n3A_1209, %select_n3A_1196 : vector<128x256xf32>
        %select_n3A_1211 = arith.select %lt3A_1210, %select_n3A_1209, %select_n3A_1196 : vector<128x256xi1>, vector<128x256xf32>
        %broadcast_in_dim3A_1212 = arith.constant 17 : i32
        %broadcast_in_dim3A_1213 = vector.broadcast %broadcast_in_dim3A_1212 : i32 to vector<128x256xi32>
        %select_n3A_1214 = arith.select %lt3A_1210, %broadcast_in_dim3A_1213, %select_n3A_1199 : vector<128x256xi1>, vector<128x256xi32>
        %slice3A_1215 = vector.extract_strided_slice %add3A_45 {offsets = [2304, 0], sizes = [128, 256], strides = [1, 1]} : vector<4096x256xf32> to vector<128x256xf32>
        %gt3A_1216 = arith.cmpf ogt, %slice3A_1215, %select_n3A_899 : vector<128x256xf32>
        %eq3A_1217 = arith.cmpf oeq, %slice3A_1215, %select_n3A_899 : vector<128x256xf32>
        %lt3A_1218 = arith.constant 18 : i32
        %lt3A_1219 = vector.broadcast %lt3A_1218 : i32 to vector<128x256xi32>
        %lt3A_1220 = arith.cmpi slt, %select_n3A_900, %lt3A_1219 : vector<128x256xi32>
        %and3A_1221 = arith.andi %eq3A_1217, %lt3A_1220 : vector<128x256xi1>
        %or3A_1222 = arith.ori %gt3A_1216, %and3A_1221 : vector<128x256xi1>
        %broadcast_in_dim3A_1223 = vector.broadcast %scan3A_854 : f32 to vector<128x256xf32>
        %select_n3A_1224 = arith.select %or3A_1222, %slice3A_1215, %broadcast_in_dim3A_1223 : vector<128x256xi1>, vector<128x256xf32>
        %lt3A_1225 = arith.cmpf olt, %select_n3A_1224, %select_n3A_1211 : vector<128x256xf32>
        %select_n3A_1226 = arith.select %lt3A_1225, %select_n3A_1224, %select_n3A_1211 : vector<128x256xi1>, vector<128x256xf32>
        %broadcast_in_dim3A_1227 = arith.constant 18 : i32
        %broadcast_in_dim3A_1228 = vector.broadcast %broadcast_in_dim3A_1227 : i32 to vector<128x256xi32>
        %select_n3A_1229 = arith.select %lt3A_1225, %broadcast_in_dim3A_1228, %select_n3A_1214 : vector<128x256xi1>, vector<128x256xi32>
        %slice3A_1230 = vector.extract_strided_slice %add3A_45 {offsets = [2432, 0], sizes = [128, 256], strides = [1, 1]} : vector<4096x256xf32> to vector<128x256xf32>
        %gt3A_1231 = arith.cmpf ogt, %slice3A_1230, %select_n3A_899 : vector<128x256xf32>
        %eq3A_1232 = arith.cmpf oeq, %slice3A_1230, %select_n3A_899 : vector<128x256xf32>
        %lt3A_1233 = arith.constant 19 : i32
        %lt3A_1234 = vector.broadcast %lt3A_1233 : i32 to vector<128x256xi32>
        %lt3A_1235 = arith.cmpi slt, %select_n3A_900, %lt3A_1234 : vector<128x256xi32>
        %and3A_1236 = arith.andi %eq3A_1232, %lt3A_1235 : vector<128x256xi1>
        %or3A_1237 = arith.ori %gt3A_1231, %and3A_1236 : vector<128x256xi1>
        %broadcast_in_dim3A_1238 = vector.broadcast %scan3A_854 : f32 to vector<128x256xf32>
        %select_n3A_1239 = arith.select %or3A_1237, %slice3A_1230, %broadcast_in_dim3A_1238 : vector<128x256xi1>, vector<128x256xf32>
        %lt3A_1240 = arith.cmpf olt, %select_n3A_1239, %select_n3A_1226 : vector<128x256xf32>
        %select_n3A_1241 = arith.select %lt3A_1240, %select_n3A_1239, %select_n3A_1226 : vector<128x256xi1>, vector<128x256xf32>
        %broadcast_in_dim3A_1242 = arith.constant 19 : i32
        %broadcast_in_dim3A_1243 = vector.broadcast %broadcast_in_dim3A_1242 : i32 to vector<128x256xi32>
        %select_n3A_1244 = arith.select %lt3A_1240, %broadcast_in_dim3A_1243, %select_n3A_1229 : vector<128x256xi1>, vector<128x256xi32>
        %slice3A_1245 = vector.extract_strided_slice %add3A_45 {offsets = [2560, 0], sizes = [128, 256], strides = [1, 1]} : vector<4096x256xf32> to vector<128x256xf32>
        %gt3A_1246 = arith.cmpf ogt, %slice3A_1245, %select_n3A_899 : vector<128x256xf32>
        %eq3A_1247 = arith.cmpf oeq, %slice3A_1245, %select_n3A_899 : vector<128x256xf32>
        %lt3A_1248 = arith.constant 20 : i32
        %lt3A_1249 = vector.broadcast %lt3A_1248 : i32 to vector<128x256xi32>
        %lt3A_1250 = arith.cmpi slt, %select_n3A_900, %lt3A_1249 : vector<128x256xi32>
        %and3A_1251 = arith.andi %eq3A_1247, %lt3A_1250 : vector<128x256xi1>
        %or3A_1252 = arith.ori %gt3A_1246, %and3A_1251 : vector<128x256xi1>
        %broadcast_in_dim3A_1253 = vector.broadcast %scan3A_854 : f32 to vector<128x256xf32>
        %select_n3A_1254 = arith.select %or3A_1252, %slice3A_1245, %broadcast_in_dim3A_1253 : vector<128x256xi1>, vector<128x256xf32>
        %lt3A_1255 = arith.cmpf olt, %select_n3A_1254, %select_n3A_1241 : vector<128x256xf32>
        %select_n3A_1256 = arith.select %lt3A_1255, %select_n3A_1254, %select_n3A_1241 : vector<128x256xi1>, vector<128x256xf32>
        %broadcast_in_dim3A_1257 = arith.constant 20 : i32
        %broadcast_in_dim3A_1258 = vector.broadcast %broadcast_in_dim3A_1257 : i32 to vector<128x256xi32>
        %select_n3A_1259 = arith.select %lt3A_1255, %broadcast_in_dim3A_1258, %select_n3A_1244 : vector<128x256xi1>, vector<128x256xi32>
        %slice3A_1260 = vector.extract_strided_slice %add3A_45 {offsets = [2688, 0], sizes = [128, 256], strides = [1, 1]} : vector<4096x256xf32> to vector<128x256xf32>
        %gt3A_1261 = arith.cmpf ogt, %slice3A_1260, %select_n3A_899 : vector<128x256xf32>
        %eq3A_1262 = arith.cmpf oeq, %slice3A_1260, %select_n3A_899 : vector<128x256xf32>
        %lt3A_1263 = arith.constant 21 : i32
        %lt3A_1264 = vector.broadcast %lt3A_1263 : i32 to vector<128x256xi32>
        %lt3A_1265 = arith.cmpi slt, %select_n3A_900, %lt3A_1264 : vector<128x256xi32>
        %and3A_1266 = arith.andi %eq3A_1262, %lt3A_1265 : vector<128x256xi1>
        %or3A_1267 = arith.ori %gt3A_1261, %and3A_1266 : vector<128x256xi1>
        %broadcast_in_dim3A_1268 = vector.broadcast %scan3A_854 : f32 to vector<128x256xf32>
        %select_n3A_1269 = arith.select %or3A_1267, %slice3A_1260, %broadcast_in_dim3A_1268 : vector<128x256xi1>, vector<128x256xf32>
        %lt3A_1270 = arith.cmpf olt, %select_n3A_1269, %select_n3A_1256 : vector<128x256xf32>
        %select_n3A_1271 = arith.select %lt3A_1270, %select_n3A_1269, %select_n3A_1256 : vector<128x256xi1>, vector<128x256xf32>
        %broadcast_in_dim3A_1272 = arith.constant 21 : i32
        %broadcast_in_dim3A_1273 = vector.broadcast %broadcast_in_dim3A_1272 : i32 to vector<128x256xi32>
        %select_n3A_1274 = arith.select %lt3A_1270, %broadcast_in_dim3A_1273, %select_n3A_1259 : vector<128x256xi1>, vector<128x256xi32>
        %slice3A_1275 = vector.extract_strided_slice %add3A_45 {offsets = [2816, 0], sizes = [128, 256], strides = [1, 1]} : vector<4096x256xf32> to vector<128x256xf32>
        %gt3A_1276 = arith.cmpf ogt, %slice3A_1275, %select_n3A_899 : vector<128x256xf32>
        %eq3A_1277 = arith.cmpf oeq, %slice3A_1275, %select_n3A_899 : vector<128x256xf32>
        %lt3A_1278 = arith.constant 22 : i32
        %lt3A_1279 = vector.broadcast %lt3A_1278 : i32 to vector<128x256xi32>
        %lt3A_1280 = arith.cmpi slt, %select_n3A_900, %lt3A_1279 : vector<128x256xi32>
        %and3A_1281 = arith.andi %eq3A_1277, %lt3A_1280 : vector<128x256xi1>
        %or3A_1282 = arith.ori %gt3A_1276, %and3A_1281 : vector<128x256xi1>
        %broadcast_in_dim3A_1283 = vector.broadcast %scan3A_854 : f32 to vector<128x256xf32>
        %select_n3A_1284 = arith.select %or3A_1282, %slice3A_1275, %broadcast_in_dim3A_1283 : vector<128x256xi1>, vector<128x256xf32>
        %lt3A_1285 = arith.cmpf olt, %select_n3A_1284, %select_n3A_1271 : vector<128x256xf32>
        %select_n3A_1286 = arith.select %lt3A_1285, %select_n3A_1284, %select_n3A_1271 : vector<128x256xi1>, vector<128x256xf32>
        %broadcast_in_dim3A_1287 = arith.constant 22 : i32
        %broadcast_in_dim3A_1288 = vector.broadcast %broadcast_in_dim3A_1287 : i32 to vector<128x256xi32>
        %select_n3A_1289 = arith.select %lt3A_1285, %broadcast_in_dim3A_1288, %select_n3A_1274 : vector<128x256xi1>, vector<128x256xi32>
        %slice3A_1290 = vector.extract_strided_slice %add3A_45 {offsets = [2944, 0], sizes = [128, 256], strides = [1, 1]} : vector<4096x256xf32> to vector<128x256xf32>
        %gt3A_1291 = arith.cmpf ogt, %slice3A_1290, %select_n3A_899 : vector<128x256xf32>
        %eq3A_1292 = arith.cmpf oeq, %slice3A_1290, %select_n3A_899 : vector<128x256xf32>
        %lt3A_1293 = arith.constant 23 : i32
        %lt3A_1294 = vector.broadcast %lt3A_1293 : i32 to vector<128x256xi32>
        %lt3A_1295 = arith.cmpi slt, %select_n3A_900, %lt3A_1294 : vector<128x256xi32>
        %and3A_1296 = arith.andi %eq3A_1292, %lt3A_1295 : vector<128x256xi1>
        %or3A_1297 = arith.ori %gt3A_1291, %and3A_1296 : vector<128x256xi1>
        %broadcast_in_dim3A_1298 = vector.broadcast %scan3A_854 : f32 to vector<128x256xf32>
        %select_n3A_1299 = arith.select %or3A_1297, %slice3A_1290, %broadcast_in_dim3A_1298 : vector<128x256xi1>, vector<128x256xf32>
        %lt3A_1300 = arith.cmpf olt, %select_n3A_1299, %select_n3A_1286 : vector<128x256xf32>
        %select_n3A_1301 = arith.select %lt3A_1300, %select_n3A_1299, %select_n3A_1286 : vector<128x256xi1>, vector<128x256xf32>
        %broadcast_in_dim3A_1302 = arith.constant 23 : i32
        %broadcast_in_dim3A_1303 = vector.broadcast %broadcast_in_dim3A_1302 : i32 to vector<128x256xi32>
        %select_n3A_1304 = arith.select %lt3A_1300, %broadcast_in_dim3A_1303, %select_n3A_1289 : vector<128x256xi1>, vector<128x256xi32>
        %slice3A_1305 = vector.extract_strided_slice %add3A_45 {offsets = [3072, 0], sizes = [128, 256], strides = [1, 1]} : vector<4096x256xf32> to vector<128x256xf32>
        %gt3A_1306 = arith.cmpf ogt, %slice3A_1305, %select_n3A_899 : vector<128x256xf32>
        %eq3A_1307 = arith.cmpf oeq, %slice3A_1305, %select_n3A_899 : vector<128x256xf32>
        %lt3A_1308 = arith.constant 24 : i32
        %lt3A_1309 = vector.broadcast %lt3A_1308 : i32 to vector<128x256xi32>
        %lt3A_1310 = arith.cmpi slt, %select_n3A_900, %lt3A_1309 : vector<128x256xi32>
        %and3A_1311 = arith.andi %eq3A_1307, %lt3A_1310 : vector<128x256xi1>
        %or3A_1312 = arith.ori %gt3A_1306, %and3A_1311 : vector<128x256xi1>
        %broadcast_in_dim3A_1313 = vector.broadcast %scan3A_854 : f32 to vector<128x256xf32>
        %select_n3A_1314 = arith.select %or3A_1312, %slice3A_1305, %broadcast_in_dim3A_1313 : vector<128x256xi1>, vector<128x256xf32>
        %lt3A_1315 = arith.cmpf olt, %select_n3A_1314, %select_n3A_1301 : vector<128x256xf32>
        %select_n3A_1316 = arith.select %lt3A_1315, %select_n3A_1314, %select_n3A_1301 : vector<128x256xi1>, vector<128x256xf32>
        %broadcast_in_dim3A_1317 = arith.constant 24 : i32
        %broadcast_in_dim3A_1318 = vector.broadcast %broadcast_in_dim3A_1317 : i32 to vector<128x256xi32>
        %select_n3A_1319 = arith.select %lt3A_1315, %broadcast_in_dim3A_1318, %select_n3A_1304 : vector<128x256xi1>, vector<128x256xi32>
        %slice3A_1320 = vector.extract_strided_slice %add3A_45 {offsets = [3200, 0], sizes = [128, 256], strides = [1, 1]} : vector<4096x256xf32> to vector<128x256xf32>
        %gt3A_1321 = arith.cmpf ogt, %slice3A_1320, %select_n3A_899 : vector<128x256xf32>
        %eq3A_1322 = arith.cmpf oeq, %slice3A_1320, %select_n3A_899 : vector<128x256xf32>
        %lt3A_1323 = arith.constant 25 : i32
        %lt3A_1324 = vector.broadcast %lt3A_1323 : i32 to vector<128x256xi32>
        %lt3A_1325 = arith.cmpi slt, %select_n3A_900, %lt3A_1324 : vector<128x256xi32>
        %and3A_1326 = arith.andi %eq3A_1322, %lt3A_1325 : vector<128x256xi1>
        %or3A_1327 = arith.ori %gt3A_1321, %and3A_1326 : vector<128x256xi1>
        %broadcast_in_dim3A_1328 = vector.broadcast %scan3A_854 : f32 to vector<128x256xf32>
        %select_n3A_1329 = arith.select %or3A_1327, %slice3A_1320, %broadcast_in_dim3A_1328 : vector<128x256xi1>, vector<128x256xf32>
        %lt3A_1330 = arith.cmpf olt, %select_n3A_1329, %select_n3A_1316 : vector<128x256xf32>
        %select_n3A_1331 = arith.select %lt3A_1330, %select_n3A_1329, %select_n3A_1316 : vector<128x256xi1>, vector<128x256xf32>
        %broadcast_in_dim3A_1332 = arith.constant 25 : i32
        %broadcast_in_dim3A_1333 = vector.broadcast %broadcast_in_dim3A_1332 : i32 to vector<128x256xi32>
        %select_n3A_1334 = arith.select %lt3A_1330, %broadcast_in_dim3A_1333, %select_n3A_1319 : vector<128x256xi1>, vector<128x256xi32>
        %slice3A_1335 = vector.extract_strided_slice %add3A_45 {offsets = [3328, 0], sizes = [128, 256], strides = [1, 1]} : vector<4096x256xf32> to vector<128x256xf32>
        %gt3A_1336 = arith.cmpf ogt, %slice3A_1335, %select_n3A_899 : vector<128x256xf32>
        %eq3A_1337 = arith.cmpf oeq, %slice3A_1335, %select_n3A_899 : vector<128x256xf32>
        %lt3A_1338 = arith.constant 26 : i32
        %lt3A_1339 = vector.broadcast %lt3A_1338 : i32 to vector<128x256xi32>
        %lt3A_1340 = arith.cmpi slt, %select_n3A_900, %lt3A_1339 : vector<128x256xi32>
        %and3A_1341 = arith.andi %eq3A_1337, %lt3A_1340 : vector<128x256xi1>
        %or3A_1342 = arith.ori %gt3A_1336, %and3A_1341 : vector<128x256xi1>
        %broadcast_in_dim3A_1343 = vector.broadcast %scan3A_854 : f32 to vector<128x256xf32>
        %select_n3A_1344 = arith.select %or3A_1342, %slice3A_1335, %broadcast_in_dim3A_1343 : vector<128x256xi1>, vector<128x256xf32>
        %lt3A_1345 = arith.cmpf olt, %select_n3A_1344, %select_n3A_1331 : vector<128x256xf32>
        %select_n3A_1346 = arith.select %lt3A_1345, %select_n3A_1344, %select_n3A_1331 : vector<128x256xi1>, vector<128x256xf32>
        %broadcast_in_dim3A_1347 = arith.constant 26 : i32
        %broadcast_in_dim3A_1348 = vector.broadcast %broadcast_in_dim3A_1347 : i32 to vector<128x256xi32>
        %select_n3A_1349 = arith.select %lt3A_1345, %broadcast_in_dim3A_1348, %select_n3A_1334 : vector<128x256xi1>, vector<128x256xi32>
        %slice3A_1350 = vector.extract_strided_slice %add3A_45 {offsets = [3456, 0], sizes = [128, 256], strides = [1, 1]} : vector<4096x256xf32> to vector<128x256xf32>
        %gt3A_1351 = arith.cmpf ogt, %slice3A_1350, %select_n3A_899 : vector<128x256xf32>
        %eq3A_1352 = arith.cmpf oeq, %slice3A_1350, %select_n3A_899 : vector<128x256xf32>
        %lt3A_1353 = arith.constant 27 : i32
        %lt3A_1354 = vector.broadcast %lt3A_1353 : i32 to vector<128x256xi32>
        %lt3A_1355 = arith.cmpi slt, %select_n3A_900, %lt3A_1354 : vector<128x256xi32>
        %and3A_1356 = arith.andi %eq3A_1352, %lt3A_1355 : vector<128x256xi1>
        %or3A_1357 = arith.ori %gt3A_1351, %and3A_1356 : vector<128x256xi1>
        %broadcast_in_dim3A_1358 = vector.broadcast %scan3A_854 : f32 to vector<128x256xf32>
        %select_n3A_1359 = arith.select %or3A_1357, %slice3A_1350, %broadcast_in_dim3A_1358 : vector<128x256xi1>, vector<128x256xf32>
        %lt3A_1360 = arith.cmpf olt, %select_n3A_1359, %select_n3A_1346 : vector<128x256xf32>
        %select_n3A_1361 = arith.select %lt3A_1360, %select_n3A_1359, %select_n3A_1346 : vector<128x256xi1>, vector<128x256xf32>
        %broadcast_in_dim3A_1362 = arith.constant 27 : i32
        %broadcast_in_dim3A_1363 = vector.broadcast %broadcast_in_dim3A_1362 : i32 to vector<128x256xi32>
        %select_n3A_1364 = arith.select %lt3A_1360, %broadcast_in_dim3A_1363, %select_n3A_1349 : vector<128x256xi1>, vector<128x256xi32>
        %slice3A_1365 = vector.extract_strided_slice %add3A_45 {offsets = [3584, 0], sizes = [128, 256], strides = [1, 1]} : vector<4096x256xf32> to vector<128x256xf32>
        %gt3A_1366 = arith.cmpf ogt, %slice3A_1365, %select_n3A_899 : vector<128x256xf32>
        %eq3A_1367 = arith.cmpf oeq, %slice3A_1365, %select_n3A_899 : vector<128x256xf32>
        %lt3A_1368 = arith.constant 28 : i32
        %lt3A_1369 = vector.broadcast %lt3A_1368 : i32 to vector<128x256xi32>
        %lt3A_1370 = arith.cmpi slt, %select_n3A_900, %lt3A_1369 : vector<128x256xi32>
        %and3A_1371 = arith.andi %eq3A_1367, %lt3A_1370 : vector<128x256xi1>
        %or3A_1372 = arith.ori %gt3A_1366, %and3A_1371 : vector<128x256xi1>
        %broadcast_in_dim3A_1373 = vector.broadcast %scan3A_854 : f32 to vector<128x256xf32>
        %select_n3A_1374 = arith.select %or3A_1372, %slice3A_1365, %broadcast_in_dim3A_1373 : vector<128x256xi1>, vector<128x256xf32>
        %lt3A_1375 = arith.cmpf olt, %select_n3A_1374, %select_n3A_1361 : vector<128x256xf32>
        %select_n3A_1376 = arith.select %lt3A_1375, %select_n3A_1374, %select_n3A_1361 : vector<128x256xi1>, vector<128x256xf32>
        %broadcast_in_dim3A_1377 = arith.constant 28 : i32
        %broadcast_in_dim3A_1378 = vector.broadcast %broadcast_in_dim3A_1377 : i32 to vector<128x256xi32>
        %select_n3A_1379 = arith.select %lt3A_1375, %broadcast_in_dim3A_1378, %select_n3A_1364 : vector<128x256xi1>, vector<128x256xi32>
        %slice3A_1380 = vector.extract_strided_slice %add3A_45 {offsets = [3712, 0], sizes = [128, 256], strides = [1, 1]} : vector<4096x256xf32> to vector<128x256xf32>
        %gt3A_1381 = arith.cmpf ogt, %slice3A_1380, %select_n3A_899 : vector<128x256xf32>
        %eq3A_1382 = arith.cmpf oeq, %slice3A_1380, %select_n3A_899 : vector<128x256xf32>
        %lt3A_1383 = arith.constant 29 : i32
        %lt3A_1384 = vector.broadcast %lt3A_1383 : i32 to vector<128x256xi32>
        %lt3A_1385 = arith.cmpi slt, %select_n3A_900, %lt3A_1384 : vector<128x256xi32>
        %and3A_1386 = arith.andi %eq3A_1382, %lt3A_1385 : vector<128x256xi1>
        %or3A_1387 = arith.ori %gt3A_1381, %and3A_1386 : vector<128x256xi1>
        %broadcast_in_dim3A_1388 = vector.broadcast %scan3A_854 : f32 to vector<128x256xf32>
        %select_n3A_1389 = arith.select %or3A_1387, %slice3A_1380, %broadcast_in_dim3A_1388 : vector<128x256xi1>, vector<128x256xf32>
        %lt3A_1390 = arith.cmpf olt, %select_n3A_1389, %select_n3A_1376 : vector<128x256xf32>
        %select_n3A_1391 = arith.select %lt3A_1390, %select_n3A_1389, %select_n3A_1376 : vector<128x256xi1>, vector<128x256xf32>
        %broadcast_in_dim3A_1392 = arith.constant 29 : i32
        %broadcast_in_dim3A_1393 = vector.broadcast %broadcast_in_dim3A_1392 : i32 to vector<128x256xi32>
        %select_n3A_1394 = arith.select %lt3A_1390, %broadcast_in_dim3A_1393, %select_n3A_1379 : vector<128x256xi1>, vector<128x256xi32>
        %slice3A_1395 = vector.extract_strided_slice %add3A_45 {offsets = [3840, 0], sizes = [128, 256], strides = [1, 1]} : vector<4096x256xf32> to vector<128x256xf32>
        %gt3A_1396 = arith.cmpf ogt, %slice3A_1395, %select_n3A_899 : vector<128x256xf32>
        %eq3A_1397 = arith.cmpf oeq, %slice3A_1395, %select_n3A_899 : vector<128x256xf32>
        %lt3A_1398 = arith.constant 30 : i32
        %lt3A_1399 = vector.broadcast %lt3A_1398 : i32 to vector<128x256xi32>
        %lt3A_1400 = arith.cmpi slt, %select_n3A_900, %lt3A_1399 : vector<128x256xi32>
        %and3A_1401 = arith.andi %eq3A_1397, %lt3A_1400 : vector<128x256xi1>
        %or3A_1402 = arith.ori %gt3A_1396, %and3A_1401 : vector<128x256xi1>
        %broadcast_in_dim3A_1403 = vector.broadcast %scan3A_854 : f32 to vector<128x256xf32>
        %select_n3A_1404 = arith.select %or3A_1402, %slice3A_1395, %broadcast_in_dim3A_1403 : vector<128x256xi1>, vector<128x256xf32>
        %lt3A_1405 = arith.cmpf olt, %select_n3A_1404, %select_n3A_1391 : vector<128x256xf32>
        %select_n3A_1406 = arith.select %lt3A_1405, %select_n3A_1404, %select_n3A_1391 : vector<128x256xi1>, vector<128x256xf32>
        %broadcast_in_dim3A_1407 = arith.constant 30 : i32
        %broadcast_in_dim3A_1408 = vector.broadcast %broadcast_in_dim3A_1407 : i32 to vector<128x256xi32>
        %select_n3A_1409 = arith.select %lt3A_1405, %broadcast_in_dim3A_1408, %select_n3A_1394 : vector<128x256xi1>, vector<128x256xi32>
        %slice3A_1410 = vector.extract_strided_slice %add3A_45 {offsets = [3968, 0], sizes = [128, 256], strides = [1, 1]} : vector<4096x256xf32> to vector<128x256xf32>
        %gt3A_1411 = arith.cmpf ogt, %slice3A_1410, %select_n3A_899 : vector<128x256xf32>
        %eq3A_1412 = arith.cmpf oeq, %slice3A_1410, %select_n3A_899 : vector<128x256xf32>
        %lt3A_1413 = arith.constant 31 : i32
        %lt3A_1414 = vector.broadcast %lt3A_1413 : i32 to vector<128x256xi32>
        %lt3A_1415 = arith.cmpi slt, %select_n3A_900, %lt3A_1414 : vector<128x256xi32>
        %and3A_1416 = arith.andi %eq3A_1412, %lt3A_1415 : vector<128x256xi1>
        %or3A_1417 = arith.ori %gt3A_1411, %and3A_1416 : vector<128x256xi1>
        %broadcast_in_dim3A_1418 = vector.broadcast %scan3A_854 : f32 to vector<128x256xf32>
        %select_n3A_1419 = arith.select %or3A_1417, %slice3A_1410, %broadcast_in_dim3A_1418 : vector<128x256xi1>, vector<128x256xf32>
        %lt3A_1420 = arith.cmpf olt, %select_n3A_1419, %select_n3A_1406 : vector<128x256xf32>
        %select_n3A_1421 = arith.select %lt3A_1420, %select_n3A_1419, %select_n3A_1406 : vector<128x256xi1>, vector<128x256xf32>
        %broadcast_in_dim3A_1422 = arith.constant 31 : i32
        %broadcast_in_dim3A_1423 = vector.broadcast %broadcast_in_dim3A_1422 : i32 to vector<128x256xi32>
        %select_n3A_1424 = arith.select %lt3A_1420, %broadcast_in_dim3A_1423, %select_n3A_1409 : vector<128x256xi1>, vector<128x256xi32>
        %select_n3A_1425 = arith.select %and3A, %select_n3A_1421, %select_n3A_928 : vector<128x256xi1>, vector<128x256xf32>
        %select_n3A_1426 = arith.select %and3A, %select_n3A_1424, %select_n3A_929 : vector<128x256xi1>, vector<128x256xi32>
        %convert_element_type3A_1427 = arith.extui %and3A : vector<128x256xi1> to vector<128x256xi32>
        %add3A_1428 = arith.addi %scan3A_870, %convert_element_type3A_1427 : vector<128x256xi32>
        scf.yield %select_n3A_1425, %select_n3A_1426, %add3A_1428 : vector<128x256xf32>, vector<128x256xi32>, vector<128x256xi32>
      } else {
        scf.yield %select_n3A_928, %select_n3A_929, %scan3A_870 : vector<128x256xf32>, vector<128x256xi32>, vector<128x256xi32>
      }
      scf.yield %add3A_894, %cond3A_941#0, %cond3A_941#1, %add3A_898, %cond3A_941#2, %select_n3A_899, %select_n3A_900 : vector<32x256xi32>, vector<128x256xf32>, vector<128x256xi32>, vector<128x256xi32>, vector<128x256xi32>, vector<128x256xf32>, vector<128x256xi32>
    }
    %scan3A_860 = arith.constant 32 : i32
    %broadcast_in_dim3A_861 = vector.shape_cast %scan3A_859#0 : vector<32x256xi32> to vector<1x32x256xi32>
    %swap3A = arith.constant 0 : index
    %swap3A_862 = arith.constant 0 : index
    %swap3A_863 = arith.constant 0 : index
    %swap3A_864 = vector.load %arg4[%swap3A, %swap3A_862, %swap3A_863] : memref<1x32x256xi32, #tpu.memory_space<vmem>>, vector<1x32x256xi32>
    tpu.vector_store %arg4[%swap3A, %swap3A_862, %swap3A_863], %broadcast_in_dim3A_861 {strides = array<i32>} : memref<1x32x256xi32, #tpu.memory_space<vmem>>, vector<1x32x256xi32>,
    return
  }
  func.func @transform_0(%arg0: i32, %arg1: i32) -> (i32, i32, i32, i32) {
    %c0_i32 = arith.constant 0 : i32
    %c0_i32_0 = arith.constant 0 : i32
    %c0_i32_1 = arith.constant 0 : i32
    %c0_i32_2 = arith.constant 0 : i32
    return %c0_i32, %arg0, %c0_i32_0, %c0_i32_1 : i32, i32, i32, i32
  }
  func.func @transform_1(%arg0: i32, %arg1: i32) -> (i32, i32, i32, i32) {
    %c0_i32 = arith.constant 0 : i32
    %c0_i32_0 = arith.constant 0 : i32
    %c0_i32_1 = arith.constant 0 : i32
    return %c0_i32, %arg0, %c0_i32_0, %arg1 : i32, i32, i32, i32
  }
  func.func @transform_2(%arg0: i32, %arg1: i32) -> (i32, i32, i32) {
    %c0_i32 = arith.constant 0 : i32
    %c0_i32_0 = arith.constant 0 : i32
    return %arg0, %c0_i32, %arg1 : i32, i32, i32
  }
}

module attributes {stable_mosaic.version = 14 : i64} {
  func.func @_mlp_body(%arg0: i32, %arg1: memref<64x32x80xf32, #tpu.memory_space<vmem>>, %arg2: memref<64x1x80xf32, #tpu.memory_space<vmem>>, %arg3: memref<80x64xf32, #tpu.memory_space<vmem>>, %arg4: memref<1x64xf32, #tpu.memory_space<vmem>>, %arg5: memref<64x64xf32, #tpu.memory_space<vmem>>, %arg6: memref<1x64xf32, #tpu.memory_space<vmem>>, %arg7: memref<64x128xf32, #tpu.memory_space<vmem>>, %arg8: memref<1x128xf32, #tpu.memory_space<vmem>>, %arg9: memref<64x128xf32, #tpu.memory_space<vmem>>) attributes {dimension_semantics = [#tpu.dimension_semantics<arbitrary>], iteration_bounds = array<i64: 64>, scalar_prefetch = 0 : i64, scratch_operands = 0 : i64, tpu.core_type = #tpu.core_type<tc>, window_params = [{transform_indices = @transform_0, window_bounds = array<i64: 64, 32, 80>}, {transform_indices = @transform_1, window_bounds = array<i64: 64, 1, 80>}, {pipeline_mode = #tpu.pipeline_mode<synchronous>, transform_indices = @transform_2, window_bounds = array<i64: 80, 64>}, {pipeline_mode = #tpu.pipeline_mode<synchronous>, transform_indices = @transform_3, window_bounds = array<i64: 1, 64>}, {pipeline_mode = #tpu.pipeline_mode<synchronous>, transform_indices = @transform_4, window_bounds = array<i64: 64, 64>}, {pipeline_mode = #tpu.pipeline_mode<synchronous>, transform_indices = @transform_5, window_bounds = array<i64: 1, 64>}, {pipeline_mode = #tpu.pipeline_mode<synchronous>, transform_indices = @transform_6, window_bounds = array<i64: 64, 128>}, {pipeline_mode = #tpu.pipeline_mode<synchronous>, transform_indices = @transform_7, window_bounds = array<i64: 1, 128>}, {transform_indices = @transform_8, window_bounds = array<i64: 64, 128>}]} {
    %get3A = arith.constant 0 : index
    %get3A_0 = arith.constant 0 : index
    %get3A_1 = arith.constant 0 : index
    %get3A_2 = vector.load %arg1[%get3A, %get3A_0, %get3A_1] : memref<64x32x80xf32, #tpu.memory_space<vmem>>, vector<64x32x80xf32>
    %get3A_3 = arith.constant 0 : index
    %get3A_4 = arith.constant 0 : index
    %get3A_5 = arith.constant 0 : index
    %get3A_6 = vector.load %arg2[%get3A_3, %get3A_4, %get3A_5] : memref<64x1x80xf32, #tpu.memory_space<vmem>>, vector<64x1x80xf32>
    %sub3A = vector.broadcast %get3A_6 : vector<64x1x80xf32> to vector<64x32x80xf32>
    %sub3A_7 = arith.subf %get3A_2, %sub3A : vector<64x32x80xf32>
    %reshape3A = vector.shape_cast %sub3A_7 : vector<64x32x80xf32> to vector<2048x80xf32>
    %get3A_8 = arith.constant 0 : index
    %get3A_9 = arith.constant 0 : index
    %get3A_10 = vector.load %arg3[%get3A_8, %get3A_9] : memref<80x64xf32, #tpu.memory_space<vmem>>, vector<80x64xf32>
    %dot_general3A = arith.constant dense<0.000000e+00> : vector<2048x64xf32>
    %dot_general3A_11 = tpu.matmul %reshape3A, %get3A_10, %dot_general3A {dimension_numbers = #tpu.dot_dimension_numbers<[1], [0], [0], [1], [0, 0, 1, 1], [], []>, transpose_lhs_hint = false} : vector<2048x80xf32>, vector<80x64xf32>, vector<2048x64xf32> -> vector<2048x64xf32>
    %get3A_12 = arith.constant 0 : index
    %get3A_13 = arith.constant 0 : index
    %get3A_14 = vector.load %arg4[%get3A_12, %get3A_13] : memref<1x64xf32, #tpu.memory_space<vmem>>, vector<1x64xf32>
    %add3A = vector.broadcast %get3A_14 : vector<1x64xf32> to vector<2048x64xf32>
    %add3A_15 = arith.addf %dot_general3A_11, %add3A : vector<2048x64xf32>
    %max3A = arith.constant 0.000000e+00 : f32
    %max3A_16 = vector.broadcast %max3A : f32 to vector<2048x64xf32>
    %max3A_17 = arith.maximumf %add3A_15, %max3A_16 : vector<2048x64xf32>
    %get3A_18 = arith.constant 0 : index
    %get3A_19 = arith.constant 0 : index
    %get3A_20 = vector.load %arg5[%get3A_18, %get3A_19] : memref<64x64xf32, #tpu.memory_space<vmem>>, vector<64x64xf32>
    %dot_general3A_21 = arith.constant dense<0.000000e+00> : vector<2048x64xf32>
    %dot_general3A_22 = tpu.matmul %max3A_17, %get3A_20, %dot_general3A_21 {dimension_numbers = #tpu.dot_dimension_numbers<[1], [0], [0], [1], [0, 0, 1, 1], [], []>, transpose_lhs_hint = false} : vector<2048x64xf32>, vector<64x64xf32>, vector<2048x64xf32> -> vector<2048x64xf32>
    %get3A_23 = arith.constant 0 : index
    %get3A_24 = arith.constant 0 : index
    %get3A_25 = vector.load %arg6[%get3A_23, %get3A_24] : memref<1x64xf32, #tpu.memory_space<vmem>>, vector<1x64xf32>
    %add3A_26 = vector.broadcast %get3A_25 : vector<1x64xf32> to vector<2048x64xf32>
    %add3A_27 = arith.addf %dot_general3A_22, %add3A_26 : vector<2048x64xf32>
    %max3A_28 = arith.constant 0.000000e+00 : f32
    %max3A_29 = vector.broadcast %max3A_28 : f32 to vector<2048x64xf32>
    %max3A_30 = arith.maximumf %add3A_27, %max3A_29 : vector<2048x64xf32>
    %get3A_31 = arith.constant 0 : index
    %get3A_32 = arith.constant 0 : index
    %get3A_33 = vector.load %arg7[%get3A_31, %get3A_32] : memref<64x128xf32, #tpu.memory_space<vmem>>, vector<64x128xf32>
    %dot_general3A_34 = arith.constant dense<0.000000e+00> : vector<2048x128xf32>
    %dot_general3A_35 = tpu.matmul %max3A_30, %get3A_33, %dot_general3A_34 {dimension_numbers = #tpu.dot_dimension_numbers<[1], [0], [0], [1], [0, 0, 1, 1], [], []>, transpose_lhs_hint = false} : vector<2048x64xf32>, vector<64x128xf32>, vector<2048x128xf32> -> vector<2048x128xf32>
    %get3A_36 = arith.constant 0 : index
    %get3A_37 = arith.constant 0 : index
    %get3A_38 = vector.load %arg8[%get3A_36, %get3A_37] : memref<1x128xf32, #tpu.memory_space<vmem>>, vector<1x128xf32>
    %add3A_39 = vector.broadcast %get3A_38 : vector<1x128xf32> to vector<2048x128xf32>
    %add3A_40 = arith.addf %dot_general3A_35, %add3A_39 : vector<2048x128xf32>
    %max3A_41 = arith.constant 0.000000e+00 : f32
    %max3A_42 = vector.broadcast %max3A_41 : f32 to vector<2048x128xf32>
    %max3A_43 = arith.maximumf %add3A_40, %max3A_42 : vector<2048x128xf32>
    %reshape3A_44 = vector.shape_cast %max3A_43 : vector<2048x128xf32> to vector<64x32x128xf32>
    %reduce_max3A = arith.constant dense<0xFF800000> : vector<64x128xf32>
    %reduce_max3A_45 = vector.multi_reduction <maximumf>, %reshape3A_44, %reduce_max3A [1] : vector<64x32x128xf32> to vector<64x128xf32>
    %swap3A = arith.constant 0 : index
    %swap3A_46 = arith.constant 0 : index
    %swap3A_47 = vector.load %arg9[%swap3A, %swap3A_46] : memref<64x128xf32, #tpu.memory_space<vmem>>, vector<64x128xf32>
    tpu.vector_store %arg9[%swap3A, %swap3A_46], %reduce_max3A_45 {strides = array<i32>} : memref<64x128xf32, #tpu.memory_space<vmem>>, vector<64x128xf32>,
    return
  }
  func.func @transform_0(%arg0: i32) -> (i32, i32, i32) {
    %c0_i32 = arith.constant 0 : i32
    %c0_i32_0 = arith.constant 0 : i32
    %c0_i32_1 = arith.constant 0 : i32
    return %arg0, %c0_i32, %c0_i32_0 : i32, i32, i32
  }
  func.func @transform_1(%arg0: i32) -> (i32, i32, i32) {
    %c0_i32 = arith.constant 0 : i32
    %c0_i32_0 = arith.constant 0 : i32
    %c0_i32_1 = arith.constant 0 : i32
    return %arg0, %c0_i32, %c0_i32_0 : i32, i32, i32
  }
  func.func @transform_2(%arg0: i32) -> (i32, i32) {
    %c0_i32 = arith.constant 0 : i32
    %c0_i32_0 = arith.constant 0 : i32
    %c0_i32_1 = arith.constant 0 : i32
    return %c0_i32, %c0_i32_0 : i32, i32
  }
  func.func @transform_3(%arg0: i32) -> (i32, i32) {
    %c0_i32 = arith.constant 0 : i32
    %c0_i32_0 = arith.constant 0 : i32
    %c0_i32_1 = arith.constant 0 : i32
    return %c0_i32, %c0_i32_0 : i32, i32
  }
  func.func @transform_4(%arg0: i32) -> (i32, i32) {
    %c0_i32 = arith.constant 0 : i32
    %c0_i32_0 = arith.constant 0 : i32
    %c0_i32_1 = arith.constant 0 : i32
    return %c0_i32, %c0_i32_0 : i32, i32
  }
  func.func @transform_5(%arg0: i32) -> (i32, i32) {
    %c0_i32 = arith.constant 0 : i32
    %c0_i32_0 = arith.constant 0 : i32
    %c0_i32_1 = arith.constant 0 : i32
    return %c0_i32, %c0_i32_0 : i32, i32
  }
  func.func @transform_6(%arg0: i32) -> (i32, i32) {
    %c0_i32 = arith.constant 0 : i32
    %c0_i32_0 = arith.constant 0 : i32
    %c0_i32_1 = arith.constant 0 : i32
    return %c0_i32, %c0_i32_0 : i32, i32
  }
  func.func @transform_7(%arg0: i32) -> (i32, i32) {
    %c0_i32 = arith.constant 0 : i32
    %c0_i32_0 = arith.constant 0 : i32
    %c0_i32_1 = arith.constant 0 : i32
    return %c0_i32, %c0_i32_0 : i32, i32
  }
  func.func @transform_8(%arg0: i32) -> (i32, i32) {
    %c0_i32 = arith.constant 0 : i32
    %c0_i32_0 = arith.constant 0 : i32
    return %arg0, %c0_i32 : i32, i32
  }
}

</mosaic_0001>

<sc_bundles>
// kernel: kernel.6.cloned.1.call-start
scs
__scs_entry_jumppad:
0x0: {  	(pc) =	sbr.rel $0x88, $3  }
0x1: {  	(tag) =	ssettag $0x0;
	lr =	simm.s32 $0x1  }
0x2: {  	[smem:$0x3F99] =	sst lr;
	_ =	strace $0xD0000000  }
0x3: {  	_ = 	snop  }
0x4: {  	_ = 	snop  }
0x5: {  	_ = 	snop  }
0x6: {  	_ = 	snop  }
0x7: {  	_ = 	snop  }
__scs_overlays_trampoline_lowered:
0x8: {  	[smem:$0x3FA8] =	sst s0  }
0x9: {  	[smem:$0x3FA9] =	sst s1  }
0xa: {  	[smem:$0x3FAA] =	sst s2  }
0xb: {  	[smem:$0x3FAB] =	sst s3  }
0xc: {  	[smem:$0x3FAC] =	sst s4  }
0xd: {  	[smem:$0x3FAD] =	sst s5  }
0xe: {  	[smem:$0x3FAE] =	sst s6  }
0xf: {  	[smem:$0x3FAF] =	sst s7  }
0x10: {  	[smem:$0x3FB0] =	sst s8  }
0x11: {  	[smem:$0x3FB1] =	sst s9;
	s0 =	simm.s32 @!p0 $0x0  }
0x12: {  	s1 =	sld [smem:$0x3F97];
	s0 =	simm.s32 @p0 $0x1  }
0x13: {  	[smem:$0x3FB2] =	sst s0;
	s0 =	simm.s32 @!p1 $0x0  }
0x14: {  	s2 =	sld [smem:$0x3F96];
	s0 =	simm.s32 @p1 $0x1  }
0x15: {  	[smem:$0x3FB3] =	sst s0;
	s0 =	simm.s32 @!p2 $0x0  }
0x16: {  	s3 =	sld [smem:$0x3FDB];
	s0 =	simm.s32 @p2 $0x1  }
0x17: {  	s4 =	simm.s32 $0x1BF5;
	[smem:$0x3FB5] =	sst s0  }
0x18: {  	s0 =	sld [smem:$0x3F98];
	_ =	swait.ge [sflag:s4], $0x0  }
0x19: {  	s7 =	sld [smem:$0x3F99]  }
0x1a: {  	s8 =	sadd.s32 $0xFFFFE003, lr  }
0x1b: {  	s9 =	sadd.s32 $0xFFFFFEF7, lr;
	s5 =	simm.s32 $0xFFFFFFFF;
	p2 =	slt.u32 s8, $0xFFFFF086  }
0x1c: {  	p1 =	slt.u32 s9, $0xF7A;
	s5 =	simm.s32 @!p2 $0x0  }
0x1d: {  	s5 =	simm.s32 @p1 $0x1;
	p0 =	seq.s32 s7, s2  }
0x1e: {  	s7 =	smul.u32 @!p0 $0xF7A, s2;
	p2 =	seq.s32 @!p0 s5, $0x0  }
0x1f: {  	s9 =	smul.u32 $0xF7A, s1;
	s8 =	simm.s32 @!p0 $0x1BF5;
	p2 =	por !p2, p0  }
0x20: {  	[sflag:s8] =	ssyncset.s32 @!p0 $0xFFFFF086;
	s6 =	sadd.s32 @!p0 s3, s7;
	s7 =	simm.s32 @!p0 $0x108  }
0x21: {  	s3 =	sadd.s32 s3, s9;
	s6 =	sadd.s32 @!p0 $0x88, s6;
	s7 =	simm.s32 @p2 $0x1082  }
0x22: {  	[simem:s7], [sflag:s8] =	dma.local @!p0 [hbm:s6], $0xF7A  }
0x23: {  	s9 =	sor.u32 $0xD0000000, s2;
	s6 =	simm.s32 $0x108;
	_ =	swait.ge @!p0 [sflag:s8], $0x0  }
0x24: {  	s3 =	sadd.s32 $0x88, s3;
	s6 =	simm.s32 @!p1 $0x1082;
	[sflag:s4] =	ssyncset.s32 $0xFFFFF086  }
0x25: {  	[simem:s6], [sflag:s4] =	dma.local [hbm:s3], $0xF7A  }
0x26: {  	[smem:$0x3F99] =	sst s1;
	(tag) =	ssettag s2;
	_ =	strace s9  }
0x27: {  	s1 =	sld [smem:$0x3FA9]  }
0x28: {  	s2 =	sld [smem:$0x3FAA]  }
0x29: {  	s4 =	sld [smem:$0x3FAC]  }
0x2a: {  	p0 =	seq.s32 s5, $0x0;
	s5 =	sld [smem:$0x3FAD]  }
0x2b: {  	s6 =	sld [smem:$0x3FAE]  }
0x2c: {  	s7 =	sld [smem:$0x3FAF]  }
0x2d: {  	s3 =	simm.s32 $0x108;
	s8 =	sld [smem:$0x3FB0]  }
0x2e: {  	s3 =	simm.s32 @!p0 $0x1082;
	s9 =	sld [smem:$0x3FB1]  }
0x2f: {  	lr =	sadd.s32 s0, s3;
	s0 =	sld [smem:$0x3FA8]  }
0x30: {  	s3 =	sld [smem:$0x3FAB]  }
0x31: {  	[smem:$0x3FB4] =	sst s10  }
0x32: {  	s10 =	sld [smem:$0x3FB2];
	_ =	sdelay $0x3  }
0x33: {  	p0 =	seq.s32 s10, $0x1;
	s10 =	sld [smem:$0x3FB4];
	_ =	sdelay $0x3  }
0x34: {  	[smem:$0x3FB4] =	sst s10  }
0x35: {  	s10 =	sld [smem:$0x3FB3];
	_ =	sdelay $0x3  }
0x36: {  	p1 =	seq.s32 s10, $0x1;
	s10 =	sld [smem:$0x3FB4];
	_ =	sdelay $0x3  }
0x37: {  	[smem:$0x3FB4] =	sst s10  }
0x38: {  	s10 =	sld [smem:$0x3FB5]  }
0x39: {  	_ = 	snop;
	(pc) =	sbr.ind lr, $3  }
0x3a: {  	_ = 	snop  }
0x3b: {  	_ = 	snop  }
0x3c: {  	p2 =	seq.s32 s10, $0x1;
	s10 =	sld [smem:$0x3FB4]  }
0x3d: {  	_ =	shalt  }
0x3e: {  	_ =	shalt  }
0x3f: {  	_ =	shalt  }
0x40: {  	_ =	shalt  }
0x41: {  	_ =	shalt  }
0x42: {  	_ =	shalt  }
0x43: {  	_ =	shalt  }
0x44: {  	_ =	shalt  }
0x45: {  	_ =	shalt  }
0x46: {  	_ =	shalt  }
0x47: {  	_ =	shalt  }
0x48: {  	_ =	shalt  }
0x49: {  	_ =	shalt  }
0x4a: {  	_ =	shalt  }
0x4b: {  	_ =	shalt  }
0x4c: {  	_ =	shalt  }
0x4d: {  	_ =	shalt  }
0x4e: {  	_ =	shalt  }
0x4f: {  	_ =	shalt  }
0x50: {  	_ =	shalt  }
0x51: {  	_ =	shalt  }
0x52: {  	_ =	shalt  }
0x53: {  	_ =	shalt  }
0x54: {  	_ =	shalt  }
0x55: {  	_ =	shalt  }
0x56: {  	_ =	shalt  }
0x57: {  	_ =	shalt  }
0x58: {  	_ =	shalt  }
0x59: {  	_ =	shalt  }
0x5a: {  	_ =	shalt  }
0x5b: {  	_ =	shalt  }
0x5c: {  	_ =	shalt  }
0x5d: {  	_ =	shalt  }
0x5e: {  	_ =	shalt  }
0x5f: {  	_ =	shalt  }
0x60: {  	_ =	shalt  }
0x61: {  	_ =	shalt  }
0x62: {  	_ =	shalt  }
0x63: {  	_ =	shalt  }
0x64: {  	_ =	shalt  }
0x65: {  	_ =	shalt  }
0x66: {  	_ =	shalt  }
0x67: {  	_ =	shalt  }
0x68: {  	_ =	shalt  }
0x69: {  	_ =	shalt  }
0x6a: {  	_ =	shalt  }
0x6b: {  	_ =	shalt  }
0x6c: {  	_ =	shalt  }
0x6d: {  	_ =	shalt  }
0x6e: {  	_ =	shalt  }
0x6f: {  	_ =	shalt  }
0x70: {  	_ =	shalt  }
0x71: {  	_ =	shalt  }
0x72: {  	_ =	shalt  }
0x73: {  	_ =	shalt  }
0x74: {  	_ =	shalt  }
0x75: {  	_ =	shalt  }
0x76: {  	_ =	shalt  }
0x77: {  	_ =	shalt  }
0x78: {  	_ =	shalt  }
0x79: {  	_ =	shalt  }
0x7a: {  	_ =	shalt  }
0x7b: {  	_ =	shalt  }
0x7c: {  	_ =	shalt  }
0x7d: {  	_ =	shalt  }
0x7e: {  	_ =	shalt  }
0x7f: {  	_ =	shalt  }
0x80: {  	_ =	shalt  }
0x81: {  	_ =	shalt  }
0x82: {  	_ =	shalt  }
0x83: {  	_ =	shalt  }
0x84: {  	_ =	shalt  }
0x85: {  	_ =	shalt  }
0x86: {  	_ =	shalt  }
0x87: {  	_ =	shalt  }
.Lfunc_end0:
.L_simem_size_0:
called_computation_lowered:
.L_overlay_start_0:
0x88: {  	s2 =	sld [smem:$0x3FD9]  }
0x89: {  	s3 =	sld [smem:$0x3FFE];
	_ =	sdelay $0x1  }
0x8a: {  	s1 =	srdreg.scid  }
0x8b: {  	s0 =	sand.u32 $0x1, s1  }
0x8c: {  	s14 =	sshll.u32 s0, $0xA;
	s2 =	sadd.s32 s3, s2  }
0x8d: {  	s2 =	sadd.s32 s2, s14  }
0x8e: {  	[smem:$0x3FC0] =	sst s2  }
0x8f: {  	_ = 	snop  }
0x90: {  	s2 =	sld [smem:$0x3FD0];
	_ =	sdelay $0x2  }
0x91: {  	s15 =	simm.s32 $0xA;
	s4 =	simm.s32 $0x10  }
0x92: {  	[smem:s4], [sflag:s15] =	dma.local [hbm:s2], $0x1  }
0x93: {  	_ =	swait.eq [sflag:s15], $0x1  }
0x94: {  	[sflag:s15] =	ssyncset.done $0x0  }
0x95: {  	[sflag:s15] =	ssyncadd.s32 $0xFFFFFFFF  }
0x96: {  	s16 =	sld [smem:$0x11];
	(tm) =	ssettm $0x1  }
0x97: {  	s17 =	sld [smem:$0x3FFB];
	_ =	sdelay $0x3  }
0x98: {  	_ =	strace s17  }
0x99: {  	s3 =	sld [smem:$0x3FFC];
	_ =	sdelay $0x3  }
0x9a: {  	_ =	strace s3  }
0x9b: {  	s3 =	sld [smem:$0x3FFD];
	_ =	sdelay $0x3  }
0x9c: {  	_ =	strace s3  }
0x9d: {  	_ =	strace $0x8FFFFFFF  }
0x9e: {  	s18 =	sld [smem:$0x3FDB];
	_ =	sdelay $0x1  }
0x9f: {  	s19 =	simm.s32 $_scs_section_size  }
0xa0: {  	s5 =	simm.s32 $_size__tile_overlayer_lowered;
	s6 =	simm.s32 $_tile_overlayer_lowered  }
0xa1: {  	s22 =	simm.s32 $0x1BFF;
	s21 =	sshll.u32 s6, $0x1;
	s3 =	sadd.s32 s19, s18  }
0xa2: {  	s7 =	simm.s32 $0x0;
	s20 =	sshll.u32 s5, $0x1;
	s5 =	sadd.s32 s21, s3  }
0xa3: {  	[timem:s7], [sflag:s22] =	dma.local [hbm:s5], s20  }
0xa4: {  	_ =	swait.ge [sflag:s22], s20  }
0xa5: {  	s4 =	ssub.s32 $0x0, s20;
	[sflag:s22] =	ssyncset.done $0x0  }
0xa6: {  	[sflag:s22] =	ssyncadd.s32 s4;
	_ =	sdelay $0x1  }
0xa7: {  	s23 =	simm.s32 $0x1B8B  }
0xa8: {  	_ =	swait.ge [sflag:s23], $0x1  }
0xa9: {  	[sflag:s23] =	ssyncset.done $0x0  }
0xaa: {  	s25 =	simm.s32 $0x1B8E;
	s24 =	sld [smem:$0x3FFE];
	[sflag:s23] =	ssyncadd.s32 $0xFFFFFFFF  }
0xab: {  	s26 =	simm.s32 $execute0_lowered;
	[smem:$0x3FD2] =	sst s25  }
0xac: {  	s5 =	sshll.u32 s26, $0x1;
	_ =	strace $0x80000046;
	[dreg:$0x1] =	wrdreg $0xFFFFFFFF  }
0xad: {  	s28 =	simm.s32 $_size_execute0_lowered;
	s3 =	sadd.s32 s3, s5;
	[dreg:$0x0] =	wrdreg $0x0  }
0xae: {  	s5 =	sshll.u32 s28, $0x1;
	[dreg:$0x2] =	wrdreg s3  }
0xaf: {  	[dreg:$0x3] =	wrdreg s5  }
0xb0: {  	[dreg:$0x4] =	wrdreg $0xC0  }
0xb1: {  	_ =	task [dreg:s7], $0x5FFFF  }
0xb2: {  	[dreg:$0x1] =	wrdreg $0xFFFFFFFF  }
0xb3: {  	[dreg:$0x0] =	wrdreg $0x60  }
0xb4: {  	[dreg:$0x2] =	wrdreg s24  }
0xb5: {  	[dreg:$0x3] =	wrdreg s16  }
0xb6: {  	[dreg:$0x4] =	wrdreg $0x9  }
0xb7: {  	_ =	task.clear_ibuf [dreg:s7], $0x5FFFF;
	_ =	strace $0x90000046  }
0xb8: {  	s29 =	simm.s32 $0x9;
	_ =	strace $0x80000048  }
0xb9: {  	_ =	swait.ge [sflag:s29], $0x1  }
0xba: {  	[sflag:s29] =	ssyncadd.s32 $0xFFFFFFFF  }
0xbb: {  	_ =	strace $0x90000048  }
0xbc: {  	_ =	sfence  }
0xbd: {  	s30 =	sld [smem:$0x0];
	_ =	sdelay $0x2  }
0xbe: {  	s31 =	sshll.u32 s1, $0xD;
	s1 =	sshrl.u32 s1, $0x2  }
0xbf: {  	s3 =	sand.u32 $0x4000, s31;
	s1 =	sadd.s32 s1, s30  }
0xc0: {  	s0 =	sor.u32 s3, s0;
	s1 =	sshll.u32 s1, $0x11  }
0xc1: {  	s0 =	sor.u32 s1, s0  }
0xc2: {  	s0 =	sadd.s32 $0x8F2B, s0  }
0xc3: {  	[sflag:s0] =	ssyncadd.remote.s32 $0x1  }
0xc4: {  	_ =	sfence.sel $0xFFFF  }
0xc5: {  	[dreg:$0x0] =	wrdreg $0xFFFFFFFF;
	(pc) =	sbr.abs _section_cstart, $3  }
0xc6: {  	[dreg:$0x1] =	wrdreg $0xFFFFFFFF  }
0xc7: {  	_ =	task.clear_ibuf [dreg:s7], $0x2FFFF;
	_ =	strace $0x9FFFFFFF  }
0xc8: {  	(tm) =	ssettm $0x7FFFFFFF  }
0xc9: {  	_ =	shalt  }
tec
execute0_lowered:
.L_overlay_start_1:
0x0: {  	(tag) =	ssettag $0x1  }
0x1: {  	s4 =	rddreg [dreg:$0x0]  }
0x2: {  	s5 =	rddreg [dreg:$0x1]  }
0x3: {  	s0 =	rddreg [dreg:$0x2];
	s1 =	simm.s32 $0x0  }
0x4: {  	s2 =	srdreg.scid;
	s12 =	simm.s32 $0x8800;
	s13 =	simm.s32 $0x1  }
0x5: {  	s14 =	simm.s32 $0x0;
	[smem:$0x7FF] =	sst s1;
	s6 =	sand.u32 $0x1, s2  }
0x6: {  	s2 =	stileid.u32;
	s3 =	sadd.s32 $0x1400, s4;
	_ =	strace $0x80000047  }
0x7: {  	s7 =	ssub.s32 $0x2, s6;
	s8 =	smul.u32 $0x14000, s2;
	s10 =	sshll.u32 s2, $0xA  }
0x8: {  	s11 =	sshll.u32 s6, $0x9;
	s6 =	smul.u32 $0xA000, s6;
	s9 =	sshrl.u32 s7, $0x1  }
0x9: {  	s31 =	sor.u32 s11, s10;
	s10 =	simm.s32 $0x3800;
	s11 =	simm.s32 $0x6000  }
0xa: {  	s8 =	sadd.s32 s8, s4;
	s7 =	ssub.s32 s7, s9;
	s4 =	sadd.s32 s5, s31  }
0xb: {  	s9 =	simm.s32 $0x1000;
	s5 =	smax.u32 s7, $0x1;
	s6 =	sadd.s32 s6, s8  }
0xc: {  	s7 =	simm.s32 $0x2;
	s8 =	simm.s32 $0x80;
	s6 =	sadd.s32 $0x51400, s6  }
.LBB2_1:
0xd: {  	[tilespmem:s1], [sflag:$0x2] =	stream.linear.gather [hbm4b:s4+s1], $0x1000, $0x38;
	[tilespmem:$0xB000] =	vst v63  }
0xe: {  	_ =	swait.ge [sflag:s7], $0x1000  }
0xf: {  	[sflag:s7] =	ssyncset.done $0x0  }
0x10: {  	s15 =	simm.s32 $0x0;
	[sflag:s7] =	ssyncadd.s32 $0xFFFFF000  }
0x11: {  	[tilespmem:s9], [sflag:$0x1] =	stream.indirect.gather [hbm4b:s3+s8], $0x50, s15, s8, $0xb8;
	[tilespmem:$0xB000] =	vst v63  }
0x12: {  	s28 =	simm.s32 $0x80  }
0x13: {  	[tilespmem:s10], [sflag:$0x1] =	stream.indirect.gather [hbm4b:s3+s8], $0x50, s28, s8, $0xb8;
	[tilespmem:$0xB000] =	vst v63  }
0x14: {  	s29 =	simm.s32 $0x100  }
0x15: {  	[tilespmem:s11], [sflag:$0x1] =	stream.indirect.gather [hbm4b:s3+s8], $0x50, s29, s8, $0xb8;
	[tilespmem:$0xB000] =	vst v63  }
0x16: {  	s30 =	simm.s32 $0x180  }
0x17: {  	[tilespmem:s12], [sflag:$0x1] =	stream.indirect.gather [hbm4b:s3+s8], $0x50, s30, s8, $0xb8;
	[tilespmem:$0xB000] =	vst v63  }
0x18: {  	_ =	swait.ge [sflag:s13], $0x2800  }
0x19: {  	[sflag:s13] =	ssyncset.done $0x0  }
0x1a: {  	[sflag:s13] =	ssyncadd.s32 $0xFFFFD800  }
0x1b: {  	_ =	swait.ge [sflag:s13], $0x2800  }
0x1c: {  	[sflag:s13] =	ssyncset.done $0x0  }
0x1d: {  	[sflag:s13] =	ssyncadd.s32 $0xFFFFD800  }
0x1e: {  	_ =	swait.ge [sflag:s13], $0x2800  }
0x1f: {  	[sflag:s13] =	ssyncset.done $0x0  }
0x20: {  	[sflag:s13] =	ssyncadd.s32 $0xFFFFD800  }
0x21: {  	_ =	swait.ge [sflag:s13], $0x2800  }
0x22: {  	[sflag:s13] =	ssyncset.done $0x0  }
0x23: {  	s31 =	sadd.s32 $0x0, s6;
	[sflag:s13] =	ssyncadd.s32 $0xFFFFD800  }
0x24: {  	[hbm4b:s31+s1] =	stream.linear.scatter [tilespmem:s9], [sflag:$0x2], $0xA000, $0x38;
	[tilespmem:$0xB000] =	vst v63  }
0x25: {  	s17 =	simm.s32 $0x2800;
	_ =	swait.ge [sflag:s7], $0xA000  }
0x26: {  	s16 =	simm.s32 $0x380;
	s15 =	simm.s32 $0x1400;
	[sflag:s7] =	ssyncset.done $0x0  }
.LBB2_2:
0x27: {  	p0 =	sne.s32 s17, $0x8C00;
	s18 =	sadd.s32 $0xFFFFFE80, s16;
	[sflag:s7] =	ssyncadd.s32 $0xFFFF6000  }
0x28: {  	[tilespmem:s9], [sflag:$0x1] =	stream.indirect.gather [hbm4b:s3+s8], $0x50, s18, s8, $0xb8;
	[tilespmem:$0xB000] =	vst v63  }
0x29: {  	s19 =	smov.u32 s17;
	s17 =	sadd.s32 $0x1400, s17;
	s18 =	sadd.s32 $0xFFFFFF00, s16  }
0x2a: {  	[tilespmem:s10], [sflag:$0x1] =	stream.indirect.gather [hbm4b:s3+s8], $0x50, s18, s8, $0xb8;
	[tilespmem:$0xB000] =	vst v63  }
0x2b: {  	s18 =	sadd.s32 $0xFFFFFF80, s16  }
0x2c: {  	[tilespmem:s11], [sflag:$0x1] =	stream.indirect.gather [hbm4b:s3+s8], $0x50, s18, s8, $0xb8;
	[tilespmem:$0xB000] =	vst v63  }
0x2d: {  	_ = 	snop  }
0x2e: {  	[tilespmem:s12], [sflag:$0x1] =	stream.indirect.gather [hbm4b:s3+s8], $0x50, s16, s8, $0xb8;
	[tilespmem:$0xB000] =	vst v63  }
0x2f: {  	_ =	swait.ge [sflag:s13], $0x2800  }
0x30: {  	[sflag:s13] =	ssyncset.done $0x0  }
0x31: {  	[sflag:s13] =	ssyncadd.s32 $0xFFFFD800  }
0x32: {  	_ =	swait.ge [sflag:s13], $0x2800  }
0x33: {  	[sflag:s13] =	ssyncset.done $0x0  }
0x34: {  	[sflag:s13] =	ssyncadd.s32 $0xFFFFD800  }
0x35: {  	_ =	swait.ge [sflag:s13], $0x2800  }
0x36: {  	[sflag:s13] =	ssyncset.done $0x0  }
0x37: {  	[sflag:s13] =	ssyncadd.s32 $0xFFFFD800  }
0x38: {  	_ =	swait.ge [sflag:s13], $0x2800  }
.Ltmp0:
0x39: {  	[sflag:s13] =	ssyncset.done $0x0;
	(pc) =	sbr.rel @p0 .LBB2_2-.Ltmp0, $4  }
0x3a: {  	s18 =	sadd.s32 s15, s6;
	s15 =	smov.u32 s19;
	[sflag:s13] =	ssyncadd.s32 $0xFFFFD800  }
0x3b: {  	[hbm4b:s18+s1] =	stream.linear.scatter [tilespmem:s9], [sflag:$0x2], $0xA000, $0x38;
	[tilespmem:$0xB000] =	vst v63  }
0x3c: {  	_ =	swait.ge [sflag:s7], $0xA000  }
0x3d: {  	s16 =	sadd.s32 $0x200, s16;
	[sflag:s7] =	ssyncset.done $0x0  }
0x3e: {  	s17 =	sadd.s32 $0xFFFFFE80, s16;
	[sflag:s7] =	ssyncadd.s32 $0xFFFF6000  }
0x3f: {  	[tilespmem:s9], [sflag:$0x1] =	stream.indirect.gather [hbm4b:s3+s8], $0x50, s17, s8, $0xb8;
	[tilespmem:$0xB000] =	vst v63  }
0x40: {  	s30 =	sadd.s32 $0xFFFFFF00, s16  }
0x41: {  	[tilespmem:s10], [sflag:$0x1] =	stream.indirect.gather [hbm4b:s3+s8], $0x50, s30, s8, $0xb8;
	[tilespmem:$0xB000] =	vst v63  }
0x42: {  	s31 =	sadd.s32 $0xFFFFFF80, s16  }
0x43: {  	[tilespmem:s11], [sflag:$0x1] =	stream.indirect.gather [hbm4b:s3+s8], $0x50, s31, s8, $0xb8;
	[tilespmem:$0xB000] =	vst v63  }
0x44: {  	_ = 	snop  }
0x45: {  	[tilespmem:s12], [sflag:$0x1] =	stream.indirect.gather [hbm4b:s3+s8], $0x50, s16, s8, $0xb8;
	[tilespmem:$0xB000] =	vst v63  }
0x46: {  	_ =	swait.ge [sflag:s13], $0x2800  }
0x47: {  	[sflag:s13] =	ssyncset.done $0x0  }
0x48: {  	[sflag:s13] =	ssyncadd.s32 $0xFFFFD800  }
0x49: {  	_ =	swait.ge [sflag:s13], $0x2800  }
0x4a: {  	[sflag:s13] =	ssyncset.done $0x0  }
0x4b: {  	[sflag:s13] =	ssyncadd.s32 $0xFFFFD800  }
0x4c: {  	_ =	swait.ge [sflag:s13], $0x2800  }
0x4d: {  	[sflag:s13] =	ssyncset.done $0x0  }
0x4e: {  	[sflag:s13] =	ssyncadd.s32 $0xFFFFD800  }
0x4f: {  	s14 =	sadd.s32 $0x1, s14;
	_ =	swait.ge [sflag:s13], $0x2800  }
0x50: {  	p0 =	sne.s32 s14, s5;
	[sflag:s13] =	ssyncset.done $0x0  }
.Ltmp1:
0x51: {  	s15 =	sadd.s32 s15, s6;
	[sflag:s13] =	ssyncadd.s32 $0xFFFFD800;
	(pc) =	sbr.rel @p0 .LBB2_1-.Ltmp1, $4  }
0x52: {  	[hbm4b:s15+s1] =	stream.linear.scatter [tilespmem:s9], [sflag:$0x2], $0xA000, $0x38;
	[tilespmem:$0xB000] =	vst v63  }
0x53: {  	_ =	swait.ge [sflag:s7], $0xA000  }
0x54: {  	[sflag:s7] =	ssyncset.done $0x0  }
0x55: {  	[sflag:s7] =	ssyncadd.s32 $0xFFFF6000  }
0x56: {  	_ =	sfence.sel $0x180000  }
0x57: {  	[bflag:$0x0] =	sbarrier.arrive $0xFFFF  }
0x58: {  	p0 =	sne.s32 s2, $0x0;
	_ =	strace $0x90000047  }
0x59: {  	s0 =	sadd.s32 @!p0 $0x100000, s0;
	[bflag:$0x2] =	sbarrier.arrive $0xFFFF  }
0x5a: {  	[sflag:s0] =	ssyncadd.tile.s32 @!p0 $0x1;
	_ =	shalt  }
.Lfunc_end2:
_tile_overlayer_lowered:
.L_overlay_start_2:
0x5b: {  	(tag) =	ssettag $0x2  }
0x5c: {  	s0 =	rddreg [dreg:$0x0];
	s2 =	stileid.u32  }
0x5d: {  	s1 =	rddreg [dreg:$0x1];
	p0 =	sne.s32 s2, $0x0  }
0x5e: {  	s3 =	rddreg [dreg:$0x2];
	[bflag:$0x3] =	sbarrier.arrive $0xFFFF;
	s2 =	simm.s32 @!p0 $0x1C02  }
0x5f: {  	[timem:s3], [sflag:s2] =	dma.local @!p0 [hbm:s0], s1  }
0x60: {  	s0 =	simm.s32 @!p0 $0x2  }
0x61: {  	_ =	swait.ge @!p0 [sflag:s0], s1  }
0x62: {  	s1 =	ssub.s32 @!p0 $0x0, s1;
	[sflag:s0] =	ssyncset.done @!p0 $0x0  }
0x63: {  	[sflag:s0] =	ssyncadd.s32 @!p0 s1  }
0x64: {  	[bflag:$0x3] =	sbarrier.arrive $0xFFFF  }
0x65: {  	_ =	shalt  }

</sc_bundles>
